<compile_context>
chip_gen: v7x
topology: tpu7x:2x2x1
jax: 0.10.2.dev20260603
libtpu: 0.0.44.dev20260713+nightly
codegen_flags: <defaults>
</compile_context>

<pallas_src>
import functools

import jax
import jax.numpy as jnp
from jax import lax
from jax.experimental import pallas as pl
from jax.experimental.pallas import tpu as pltpu
from jax.experimental.pallas import tpu_sc as plsc

N = 10000
E = 320000
D = 128
H = 128
C = 40

NC = 2
NS = 16
NTILES = NC * NS

NPAD = 10240
EPT = 10240
EPAD = NTILES * EPT
CHUNK = 128
EPT2 = EPAD // NS
NCH2 = EPT2 // CHUNK
ROWS_PER_TILE = NPAD // NS

HH = H // 2
CP = 64
CH = CP // 2
RB = 1024
GRID = NPAD // RB

_mesh = plsc.VectorSubcoreMesh(core_axis_name="c", subcore_axis_name="s")


@functools.partial(
    pl.kernel,
    out_type=jax.ShapeDtypeStruct((NTILES, NPAD), jnp.float32),
    mesh=_mesh,
    scratch_types=[
        pltpu.VMEM((EPT,), jnp.int32),
        pltpu.VMEM((NPAD,), jnp.float32),
    ],
    compiler_params=pltpu.CompilerParams(needs_layout_passes=False),
)
def _deg_kernel(dst_hbm, out_hbm, dst_v, hist_v):
    g = lax.axis_index("c") * NS + lax.axis_index("s")
    pltpu.sync_copy(dst_hbm.at[g], dst_v)
    zero16 = jnp.zeros((16,), jnp.float32)
    ones16 = jnp.ones((16,), jnp.float32)

    def zbody(i, _):
        hist_v[pl.ds(i * 16, 16)] = zero16
        return 0

    lax.fori_loop(0, NPAD // 16, zbody, 0)

    def hbody(i, _):
        idx = dst_v[pl.ds(i * 16, 16)]
        plsc.addupdate_scatter(hist_v, [idx], ones16)
        return 0

    lax.fori_loop(0, EPT // 16, hbody, 0)
    pltpu.sync_copy(hist_v, out_hbm.at[g])


def _make_scatter(width, G, chunk):
    nch = EPT2 // chunk
    ngroups = nch // G
    npairs = ngroups // 2
    assert EPT2 % chunk == 0 and nch % G == 0 and ngroups % 2 == 0
    assert npairs >= 2

    @functools.partial(
        pl.kernel,
        out_type=jax.ShapeDtypeStruct((NC, NPAD, width), jnp.float32),
        mesh=_mesh,
        scratch_types=[
            pltpu.VMEM((nch, chunk), jnp.int32),
            pltpu.VMEM((nch, chunk), jnp.int32),
            pltpu.VMEM((2 * G, chunk, width), jnp.float32),
            pltpu.VMEM_SHARED((NPAD, width), jnp.float32),
            pltpu.SemaphoreType.DMA,
            pltpu.SemaphoreType.DMA,
            pltpu.SemaphoreType.DMA,
            pltpu.SemaphoreType.DMA,
        ],
        compiler_params=pltpu.CompilerParams(use_tc_tiling_on_sc=False),
    )
    def _scatter(p_hbm, src_hbm, dst_hbm, out_hbm,
                 src_v, dst_v, rows_v, agg_sh, gs0, gs1, ss0, ss1):
        c = lax.axis_index("c")
        s = lax.axis_index("s")
        gsems = (gs0, gs1)
        ssems = (ss0, ss1)
        pltpu.sync_copy(src_hbm.at[c, s], src_v)
        pltpu.sync_copy(dst_hbm.at[s], dst_v)
        base = s * ROWS_PER_TILE
        pltpu.sync_copy(p_hbm.at[pl.ds(c * NPAD + base, ROWS_PER_TILE)],
                        agg_sh.at[pl.ds(base, ROWS_PER_TILE)])
        plsc.subcore_barrier()

        def fire_gathers(t, st):
            for b in range(G):
                pltpu.async_copy(p_hbm.at[src_v.at[t * G + b]],
                                 rows_v.at[st * G + b], gsems[st])

        def wait_gathers(t, st):
            for b in range(G):
                pltpu.make_async_copy(p_hbm.at[src_v.at[t * G + b]],
                                      rows_v.at[st * G + b], gsems[st]).wait()

        def fire_scatters(t, st):
            for b in range(G):
                pltpu.async_copy(rows_v.at[st * G + b],
                                 agg_sh.at[dst_v.at[t * G + b]], ssems[st],
                                 add=True)

        def wait_scatters(t, st):
            for b in range(G):
                pltpu.make_async_copy(rows_v.at[st * G + b],
                                      agg_sh.at[dst_v.at[t * G + b]],
                                      ssems[st]).wait()

        fire_gathers(0, 0)

        def obody(u, _):
            t0 = 2 * u
            t1 = 2 * u + 1
            wait_gathers(t0, 0)
            fire_scatters(t0, 0)

            @pl.when(u > 0)
            def _():
                wait_scatters(t1 - 2, 1)

            fire_gathers(t1, 1)
            wait_gathers(t1, 1)
            fire_scatters(t1, 1)
            wait_scatters(t0, 0)

            @pl.when(u < npairs - 1)
            def _():
                fire_gathers(t0 + 2, 0)

            return 0

        lax.fori_loop(0, npairs, obody, 0)
        wait_scatters(2 * npairs - 1, 1)
        plsc.subcore_barrier()
        pltpu.sync_copy(agg_sh.at[pl.ds(base, ROWS_PER_TILE)],
                        out_hbm.at[c, pl.ds(base, ROWS_PER_TILE)])

    return _scatter


CH1 = 80
CH2 = 128
_scatter_l1 = _make_scatter(HH, 4, CH1)
_scatter_l2 = _make_scatter(CH, 8, CH2)


def _dinv_of(deg_ref):
    deg = jnp.sum(deg_ref[...], axis=0) + 1.0
    return lax.rsqrt(deg)


def _tc1_body(x_ref, w_ref, deg_ref, o_ref):
    dinv = _dinv_of(deg_ref)
    h = jnp.dot(x_ref[...], w_ref[0], preferred_element_type=jnp.float32)
    o_ref[...] = h * dinv[:, None]


def _tc1(x_p, w1h, deg_parts):
    return pl.pallas_call(
        _tc1_body,
        grid=(2 * GRID,),
        in_specs=[
            pl.BlockSpec((RB, D), lambda i: (i % GRID, 0)),
            pl.BlockSpec((1, D, HH), lambda i: (i // GRID, 0, 0)),
            pl.BlockSpec((NTILES, RB), lambda i: (0, i % GRID)),
        ],
        out_specs=pl.BlockSpec((RB, HH), lambda i: (i, 0)),
        out_shape=jax.ShapeDtypeStruct((2 * NPAD, HH), jnp.float32),
    )(x_p, w1h, deg_parts)


def _tc2_body(agg_ref, deg_ref, b1_ref, w2_ref, o_ref):
    dinv = _dinv_of(deg_ref)
    a = jnp.concatenate([agg_ref[0], agg_ref[1]], axis=1)
    o1 = a * dinv[:, None] + b1_ref[...]
    r = jnp.maximum(o1, 0.0)
    h2 = jnp.dot(r, w2_ref[0], preferred_element_type=jnp.float32)
    o_ref[...] = h2 * dinv[:, None]


def _tc2(agg1, deg_parts, b1, w2h):
    return pl.pallas_call(
        _tc2_body,
        grid=(2 * GRID,),
        in_specs=[
            pl.BlockSpec((NC, RB, HH), lambda i: (0, i % GRID, 0)),
            pl.BlockSpec((NTILES, RB), lambda i: (0, i % GRID)),
            pl.BlockSpec((1, H), lambda i: (0, 0)),
            pl.BlockSpec((1, H, CH), lambda i: (i // GRID, 0, 0)),
        ],
        out_specs=pl.BlockSpec((RB, CH), lambda i: (i, 0)),
        out_shape=jax.ShapeDtypeStruct((2 * NPAD, CH), jnp.float32),
    )(agg1, deg_parts, b1, w2h)


def _tc3_body(agg_ref, deg_ref, b2_ref, o_ref):
    dinv = _dinv_of(deg_ref)
    a = jnp.concatenate([agg_ref[0], agg_ref[1]], axis=1)
    a = a * dinv[:, None] + b2_ref[...]
    col = lax.broadcasted_iota(jnp.int32, (RB, CP), 1)
    valid = col < C
    m = jnp.max(jnp.where(valid, a, -jnp.inf), axis=1, keepdims=True)
    e = jnp.where(valid, jnp.exp(a - m), 0.0)
    lse = jnp.log(jnp.sum(e, axis=1, keepdims=True))
    o_ref[...] = a - m - lse


def _tc3(agg2, deg_parts, b2p):
    return pl.pallas_call(
        _tc3_body,
        grid=(GRID,),
        in_specs=[
            pl.BlockSpec((NC, RB, CH), lambda i: (0, i, 0)),
            pl.BlockSpec((NTILES, RB), lambda i: (0, i)),
            pl.BlockSpec((1, CP), lambda i: (0, 0)),
        ],
        out_specs=pl.BlockSpec((RB, CP), lambda i: (i, 0)),
        out_shape=jax.ShapeDtypeStruct((NPAD, CP), jnp.float32),
    )(agg2, deg_parts, b2p)


def kernel(x, edge_index, W1, b1, W2, b2):
    src = edge_index[0]
    dst = edge_index[1]
    pad = jnp.full((EPAD - E,), N, dtype=jnp.int32)
    src_p = jnp.concatenate([src, pad])
    dst_p = jnp.concatenate([dst, pad])
    src_l1 = src_p.reshape(NS, EPT2 // CH1, CH1)
    src4_l1 = jnp.stack([src_l1, src_l1 + NPAD])
    dst3_l1 = dst_p.reshape(NS, EPT2 // CH1, CH1)
    src_l2 = src_p.reshape(NS, EPT2 // CH2, CH2)
    src4_l2 = jnp.stack([src_l2, src_l2 + NPAD])
    dst3_l2 = dst_p.reshape(NS, EPT2 // CH2, CH2)
    dst2 = dst_p.reshape(NTILES, EPT)

    x_p = jnp.zeros((NPAD, D), jnp.float32).at[:N].set(x)
    w1h = jnp.stack([W1[:, :HH], W1[:, HH:]])
    w2p = jnp.zeros((H, CP), jnp.float32).at[:, :C].set(W2)
    w2h = jnp.stack([w2p[:, :CH], w2p[:, CH:]])
    b2p = jnp.zeros((1, CP), jnp.float32).at[0, :C].set(b2)

    deg_parts = _deg_kernel(dst2)
    p1 = _tc1(x_p, w1h, deg_parts)
    agg1 = _scatter_l1(p1, src4_l1, dst3_l1)
    p2 = _tc2(agg1, deg_parts, b1.reshape(1, H), w2h)
    agg2 = _scatter_l2(p2, src4_l2, dst3_l2)
    out = _tc3(agg2, deg_parts, b2p)
    return out[:N, :C]

# --- scband reference (transcript-rebuilt; emitter-appended) ---
"""Pipeline reference for scband-net-gcn-11914239279707 (READ-ONLY COPY).

The authoritative reference and input builder live on the scoring server;
editing this copy changes nothing except your own understanding.
"""

import jax, jax.numpy as jnp
import numpy as np

N = 10000
E = 320000
D = 128
H = 128
C = 40


def _gcn_layer(x, src, dst, W, b):
    n = x.shape[0]
    loop = jnp.arange(n, dtype=src.dtype)
    s = jnp.concatenate([src, loop])
    d = jnp.concatenate([dst, loop])
    h = x @ W
    deg = jax.ops.segment_sum(jnp.ones(s.shape[0], dtype=h.dtype), d, num_segments=n)
    dinv = jnp.where(deg > 0, 1.0 / jnp.sqrt(deg), 0.0)
    norm = dinv[s] * dinv[d]
    msg = h[s] * norm[:, None]
    out = jax.ops.segment_sum(msg, d, num_segments=n)
    return out + b


def setup_inputs(seed: int = 0) -> dict:
    key = jax.random.key(seed)
    k1, k2, k3, k4, k5, k6 = jax.random.split(key, 6)
    x = jax.random.normal(k1, (N, D), dtype=jnp.float32)
    edge_index = jax.random.randint(k2, (2, E), 0, N, dtype=jnp.int32)
    W1 = jax.random.normal(k3, (D, H), dtype=jnp.float32) * (1.0 / np.sqrt(D))
    b1 = jnp.zeros((H,), dtype=jnp.float32)
    W2 = jax.random.normal(k4, (H, C), dtype=jnp.float32) * (1.0 / np.sqrt(H))
    b2 = jnp.zeros((C,), dtype=jnp.float32)
    return {"x": x, "edge_index": edge_index, "W1": W1, "b1": b1, "W2": W2, "b2": b2}


def reference(x, edge_index, W1, b1, W2, b2):
    src = edge_index[0]
    dst = edge_index[1]
    h = _gcn_layer(x, src, dst, W1, b1)
    h = jax.nn.relu(h)
    h = _gcn_layer(h, src, dst, W2, b2)
    return jax.nn.log_softmax(h, axis=1)

if __name__ == "__main__":
    import jax
    _d = setup_inputs()
    print(jax.jit(kernel)(*tuple(_d.values())))

</pallas_src>

<mosaic_0001>
#map = affine_map<(d0, d1) -> (0, 0)>
module attributes {stable_mosaic.version = 14 : i64} {
  func.func @_deg_kernel(%arg0: i32, %arg1: i32, %arg2: memref<32x10240xi32, #tpu.memory_space<hbm>>, %arg3: memref<32x10240xf32, #tpu.memory_space<hbm>>, %arg4: memref<10240xi32, #tpu.memory_space<vmem>>, %arg5: memref<10240xf32, #tpu.memory_space<vmem>>) attributes {dimension_semantics = [#tpu.dimension_semantics<core_parallel>, #tpu.dimension_semantics<subcore_parallel>], iteration_bounds = array<i64: 2, 16>, scalar_prefetch = 0 : i64, scratch_operands = 2 : i64, tpu.core_type = #tpu.core_type<sc_vector_subcore>, window_params = [{transform_indices = #map}, {transform_indices = #map}]} {
    %mul3A = arith.constant 16 : i32
    %mul3A_0 = arith.muli %arg0, %mul3A : i32
    %add3A = arith.addi %mul3A_0, %arg1 : i32
    "tpu.region"() ({
      %run_scoped3A = tpu.sem_alloc : memref<!tpu.dma_semaphore, #tpu.memory_space<semaphore_mem>>
      %dma_start3A = arith.constant 0 : i32
      %dma_start3A_17 = tpu.memref_slice %arg2[%add3A, %dma_start3A] : memref<32x10240xi32, #tpu.memory_space<hbm>> -> memref<1x10240xi32, #tpu.memory_space<hbm>>
      %dma_start3A_18 = tpu.memref_squeeze %dma_start3A_17 : memref<1x10240xi32, #tpu.memory_space<hbm>> -> memref<10240xi32, #tpu.memory_space<hbm>>
      %dma_start3A_19 = arith.constant 0 : i32
      %dma_start3A_20 = tpu.memref_slice %arg2[%add3A, %dma_start3A_19] : memref<32x10240xi32, #tpu.memory_space<hbm>> -> memref<1x10240xi32, #tpu.memory_space<hbm>>
      %dma_start3A_21 = tpu.memref_squeeze %dma_start3A_20 : memref<1x10240xi32, #tpu.memory_space<hbm>> -> memref<10240xi32, #tpu.memory_space<hbm>>
      tpu.enqueue_dma source(%dma_start3A_21 : memref<10240xi32, #tpu.memory_space<hbm>>) target(%arg4 : memref<10240xi32, #tpu.memory_space<vmem>>) target_semaphore(%run_scoped3A : memref<!tpu.dma_semaphore, #tpu.memory_space<semaphore_mem>>)
      %dma_wait3A = arith.constant 0 : i32
      %dma_wait3A_22 = tpu.memref_slice %arg2[%add3A, %dma_wait3A] : memref<32x10240xi32, #tpu.memory_space<hbm>> -> memref<1x10240xi32, #tpu.memory_space<hbm>>
      %dma_wait3A_23 = tpu.memref_squeeze %dma_wait3A_22 : memref<1x10240xi32, #tpu.memory_space<hbm>> -> memref<10240xi32, #tpu.memory_space<hbm>>
      %dma_wait3A_24 = arith.constant 0 : i32
      %dma_wait3A_25 = tpu.memref_slice %arg2[%add3A, %dma_wait3A_24] : memref<32x10240xi32, #tpu.memory_space<hbm>> -> memref<1x10240xi32, #tpu.memory_space<hbm>>
      %dma_wait3A_26 = tpu.memref_squeeze %dma_wait3A_25 : memref<1x10240xi32, #tpu.memory_space<hbm>> -> memref<10240xi32, #tpu.memory_space<hbm>>
      tpu.wait_dma2 semaphore(%run_scoped3A : memref<!tpu.dma_semaphore, #tpu.memory_space<semaphore_mem>>) src(%dma_wait3A_26 : memref<10240xi32, #tpu.memory_space<hbm>>) dst(%arg4 : memref<10240xi32, #tpu.memory_space<vmem>>)
      tpu.yield
    }) : () -> ()
    %broadcast_in_dim3A = arith.constant 0.000000e+00 : f32
    %broadcast_in_dim3A_1 = vector.broadcast %broadcast_in_dim3A : f32 to vector<16xf32>
    %broadcast_in_dim3A_2 = arith.constant 1.000000e+00 : f32
    %broadcast_in_dim3A_3 = vector.broadcast %broadcast_in_dim3A_2 : f32 to vector<16xf32>
    %scan3A = arith.constant 0 : i32
    %scan3A_4 = arith.constant 0 : i32
    %scan3A_5 = arith.constant 640 : i32
    %scan3A_6 = arith.addi %scan3A_4, %scan3A_5 : i32
    %scan3A_7 = arith.constant 1 : i32
    %scan3A_8 = scf.for %scan3A_17 = %scan3A_4 to %scan3A_6 step %scan3A_7 iter_args(%scan3A_18 = %scan3A) -> (i32)  : i32 {
      %mul3A_19 = arith.constant 16 : i32
      %mul3A_20 = arith.muli %scan3A_17, %mul3A_19 : i32
      %swap3A = arith.index_cast %mul3A_20 : i32 to index
      %swap3A_21 = tpu.vector_load %arg5[%swap3A] {strides = array<i32>} : memref<10240xf32, #tpu.memory_space<vmem>>, vector<16xf32>,
      tpu.vector_store %arg5[%swap3A], %broadcast_in_dim3A_1 {strides = array<i32>} : memref<10240xf32, #tpu.memory_space<vmem>>, vector<16xf32>,
      %scan3A_22 = arith.constant 0 : i32
      scf.yield %scan3A_22 : i32
    }
    %scan3A_9 = arith.constant 640 : i32
    %scan3A_10 = arith.constant 0 : i32
    %scan3A_11 = arith.constant 0 : i32
    %scan3A_12 = arith.constant 640 : i32
    %scan3A_13 = arith.addi %scan3A_11, %scan3A_12 : i32
    %scan3A_14 = arith.constant 1 : i32
    %scan3A_15 = scf.for %scan3A_17 = %scan3A_11 to %scan3A_13 step %scan3A_14 iter_args(%scan3A_18 = %scan3A_10) -> (i32)  : i32 {
      %mul3A_19 = arith.constant 16 : i32
      %mul3A_20 = arith.muli %scan3A_17, %mul3A_19 : i32
      %get3A = arith.index_cast %mul3A_20 : i32 to index
      %get3A_21 = tpu.vector_load %arg4[%get3A] {strides = array<i32>} : memref<10240xi32, #tpu.memory_space<vmem>>, vector<16xi32>,
      tpu.vector_store_idx %arg5[%get3A_21], %broadcast_in_dim3A_3 {add = true} : memref<10240xf32, #tpu.memory_space<vmem>>[vector<16xi32>], vector<16xf32>,
      %scan3A_22 = arith.constant 0 : i32
      scf.yield %scan3A_22 : i32
    }
    %scan3A_16 = arith.constant 640 : i32
    "tpu.region"() ({
      %run_scoped3A = tpu.sem_alloc : memref<!tpu.dma_semaphore, #tpu.memory_space<semaphore_mem>>
      %dma_start3A = arith.constant 0 : i32
      %dma_start3A_17 = tpu.memref_slice %arg3[%add3A, %dma_start3A] : memref<32x10240xf32, #tpu.memory_space<hbm>> -> memref<1x10240xf32, #tpu.memory_space<hbm>>
      %dma_start3A_18 = tpu.memref_squeeze %dma_start3A_17 : memref<1x10240xf32, #tpu.memory_space<hbm>> -> memref<10240xf32, #tpu.memory_space<hbm>>
      %dma_start3A_19 = arith.constant 0 : i32
      %dma_start3A_20 = tpu.memref_slice %arg3[%add3A, %dma_start3A_19] : memref<32x10240xf32, #tpu.memory_space<hbm>> -> memref<1x10240xf32, #tpu.memory_space<hbm>>
      %dma_start3A_21 = tpu.memref_squeeze %dma_start3A_20 : memref<1x10240xf32, #tpu.memory_space<hbm>> -> memref<10240xf32, #tpu.memory_space<hbm>>
      tpu.enqueue_dma source(%arg5 : memref<10240xf32, #tpu.memory_space<vmem>>) target(%dma_start3A_21 : memref<10240xf32, #tpu.memory_space<hbm>>) target_semaphore(%run_scoped3A : memref<!tpu.dma_semaphore, #tpu.memory_space<semaphore_mem>>)
      %dma_wait3A = arith.constant 0 : i32
      %dma_wait3A_22 = tpu.memref_slice %arg3[%add3A, %dma_wait3A] : memref<32x10240xf32, #tpu.memory_space<hbm>> -> memref<1x10240xf32, #tpu.memory_space<hbm>>
      %dma_wait3A_23 = tpu.memref_squeeze %dma_wait3A_22 : memref<1x10240xf32, #tpu.memory_space<hbm>> -> memref<10240xf32, #tpu.memory_space<hbm>>
      %dma_wait3A_24 = arith.constant 0 : i32
      %dma_wait3A_25 = tpu.memref_slice %arg3[%add3A, %dma_wait3A_24] : memref<32x10240xf32, #tpu.memory_space<hbm>> -> memref<1x10240xf32, #tpu.memory_space<hbm>>
      %dma_wait3A_26 = tpu.memref_squeeze %dma_wait3A_25 : memref<1x10240xf32, #tpu.memory_space<hbm>> -> memref<10240xf32, #tpu.memory_space<hbm>>
      tpu.wait_dma2 semaphore(%run_scoped3A : memref<!tpu.dma_semaphore, #tpu.memory_space<semaphore_mem>>) src(%arg5 : memref<10240xf32, #tpu.memory_space<vmem>>) dst(%dma_wait3A_26 : memref<10240xf32, #tpu.memory_space<hbm>>)
      tpu.yield
    }) : () -> ()
    return
  }
}

#map = affine_map<(d0, d1) -> (0, 0)>
#map1 = affine_map<(d0, d1) -> (0, 0, 0, 0)>
#map2 = affine_map<(d0, d1) -> (0, 0, 0)>
module attributes {stable_mosaic.version = 14 : i64} {
  func.func @_scatter(%arg0: i32, %arg1: i32, %arg2: memref<20480x64xf32, #tpu.memory_space<hbm>>, %arg3: memref<2x16x256x80xi32, #tpu.memory_space<hbm>>, %arg4: memref<16x256x80xi32, #tpu.memory_space<hbm>>, %arg5: memref<2x10240x64xf32, #tpu.memory_space<hbm>>, %arg6: memref<256x80xi32, #tpu.memory_space<vmem>>, %arg7: memref<256x80xi32, #tpu.memory_space<vmem>>, %arg8: memref<8x80x64xf32, #tpu.memory_space<vmem>>, %arg9: memref<10240x64xf32, #tpu.memory_space<vmem_shared>>, %arg10: memref<!tpu.dma_semaphore, #tpu.memory_space<semaphore_mem>>, %arg11: memref<!tpu.dma_semaphore, #tpu.memory_space<semaphore_mem>>, %arg12: memref<!tpu.dma_semaphore, #tpu.memory_space<semaphore_mem>>, %arg13: memref<!tpu.dma_semaphore, #tpu.memory_space<semaphore_mem>>) attributes {dimension_semantics = [#tpu.dimension_semantics<core_parallel>, #tpu.dimension_semantics<subcore_parallel>], iteration_bounds = array<i64: 2, 16>, scalar_prefetch = 0 : i64, scratch_operands = 8 : i64, tpu.core_type = #tpu.core_type<sc_vector_subcore>, window_params = [{transform_indices = #map}, {transform_indices = #map1}, {transform_indices = #map2}, {transform_indices = #map2}]} {
    "tpu.region"() ({
      %run_scoped3A = tpu.sem_alloc : memref<!tpu.dma_semaphore, #tpu.memory_space<semaphore_mem>>
      %dma_start3A_104 = arith.constant 0 : i32
      %dma_start3A_105 = arith.constant 0 : i32
      %dma_start3A_106 = tpu.memref_slice %arg3[%arg0, %arg1, %dma_start3A_104, %dma_start3A_105] : memref<2x16x256x80xi32, #tpu.memory_space<hbm>> -> memref<1x1x256x80xi32, #tpu.memory_space<hbm>>
      %dma_start3A_107 = tpu.memref_squeeze %dma_start3A_106 : memref<1x1x256x80xi32, #tpu.memory_space<hbm>> -> memref<256x80xi32, #tpu.memory_space<hbm>>
      %dma_start3A_108 = arith.constant 0 : i32
      %dma_start3A_109 = arith.constant 0 : i32
      %dma_start3A_110 = tpu.memref_slice %arg3[%arg0, %arg1, %dma_start3A_108, %dma_start3A_109] : memref<2x16x256x80xi32, #tpu.memory_space<hbm>> -> memref<1x1x256x80xi32, #tpu.memory_space<hbm>>
      %dma_start3A_111 = tpu.memref_squeeze %dma_start3A_110 : memref<1x1x256x80xi32, #tpu.memory_space<hbm>> -> memref<256x80xi32, #tpu.memory_space<hbm>>
      tpu.enqueue_dma source(%dma_start3A_111 : memref<256x80xi32, #tpu.memory_space<hbm>>) target(%arg6 : memref<256x80xi32, #tpu.memory_space<vmem>>) target_semaphore(%run_scoped3A : memref<!tpu.dma_semaphore, #tpu.memory_space<semaphore_mem>>)
      %dma_wait3A_112 = arith.constant 0 : i32
      %dma_wait3A_113 = arith.constant 0 : i32
      %dma_wait3A_114 = tpu.memref_slice %arg3[%arg0, %arg1, %dma_wait3A_112, %dma_wait3A_113] : memref<2x16x256x80xi32, #tpu.memory_space<hbm>> -> memref<1x1x256x80xi32, #tpu.memory_space<hbm>>
      %dma_wait3A_115 = tpu.memref_squeeze %dma_wait3A_114 : memref<1x1x256x80xi32, #tpu.memory_space<hbm>> -> memref<256x80xi32, #tpu.memory_space<hbm>>
      %dma_wait3A_116 = arith.constant 0 : i32
      %dma_wait3A_117 = arith.constant 0 : i32
      %dma_wait3A_118 = tpu.memref_slice %arg3[%arg0, %arg1, %dma_wait3A_116, %dma_wait3A_117] : memref<2x16x256x80xi32, #tpu.memory_space<hbm>> -> memref<1x1x256x80xi32, #tpu.memory_space<hbm>>
      %dma_wait3A_119 = tpu.memref_squeeze %dma_wait3A_118 : memref<1x1x256x80xi32, #tpu.memory_space<hbm>> -> memref<256x80xi32, #tpu.memory_space<hbm>>
      tpu.wait_dma2 semaphore(%run_scoped3A : memref<!tpu.dma_semaphore, #tpu.memory_space<semaphore_mem>>) src(%dma_wait3A_119 : memref<256x80xi32, #tpu.memory_space<hbm>>) dst(%arg6 : memref<256x80xi32, #tpu.memory_space<vmem>>)
      tpu.yield
    }) : () -> ()
    "tpu.region"() ({
      %run_scoped3A = tpu.sem_alloc : memref<!tpu.dma_semaphore, #tpu.memory_space<semaphore_mem>>
      %dma_start3A_104 = arith.constant 0 : i32
      %dma_start3A_105 = arith.constant 0 : i32
      %dma_start3A_106 = tpu.memref_slice %arg4[%arg1, %dma_start3A_104, %dma_start3A_105] : memref<16x256x80xi32, #tpu.memory_space<hbm>> -> memref<1x256x80xi32, #tpu.memory_space<hbm>>
      %dma_start3A_107 = tpu.memref_squeeze %dma_start3A_106 : memref<1x256x80xi32, #tpu.memory_space<hbm>> -> memref<256x80xi32, #tpu.memory_space<hbm>>
      %dma_start3A_108 = arith.constant 0 : i32
      %dma_start3A_109 = arith.constant 0 : i32
      %dma_start3A_110 = tpu.memref_slice %arg4[%arg1, %dma_start3A_108, %dma_start3A_109] : memref<16x256x80xi32, #tpu.memory_space<hbm>> -> memref<1x256x80xi32, #tpu.memory_space<hbm>>
      %dma_start3A_111 = tpu.memref_squeeze %dma_start3A_110 : memref<1x256x80xi32, #tpu.memory_space<hbm>> -> memref<256x80xi32, #tpu.memory_space<hbm>>
      tpu.enqueue_dma source(%dma_start3A_111 : memref<256x80xi32, #tpu.memory_space<hbm>>) target(%arg7 : memref<256x80xi32, #tpu.memory_space<vmem>>) target_semaphore(%run_scoped3A : memref<!tpu.dma_semaphore, #tpu.memory_space<semaphore_mem>>)
      %dma_wait3A_112 = arith.constant 0 : i32
      %dma_wait3A_113 = arith.constant 0 : i32
      %dma_wait3A_114 = tpu.memref_slice %arg4[%arg1, %dma_wait3A_112, %dma_wait3A_113] : memref<16x256x80xi32, #tpu.memory_space<hbm>> -> memref<1x256x80xi32, #tpu.memory_space<hbm>>
      %dma_wait3A_115 = tpu.memref_squeeze %dma_wait3A_114 : memref<1x256x80xi32, #tpu.memory_space<hbm>> -> memref<256x80xi32, #tpu.memory_space<hbm>>
      %dma_wait3A_116 = arith.constant 0 : i32
      %dma_wait3A_117 = arith.constant 0 : i32
      %dma_wait3A_118 = tpu.memref_slice %arg4[%arg1, %dma_wait3A_116, %dma_wait3A_117] : memref<16x256x80xi32, #tpu.memory_space<hbm>> -> memref<1x256x80xi32, #tpu.memory_space<hbm>>
      %dma_wait3A_119 = tpu.memref_squeeze %dma_wait3A_118 : memref<1x256x80xi32, #tpu.memory_space<hbm>> -> memref<256x80xi32, #tpu.memory_space<hbm>>
      tpu.wait_dma2 semaphore(%run_scoped3A : memref<!tpu.dma_semaphore, #tpu.memory_space<semaphore_mem>>) src(%dma_wait3A_119 : memref<256x80xi32, #tpu.memory_space<hbm>>) dst(%arg7 : memref<256x80xi32, #tpu.memory_space<vmem>>)
      tpu.yield
    }) : () -> ()
    %mul3A = arith.constant 640 : i32
    %mul3A_0 = arith.muli %arg1, %mul3A : i32
    %mul3A_1 = arith.constant 10240 : i32
    %mul3A_2 = arith.muli %arg0, %mul3A_1 : i32
    %add3A = arith.addi %mul3A_2, %mul3A_0 : i32
    "tpu.region"() ({
      %run_scoped3A = tpu.sem_alloc : memref<!tpu.dma_semaphore, #tpu.memory_space<semaphore_mem>>
      %dma_start3A_104 = arith.constant 0 : i32
      %dma_start3A_105 = tpu.memref_slice %arg9[%mul3A_0, %dma_start3A_104] : memref<10240x64xf32, #tpu.memory_space<vmem_shared>> -> memref<640x64xf32, #tpu.memory_space<vmem_shared>>
      %dma_start3A_106 = arith.constant 0 : i32
      %dma_start3A_107 = tpu.memref_slice %arg2[%add3A, %dma_start3A_106] : memref<20480x64xf32, #tpu.memory_space<hbm>> -> memref<640x64xf32, #tpu.memory_space<hbm>>
      tpu.enqueue_dma source(%dma_start3A_107 : memref<640x64xf32, #tpu.memory_space<hbm>>) target(%dma_start3A_105 : memref<640x64xf32, #tpu.memory_space<vmem_shared>>) target_semaphore(%run_scoped3A : memref<!tpu.dma_semaphore, #tpu.memory_space<semaphore_mem>>)
      %dma_wait3A_108 = arith.constant 0 : i32
      %dma_wait3A_109 = tpu.memref_slice %arg9[%mul3A_0, %dma_wait3A_108] : memref<10240x64xf32, #tpu.memory_space<vmem_shared>> -> memref<640x64xf32, #tpu.memory_space<vmem_shared>>
      %dma_wait3A_110 = arith.constant 0 : i32
      %dma_wait3A_111 = tpu.memref_slice %arg2[%add3A, %dma_wait3A_110] : memref<20480x64xf32, #tpu.memory_space<hbm>> -> memref<640x64xf32, #tpu.memory_space<hbm>>
      tpu.wait_dma2 semaphore(%run_scoped3A : memref<!tpu.dma_semaphore, #tpu.memory_space<semaphore_mem>>) src(%dma_wait3A_111 : memref<640x64xf32, #tpu.memory_space<hbm>>) dst(%dma_wait3A_109 : memref<640x64xf32, #tpu.memory_space<vmem_shared>>)
      tpu.yield
    }) : () -> ()
    %barrier3A = arith.constant 0 : index
    tpu.barrier barrier_id(%barrier3A)
    %dma_start3A = arith.constant 0 : i32
    %dma_start3A_3 = arith.constant 0 : i32
    %dma_start3A_4 = arith.constant 0 : i32
    %dma_start3A_5 = arith.constant 0 : i32
    %dma_start3A_6 = tpu.memref_slice %arg8[%dma_start3A_3, %dma_start3A_4, %dma_start3A_5] : memref<8x80x64xf32, #tpu.memory_space<vmem>> -> memref<1x80x64xf32, #tpu.memory_space<vmem>>
    %dma_start3A_7 = tpu.memref_squeeze %dma_start3A_6 : memref<1x80x64xf32, #tpu.memory_space<vmem>> -> memref<80x64xf32, #tpu.memory_space<vmem>>
    %dma_start3A_8 = arith.constant 0 : i32
    %dma_start3A_9 = tpu.memref_slice %arg6[%dma_start3A, %dma_start3A_8] : memref<256x80xi32, #tpu.memory_space<vmem>> -> memref<1x80xi32, #tpu.memory_space<vmem>>
    %dma_start3A_10 = tpu.memref_squeeze %dma_start3A_9 : memref<1x80xi32, #tpu.memory_space<vmem>> -> memref<80xi32, #tpu.memory_space<vmem>>
    %dma_start3A_11 = arith.constant 0 : i32
    %dma_start3A_12 = arith.constant 0 : i32
    %dma_start3A_13 = tpu.memref_slice %arg2[%dma_start3A_11, %dma_start3A_12] : memref<20480x64xf32, #tpu.memory_space<hbm>> -> memref<20480x64xf32, #tpu.memory_space<hbm>>
    tpu.enqueue_indirect_dma source(%dma_start3A_13 : memref<20480x64xf32, #tpu.memory_space<hbm>>) target(%dma_start3A_7 : memref<80x64xf32, #tpu.memory_space<vmem>>) offsets(%dma_start3A_10 : memref<80xi32, #tpu.memory_space<vmem>>) semaphore(%arg10 : memref<!tpu.dma_semaphore, #tpu.memory_space<semaphore_mem>>)
    %dma_start3A_14 = arith.constant 1 : i32
    %dma_start3A_15 = arith.constant 1 : i32
    %dma_start3A_16 = arith.constant 0 : i32
    %dma_start3A_17 = arith.constant 0 : i32
    %dma_start3A_18 = tpu.memref_slice %arg8[%dma_start3A_15, %dma_start3A_16, %dma_start3A_17] : memref<8x80x64xf32, #tpu.memory_space<vmem>> -> memref<1x80x64xf32, #tpu.memory_space<vmem>>
    %dma_start3A_19 = tpu.memref_squeeze %dma_start3A_18 : memref<1x80x64xf32, #tpu.memory_space<vmem>> -> memref<80x64xf32, #tpu.memory_space<vmem>>
    %dma_start3A_20 = arith.constant 0 : i32
    %dma_start3A_21 = tpu.memref_slice %arg6[%dma_start3A_14, %dma_start3A_20] : memref<256x80xi32, #tpu.memory_space<vmem>> -> memref<1x80xi32, #tpu.memory_space<vmem>>
    %dma_start3A_22 = tpu.memref_squeeze %dma_start3A_21 : memref<1x80xi32, #tpu.memory_space<vmem>> -> memref<80xi32, #tpu.memory_space<vmem>>
    %dma_start3A_23 = arith.constant 0 : i32
    %dma_start3A_24 = arith.constant 0 : i32
    %dma_start3A_25 = tpu.memref_slice %arg2[%dma_start3A_23, %dma_start3A_24] : memref<20480x64xf32, #tpu.memory_space<hbm>> -> memref<20480x64xf32, #tpu.memory_space<hbm>>
    tpu.enqueue_indirect_dma source(%dma_start3A_25 : memref<20480x64xf32, #tpu.memory_space<hbm>>) target(%dma_start3A_19 : memref<80x64xf32, #tpu.memory_space<vmem>>) offsets(%dma_start3A_22 : memref<80xi32, #tpu.memory_space<vmem>>) semaphore(%arg10 : memref<!tpu.dma_semaphore, #tpu.memory_space<semaphore_mem>>)
    %dma_start3A_26 = arith.constant 2 : i32
    %dma_start3A_27 = arith.constant 2 : i32
    %dma_start3A_28 = arith.constant 0 : i32
    %dma_start3A_29 = arith.constant 0 : i32
    %dma_start3A_30 = tpu.memref_slice %arg8[%dma_start3A_27, %dma_start3A_28, %dma_start3A_29] : memref<8x80x64xf32, #tpu.memory_space<vmem>> -> memref<1x80x64xf32, #tpu.memory_space<vmem>>
    %dma_start3A_31 = tpu.memref_squeeze %dma_start3A_30 : memref<1x80x64xf32, #tpu.memory_space<vmem>> -> memref<80x64xf32, #tpu.memory_space<vmem>>
    %dma_start3A_32 = arith.constant 0 : i32
    %dma_start3A_33 = tpu.memref_slice %arg6[%dma_start3A_26, %dma_start3A_32] : memref<256x80xi32, #tpu.memory_space<vmem>> -> memref<1x80xi32, #tpu.memory_space<vmem>>
    %dma_start3A_34 = tpu.memref_squeeze %dma_start3A_33 : memref<1x80xi32, #tpu.memory_space<vmem>> -> memref<80xi32, #tpu.memory_space<vmem>>
    %dma_start3A_35 = arith.constant 0 : i32
    %dma_start3A_36 = arith.constant 0 : i32
    %dma_start3A_37 = tpu.memref_slice %arg2[%dma_start3A_35, %dma_start3A_36] : memref<20480x64xf32, #tpu.memory_space<hbm>> -> memref<20480x64xf32, #tpu.memory_space<hbm>>
    tpu.enqueue_indirect_dma source(%dma_start3A_37 : memref<20480x64xf32, #tpu.memory_space<hbm>>) target(%dma_start3A_31 : memref<80x64xf32, #tpu.memory_space<vmem>>) offsets(%dma_start3A_34 : memref<80xi32, #tpu.memory_space<vmem>>) semaphore(%arg10 : memref<!tpu.dma_semaphore, #tpu.memory_space<semaphore_mem>>)
    %dma_start3A_38 = arith.constant 3 : i32
    %dma_start3A_39 = arith.constant 3 : i32
    %dma_start3A_40 = arith.constant 0 : i32
    %dma_start3A_41 = arith.constant 0 : i32
    %dma_start3A_42 = tpu.memref_slice %arg8[%dma_start3A_39, %dma_start3A_40, %dma_start3A_41] : memref<8x80x64xf32, #tpu.memory_space<vmem>> -> memref<1x80x64xf32, #tpu.memory_space<vmem>>
    %dma_start3A_43 = tpu.memref_squeeze %dma_start3A_42 : memref<1x80x64xf32, #tpu.memory_space<vmem>> -> memref<80x64xf32, #tpu.memory_space<vmem>>
    %dma_start3A_44 = arith.constant 0 : i32
    %dma_start3A_45 = tpu.memref_slice %arg6[%dma_start3A_38, %dma_start3A_44] : memref<256x80xi32, #tpu.memory_space<vmem>> -> memref<1x80xi32, #tpu.memory_space<vmem>>
    %dma_start3A_46 = tpu.memref_squeeze %dma_start3A_45 : memref<1x80xi32, #tpu.memory_space<vmem>> -> memref<80xi32, #tpu.memory_space<vmem>>
    %dma_start3A_47 = arith.constant 0 : i32
    %dma_start3A_48 = arith.constant 0 : i32
    %dma_start3A_49 = tpu.memref_slice %arg2[%dma_start3A_47, %dma_start3A_48] : memref<20480x64xf32, #tpu.memory_space<hbm>> -> memref<20480x64xf32, #tpu.memory_space<hbm>>
    tpu.enqueue_indirect_dma source(%dma_start3A_49 : memref<20480x64xf32, #tpu.memory_space<hbm>>) target(%dma_start3A_43 : memref<80x64xf32, #tpu.memory_space<vmem>>) offsets(%dma_start3A_46 : memref<80xi32, #tpu.memory_space<vmem>>) semaphore(%arg10 : memref<!tpu.dma_semaphore, #tpu.memory_space<semaphore_mem>>)
    %scan3A = arith.constant 0 : i32
    %scan3A_50 = arith.constant 0 : i32
    %scan3A_51 = arith.constant 32 : i32
    %scan3A_52 = arith.addi %scan3A_50, %scan3A_51 : i32
    %scan3A_53 = arith.constant 1 : i32
    %scan3A_54 = scf.for %scan3A_104 = %scan3A_50 to %scan3A_52 step %scan3A_53 iter_args(%scan3A_105 = %scan3A) -> (i32)  : i32 {
      %mul3A_106 = arith.constant 2 : i32
      %mul3A_107 = arith.muli %mul3A_106, %scan3A_104 : i32
      %mul3A_108 = arith.constant 2 : i32
      %mul3A_109 = arith.muli %mul3A_108, %scan3A_104 : i32
      %add3A_110 = arith.constant 1 : i32
      %add3A_111 = arith.addi %mul3A_109, %add3A_110 : i32
      %mul3A_112 = arith.constant 4 : i32
      %mul3A_113 = arith.muli %mul3A_107, %mul3A_112 : i32
      %add3A_114 = arith.constant 0 : i32
      %add3A_115 = arith.addi %mul3A_113, %add3A_114 : i32
      %dma_wait3A_116 = arith.constant 0 : i32
      %dma_wait3A_117 = arith.constant 0 : i32
      %dma_wait3A_118 = arith.constant 0 : i32
      %dma_wait3A_119 = tpu.memref_slice %arg8[%dma_wait3A_116, %dma_wait3A_117, %dma_wait3A_118] : memref<8x80x64xf32, #tpu.memory_space<vmem>> -> memref<1x80x64xf32, #tpu.memory_space<vmem>>
      %dma_wait3A_120 = tpu.memref_squeeze %dma_wait3A_119 : memref<1x80x64xf32, #tpu.memory_space<vmem>> -> memref<80x64xf32, #tpu.memory_space<vmem>>
      %dma_wait3A_121 = arith.constant 0 : i32
      %dma_wait3A_122 = tpu.memref_slice %arg6[%add3A_115, %dma_wait3A_121] : memref<256x80xi32, #tpu.memory_space<vmem>> -> memref<1x80xi32, #tpu.memory_space<vmem>>
      %dma_wait3A_123 = tpu.memref_squeeze %dma_wait3A_122 : memref<1x80xi32, #tpu.memory_space<vmem>> -> memref<80xi32, #tpu.memory_space<vmem>>
      %dma_wait3A_124 = arith.constant 0 : i32
      %dma_wait3A_125 = arith.constant 0 : i32
      %dma_wait3A_126 = tpu.memref_slice %arg2[%dma_wait3A_124, %dma_wait3A_125] : memref<20480x64xf32, #tpu.memory_space<hbm>> -> memref<20480x64xf32, #tpu.memory_space<hbm>>
      tpu.wait_indirect_dma semaphore(%arg10 : memref<!tpu.dma_semaphore, #tpu.memory_space<semaphore_mem>>) src(%dma_wait3A_126 : memref<20480x64xf32, #tpu.memory_space<hbm>>) dst(%dma_wait3A_120 : memref<80x64xf32, #tpu.memory_space<vmem>>)
      %mul3A_127 = arith.constant 4 : i32
      %mul3A_128 = arith.muli %mul3A_107, %mul3A_127 : i32
      %add3A_129 = arith.constant 1 : i32
      %add3A_130 = arith.addi %mul3A_128, %add3A_129 : i32
      %dma_wait3A_131 = arith.constant 1 : i32
      %dma_wait3A_132 = arith.constant 0 : i32
      %dma_wait3A_133 = arith.constant 0 : i32
      %dma_wait3A_134 = tpu.memref_slice %arg8[%dma_wait3A_131, %dma_wait3A_132, %dma_wait3A_133] : memref<8x80x64xf32, #tpu.memory_space<vmem>> -> memref<1x80x64xf32, #tpu.memory_space<vmem>>
      %dma_wait3A_135 = tpu.memref_squeeze %dma_wait3A_134 : memref<1x80x64xf32, #tpu.memory_space<vmem>> -> memref<80x64xf32, #tpu.memory_space<vmem>>
      %dma_wait3A_136 = arith.constant 0 : i32
      %dma_wait3A_137 = tpu.memref_slice %arg6[%add3A_130, %dma_wait3A_136] : memref<256x80xi32, #tpu.memory_space<vmem>> -> memref<1x80xi32, #tpu.memory_space<vmem>>
      %dma_wait3A_138 = tpu.memref_squeeze %dma_wait3A_137 : memref<1x80xi32, #tpu.memory_space<vmem>> -> memref<80xi32, #tpu.memory_space<vmem>>
      %dma_wait3A_139 = arith.constant 0 : i32
      %dma_wait3A_140 = arith.constant 0 : i32
      %dma_wait3A_141 = tpu.memref_slice %arg2[%dma_wait3A_139, %dma_wait3A_140] : memref<20480x64xf32, #tpu.memory_space<hbm>> -> memref<20480x64xf32, #tpu.memory_space<hbm>>
      tpu.wait_indirect_dma semaphore(%arg10 : memref<!tpu.dma_semaphore, #tpu.memory_space<semaphore_mem>>) src(%dma_wait3A_141 : memref<20480x64xf32, #tpu.memory_space<hbm>>) dst(%dma_wait3A_135 : memref<80x64xf32, #tpu.memory_space<vmem>>)
      %mul3A_142 = arith.constant 4 : i32
      %mul3A_143 = arith.muli %mul3A_107, %mul3A_142 : i32
      %add3A_144 = arith.constant 2 : i32
      %add3A_145 = arith.addi %mul3A_143, %add3A_144 : i32
      %dma_wait3A_146 = arith.constant 2 : i32
      %dma_wait3A_147 = arith.constant 0 : i32
      %dma_wait3A_148 = arith.constant 0 : i32
      %dma_wait3A_149 = tpu.memref_slice %arg8[%dma_wait3A_146, %dma_wait3A_147, %dma_wait3A_148] : memref<8x80x64xf32, #tpu.memory_space<vmem>> -> memref<1x80x64xf32, #tpu.memory_space<vmem>>
      %dma_wait3A_150 = tpu.memref_squeeze %dma_wait3A_149 : memref<1x80x64xf32, #tpu.memory_space<vmem>> -> memref<80x64xf32, #tpu.memory_space<vmem>>
      %dma_wait3A_151 = arith.constant 0 : i32
      %dma_wait3A_152 = tpu.memref_slice %arg6[%add3A_145, %dma_wait3A_151] : memref<256x80xi32, #tpu.memory_space<vmem>> -> memref<1x80xi32, #tpu.memory_space<vmem>>
      %dma_wait3A_153 = tpu.memref_squeeze %dma_wait3A_152 : memref<1x80xi32, #tpu.memory_space<vmem>> -> memref<80xi32, #tpu.memory_space<vmem>>
      %dma_wait3A_154 = arith.constant 0 : i32
      %dma_wait3A_155 = arith.constant 0 : i32
      %dma_wait3A_156 = tpu.memref_slice %arg2[%dma_wait3A_154, %dma_wait3A_155] : memref<20480x64xf32, #tpu.memory_space<hbm>> -> memref<20480x64xf32, #tpu.memory_space<hbm>>
      tpu.wait_indirect_dma semaphore(%arg10 : memref<!tpu.dma_semaphore, #tpu.memory_space<semaphore_mem>>) src(%dma_wait3A_156 : memref<20480x64xf32, #tpu.memory_space<hbm>>) dst(%dma_wait3A_150 : memref<80x64xf32, #tpu.memory_space<vmem>>)
      %mul3A_157 = arith.constant 4 : i32
      %mul3A_158 = arith.muli %mul3A_107, %mul3A_157 : i32
      %add3A_159 = arith.constant 3 : i32
      %add3A_160 = arith.addi %mul3A_158, %add3A_159 : i32
      %dma_wait3A_161 = arith.constant 3 : i32
      %dma_wait3A_162 = arith.constant 0 : i32
      %dma_wait3A_163 = arith.constant 0 : i32
      %dma_wait3A_164 = tpu.memref_slice %arg8[%dma_wait3A_161, %dma_wait3A_162, %dma_wait3A_163] : memref<8x80x64xf32, #tpu.memory_space<vmem>> -> memref<1x80x64xf32, #tpu.memory_space<vmem>>
      %dma_wait3A_165 = tpu.memref_squeeze %dma_wait3A_164 : memref<1x80x64xf32, #tpu.memory_space<vmem>> -> memref<80x64xf32, #tpu.memory_space<vmem>>
      %dma_wait3A_166 = arith.constant 0 : i32
      %dma_wait3A_167 = tpu.memref_slice %arg6[%add3A_160, %dma_wait3A_166] : memref<256x80xi32, #tpu.memory_space<vmem>> -> memref<1x80xi32, #tpu.memory_space<vmem>>
      %dma_wait3A_168 = tpu.memref_squeeze %dma_wait3A_167 : memref<1x80xi32, #tpu.memory_space<vmem>> -> memref<80xi32, #tpu.memory_space<vmem>>
      %dma_wait3A_169 = arith.constant 0 : i32
      %dma_wait3A_170 = arith.constant 0 : i32
      %dma_wait3A_171 = tpu.memref_slice %arg2[%dma_wait3A_169, %dma_wait3A_170] : memref<20480x64xf32, #tpu.memory_space<hbm>> -> memref<20480x64xf32, #tpu.memory_space<hbm>>
      tpu.wait_indirect_dma semaphore(%arg10 : memref<!tpu.dma_semaphore, #tpu.memory_space<semaphore_mem>>) src(%dma_wait3A_171 : memref<20480x64xf32, #tpu.memory_space<hbm>>) dst(%dma_wait3A_165 : memref<80x64xf32, #tpu.memory_space<vmem>>)
      %mul3A_172 = arith.constant 4 : i32
      %mul3A_173 = arith.muli %mul3A_107, %mul3A_172 : i32
      %add3A_174 = arith.constant 0 : i32
      %add3A_175 = arith.addi %mul3A_173, %add3A_174 : i32
      %dma_start3A_176 = arith.constant 0 : i32
      %dma_start3A_177 = arith.constant 0 : i32
      %dma_start3A_178 = arith.constant 0 : i32
      %dma_start3A_179 = tpu.memref_slice %arg8[%dma_start3A_176, %dma_start3A_177, %dma_start3A_178] : memref<8x80x64xf32, #tpu.memory_space<vmem>> -> memref<1x80x64xf32, #tpu.memory_space<vmem>>
      %dma_start3A_180 = tpu.memref_squeeze %dma_start3A_179 : memref<1x80x64xf32, #tpu.memory_space<vmem>> -> memref<80x64xf32, #tpu.memory_space<vmem>>
      %dma_start3A_181 = arith.constant 0 : i32
      %dma_start3A_182 = tpu.memref_slice %arg7[%add3A_175, %dma_start3A_181] : memref<256x80xi32, #tpu.memory_space<vmem>> -> memref<1x80xi32, #tpu.memory_space<vmem>>
      %dma_start3A_183 = tpu.memref_squeeze %dma_start3A_182 : memref<1x80xi32, #tpu.memory_space<vmem>> -> memref<80xi32, #tpu.memory_space<vmem>>
      %dma_start3A_184 = arith.constant 0 : i32
      %dma_start3A_185 = arith.constant 0 : i32
      %dma_start3A_186 = tpu.memref_slice %arg9[%dma_start3A_184, %dma_start3A_185] : memref<10240x64xf32, #tpu.memory_space<vmem_shared>> -> memref<10240x64xf32, #tpu.memory_space<vmem_shared>>
      tpu.enqueue_indirect_dma source(%dma_start3A_180 : memref<80x64xf32, #tpu.memory_space<vmem>>) target(%dma_start3A_186 : memref<10240x64xf32, #tpu.memory_space<vmem_shared>>) offsets(%dma_start3A_183 : memref<80xi32, #tpu.memory_space<vmem>>) semaphore(%arg12 : memref<!tpu.dma_semaphore, #tpu.memory_space<semaphore_mem>>) {add = true}
      %mul3A_187 = arith.constant 4 : i32
      %mul3A_188 = arith.muli %mul3A_107, %mul3A_187 : i32
      %add3A_189 = arith.constant 1 : i32
      %add3A_190 = arith.addi %mul3A_188, %add3A_189 : i32
      %dma_start3A_191 = arith.constant 1 : i32
      %dma_start3A_192 = arith.constant 0 : i32
      %dma_start3A_193 = arith.constant 0 : i32
      %dma_start3A_194 = tpu.memref_slice %arg8[%dma_start3A_191, %dma_start3A_192, %dma_start3A_193] : memref<8x80x64xf32, #tpu.memory_space<vmem>> -> memref<1x80x64xf32, #tpu.memory_space<vmem>>
      %dma_start3A_195 = tpu.memref_squeeze %dma_start3A_194 : memref<1x80x64xf32, #tpu.memory_space<vmem>> -> memref<80x64xf32, #tpu.memory_space<vmem>>
      %dma_start3A_196 = arith.constant 0 : i32
      %dma_start3A_197 = tpu.memref_slice %arg7[%add3A_190, %dma_start3A_196] : memref<256x80xi32, #tpu.memory_space<vmem>> -> memref<1x80xi32, #tpu.memory_space<vmem>>
      %dma_start3A_198 = tpu.memref_squeeze %dma_start3A_197 : memref<1x80xi32, #tpu.memory_space<vmem>> -> memref<80xi32, #tpu.memory_space<vmem>>
      %dma_start3A_199 = arith.constant 0 : i32
      %dma_start3A_200 = arith.constant 0 : i32
      %dma_start3A_201 = tpu.memref_slice %arg9[%dma_start3A_199, %dma_start3A_200] : memref<10240x64xf32, #tpu.memory_space<vmem_shared>> -> memref<10240x64xf32, #tpu.memory_space<vmem_shared>>
      tpu.enqueue_indirect_dma source(%dma_start3A_195 : memref<80x64xf32, #tpu.memory_space<vmem>>) target(%dma_start3A_201 : memref<10240x64xf32, #tpu.memory_space<vmem_shared>>) offsets(%dma_start3A_198 : memref<80xi32, #tpu.memory_space<vmem>>) semaphore(%arg12 : memref<!tpu.dma_semaphore, #tpu.memory_space<semaphore_mem>>) {add = true}
      %mul3A_202 = arith.constant 4 : i32
      %mul3A_203 = arith.muli %mul3A_107, %mul3A_202 : i32
      %add3A_204 = arith.constant 2 : i32
      %add3A_205 = arith.addi %mul3A_203, %add3A_204 : i32
      %dma_start3A_206 = arith.constant 2 : i32
      %dma_start3A_207 = arith.constant 0 : i32
      %dma_start3A_208 = arith.constant 0 : i32
      %dma_start3A_209 = tpu.memref_slice %arg8[%dma_start3A_206, %dma_start3A_207, %dma_start3A_208] : memref<8x80x64xf32, #tpu.memory_space<vmem>> -> memref<1x80x64xf32, #tpu.memory_space<vmem>>
      %dma_start3A_210 = tpu.memref_squeeze %dma_start3A_209 : memref<1x80x64xf32, #tpu.memory_space<vmem>> -> memref<80x64xf32, #tpu.memory_space<vmem>>
      %dma_start3A_211 = arith.constant 0 : i32
      %dma_start3A_212 = tpu.memref_slice %arg7[%add3A_205, %dma_start3A_211] : memref<256x80xi32, #tpu.memory_space<vmem>> -> memref<1x80xi32, #tpu.memory_space<vmem>>
      %dma_start3A_213 = tpu.memref_squeeze %dma_start3A_212 : memref<1x80xi32, #tpu.memory_space<vmem>> -> memref<80xi32, #tpu.memory_space<vmem>>
      %dma_start3A_214 = arith.constant 0 : i32
      %dma_start3A_215 = arith.constant 0 : i32
      %dma_start3A_216 = tpu.memref_slice %arg9[%dma_start3A_214, %dma_start3A_215] : memref<10240x64xf32, #tpu.memory_space<vmem_shared>> -> memref<10240x64xf32, #tpu.memory_space<vmem_shared>>
      tpu.enqueue_indirect_dma source(%dma_start3A_210 : memref<80x64xf32, #tpu.memory_space<vmem>>) target(%dma_start3A_216 : memref<10240x64xf32, #tpu.memory_space<vmem_shared>>) offsets(%dma_start3A_213 : memref<80xi32, #tpu.memory_space<vmem>>) semaphore(%arg12 : memref<!tpu.dma_semaphore, #tpu.memory_space<semaphore_mem>>) {add = true}
      %mul3A_217 = arith.constant 4 : i32
      %mul3A_218 = arith.muli %mul3A_107, %mul3A_217 : i32
      %add3A_219 = arith.constant 3 : i32
      %add3A_220 = arith.addi %mul3A_218, %add3A_219 : i32
      %dma_start3A_221 = arith.constant 3 : i32
      %dma_start3A_222 = arith.constant 0 : i32
      %dma_start3A_223 = arith.constant 0 : i32
      %dma_start3A_224 = tpu.memref_slice %arg8[%dma_start3A_221, %dma_start3A_222, %dma_start3A_223] : memref<8x80x64xf32, #tpu.memory_space<vmem>> -> memref<1x80x64xf32, #tpu.memory_space<vmem>>
      %dma_start3A_225 = tpu.memref_squeeze %dma_start3A_224 : memref<1x80x64xf32, #tpu.memory_space<vmem>> -> memref<80x64xf32, #tpu.memory_space<vmem>>
      %dma_start3A_226 = arith.constant 0 : i32
      %dma_start3A_227 = tpu.memref_slice %arg7[%add3A_220, %dma_start3A_226] : memref<256x80xi32, #tpu.memory_space<vmem>> -> memref<1x80xi32, #tpu.memory_space<vmem>>
      %dma_start3A_228 = tpu.memref_squeeze %dma_start3A_227 : memref<1x80xi32, #tpu.memory_space<vmem>> -> memref<80xi32, #tpu.memory_space<vmem>>
      %dma_start3A_229 = arith.constant 0 : i32
      %dma_start3A_230 = arith.constant 0 : i32
      %dma_start3A_231 = tpu.memref_slice %arg9[%dma_start3A_229, %dma_start3A_230] : memref<10240x64xf32, #tpu.memory_space<vmem_shared>> -> memref<10240x64xf32, #tpu.memory_space<vmem_shared>>
      tpu.enqueue_indirect_dma source(%dma_start3A_225 : memref<80x64xf32, #tpu.memory_space<vmem>>) target(%dma_start3A_231 : memref<10240x64xf32, #tpu.memory_space<vmem_shared>>) offsets(%dma_start3A_228 : memref<80xi32, #tpu.memory_space<vmem>>) semaphore(%arg12 : memref<!tpu.dma_semaphore, #tpu.memory_space<semaphore_mem>>) {add = true}
      %gt3A = arith.constant 0 : i32
      %gt3A_232 = arith.cmpi sgt, %scan3A_104, %gt3A : i32
      %convert_element_type3A = arith.extui %gt3A_232 : i1 to i32
      %cond3A = arith.constant 0 : i32
      %cond3A_233 = arith.cmpi ne, %convert_element_type3A, %cond3A : i32
      scf.if %cond3A_233 {
        %sub3A = arith.constant 2 : i32
        %sub3A_479 = arith.subi %add3A_111, %sub3A : i32
        %mul3A_480 = arith.constant 4 : i32
        %mul3A_481 = arith.muli %sub3A_479, %mul3A_480 : i32
        %add3A_482 = arith.constant 0 : i32
        %add3A_483 = arith.addi %mul3A_481, %add3A_482 : i32
        %dma_wait3A_484 = arith.constant 4 : i32
        %dma_wait3A_485 = arith.constant 0 : i32
        %dma_wait3A_486 = arith.constant 0 : i32
        %dma_wait3A_487 = tpu.memref_slice %arg8[%dma_wait3A_484, %dma_wait3A_485, %dma_wait3A_486] : memref<8x80x64xf32, #tpu.memory_space<vmem>> -> memref<1x80x64xf32, #tpu.memory_space<vmem>>
        %dma_wait3A_488 = tpu.memref_squeeze %dma_wait3A_487 : memref<1x80x64xf32, #tpu.memory_space<vmem>> -> memref<80x64xf32, #tpu.memory_space<vmem>>
        %dma_wait3A_489 = arith.constant 0 : i32
        %dma_wait3A_490 = tpu.memref_slice %arg7[%add3A_483, %dma_wait3A_489] : memref<256x80xi32, #tpu.memory_space<vmem>> -> memref<1x80xi32, #tpu.memory_space<vmem>>
        %dma_wait3A_491 = tpu.memref_squeeze %dma_wait3A_490 : memref<1x80xi32, #tpu.memory_space<vmem>> -> memref<80xi32, #tpu.memory_space<vmem>>
        %dma_wait3A_492 = arith.constant 0 : i32
        %dma_wait3A_493 = arith.constant 0 : i32
        %dma_wait3A_494 = tpu.memref_slice %arg9[%dma_wait3A_492, %dma_wait3A_493] : memref<10240x64xf32, #tpu.memory_space<vmem_shared>> -> memref<10240x64xf32, #tpu.memory_space<vmem_shared>>
        tpu.wait_indirect_dma semaphore(%arg13 : memref<!tpu.dma_semaphore, #tpu.memory_space<semaphore_mem>>) src(%dma_wait3A_488 : memref<80x64xf32, #tpu.memory_space<vmem>>) dst(%dma_wait3A_494 : memref<10240x64xf32, #tpu.memory_space<vmem_shared>>)
        %mul3A_495 = arith.constant 4 : i32
        %mul3A_496 = arith.muli %sub3A_479, %mul3A_495 : i32
        %add3A_497 = arith.constant 1 : i32
        %add3A_498 = arith.addi %mul3A_496, %add3A_497 : i32
        %dma_wait3A_499 = arith.constant 5 : i32
        %dma_wait3A_500 = arith.constant 0 : i32
        %dma_wait3A_501 = arith.constant 0 : i32
        %dma_wait3A_502 = tpu.memref_slice %arg8[%dma_wait3A_499, %dma_wait3A_500, %dma_wait3A_501] : memref<8x80x64xf32, #tpu.memory_space<vmem>> -> memref<1x80x64xf32, #tpu.memory_space<vmem>>
        %dma_wait3A_503 = tpu.memref_squeeze %dma_wait3A_502 : memref<1x80x64xf32, #tpu.memory_space<vmem>> -> memref<80x64xf32, #tpu.memory_space<vmem>>
        %dma_wait3A_504 = arith.constant 0 : i32
        %dma_wait3A_505 = tpu.memref_slice %arg7[%add3A_498, %dma_wait3A_504] : memref<256x80xi32, #tpu.memory_space<vmem>> -> memref<1x80xi32, #tpu.memory_space<vmem>>
        %dma_wait3A_506 = tpu.memref_squeeze %dma_wait3A_505 : memref<1x80xi32, #tpu.memory_space<vmem>> -> memref<80xi32, #tpu.memory_space<vmem>>
        %dma_wait3A_507 = arith.constant 0 : i32
        %dma_wait3A_508 = arith.constant 0 : i32
        %dma_wait3A_509 = tpu.memref_slice %arg9[%dma_wait3A_507, %dma_wait3A_508] : memref<10240x64xf32, #tpu.memory_space<vmem_shared>> -> memref<10240x64xf32, #tpu.memory_space<vmem_shared>>
        tpu.wait_indirect_dma semaphore(%arg13 : memref<!tpu.dma_semaphore, #tpu.memory_space<semaphore_mem>>) src(%dma_wait3A_503 : memref<80x64xf32, #tpu.memory_space<vmem>>) dst(%dma_wait3A_509 : memref<10240x64xf32, #tpu.memory_space<vmem_shared>>)
        %mul3A_510 = arith.constant 4 : i32
        %mul3A_511 = arith.muli %sub3A_479, %mul3A_510 : i32
        %add3A_512 = arith.constant 2 : i32
        %add3A_513 = arith.addi %mul3A_511, %add3A_512 : i32
        %dma_wait3A_514 = arith.constant 6 : i32
        %dma_wait3A_515 = arith.constant 0 : i32
        %dma_wait3A_516 = arith.constant 0 : i32
        %dma_wait3A_517 = tpu.memref_slice %arg8[%dma_wait3A_514, %dma_wait3A_515, %dma_wait3A_516] : memref<8x80x64xf32, #tpu.memory_space<vmem>> -> memref<1x80x64xf32, #tpu.memory_space<vmem>>
        %dma_wait3A_518 = tpu.memref_squeeze %dma_wait3A_517 : memref<1x80x64xf32, #tpu.memory_space<vmem>> -> memref<80x64xf32, #tpu.memory_space<vmem>>
        %dma_wait3A_519 = arith.constant 0 : i32
        %dma_wait3A_520 = tpu.memref_slice %arg7[%add3A_513, %dma_wait3A_519] : memref<256x80xi32, #tpu.memory_space<vmem>> -> memref<1x80xi32, #tpu.memory_space<vmem>>
        %dma_wait3A_521 = tpu.memref_squeeze %dma_wait3A_520 : memref<1x80xi32, #tpu.memory_space<vmem>> -> memref<80xi32, #tpu.memory_space<vmem>>
        %dma_wait3A_522 = arith.constant 0 : i32
        %dma_wait3A_523 = arith.constant 0 : i32
        %dma_wait3A_524 = tpu.memref_slice %arg9[%dma_wait3A_522, %dma_wait3A_523] : memref<10240x64xf32, #tpu.memory_space<vmem_shared>> -> memref<10240x64xf32, #tpu.memory_space<vmem_shared>>
        tpu.wait_indirect_dma semaphore(%arg13 : memref<!tpu.dma_semaphore, #tpu.memory_space<semaphore_mem>>) src(%dma_wait3A_518 : memref<80x64xf32, #tpu.memory_space<vmem>>) dst(%dma_wait3A_524 : memref<10240x64xf32, #tpu.memory_space<vmem_shared>>)
        %mul3A_525 = arith.constant 4 : i32
        %mul3A_526 = arith.muli %sub3A_479, %mul3A_525 : i32
        %add3A_527 = arith.constant 3 : i32
        %add3A_528 = arith.addi %mul3A_526, %add3A_527 : i32
        %dma_wait3A_529 = arith.constant 7 : i32
        %dma_wait3A_530 = arith.constant 0 : i32
        %dma_wait3A_531 = arith.constant 0 : i32
        %dma_wait3A_532 = tpu.memref_slice %arg8[%dma_wait3A_529, %dma_wait3A_530, %dma_wait3A_531] : memref<8x80x64xf32, #tpu.memory_space<vmem>> -> memref<1x80x64xf32, #tpu.memory_space<vmem>>
        %dma_wait3A_533 = tpu.memref_squeeze %dma_wait3A_532 : memref<1x80x64xf32, #tpu.memory_space<vmem>> -> memref<80x64xf32, #tpu.memory_space<vmem>>
        %dma_wait3A_534 = arith.constant 0 : i32
        %dma_wait3A_535 = tpu.memref_slice %arg7[%add3A_528, %dma_wait3A_534] : memref<256x80xi32, #tpu.memory_space<vmem>> -> memref<1x80xi32, #tpu.memory_space<vmem>>
        %dma_wait3A_536 = tpu.memref_squeeze %dma_wait3A_535 : memref<1x80xi32, #tpu.memory_space<vmem>> -> memref<80xi32, #tpu.memory_space<vmem>>
        %dma_wait3A_537 = arith.constant 0 : i32
        %dma_wait3A_538 = arith.constant 0 : i32
        %dma_wait3A_539 = tpu.memref_slice %arg9[%dma_wait3A_537, %dma_wait3A_538] : memref<10240x64xf32, #tpu.memory_space<vmem_shared>> -> memref<10240x64xf32, #tpu.memory_space<vmem_shared>>
        tpu.wait_indirect_dma semaphore(%arg13 : memref<!tpu.dma_semaphore, #tpu.memory_space<semaphore_mem>>) src(%dma_wait3A_533 : memref<80x64xf32, #tpu.memory_space<vmem>>) dst(%dma_wait3A_539 : memref<10240x64xf32, #tpu.memory_space<vmem_shared>>)
      } else {
      }
      %mul3A_234 = arith.constant 4 : i32
      %mul3A_235 = arith.muli %add3A_111, %mul3A_234 : i32
      %add3A_236 = arith.constant 0 : i32
      %add3A_237 = arith.addi %mul3A_235, %add3A_236 : i32
      %dma_start3A_238 = arith.constant 4 : i32
      %dma_start3A_239 = arith.constant 0 : i32
      %dma_start3A_240 = arith.constant 0 : i32
      %dma_start3A_241 = tpu.memref_slice %arg8[%dma_start3A_238, %dma_start3A_239, %dma_start3A_240] : memref<8x80x64xf32, #tpu.memory_space<vmem>> -> memref<1x80x64xf32, #tpu.memory_space<vmem>>
      %dma_start3A_242 = tpu.memref_squeeze %dma_start3A_241 : memref<1x80x64xf32, #tpu.memory_space<vmem>> -> memref<80x64xf32, #tpu.memory_space<vmem>>
      %dma_start3A_243 = arith.constant 0 : i32
      %dma_start3A_244 = tpu.memref_slice %arg6[%add3A_237, %dma_start3A_243] : memref<256x80xi32, #tpu.memory_space<vmem>> -> memref<1x80xi32, #tpu.memory_space<vmem>>
      %dma_start3A_245 = tpu.memref_squeeze %dma_start3A_244 : memref<1x80xi32, #tpu.memory_space<vmem>> -> memref<80xi32, #tpu.memory_space<vmem>>
      %dma_start3A_246 = arith.constant 0 : i32
      %dma_start3A_247 = arith.constant 0 : i32
      %dma_start3A_248 = tpu.memref_slice %arg2[%dma_start3A_246, %dma_start3A_247] : memref<20480x64xf32, #tpu.memory_space<hbm>> -> memref<20480x64xf32, #tpu.memory_space<hbm>>
      tpu.enqueue_indirect_dma source(%dma_start3A_248 : memref<20480x64xf32, #tpu.memory_space<hbm>>) target(%dma_start3A_242 : memref<80x64xf32, #tpu.memory_space<vmem>>) offsets(%dma_start3A_245 : memref<80xi32, #tpu.memory_space<vmem>>) semaphore(%arg11 : memref<!tpu.dma_semaphore, #tpu.memory_space<semaphore_mem>>)
      %mul3A_249 = arith.constant 4 : i32
      %mul3A_250 = arith.muli %add3A_111, %mul3A_249 : i32
      %add3A_251 = arith.constant 1 : i32
      %add3A_252 = arith.addi %mul3A_250, %add3A_251 : i32
      %dma_start3A_253 = arith.constant 5 : i32
      %dma_start3A_254 = arith.constant 0 : i32
      %dma_start3A_255 = arith.constant 0 : i32
      %dma_start3A_256 = tpu.memref_slice %arg8[%dma_start3A_253, %dma_start3A_254, %dma_start3A_255] : memref<8x80x64xf32, #tpu.memory_space<vmem>> -> memref<1x80x64xf32, #tpu.memory_space<vmem>>
      %dma_start3A_257 = tpu.memref_squeeze %dma_start3A_256 : memref<1x80x64xf32, #tpu.memory_space<vmem>> -> memref<80x64xf32, #tpu.memory_space<vmem>>
      %dma_start3A_258 = arith.constant 0 : i32
      %dma_start3A_259 = tpu.memref_slice %arg6[%add3A_252, %dma_start3A_258] : memref<256x80xi32, #tpu.memory_space<vmem>> -> memref<1x80xi32, #tpu.memory_space<vmem>>
      %dma_start3A_260 = tpu.memref_squeeze %dma_start3A_259 : memref<1x80xi32, #tpu.memory_space<vmem>> -> memref<80xi32, #tpu.memory_space<vmem>>
      %dma_start3A_261 = arith.constant 0 : i32
      %dma_start3A_262 = arith.constant 0 : i32
      %dma_start3A_263 = tpu.memref_slice %arg2[%dma_start3A_261, %dma_start3A_262] : memref<20480x64xf32, #tpu.memory_space<hbm>> -> memref<20480x64xf32, #tpu.memory_space<hbm>>
      tpu.enqueue_indirect_dma source(%dma_start3A_263 : memref<20480x64xf32, #tpu.memory_space<hbm>>) target(%dma_start3A_257 : memref<80x64xf32, #tpu.memory_space<vmem>>) offsets(%dma_start3A_260 : memref<80xi32, #tpu.memory_space<vmem>>) semaphore(%arg11 : memref<!tpu.dma_semaphore, #tpu.memory_space<semaphore_mem>>)
      %mul3A_264 = arith.constant 4 : i32
      %mul3A_265 = arith.muli %add3A_111, %mul3A_264 : i32
      %add3A_266 = arith.constant 2 : i32
      %add3A_267 = arith.addi %mul3A_265, %add3A_266 : i32
      %dma_start3A_268 = arith.constant 6 : i32
      %dma_start3A_269 = arith.constant 0 : i32
      %dma_start3A_270 = arith.constant 0 : i32
      %dma_start3A_271 = tpu.memref_slice %arg8[%dma_start3A_268, %dma_start3A_269, %dma_start3A_270] : memref<8x80x64xf32, #tpu.memory_space<vmem>> -> memref<1x80x64xf32, #tpu.memory_space<vmem>>
      %dma_start3A_272 = tpu.memref_squeeze %dma_start3A_271 : memref<1x80x64xf32, #tpu.memory_space<vmem>> -> memref<80x64xf32, #tpu.memory_space<vmem>>
      %dma_start3A_273 = arith.constant 0 : i32
      %dma_start3A_274 = tpu.memref_slice %arg6[%add3A_267, %dma_start3A_273] : memref<256x80xi32, #tpu.memory_space<vmem>> -> memref<1x80xi32, #tpu.memory_space<vmem>>
      %dma_start3A_275 = tpu.memref_squeeze %dma_start3A_274 : memref<1x80xi32, #tpu.memory_space<vmem>> -> memref<80xi32, #tpu.memory_space<vmem>>
      %dma_start3A_276 = arith.constant 0 : i32
      %dma_start3A_277 = arith.constant 0 : i32
      %dma_start3A_278 = tpu.memref_slice %arg2[%dma_start3A_276, %dma_start3A_277] : memref<20480x64xf32, #tpu.memory_space<hbm>> -> memref<20480x64xf32, #tpu.memory_space<hbm>>
      tpu.enqueue_indirect_dma source(%dma_start3A_278 : memref<20480x64xf32, #tpu.memory_space<hbm>>) target(%dma_start3A_272 : memref<80x64xf32, #tpu.memory_space<vmem>>) offsets(%dma_start3A_275 : memref<80xi32, #tpu.memory_space<vmem>>) semaphore(%arg11 : memref<!tpu.dma_semaphore, #tpu.memory_space<semaphore_mem>>)
      %mul3A_279 = arith.constant 4 : i32
      %mul3A_280 = arith.muli %add3A_111, %mul3A_279 : i32
      %add3A_281 = arith.constant 3 : i32
      %add3A_282 = arith.addi %mul3A_280, %add3A_281 : i32
      %dma_start3A_283 = arith.constant 7 : i32
      %dma_start3A_284 = arith.constant 0 : i32
      %dma_start3A_285 = arith.constant 0 : i32
      %dma_start3A_286 = tpu.memref_slice %arg8[%dma_start3A_283, %dma_start3A_284, %dma_start3A_285] : memref<8x80x64xf32, #tpu.memory_space<vmem>> -> memref<1x80x64xf32, #tpu.memory_space<vmem>>
      %dma_start3A_287 = tpu.memref_squeeze %dma_start3A_286 : memref<1x80x64xf32, #tpu.memory_space<vmem>> -> memref<80x64xf32, #tpu.memory_space<vmem>>
      %dma_start3A_288 = arith.constant 0 : i32
      %dma_start3A_289 = tpu.memref_slice %arg6[%add3A_282, %dma_start3A_288] : memref<256x80xi32, #tpu.memory_space<vmem>> -> memref<1x80xi32, #tpu.memory_space<vmem>>
      %dma_start3A_290 = tpu.memref_squeeze %dma_start3A_289 : memref<1x80xi32, #tpu.memory_space<vmem>> -> memref<80xi32, #tpu.memory_space<vmem>>
      %dma_start3A_291 = arith.constant 0 : i32
      %dma_start3A_292 = arith.constant 0 : i32
      %dma_start3A_293 = tpu.memref_slice %arg2[%dma_start3A_291, %dma_start3A_292] : memref<20480x64xf32, #tpu.memory_space<hbm>> -> memref<20480x64xf32, #tpu.memory_space<hbm>>
      tpu.enqueue_indirect_dma source(%dma_start3A_293 : memref<20480x64xf32, #tpu.memory_space<hbm>>) target(%dma_start3A_287 : memref<80x64xf32, #tpu.memory_space<vmem>>) offsets(%dma_start3A_290 : memref<80xi32, #tpu.memory_space<vmem>>) semaphore(%arg11 : memref<!tpu.dma_semaphore, #tpu.memory_space<semaphore_mem>>)
      %mul3A_294 = arith.constant 4 : i32
      %mul3A_295 = arith.muli %add3A_111, %mul3A_294 : i32
      %add3A_296 = arith.constant 0 : i32
      %add3A_297 = arith.addi %mul3A_295, %add3A_296 : i32
      %dma_wait3A_298 = arith.constant 4 : i32
      %dma_wait3A_299 = arith.constant 0 : i32
      %dma_wait3A_300 = arith.constant 0 : i32
      %dma_wait3A_301 = tpu.memref_slice %arg8[%dma_wait3A_298, %dma_wait3A_299, %dma_wait3A_300] : memref<8x80x64xf32, #tpu.memory_space<vmem>> -> memref<1x80x64xf32, #tpu.memory_space<vmem>>
      %dma_wait3A_302 = tpu.memref_squeeze %dma_wait3A_301 : memref<1x80x64xf32, #tpu.memory_space<vmem>> -> memref<80x64xf32, #tpu.memory_space<vmem>>
      %dma_wait3A_303 = arith.constant 0 : i32
      %dma_wait3A_304 = tpu.memref_slice %arg6[%add3A_297, %dma_wait3A_303] : memref<256x80xi32, #tpu.memory_space<vmem>> -> memref<1x80xi32, #tpu.memory_space<vmem>>
      %dma_wait3A_305 = tpu.memref_squeeze %dma_wait3A_304 : memref<1x80xi32, #tpu.memory_space<vmem>> -> memref<80xi32, #tpu.memory_space<vmem>>
      %dma_wait3A_306 = arith.constant 0 : i32
      %dma_wait3A_307 = arith.constant 0 : i32
      %dma_wait3A_308 = tpu.memref_slice %arg2[%dma_wait3A_306, %dma_wait3A_307] : memref<20480x64xf32, #tpu.memory_space<hbm>> -> memref<20480x64xf32, #tpu.memory_space<hbm>>
      tpu.wait_indirect_dma semaphore(%arg11 : memref<!tpu.dma_semaphore, #tpu.memory_space<semaphore_mem>>) src(%dma_wait3A_308 : memref<20480x64xf32, #tpu.memory_space<hbm>>) dst(%dma_wait3A_302 : memref<80x64xf32, #tpu.memory_space<vmem>>)
      %mul3A_309 = arith.constant 4 : i32
      %mul3A_310 = arith.muli %add3A_111, %mul3A_309 : i32
      %add3A_311 = arith.constant 1 : i32
      %add3A_312 = arith.addi %mul3A_310, %add3A_311 : i32
      %dma_wait3A_313 = arith.constant 5 : i32
      %dma_wait3A_314 = arith.constant 0 : i32
      %dma_wait3A_315 = arith.constant 0 : i32
      %dma_wait3A_316 = tpu.memref_slice %arg8[%dma_wait3A_313, %dma_wait3A_314, %dma_wait3A_315] : memref<8x80x64xf32, #tpu.memory_space<vmem>> -> memref<1x80x64xf32, #tpu.memory_space<vmem>>
      %dma_wait3A_317 = tpu.memref_squeeze %dma_wait3A_316 : memref<1x80x64xf32, #tpu.memory_space<vmem>> -> memref<80x64xf32, #tpu.memory_space<vmem>>
      %dma_wait3A_318 = arith.constant 0 : i32
      %dma_wait3A_319 = tpu.memref_slice %arg6[%add3A_312, %dma_wait3A_318] : memref<256x80xi32, #tpu.memory_space<vmem>> -> memref<1x80xi32, #tpu.memory_space<vmem>>
      %dma_wait3A_320 = tpu.memref_squeeze %dma_wait3A_319 : memref<1x80xi32, #tpu.memory_space<vmem>> -> memref<80xi32, #tpu.memory_space<vmem>>
      %dma_wait3A_321 = arith.constant 0 : i32
      %dma_wait3A_322 = arith.constant 0 : i32
      %dma_wait3A_323 = tpu.memref_slice %arg2[%dma_wait3A_321, %dma_wait3A_322] : memref<20480x64xf32, #tpu.memory_space<hbm>> -> memref<20480x64xf32, #tpu.memory_space<hbm>>
      tpu.wait_indirect_dma semaphore(%arg11 : memref<!tpu.dma_semaphore, #tpu.memory_space<semaphore_mem>>) src(%dma_wait3A_323 : memref<20480x64xf32, #tpu.memory_space<hbm>>) dst(%dma_wait3A_317 : memref<80x64xf32, #tpu.memory_space<vmem>>)
      %mul3A_324 = arith.constant 4 : i32
      %mul3A_325 = arith.muli %add3A_111, %mul3A_324 : i32
      %add3A_326 = arith.constant 2 : i32
      %add3A_327 = arith.addi %mul3A_325, %add3A_326 : i32
      %dma_wait3A_328 = arith.constant 6 : i32
      %dma_wait3A_329 = arith.constant 0 : i32
      %dma_wait3A_330 = arith.constant 0 : i32
      %dma_wait3A_331 = tpu.memref_slice %arg8[%dma_wait3A_328, %dma_wait3A_329, %dma_wait3A_330] : memref<8x80x64xf32, #tpu.memory_space<vmem>> -> memref<1x80x64xf32, #tpu.memory_space<vmem>>
      %dma_wait3A_332 = tpu.memref_squeeze %dma_wait3A_331 : memref<1x80x64xf32, #tpu.memory_space<vmem>> -> memref<80x64xf32, #tpu.memory_space<vmem>>
      %dma_wait3A_333 = arith.constant 0 : i32
      %dma_wait3A_334 = tpu.memref_slice %arg6[%add3A_327, %dma_wait3A_333] : memref<256x80xi32, #tpu.memory_space<vmem>> -> memref<1x80xi32, #tpu.memory_space<vmem>>
      %dma_wait3A_335 = tpu.memref_squeeze %dma_wait3A_334 : memref<1x80xi32, #tpu.memory_space<vmem>> -> memref<80xi32, #tpu.memory_space<vmem>>
      %dma_wait3A_336 = arith.constant 0 : i32
      %dma_wait3A_337 = arith.constant 0 : i32
      %dma_wait3A_338 = tpu.memref_slice %arg2[%dma_wait3A_336, %dma_wait3A_337] : memref<20480x64xf32, #tpu.memory_space<hbm>> -> memref<20480x64xf32, #tpu.memory_space<hbm>>
      tpu.wait_indirect_dma semaphore(%arg11 : memref<!tpu.dma_semaphore, #tpu.memory_space<semaphore_mem>>) src(%dma_wait3A_338 : memref<20480x64xf32, #tpu.memory_space<hbm>>) dst(%dma_wait3A_332 : memref<80x64xf32, #tpu.memory_space<vmem>>)
      %mul3A_339 = arith.constant 4 : i32
      %mul3A_340 = arith.muli %add3A_111, %mul3A_339 : i32
      %add3A_341 = arith.constant 3 : i32
      %add3A_342 = arith.addi %mul3A_340, %add3A_341 : i32
      %dma_wait3A_343 = arith.constant 7 : i32
      %dma_wait3A_344 = arith.constant 0 : i32
      %dma_wait3A_345 = arith.constant 0 : i32
      %dma_wait3A_346 = tpu.memref_slice %arg8[%dma_wait3A_343, %dma_wait3A_344, %dma_wait3A_345] : memref<8x80x64xf32, #tpu.memory_space<vmem>> -> memref<1x80x64xf32, #tpu.memory_space<vmem>>
      %dma_wait3A_347 = tpu.memref_squeeze %dma_wait3A_346 : memref<1x80x64xf32, #tpu.memory_space<vmem>> -> memref<80x64xf32, #tpu.memory_space<vmem>>
      %dma_wait3A_348 = arith.constant 0 : i32
      %dma_wait3A_349 = tpu.memref_slice %arg6[%add3A_342, %dma_wait3A_348] : memref<256x80xi32, #tpu.memory_space<vmem>> -> memref<1x80xi32, #tpu.memory_space<vmem>>
      %dma_wait3A_350 = tpu.memref_squeeze %dma_wait3A_349 : memref<1x80xi32, #tpu.memory_space<vmem>> -> memref<80xi32, #tpu.memory_space<vmem>>
      %dma_wait3A_351 = arith.constant 0 : i32
      %dma_wait3A_352 = arith.constant 0 : i32
      %dma_wait3A_353 = tpu.memref_slice %arg2[%dma_wait3A_351, %dma_wait3A_352] : memref<20480x64xf32, #tpu.memory_space<hbm>> -> memref<20480x64xf32, #tpu.memory_space<hbm>>
      tpu.wait_indirect_dma semaphore(%arg11 : memref<!tpu.dma_semaphore, #tpu.memory_space<semaphore_mem>>) src(%dma_wait3A_353 : memref<20480x64xf32, #tpu.memory_space<hbm>>) dst(%dma_wait3A_347 : memref<80x64xf32, #tpu.memory_space<vmem>>)
      %mul3A_354 = arith.constant 4 : i32
      %mul3A_355 = arith.muli %add3A_111, %mul3A_354 : i32
      %add3A_356 = arith.constant 0 : i32
      %add3A_357 = arith.addi %mul3A_355, %add3A_356 : i32
      %dma_start3A_358 = arith.constant 4 : i32
      %dma_start3A_359 = arith.constant 0 : i32
      %dma_start3A_360 = arith.constant 0 : i32
      %dma_start3A_361 = tpu.memref_slice %arg8[%dma_start3A_358, %dma_start3A_359, %dma_start3A_360] : memref<8x80x64xf32, #tpu.memory_space<vmem>> -> memref<1x80x64xf32, #tpu.memory_space<vmem>>
      %dma_start3A_362 = tpu.memref_squeeze %dma_start3A_361 : memref<1x80x64xf32, #tpu.memory_space<vmem>> -> memref<80x64xf32, #tpu.memory_space<vmem>>
      %dma_start3A_363 = arith.constant 0 : i32
      %dma_start3A_364 = tpu.memref_slice %arg7[%add3A_357, %dma_start3A_363] : memref<256x80xi32, #tpu.memory_space<vmem>> -> memref<1x80xi32, #tpu.memory_space<vmem>>
      %dma_start3A_365 = tpu.memref_squeeze %dma_start3A_364 : memref<1x80xi32, #tpu.memory_space<vmem>> -> memref<80xi32, #tpu.memory_space<vmem>>
      %dma_start3A_366 = arith.constant 0 : i32
      %dma_start3A_367 = arith.constant 0 : i32
      %dma_start3A_368 = tpu.memref_slice %arg9[%dma_start3A_366, %dma_start3A_367] : memref<10240x64xf32, #tpu.memory_space<vmem_shared>> -> memref<10240x64xf32, #tpu.memory_space<vmem_shared>>
      tpu.enqueue_indirect_dma source(%dma_start3A_362 : memref<80x64xf32, #tpu.memory_space<vmem>>) target(%dma_start3A_368 : memref<10240x64xf32, #tpu.memory_space<vmem_shared>>) offsets(%dma_start3A_365 : memref<80xi32, #tpu.memory_space<vmem>>) semaphore(%arg13 : memref<!tpu.dma_semaphore, #tpu.memory_space<semaphore_mem>>) {add = true}
      %mul3A_369 = arith.constant 4 : i32
      %mul3A_370 = arith.muli %add3A_111, %mul3A_369 : i32
      %add3A_371 = arith.constant 1 : i32
      %add3A_372 = arith.addi %mul3A_370, %add3A_371 : i32
      %dma_start3A_373 = arith.constant 5 : i32
      %dma_start3A_374 = arith.constant 0 : i32
      %dma_start3A_375 = arith.constant 0 : i32
      %dma_start3A_376 = tpu.memref_slice %arg8[%dma_start3A_373, %dma_start3A_374, %dma_start3A_375] : memref<8x80x64xf32, #tpu.memory_space<vmem>> -> memref<1x80x64xf32, #tpu.memory_space<vmem>>
      %dma_start3A_377 = tpu.memref_squeeze %dma_start3A_376 : memref<1x80x64xf32, #tpu.memory_space<vmem>> -> memref<80x64xf32, #tpu.memory_space<vmem>>
      %dma_start3A_378 = arith.constant 0 : i32
      %dma_start3A_379 = tpu.memref_slice %arg7[%add3A_372, %dma_start3A_378] : memref<256x80xi32, #tpu.memory_space<vmem>> -> memref<1x80xi32, #tpu.memory_space<vmem>>
      %dma_start3A_380 = tpu.memref_squeeze %dma_start3A_379 : memref<1x80xi32, #tpu.memory_space<vmem>> -> memref<80xi32, #tpu.memory_space<vmem>>
      %dma_start3A_381 = arith.constant 0 : i32
      %dma_start3A_382 = arith.constant 0 : i32
      %dma_start3A_383 = tpu.memref_slice %arg9[%dma_start3A_381, %dma_start3A_382] : memref<10240x64xf32, #tpu.memory_space<vmem_shared>> -> memref<10240x64xf32, #tpu.memory_space<vmem_shared>>
      tpu.enqueue_indirect_dma source(%dma_start3A_377 : memref<80x64xf32, #tpu.memory_space<vmem>>) target(%dma_start3A_383 : memref<10240x64xf32, #tpu.memory_space<vmem_shared>>) offsets(%dma_start3A_380 : memref<80xi32, #tpu.memory_space<vmem>>) semaphore(%arg13 : memref<!tpu.dma_semaphore, #tpu.memory_space<semaphore_mem>>) {add = true}
      %mul3A_384 = arith.constant 4 : i32
      %mul3A_385 = arith.muli %add3A_111, %mul3A_384 : i32
      %add3A_386 = arith.constant 2 : i32
      %add3A_387 = arith.addi %mul3A_385, %add3A_386 : i32
      %dma_start3A_388 = arith.constant 6 : i32
      %dma_start3A_389 = arith.constant 0 : i32
      %dma_start3A_390 = arith.constant 0 : i32
      %dma_start3A_391 = tpu.memref_slice %arg8[%dma_start3A_388, %dma_start3A_389, %dma_start3A_390] : memref<8x80x64xf32, #tpu.memory_space<vmem>> -> memref<1x80x64xf32, #tpu.memory_space<vmem>>
      %dma_start3A_392 = tpu.memref_squeeze %dma_start3A_391 : memref<1x80x64xf32, #tpu.memory_space<vmem>> -> memref<80x64xf32, #tpu.memory_space<vmem>>
      %dma_start3A_393 = arith.constant 0 : i32
      %dma_start3A_394 = tpu.memref_slice %arg7[%add3A_387, %dma_start3A_393] : memref<256x80xi32, #tpu.memory_space<vmem>> -> memref<1x80xi32, #tpu.memory_space<vmem>>
      %dma_start3A_395 = tpu.memref_squeeze %dma_start3A_394 : memref<1x80xi32, #tpu.memory_space<vmem>> -> memref<80xi32, #tpu.memory_space<vmem>>
      %dma_start3A_396 = arith.constant 0 : i32
      %dma_start3A_397 = arith.constant 0 : i32
      %dma_start3A_398 = tpu.memref_slice %arg9[%dma_start3A_396, %dma_start3A_397] : memref<10240x64xf32, #tpu.memory_space<vmem_shared>> -> memref<10240x64xf32, #tpu.memory_space<vmem_shared>>
      tpu.enqueue_indirect_dma source(%dma_start3A_392 : memref<80x64xf32, #tpu.memory_space<vmem>>) target(%dma_start3A_398 : memref<10240x64xf32, #tpu.memory_space<vmem_shared>>) offsets(%dma_start3A_395 : memref<80xi32, #tpu.memory_space<vmem>>) semaphore(%arg13 : memref<!tpu.dma_semaphore, #tpu.memory_space<semaphore_mem>>) {add = true}
      %mul3A_399 = arith.constant 4 : i32
      %mul3A_400 = arith.muli %add3A_111, %mul3A_399 : i32
      %add3A_401 = arith.constant 3 : i32
      %add3A_402 = arith.addi %mul3A_400, %add3A_401 : i32
      %dma_start3A_403 = arith.constant 7 : i32
      %dma_start3A_404 = arith.constant 0 : i32
      %dma_start3A_405 = arith.constant 0 : i32
      %dma_start3A_406 = tpu.memref_slice %arg8[%dma_start3A_403, %dma_start3A_404, %dma_start3A_405] : memref<8x80x64xf32, #tpu.memory_space<vmem>> -> memref<1x80x64xf32, #tpu.memory_space<vmem>>
      %dma_start3A_407 = tpu.memref_squeeze %dma_start3A_406 : memref<1x80x64xf32, #tpu.memory_space<vmem>> -> memref<80x64xf32, #tpu.memory_space<vmem>>
      %dma_start3A_408 = arith.constant 0 : i32
      %dma_start3A_409 = tpu.memref_slice %arg7[%add3A_402, %dma_start3A_408] : memref<256x80xi32, #tpu.memory_space<vmem>> -> memref<1x80xi32, #tpu.memory_space<vmem>>
      %dma_start3A_410 = tpu.memref_squeeze %dma_start3A_409 : memref<1x80xi32, #tpu.memory_space<vmem>> -> memref<80xi32, #tpu.memory_space<vmem>>
      %dma_start3A_411 = arith.constant 0 : i32
      %dma_start3A_412 = arith.constant 0 : i32
      %dma_start3A_413 = tpu.memref_slice %arg9[%dma_start3A_411, %dma_start3A_412] : memref<10240x64xf32, #tpu.memory_space<vmem_shared>> -> memref<10240x64xf32, #tpu.memory_space<vmem_shared>>
      tpu.enqueue_indirect_dma source(%dma_start3A_407 : memref<80x64xf32, #tpu.memory_space<vmem>>) target(%dma_start3A_413 : memref<10240x64xf32, #tpu.memory_space<vmem_shared>>) offsets(%dma_start3A_410 : memref<80xi32, #tpu.memory_space<vmem>>) semaphore(%arg13 : memref<!tpu.dma_semaphore, #tpu.memory_space<semaphore_mem>>) {add = true}
      %mul3A_414 = arith.constant 4 : i32
      %mul3A_415 = arith.muli %mul3A_107, %mul3A_414 : i32
      %add3A_416 = arith.constant 0 : i32
      %add3A_417 = arith.addi %mul3A_415, %add3A_416 : i32
      %dma_wait3A_418 = arith.constant 0 : i32
      %dma_wait3A_419 = arith.constant 0 : i32
      %dma_wait3A_420 = arith.constant 0 : i32
      %dma_wait3A_421 = tpu.memref_slice %arg8[%dma_wait3A_418, %dma_wait3A_419, %dma_wait3A_420] : memref<8x80x64xf32, #tpu.memory_space<vmem>> -> memref<1x80x64xf32, #tpu.memory_space<vmem>>
      %dma_wait3A_422 = tpu.memref_squeeze %dma_wait3A_421 : memref<1x80x64xf32, #tpu.memory_space<vmem>> -> memref<80x64xf32, #tpu.memory_space<vmem>>
      %dma_wait3A_423 = arith.constant 0 : i32
      %dma_wait3A_424 = tpu.memref_slice %arg7[%add3A_417, %dma_wait3A_423] : memref<256x80xi32, #tpu.memory_space<vmem>> -> memref<1x80xi32, #tpu.memory_space<vmem>>
      %dma_wait3A_425 = tpu.memref_squeeze %dma_wait3A_424 : memref<1x80xi32, #tpu.memory_space<vmem>> -> memref<80xi32, #tpu.memory_space<vmem>>
      %dma_wait3A_426 = arith.constant 0 : i32
      %dma_wait3A_427 = arith.constant 0 : i32
      %dma_wait3A_428 = tpu.memref_slice %arg9[%dma_wait3A_426, %dma_wait3A_427] : memref<10240x64xf32, #tpu.memory_space<vmem_shared>> -> memref<10240x64xf32, #tpu.memory_space<vmem_shared>>
      tpu.wait_indirect_dma semaphore(%arg12 : memref<!tpu.dma_semaphore, #tpu.memory_space<semaphore_mem>>) src(%dma_wait3A_422 : memref<80x64xf32, #tpu.memory_space<vmem>>) dst(%dma_wait3A_428 : memref<10240x64xf32, #tpu.memory_space<vmem_shared>>)
      %mul3A_429 = arith.constant 4 : i32
      %mul3A_430 = arith.muli %mul3A_107, %mul3A_429 : i32
      %add3A_431 = arith.constant 1 : i32
      %add3A_432 = arith.addi %mul3A_430, %add3A_431 : i32
      %dma_wait3A_433 = arith.constant 1 : i32
      %dma_wait3A_434 = arith.constant 0 : i32
      %dma_wait3A_435 = arith.constant 0 : i32
      %dma_wait3A_436 = tpu.memref_slice %arg8[%dma_wait3A_433, %dma_wait3A_434, %dma_wait3A_435] : memref<8x80x64xf32, #tpu.memory_space<vmem>> -> memref<1x80x64xf32, #tpu.memory_space<vmem>>
      %dma_wait3A_437 = tpu.memref_squeeze %dma_wait3A_436 : memref<1x80x64xf32, #tpu.memory_space<vmem>> -> memref<80x64xf32, #tpu.memory_space<vmem>>
      %dma_wait3A_438 = arith.constant 0 : i32
      %dma_wait3A_439 = tpu.memref_slice %arg7[%add3A_432, %dma_wait3A_438] : memref<256x80xi32, #tpu.memory_space<vmem>> -> memref<1x80xi32, #tpu.memory_space<vmem>>
      %dma_wait3A_440 = tpu.memref_squeeze %dma_wait3A_439 : memref<1x80xi32, #tpu.memory_space<vmem>> -> memref<80xi32, #tpu.memory_space<vmem>>
      %dma_wait3A_441 = arith.constant 0 : i32
      %dma_wait3A_442 = arith.constant 0 : i32
      %dma_wait3A_443 = tpu.memref_slice %arg9[%dma_wait3A_441, %dma_wait3A_442] : memref<10240x64xf32, #tpu.memory_space<vmem_shared>> -> memref<10240x64xf32, #tpu.memory_space<vmem_shared>>
      tpu.wait_indirect_dma semaphore(%arg12 : memref<!tpu.dma_semaphore, #tpu.memory_space<semaphore_mem>>) src(%dma_wait3A_437 : memref<80x64xf32, #tpu.memory_space<vmem>>) dst(%dma_wait3A_443 : memref<10240x64xf32, #tpu.memory_space<vmem_shared>>)
      %mul3A_444 = arith.constant 4 : i32
      %mul3A_445 = arith.muli %mul3A_107, %mul3A_444 : i32
      %add3A_446 = arith.constant 2 : i32
      %add3A_447 = arith.addi %mul3A_445, %add3A_446 : i32
      %dma_wait3A_448 = arith.constant 2 : i32
      %dma_wait3A_449 = arith.constant 0 : i32
      %dma_wait3A_450 = arith.constant 0 : i32
      %dma_wait3A_451 = tpu.memref_slice %arg8[%dma_wait3A_448, %dma_wait3A_449, %dma_wait3A_450] : memref<8x80x64xf32, #tpu.memory_space<vmem>> -> memref<1x80x64xf32, #tpu.memory_space<vmem>>
      %dma_wait3A_452 = tpu.memref_squeeze %dma_wait3A_451 : memref<1x80x64xf32, #tpu.memory_space<vmem>> -> memref<80x64xf32, #tpu.memory_space<vmem>>
      %dma_wait3A_453 = arith.constant 0 : i32
      %dma_wait3A_454 = tpu.memref_slice %arg7[%add3A_447, %dma_wait3A_453] : memref<256x80xi32, #tpu.memory_space<vmem>> -> memref<1x80xi32, #tpu.memory_space<vmem>>
      %dma_wait3A_455 = tpu.memref_squeeze %dma_wait3A_454 : memref<1x80xi32, #tpu.memory_space<vmem>> -> memref<80xi32, #tpu.memory_space<vmem>>
      %dma_wait3A_456 = arith.constant 0 : i32
      %dma_wait3A_457 = arith.constant 0 : i32
      %dma_wait3A_458 = tpu.memref_slice %arg9[%dma_wait3A_456, %dma_wait3A_457] : memref<10240x64xf32, #tpu.memory_space<vmem_shared>> -> memref<10240x64xf32, #tpu.memory_space<vmem_shared>>
      tpu.wait_indirect_dma semaphore(%arg12 : memref<!tpu.dma_semaphore, #tpu.memory_space<semaphore_mem>>) src(%dma_wait3A_452 : memref<80x64xf32, #tpu.memory_space<vmem>>) dst(%dma_wait3A_458 : memref<10240x64xf32, #tpu.memory_space<vmem_shared>>)
      %mul3A_459 = arith.constant 4 : i32
      %mul3A_460 = arith.muli %mul3A_107, %mul3A_459 : i32
      %add3A_461 = arith.constant 3 : i32
      %add3A_462 = arith.addi %mul3A_460, %add3A_461 : i32
      %dma_wait3A_463 = arith.constant 3 : i32
      %dma_wait3A_464 = arith.constant 0 : i32
      %dma_wait3A_465 = arith.constant 0 : i32
      %dma_wait3A_466 = tpu.memref_slice %arg8[%dma_wait3A_463, %dma_wait3A_464, %dma_wait3A_465] : memref<8x80x64xf32, #tpu.memory_space<vmem>> -> memref<1x80x64xf32, #tpu.memory_space<vmem>>
      %dma_wait3A_467 = tpu.memref_squeeze %dma_wait3A_466 : memref<1x80x64xf32, #tpu.memory_space<vmem>> -> memref<80x64xf32, #tpu.memory_space<vmem>>
      %dma_wait3A_468 = arith.constant 0 : i32
      %dma_wait3A_469 = tpu.memref_slice %arg7[%add3A_462, %dma_wait3A_468] : memref<256x80xi32, #tpu.memory_space<vmem>> -> memref<1x80xi32, #tpu.memory_space<vmem>>
      %dma_wait3A_470 = tpu.memref_squeeze %dma_wait3A_469 : memref<1x80xi32, #tpu.memory_space<vmem>> -> memref<80xi32, #tpu.memory_space<vmem>>
      %dma_wait3A_471 = arith.constant 0 : i32
      %dma_wait3A_472 = arith.constant 0 : i32
      %dma_wait3A_473 = tpu.memref_slice %arg9[%dma_wait3A_471, %dma_wait3A_472] : memref<10240x64xf32, #tpu.memory_space<vmem_shared>> -> memref<10240x64xf32, #tpu.memory_space<vmem_shared>>
      tpu.wait_indirect_dma semaphore(%arg12 : memref<!tpu.dma_semaphore, #tpu.memory_space<semaphore_mem>>) src(%dma_wait3A_467 : memref<80x64xf32, #tpu.memory_space<vmem>>) dst(%dma_wait3A_473 : memref<10240x64xf32, #tpu.memory_space<vmem_shared>>)
      %lt3A = arith.constant 31 : i32
      %lt3A_474 = arith.cmpi slt, %scan3A_104, %lt3A : i32
      %convert_element_type3A_475 = arith.extui %lt3A_474 : i1 to i32
      %cond3A_476 = arith.constant 0 : i32
      %cond3A_477 = arith.cmpi ne, %convert_element_type3A_475, %cond3A_476 : i32
      scf.if %cond3A_477 {
        %add3A_479 = arith.constant 2 : i32
        %add3A_480 = arith.addi %mul3A_107, %add3A_479 : i32
        %mul3A_481 = arith.constant 4 : i32
        %mul3A_482 = arith.muli %add3A_480, %mul3A_481 : i32
        %add3A_483 = arith.constant 0 : i32
        %add3A_484 = arith.addi %mul3A_482, %add3A_483 : i32
        %dma_start3A_485 = arith.constant 0 : i32
        %dma_start3A_486 = arith.constant 0 : i32
        %dma_start3A_487 = arith.constant 0 : i32
        %dma_start3A_488 = tpu.memref_slice %arg8[%dma_start3A_485, %dma_start3A_486, %dma_start3A_487] : memref<8x80x64xf32, #tpu.memory_space<vmem>> -> memref<1x80x64xf32, #tpu.memory_space<vmem>>
        %dma_start3A_489 = tpu.memref_squeeze %dma_start3A_488 : memref<1x80x64xf32, #tpu.memory_space<vmem>> -> memref<80x64xf32, #tpu.memory_space<vmem>>
        %dma_start3A_490 = arith.constant 0 : i32
        %dma_start3A_491 = tpu.memref_slice %arg6[%add3A_484, %dma_start3A_490] : memref<256x80xi32, #tpu.memory_space<vmem>> -> memref<1x80xi32, #tpu.memory_space<vmem>>
        %dma_start3A_492 = tpu.memref_squeeze %dma_start3A_491 : memref<1x80xi32, #tpu.memory_space<vmem>> -> memref<80xi32, #tpu.memory_space<vmem>>
        %dma_start3A_493 = arith.constant 0 : i32
        %dma_start3A_494 = arith.constant 0 : i32
        %dma_start3A_495 = tpu.memref_slice %arg2[%dma_start3A_493, %dma_start3A_494] : memref<20480x64xf32, #tpu.memory_space<hbm>> -> memref<20480x64xf32, #tpu.memory_space<hbm>>
        tpu.enqueue_indirect_dma source(%dma_start3A_495 : memref<20480x64xf32, #tpu.memory_space<hbm>>) target(%dma_start3A_489 : memref<80x64xf32, #tpu.memory_space<vmem>>) offsets(%dma_start3A_492 : memref<80xi32, #tpu.memory_space<vmem>>) semaphore(%arg10 : memref<!tpu.dma_semaphore, #tpu.memory_space<semaphore_mem>>)
        %mul3A_496 = arith.constant 4 : i32
        %mul3A_497 = arith.muli %add3A_480, %mul3A_496 : i32
        %add3A_498 = arith.constant 1 : i32
        %add3A_499 = arith.addi %mul3A_497, %add3A_498 : i32
        %dma_start3A_500 = arith.constant 1 : i32
        %dma_start3A_501 = arith.constant 0 : i32
        %dma_start3A_502 = arith.constant 0 : i32
        %dma_start3A_503 = tpu.memref_slice %arg8[%dma_start3A_500, %dma_start3A_501, %dma_start3A_502] : memref<8x80x64xf32, #tpu.memory_space<vmem>> -> memref<1x80x64xf32, #tpu.memory_space<vmem>>
        %dma_start3A_504 = tpu.memref_squeeze %dma_start3A_503 : memref<1x80x64xf32, #tpu.memory_space<vmem>> -> memref<80x64xf32, #tpu.memory_space<vmem>>
        %dma_start3A_505 = arith.constant 0 : i32
        %dma_start3A_506 = tpu.memref_slice %arg6[%add3A_499, %dma_start3A_505] : memref<256x80xi32, #tpu.memory_space<vmem>> -> memref<1x80xi32, #tpu.memory_space<vmem>>
        %dma_start3A_507 = tpu.memref_squeeze %dma_start3A_506 : memref<1x80xi32, #tpu.memory_space<vmem>> -> memref<80xi32, #tpu.memory_space<vmem>>
        %dma_start3A_508 = arith.constant 0 : i32
        %dma_start3A_509 = arith.constant 0 : i32
        %dma_start3A_510 = tpu.memref_slice %arg2[%dma_start3A_508, %dma_start3A_509] : memref<20480x64xf32, #tpu.memory_space<hbm>> -> memref<20480x64xf32, #tpu.memory_space<hbm>>
        tpu.enqueue_indirect_dma source(%dma_start3A_510 : memref<20480x64xf32, #tpu.memory_space<hbm>>) target(%dma_start3A_504 : memref<80x64xf32, #tpu.memory_space<vmem>>) offsets(%dma_start3A_507 : memref<80xi32, #tpu.memory_space<vmem>>) semaphore(%arg10 : memref<!tpu.dma_semaphore, #tpu.memory_space<semaphore_mem>>)
        %mul3A_511 = arith.constant 4 : i32
        %mul3A_512 = arith.muli %add3A_480, %mul3A_511 : i32
        %add3A_513 = arith.constant 2 : i32
        %add3A_514 = arith.addi %mul3A_512, %add3A_513 : i32
        %dma_start3A_515 = arith.constant 2 : i32
        %dma_start3A_516 = arith.constant 0 : i32
        %dma_start3A_517 = arith.constant 0 : i32
        %dma_start3A_518 = tpu.memref_slice %arg8[%dma_start3A_515, %dma_start3A_516, %dma_start3A_517] : memref<8x80x64xf32, #tpu.memory_space<vmem>> -> memref<1x80x64xf32, #tpu.memory_space<vmem>>
        %dma_start3A_519 = tpu.memref_squeeze %dma_start3A_518 : memref<1x80x64xf32, #tpu.memory_space<vmem>> -> memref<80x64xf32, #tpu.memory_space<vmem>>
        %dma_start3A_520 = arith.constant 0 : i32
        %dma_start3A_521 = tpu.memref_slice %arg6[%add3A_514, %dma_start3A_520] : memref<256x80xi32, #tpu.memory_space<vmem>> -> memref<1x80xi32, #tpu.memory_space<vmem>>
        %dma_start3A_522 = tpu.memref_squeeze %dma_start3A_521 : memref<1x80xi32, #tpu.memory_space<vmem>> -> memref<80xi32, #tpu.memory_space<vmem>>
        %dma_start3A_523 = arith.constant 0 : i32
        %dma_start3A_524 = arith.constant 0 : i32
        %dma_start3A_525 = tpu.memref_slice %arg2[%dma_start3A_523, %dma_start3A_524] : memref<20480x64xf32, #tpu.memory_space<hbm>> -> memref<20480x64xf32, #tpu.memory_space<hbm>>
        tpu.enqueue_indirect_dma source(%dma_start3A_525 : memref<20480x64xf32, #tpu.memory_space<hbm>>) target(%dma_start3A_519 : memref<80x64xf32, #tpu.memory_space<vmem>>) offsets(%dma_start3A_522 : memref<80xi32, #tpu.memory_space<vmem>>) semaphore(%arg10 : memref<!tpu.dma_semaphore, #tpu.memory_space<semaphore_mem>>)
        %mul3A_526 = arith.constant 4 : i32
        %mul3A_527 = arith.muli %add3A_480, %mul3A_526 : i32
        %add3A_528 = arith.constant 3 : i32
        %add3A_529 = arith.addi %mul3A_527, %add3A_528 : i32
        %dma_start3A_530 = arith.constant 3 : i32
        %dma_start3A_531 = arith.constant 0 : i32
        %dma_start3A_532 = arith.constant 0 : i32
        %dma_start3A_533 = tpu.memref_slice %arg8[%dma_start3A_530, %dma_start3A_531, %dma_start3A_532] : memref<8x80x64xf32, #tpu.memory_space<vmem>> -> memref<1x80x64xf32, #tpu.memory_space<vmem>>
        %dma_start3A_534 = tpu.memref_squeeze %dma_start3A_533 : memref<1x80x64xf32, #tpu.memory_space<vmem>> -> memref<80x64xf32, #tpu.memory_space<vmem>>
        %dma_start3A_535 = arith.constant 0 : i32
        %dma_start3A_536 = tpu.memref_slice %arg6[%add3A_529, %dma_start3A_535] : memref<256x80xi32, #tpu.memory_space<vmem>> -> memref<1x80xi32, #tpu.memory_space<vmem>>
        %dma_start3A_537 = tpu.memref_squeeze %dma_start3A_536 : memref<1x80xi32, #tpu.memory_space<vmem>> -> memref<80xi32, #tpu.memory_space<vmem>>
        %dma_start3A_538 = arith.constant 0 : i32
        %dma_start3A_539 = arith.constant 0 : i32
        %dma_start3A_540 = tpu.memref_slice %arg2[%dma_start3A_538, %dma_start3A_539] : memref<20480x64xf32, #tpu.memory_space<hbm>> -> memref<20480x64xf32, #tpu.memory_space<hbm>>
        tpu.enqueue_indirect_dma source(%dma_start3A_540 : memref<20480x64xf32, #tpu.memory_space<hbm>>) target(%dma_start3A_534 : memref<80x64xf32, #tpu.memory_space<vmem>>) offsets(%dma_start3A_537 : memref<80xi32, #tpu.memory_space<vmem>>) semaphore(%arg10 : memref<!tpu.dma_semaphore, #tpu.memory_space<semaphore_mem>>)
      } else {
      }
      %scan3A_478 = arith.constant 0 : i32
      scf.yield %scan3A_478 : i32
    }
    %scan3A_55 = arith.constant 32 : i32
    %dma_wait3A = arith.constant 4 : i32
    %dma_wait3A_56 = arith.constant 252 : i32
    %dma_wait3A_57 = arith.constant 0 : i32
    %dma_wait3A_58 = arith.constant 0 : i32
    %dma_wait3A_59 = tpu.memref_slice %arg8[%dma_wait3A, %dma_wait3A_57, %dma_wait3A_58] : memref<8x80x64xf32, #tpu.memory_space<vmem>> -> memref<1x80x64xf32, #tpu.memory_space<vmem>>
    %dma_wait3A_60 = tpu.memref_squeeze %dma_wait3A_59 : memref<1x80x64xf32, #tpu.memory_space<vmem>> -> memref<80x64xf32, #tpu.memory_space<vmem>>
    %dma_wait3A_61 = arith.constant 0 : i32
    %dma_wait3A_62 = tpu.memref_slice %arg7[%dma_wait3A_56, %dma_wait3A_61] : memref<256x80xi32, #tpu.memory_space<vmem>> -> memref<1x80xi32, #tpu.memory_space<vmem>>
    %dma_wait3A_63 = tpu.memref_squeeze %dma_wait3A_62 : memref<1x80xi32, #tpu.memory_space<vmem>> -> memref<80xi32, #tpu.memory_space<vmem>>
    %dma_wait3A_64 = arith.constant 0 : i32
    %dma_wait3A_65 = arith.constant 0 : i32
    %dma_wait3A_66 = tpu.memref_slice %arg9[%dma_wait3A_64, %dma_wait3A_65] : memref<10240x64xf32, #tpu.memory_space<vmem_shared>> -> memref<10240x64xf32, #tpu.memory_space<vmem_shared>>
    tpu.wait_indirect_dma semaphore(%arg13 : memref<!tpu.dma_semaphore, #tpu.memory_space<semaphore_mem>>) src(%dma_wait3A_60 : memref<80x64xf32, #tpu.memory_space<vmem>>) dst(%dma_wait3A_66 : memref<10240x64xf32, #tpu.memory_space<vmem_shared>>)
    %dma_wait3A_67 = arith.constant 5 : i32
    %dma_wait3A_68 = arith.constant 253 : i32
    %dma_wait3A_69 = arith.constant 0 : i32
    %dma_wait3A_70 = arith.constant 0 : i32
    %dma_wait3A_71 = tpu.memref_slice %arg8[%dma_wait3A_67, %dma_wait3A_69, %dma_wait3A_70] : memref<8x80x64xf32, #tpu.memory_space<vmem>> -> memref<1x80x64xf32, #tpu.memory_space<vmem>>
    %dma_wait3A_72 = tpu.memref_squeeze %dma_wait3A_71 : memref<1x80x64xf32, #tpu.memory_space<vmem>> -> memref<80x64xf32, #tpu.memory_space<vmem>>
    %dma_wait3A_73 = arith.constant 0 : i32
    %dma_wait3A_74 = tpu.memref_slice %arg7[%dma_wait3A_68, %dma_wait3A_73] : memref<256x80xi32, #tpu.memory_space<vmem>> -> memref<1x80xi32, #tpu.memory_space<vmem>>
    %dma_wait3A_75 = tpu.memref_squeeze %dma_wait3A_74 : memref<1x80xi32, #tpu.memory_space<vmem>> -> memref<80xi32, #tpu.memory_space<vmem>>
    %dma_wait3A_76 = arith.constant 0 : i32
    %dma_wait3A_77 = arith.constant 0 : i32
    %dma_wait3A_78 = tpu.memref_slice %arg9[%dma_wait3A_76, %dma_wait3A_77] : memref<10240x64xf32, #tpu.memory_space<vmem_shared>> -> memref<10240x64xf32, #tpu.memory_space<vmem_shared>>
    tpu.wait_indirect_dma semaphore(%arg13 : memref<!tpu.dma_semaphore, #tpu.memory_space<semaphore_mem>>) src(%dma_wait3A_72 : memref<80x64xf32, #tpu.memory_space<vmem>>) dst(%dma_wait3A_78 : memref<10240x64xf32, #tpu.memory_space<vmem_shared>>)
    %dma_wait3A_79 = arith.constant 6 : i32
    %dma_wait3A_80 = arith.constant 254 : i32
    %dma_wait3A_81 = arith.constant 0 : i32
    %dma_wait3A_82 = arith.constant 0 : i32
    %dma_wait3A_83 = tpu.memref_slice %arg8[%dma_wait3A_79, %dma_wait3A_81, %dma_wait3A_82] : memref<8x80x64xf32, #tpu.memory_space<vmem>> -> memref<1x80x64xf32, #tpu.memory_space<vmem>>
    %dma_wait3A_84 = tpu.memref_squeeze %dma_wait3A_83 : memref<1x80x64xf32, #tpu.memory_space<vmem>> -> memref<80x64xf32, #tpu.memory_space<vmem>>
    %dma_wait3A_85 = arith.constant 0 : i32
    %dma_wait3A_86 = tpu.memref_slice %arg7[%dma_wait3A_80, %dma_wait3A_85] : memref<256x80xi32, #tpu.memory_space<vmem>> -> memref<1x80xi32, #tpu.memory_space<vmem>>
    %dma_wait3A_87 = tpu.memref_squeeze %dma_wait3A_86 : memref<1x80xi32, #tpu.memory_space<vmem>> -> memref<80xi32, #tpu.memory_space<vmem>>
    %dma_wait3A_88 = arith.constant 0 : i32
    %dma_wait3A_89 = arith.constant 0 : i32
    %dma_wait3A_90 = tpu.memref_slice %arg9[%dma_wait3A_88, %dma_wait3A_89] : memref<10240x64xf32, #tpu.memory_space<vmem_shared>> -> memref<10240x64xf32, #tpu.memory_space<vmem_shared>>
    tpu.wait_indirect_dma semaphore(%arg13 : memref<!tpu.dma_semaphore, #tpu.memory_space<semaphore_mem>>) src(%dma_wait3A_84 : memref<80x64xf32, #tpu.memory_space<vmem>>) dst(%dma_wait3A_90 : memref<10240x64xf32, #tpu.memory_space<vmem_shared>>)
    %dma_wait3A_91 = arith.constant 7 : i32
    %dma_wait3A_92 = arith.constant 255 : i32
    %dma_wait3A_93 = arith.constant 0 : i32
    %dma_wait3A_94 = arith.constant 0 : i32
    %dma_wait3A_95 = tpu.memref_slice %arg8[%dma_wait3A_91, %dma_wait3A_93, %dma_wait3A_94] : memref<8x80x64xf32, #tpu.memory_space<vmem>> -> memref<1x80x64xf32, #tpu.memory_space<vmem>>
    %dma_wait3A_96 = tpu.memref_squeeze %dma_wait3A_95 : memref<1x80x64xf32, #tpu.memory_space<vmem>> -> memref<80x64xf32, #tpu.memory_space<vmem>>
    %dma_wait3A_97 = arith.constant 0 : i32
    %dma_wait3A_98 = tpu.memref_slice %arg7[%dma_wait3A_92, %dma_wait3A_97] : memref<256x80xi32, #tpu.memory_space<vmem>> -> memref<1x80xi32, #tpu.memory_space<vmem>>
    %dma_wait3A_99 = tpu.memref_squeeze %dma_wait3A_98 : memref<1x80xi32, #tpu.memory_space<vmem>> -> memref<80xi32, #tpu.memory_space<vmem>>
    %dma_wait3A_100 = arith.constant 0 : i32
    %dma_wait3A_101 = arith.constant 0 : i32
    %dma_wait3A_102 = tpu.memref_slice %arg9[%dma_wait3A_100, %dma_wait3A_101] : memref<10240x64xf32, #tpu.memory_space<vmem_shared>> -> memref<10240x64xf32, #tpu.memory_space<vmem_shared>>
    tpu.wait_indirect_dma semaphore(%arg13 : memref<!tpu.dma_semaphore, #tpu.memory_space<semaphore_mem>>) src(%dma_wait3A_96 : memref<80x64xf32, #tpu.memory_space<vmem>>) dst(%dma_wait3A_102 : memref<10240x64xf32, #tpu.memory_space<vmem_shared>>)
    %barrier3A_103 = arith.constant 0 : index
    tpu.barrier barrier_id(%barrier3A_103)
    "tpu.region"() ({
      %run_scoped3A = tpu.sem_alloc : memref<!tpu.dma_semaphore, #tpu.memory_space<semaphore_mem>>
      %dma_start3A_104 = arith.constant 0 : i32
      %dma_start3A_105 = tpu.memref_slice %arg5[%arg0, %mul3A_0, %dma_start3A_104] : memref<2x10240x64xf32, #tpu.memory_space<hbm>> -> memref<1x640x64xf32, #tpu.memory_space<hbm>>
      %dma_start3A_106 = tpu.memref_squeeze %dma_start3A_105 : memref<1x640x64xf32, #tpu.memory_space<hbm>> -> memref<640x64xf32, #tpu.memory_space<hbm>>
      %dma_start3A_107 = arith.constant 0 : i32
      %dma_start3A_108 = tpu.memref_slice %arg9[%mul3A_0, %dma_start3A_107] : memref<10240x64xf32, #tpu.memory_space<vmem_shared>> -> memref<640x64xf32, #tpu.memory_space<vmem_shared>>
      tpu.enqueue_dma source(%dma_start3A_108 : memref<640x64xf32, #tpu.memory_space<vmem_shared>>) target(%dma_start3A_106 : memref<640x64xf32, #tpu.memory_space<hbm>>) target_semaphore(%run_scoped3A : memref<!tpu.dma_semaphore, #tpu.memory_space<semaphore_mem>>)
      %dma_wait3A_109 = arith.constant 0 : i32
      %dma_wait3A_110 = tpu.memref_slice %arg5[%arg0, %mul3A_0, %dma_wait3A_109] : memref<2x10240x64xf32, #tpu.memory_space<hbm>> -> memref<1x640x64xf32, #tpu.memory_space<hbm>>
      %dma_wait3A_111 = tpu.memref_squeeze %dma_wait3A_110 : memref<1x640x64xf32, #tpu.memory_space<hbm>> -> memref<640x64xf32, #tpu.memory_space<hbm>>
      %dma_wait3A_112 = arith.constant 0 : i32
      %dma_wait3A_113 = tpu.memref_slice %arg9[%mul3A_0, %dma_wait3A_112] : memref<10240x64xf32, #tpu.memory_space<vmem_shared>> -> memref<640x64xf32, #tpu.memory_space<vmem_shared>>
      tpu.wait_dma2 semaphore(%run_scoped3A : memref<!tpu.dma_semaphore, #tpu.memory_space<semaphore_mem>>) src(%dma_wait3A_113 : memref<640x64xf32, #tpu.memory_space<vmem_shared>>) dst(%dma_wait3A_111 : memref<640x64xf32, #tpu.memory_space<hbm>>)
      tpu.yield
    }) : () -> ()
    return
  }
}

#map = affine_map<(d0, d1) -> (0, 0)>
#map1 = affine_map<(d0, d1) -> (0, 0, 0, 0)>
#map2 = affine_map<(d0, d1) -> (0, 0, 0)>
module attributes {stable_mosaic.version = 14 : i64} {
  func.func @_scatter(%arg0: i32, %arg1: i32, %arg2: memref<20480x32xf32, #tpu.memory_space<hbm>>, %arg3: memref<2x16x160x128xi32, #tpu.memory_space<hbm>>, %arg4: memref<16x160x128xi32, #tpu.memory_space<hbm>>, %arg5: memref<2x10240x32xf32, #tpu.memory_space<hbm>>, %arg6: memref<160x128xi32, #tpu.memory_space<vmem>>, %arg7: memref<160x128xi32, #tpu.memory_space<vmem>>, %arg8: memref<16x128x32xf32, #tpu.memory_space<vmem>>, %arg9: memref<10240x32xf32, #tpu.memory_space<vmem_shared>>, %arg10: memref<!tpu.dma_semaphore, #tpu.memory_space<semaphore_mem>>, %arg11: memref<!tpu.dma_semaphore, #tpu.memory_space<semaphore_mem>>, %arg12: memref<!tpu.dma_semaphore, #tpu.memory_space<semaphore_mem>>, %arg13: memref<!tpu.dma_semaphore, #tpu.memory_space<semaphore_mem>>) attributes {dimension_semantics = [#tpu.dimension_semantics<core_parallel>, #tpu.dimension_semantics<subcore_parallel>], iteration_bounds = array<i64: 2, 16>, scalar_prefetch = 0 : i64, scratch_operands = 8 : i64, tpu.core_type = #tpu.core_type<sc_vector_subcore>, window_params = [{transform_indices = #map}, {transform_indices = #map1}, {transform_indices = #map2}, {transform_indices = #map2}]} {
    "tpu.region"() ({
      %run_scoped3A = tpu.sem_alloc : memref<!tpu.dma_semaphore, #tpu.memory_space<semaphore_mem>>
      %dma_start3A_200 = arith.constant 0 : i32
      %dma_start3A_201 = arith.constant 0 : i32
      %dma_start3A_202 = tpu.memref_slice %arg3[%arg0, %arg1, %dma_start3A_200, %dma_start3A_201] : memref<2x16x160x128xi32, #tpu.memory_space<hbm>> -> memref<1x1x160x128xi32, #tpu.memory_space<hbm>>
      %dma_start3A_203 = tpu.memref_squeeze %dma_start3A_202 : memref<1x1x160x128xi32, #tpu.memory_space<hbm>> -> memref<160x128xi32, #tpu.memory_space<hbm>>
      %dma_start3A_204 = arith.constant 0 : i32
      %dma_start3A_205 = arith.constant 0 : i32
      %dma_start3A_206 = tpu.memref_slice %arg3[%arg0, %arg1, %dma_start3A_204, %dma_start3A_205] : memref<2x16x160x128xi32, #tpu.memory_space<hbm>> -> memref<1x1x160x128xi32, #tpu.memory_space<hbm>>
      %dma_start3A_207 = tpu.memref_squeeze %dma_start3A_206 : memref<1x1x160x128xi32, #tpu.memory_space<hbm>> -> memref<160x128xi32, #tpu.memory_space<hbm>>
      tpu.enqueue_dma source(%dma_start3A_207 : memref<160x128xi32, #tpu.memory_space<hbm>>) target(%arg6 : memref<160x128xi32, #tpu.memory_space<vmem>>) target_semaphore(%run_scoped3A : memref<!tpu.dma_semaphore, #tpu.memory_space<semaphore_mem>>)
      %dma_wait3A_208 = arith.constant 0 : i32
      %dma_wait3A_209 = arith.constant 0 : i32
      %dma_wait3A_210 = tpu.memref_slice %arg3[%arg0, %arg1, %dma_wait3A_208, %dma_wait3A_209] : memref<2x16x160x128xi32, #tpu.memory_space<hbm>> -> memref<1x1x160x128xi32, #tpu.memory_space<hbm>>
      %dma_wait3A_211 = tpu.memref_squeeze %dma_wait3A_210 : memref<1x1x160x128xi32, #tpu.memory_space<hbm>> -> memref<160x128xi32, #tpu.memory_space<hbm>>
      %dma_wait3A_212 = arith.constant 0 : i32
      %dma_wait3A_213 = arith.constant 0 : i32
      %dma_wait3A_214 = tpu.memref_slice %arg3[%arg0, %arg1, %dma_wait3A_212, %dma_wait3A_213] : memref<2x16x160x128xi32, #tpu.memory_space<hbm>> -> memref<1x1x160x128xi32, #tpu.memory_space<hbm>>
      %dma_wait3A_215 = tpu.memref_squeeze %dma_wait3A_214 : memref<1x1x160x128xi32, #tpu.memory_space<hbm>> -> memref<160x128xi32, #tpu.memory_space<hbm>>
      tpu.wait_dma2 semaphore(%run_scoped3A : memref<!tpu.dma_semaphore, #tpu.memory_space<semaphore_mem>>) src(%dma_wait3A_215 : memref<160x128xi32, #tpu.memory_space<hbm>>) dst(%arg6 : memref<160x128xi32, #tpu.memory_space<vmem>>)
      tpu.yield
    }) : () -> ()
    "tpu.region"() ({
      %run_scoped3A = tpu.sem_alloc : memref<!tpu.dma_semaphore, #tpu.memory_space<semaphore_mem>>
      %dma_start3A_200 = arith.constant 0 : i32
      %dma_start3A_201 = arith.constant 0 : i32
      %dma_start3A_202 = tpu.memref_slice %arg4[%arg1, %dma_start3A_200, %dma_start3A_201] : memref<16x160x128xi32, #tpu.memory_space<hbm>> -> memref<1x160x128xi32, #tpu.memory_space<hbm>>
      %dma_start3A_203 = tpu.memref_squeeze %dma_start3A_202 : memref<1x160x128xi32, #tpu.memory_space<hbm>> -> memref<160x128xi32, #tpu.memory_space<hbm>>
      %dma_start3A_204 = arith.constant 0 : i32
      %dma_start3A_205 = arith.constant 0 : i32
      %dma_start3A_206 = tpu.memref_slice %arg4[%arg1, %dma_start3A_204, %dma_start3A_205] : memref<16x160x128xi32, #tpu.memory_space<hbm>> -> memref<1x160x128xi32, #tpu.memory_space<hbm>>
      %dma_start3A_207 = tpu.memref_squeeze %dma_start3A_206 : memref<1x160x128xi32, #tpu.memory_space<hbm>> -> memref<160x128xi32, #tpu.memory_space<hbm>>
      tpu.enqueue_dma source(%dma_start3A_207 : memref<160x128xi32, #tpu.memory_space<hbm>>) target(%arg7 : memref<160x128xi32, #tpu.memory_space<vmem>>) target_semaphore(%run_scoped3A : memref<!tpu.dma_semaphore, #tpu.memory_space<semaphore_mem>>)
      %dma_wait3A_208 = arith.constant 0 : i32
      %dma_wait3A_209 = arith.constant 0 : i32
      %dma_wait3A_210 = tpu.memref_slice %arg4[%arg1, %dma_wait3A_208, %dma_wait3A_209] : memref<16x160x128xi32, #tpu.memory_space<hbm>> -> memref<1x160x128xi32, #tpu.memory_space<hbm>>
      %dma_wait3A_211 = tpu.memref_squeeze %dma_wait3A_210 : memref<1x160x128xi32, #tpu.memory_space<hbm>> -> memref<160x128xi32, #tpu.memory_space<hbm>>
      %dma_wait3A_212 = arith.constant 0 : i32
      %dma_wait3A_213 = arith.constant 0 : i32
      %dma_wait3A_214 = tpu.memref_slice %arg4[%arg1, %dma_wait3A_212, %dma_wait3A_213] : memref<16x160x128xi32, #tpu.memory_space<hbm>> -> memref<1x160x128xi32, #tpu.memory_space<hbm>>
      %dma_wait3A_215 = tpu.memref_squeeze %dma_wait3A_214 : memref<1x160x128xi32, #tpu.memory_space<hbm>> -> memref<160x128xi32, #tpu.memory_space<hbm>>
      tpu.wait_dma2 semaphore(%run_scoped3A : memref<!tpu.dma_semaphore, #tpu.memory_space<semaphore_mem>>) src(%dma_wait3A_215 : memref<160x128xi32, #tpu.memory_space<hbm>>) dst(%arg7 : memref<160x128xi32, #tpu.memory_space<vmem>>)
      tpu.yield
    }) : () -> ()
    %mul3A = arith.constant 640 : i32
    %mul3A_0 = arith.muli %arg1, %mul3A : i32
    %mul3A_1 = arith.constant 10240 : i32
    %mul3A_2 = arith.muli %arg0, %mul3A_1 : i32
    %add3A = arith.addi %mul3A_2, %mul3A_0 : i32
    "tpu.region"() ({
      %run_scoped3A = tpu.sem_alloc : memref<!tpu.dma_semaphore, #tpu.memory_space<semaphore_mem>>
      %dma_start3A_200 = arith.constant 0 : i32
      %dma_start3A_201 = tpu.memref_slice %arg9[%mul3A_0, %dma_start3A_200] : memref<10240x32xf32, #tpu.memory_space<vmem_shared>> -> memref<640x32xf32, #tpu.memory_space<vmem_shared>>
      %dma_start3A_202 = arith.constant 0 : i32
      %dma_start3A_203 = tpu.memref_slice %arg2[%add3A, %dma_start3A_202] : memref<20480x32xf32, #tpu.memory_space<hbm>> -> memref<640x32xf32, #tpu.memory_space<hbm>>
      tpu.enqueue_dma source(%dma_start3A_203 : memref<640x32xf32, #tpu.memory_space<hbm>>) target(%dma_start3A_201 : memref<640x32xf32, #tpu.memory_space<vmem_shared>>) target_semaphore(%run_scoped3A : memref<!tpu.dma_semaphore, #tpu.memory_space<semaphore_mem>>)
      %dma_wait3A_204 = arith.constant 0 : i32
      %dma_wait3A_205 = tpu.memref_slice %arg9[%mul3A_0, %dma_wait3A_204] : memref<10240x32xf32, #tpu.memory_space<vmem_shared>> -> memref<640x32xf32, #tpu.memory_space<vmem_shared>>
      %dma_wait3A_206 = arith.constant 0 : i32
      %dma_wait3A_207 = tpu.memref_slice %arg2[%add3A, %dma_wait3A_206] : memref<20480x32xf32, #tpu.memory_space<hbm>> -> memref<640x32xf32, #tpu.memory_space<hbm>>
      tpu.wait_dma2 semaphore(%run_scoped3A : memref<!tpu.dma_semaphore, #tpu.memory_space<semaphore_mem>>) src(%dma_wait3A_207 : memref<640x32xf32, #tpu.memory_space<hbm>>) dst(%dma_wait3A_205 : memref<640x32xf32, #tpu.memory_space<vmem_shared>>)
      tpu.yield
    }) : () -> ()
    %barrier3A = arith.constant 0 : index
    tpu.barrier barrier_id(%barrier3A)
    %dma_start3A = arith.constant 0 : i32
    %dma_start3A_3 = arith.constant 0 : i32
    %dma_start3A_4 = arith.constant 0 : i32
    %dma_start3A_5 = arith.constant 0 : i32
    %dma_start3A_6 = tpu.memref_slice %arg8[%dma_start3A_3, %dma_start3A_4, %dma_start3A_5] : memref<16x128x32xf32, #tpu.memory_space<vmem>> -> memref<1x128x32xf32, #tpu.memory_space<vmem>>
    %dma_start3A_7 = tpu.memref_squeeze %dma_start3A_6 : memref<1x128x32xf32, #tpu.memory_space<vmem>> -> memref<128x32xf32, #tpu.memory_space<vmem>>
    %dma_start3A_8 = arith.constant 0 : i32
    %dma_start3A_9 = tpu.memref_slice %arg6[%dma_start3A, %dma_start3A_8] : memref<160x128xi32, #tpu.memory_space<vmem>> -> memref<1x128xi32, #tpu.memory_space<vmem>>
    %dma_start3A_10 = tpu.memref_squeeze %dma_start3A_9 : memref<1x128xi32, #tpu.memory_space<vmem>> -> memref<128xi32, #tpu.memory_space<vmem>>
    %dma_start3A_11 = arith.constant 0 : i32
    %dma_start3A_12 = arith.constant 0 : i32
    %dma_start3A_13 = tpu.memref_slice %arg2[%dma_start3A_11, %dma_start3A_12] : memref<20480x32xf32, #tpu.memory_space<hbm>> -> memref<20480x32xf32, #tpu.memory_space<hbm>>
    tpu.enqueue_indirect_dma source(%dma_start3A_13 : memref<20480x32xf32, #tpu.memory_space<hbm>>) target(%dma_start3A_7 : memref<128x32xf32, #tpu.memory_space<vmem>>) offsets(%dma_start3A_10 : memref<128xi32, #tpu.memory_space<vmem>>) semaphore(%arg10 : memref<!tpu.dma_semaphore, #tpu.memory_space<semaphore_mem>>)
    %dma_start3A_14 = arith.constant 1 : i32
    %dma_start3A_15 = arith.constant 1 : i32
    %dma_start3A_16 = arith.constant 0 : i32
    %dma_start3A_17 = arith.constant 0 : i32
    %dma_start3A_18 = tpu.memref_slice %arg8[%dma_start3A_15, %dma_start3A_16, %dma_start3A_17] : memref<16x128x32xf32, #tpu.memory_space<vmem>> -> memref<1x128x32xf32, #tpu.memory_space<vmem>>
    %dma_start3A_19 = tpu.memref_squeeze %dma_start3A_18 : memref<1x128x32xf32, #tpu.memory_space<vmem>> -> memref<128x32xf32, #tpu.memory_space<vmem>>
    %dma_start3A_20 = arith.constant 0 : i32
    %dma_start3A_21 = tpu.memref_slice %arg6[%dma_start3A_14, %dma_start3A_20] : memref<160x128xi32, #tpu.memory_space<vmem>> -> memref<1x128xi32, #tpu.memory_space<vmem>>
    %dma_start3A_22 = tpu.memref_squeeze %dma_start3A_21 : memref<1x128xi32, #tpu.memory_space<vmem>> -> memref<128xi32, #tpu.memory_space<vmem>>
    %dma_start3A_23 = arith.constant 0 : i32
    %dma_start3A_24 = arith.constant 0 : i32
    %dma_start3A_25 = tpu.memref_slice %arg2[%dma_start3A_23, %dma_start3A_24] : memref<20480x32xf32, #tpu.memory_space<hbm>> -> memref<20480x32xf32, #tpu.memory_space<hbm>>
    tpu.enqueue_indirect_dma source(%dma_start3A_25 : memref<20480x32xf32, #tpu.memory_space<hbm>>) target(%dma_start3A_19 : memref<128x32xf32, #tpu.memory_space<vmem>>) offsets(%dma_start3A_22 : memref<128xi32, #tpu.memory_space<vmem>>) semaphore(%arg10 : memref<!tpu.dma_semaphore, #tpu.memory_space<semaphore_mem>>)
    %dma_start3A_26 = arith.constant 2 : i32
    %dma_start3A_27 = arith.constant 2 : i32
    %dma_start3A_28 = arith.constant 0 : i32
    %dma_start3A_29 = arith.constant 0 : i32
    %dma_start3A_30 = tpu.memref_slice %arg8[%dma_start3A_27, %dma_start3A_28, %dma_start3A_29] : memref<16x128x32xf32, #tpu.memory_space<vmem>> -> memref<1x128x32xf32, #tpu.memory_space<vmem>>
    %dma_start3A_31 = tpu.memref_squeeze %dma_start3A_30 : memref<1x128x32xf32, #tpu.memory_space<vmem>> -> memref<128x32xf32, #tpu.memory_space<vmem>>
    %dma_start3A_32 = arith.constant 0 : i32
    %dma_start3A_33 = tpu.memref_slice %arg6[%dma_start3A_26, %dma_start3A_32] : memref<160x128xi32, #tpu.memory_space<vmem>> -> memref<1x128xi32, #tpu.memory_space<vmem>>
    %dma_start3A_34 = tpu.memref_squeeze %dma_start3A_33 : memref<1x128xi32, #tpu.memory_space<vmem>> -> memref<128xi32, #tpu.memory_space<vmem>>
    %dma_start3A_35 = arith.constant 0 : i32
    %dma_start3A_36 = arith.constant 0 : i32
    %dma_start3A_37 = tpu.memref_slice %arg2[%dma_start3A_35, %dma_start3A_36] : memref<20480x32xf32, #tpu.memory_space<hbm>> -> memref<20480x32xf32, #tpu.memory_space<hbm>>
    tpu.enqueue_indirect_dma source(%dma_start3A_37 : memref<20480x32xf32, #tpu.memory_space<hbm>>) target(%dma_start3A_31 : memref<128x32xf32, #tpu.memory_space<vmem>>) offsets(%dma_start3A_34 : memref<128xi32, #tpu.memory_space<vmem>>) semaphore(%arg10 : memref<!tpu.dma_semaphore, #tpu.memory_space<semaphore_mem>>)
    %dma_start3A_38 = arith.constant 3 : i32
    %dma_start3A_39 = arith.constant 3 : i32
    %dma_start3A_40 = arith.constant 0 : i32
    %dma_start3A_41 = arith.constant 0 : i32
    %dma_start3A_42 = tpu.memref_slice %arg8[%dma_start3A_39, %dma_start3A_40, %dma_start3A_41] : memref<16x128x32xf32, #tpu.memory_space<vmem>> -> memref<1x128x32xf32, #tpu.memory_space<vmem>>
    %dma_start3A_43 = tpu.memref_squeeze %dma_start3A_42 : memref<1x128x32xf32, #tpu.memory_space<vmem>> -> memref<128x32xf32, #tpu.memory_space<vmem>>
    %dma_start3A_44 = arith.constant 0 : i32
    %dma_start3A_45 = tpu.memref_slice %arg6[%dma_start3A_38, %dma_start3A_44] : memref<160x128xi32, #tpu.memory_space<vmem>> -> memref<1x128xi32, #tpu.memory_space<vmem>>
    %dma_start3A_46 = tpu.memref_squeeze %dma_start3A_45 : memref<1x128xi32, #tpu.memory_space<vmem>> -> memref<128xi32, #tpu.memory_space<vmem>>
    %dma_start3A_47 = arith.constant 0 : i32
    %dma_start3A_48 = arith.constant 0 : i32
    %dma_start3A_49 = tpu.memref_slice %arg2[%dma_start3A_47, %dma_start3A_48] : memref<20480x32xf32, #tpu.memory_space<hbm>> -> memref<20480x32xf32, #tpu.memory_space<hbm>>
    tpu.enqueue_indirect_dma source(%dma_start3A_49 : memref<20480x32xf32, #tpu.memory_space<hbm>>) target(%dma_start3A_43 : memref<128x32xf32, #tpu.memory_space<vmem>>) offsets(%dma_start3A_46 : memref<128xi32, #tpu.memory_space<vmem>>) semaphore(%arg10 : memref<!tpu.dma_semaphore, #tpu.memory_space<semaphore_mem>>)
    %dma_start3A_50 = arith.constant 4 : i32
    %dma_start3A_51 = arith.constant 4 : i32
    %dma_start3A_52 = arith.constant 0 : i32
    %dma_start3A_53 = arith.constant 0 : i32
    %dma_start3A_54 = tpu.memref_slice %arg8[%dma_start3A_51, %dma_start3A_52, %dma_start3A_53] : memref<16x128x32xf32, #tpu.memory_space<vmem>> -> memref<1x128x32xf32, #tpu.memory_space<vmem>>
    %dma_start3A_55 = tpu.memref_squeeze %dma_start3A_54 : memref<1x128x32xf32, #tpu.memory_space<vmem>> -> memref<128x32xf32, #tpu.memory_space<vmem>>
    %dma_start3A_56 = arith.constant 0 : i32
    %dma_start3A_57 = tpu.memref_slice %arg6[%dma_start3A_50, %dma_start3A_56] : memref<160x128xi32, #tpu.memory_space<vmem>> -> memref<1x128xi32, #tpu.memory_space<vmem>>
    %dma_start3A_58 = tpu.memref_squeeze %dma_start3A_57 : memref<1x128xi32, #tpu.memory_space<vmem>> -> memref<128xi32, #tpu.memory_space<vmem>>
    %dma_start3A_59 = arith.constant 0 : i32
    %dma_start3A_60 = arith.constant 0 : i32
    %dma_start3A_61 = tpu.memref_slice %arg2[%dma_start3A_59, %dma_start3A_60] : memref<20480x32xf32, #tpu.memory_space<hbm>> -> memref<20480x32xf32, #tpu.memory_space<hbm>>
    tpu.enqueue_indirect_dma source(%dma_start3A_61 : memref<20480x32xf32, #tpu.memory_space<hbm>>) target(%dma_start3A_55 : memref<128x32xf32, #tpu.memory_space<vmem>>) offsets(%dma_start3A_58 : memref<128xi32, #tpu.memory_space<vmem>>) semaphore(%arg10 : memref<!tpu.dma_semaphore, #tpu.memory_space<semaphore_mem>>)
    %dma_start3A_62 = arith.constant 5 : i32
    %dma_start3A_63 = arith.constant 5 : i32
    %dma_start3A_64 = arith.constant 0 : i32
    %dma_start3A_65 = arith.constant 0 : i32
    %dma_start3A_66 = tpu.memref_slice %arg8[%dma_start3A_63, %dma_start3A_64, %dma_start3A_65] : memref<16x128x32xf32, #tpu.memory_space<vmem>> -> memref<1x128x32xf32, #tpu.memory_space<vmem>>
    %dma_start3A_67 = tpu.memref_squeeze %dma_start3A_66 : memref<1x128x32xf32, #tpu.memory_space<vmem>> -> memref<128x32xf32, #tpu.memory_space<vmem>>
    %dma_start3A_68 = arith.constant 0 : i32
    %dma_start3A_69 = tpu.memref_slice %arg6[%dma_start3A_62, %dma_start3A_68] : memref<160x128xi32, #tpu.memory_space<vmem>> -> memref<1x128xi32, #tpu.memory_space<vmem>>
    %dma_start3A_70 = tpu.memref_squeeze %dma_start3A_69 : memref<1x128xi32, #tpu.memory_space<vmem>> -> memref<128xi32, #tpu.memory_space<vmem>>
    %dma_start3A_71 = arith.constant 0 : i32
    %dma_start3A_72 = arith.constant 0 : i32
    %dma_start3A_73 = tpu.memref_slice %arg2[%dma_start3A_71, %dma_start3A_72] : memref<20480x32xf32, #tpu.memory_space<hbm>> -> memref<20480x32xf32, #tpu.memory_space<hbm>>
    tpu.enqueue_indirect_dma source(%dma_start3A_73 : memref<20480x32xf32, #tpu.memory_space<hbm>>) target(%dma_start3A_67 : memref<128x32xf32, #tpu.memory_space<vmem>>) offsets(%dma_start3A_70 : memref<128xi32, #tpu.memory_space<vmem>>) semaphore(%arg10 : memref<!tpu.dma_semaphore, #tpu.memory_space<semaphore_mem>>)
    %dma_start3A_74 = arith.constant 6 : i32
    %dma_start3A_75 = arith.constant 6 : i32
    %dma_start3A_76 = arith.constant 0 : i32
    %dma_start3A_77 = arith.constant 0 : i32
    %dma_start3A_78 = tpu.memref_slice %arg8[%dma_start3A_75, %dma_start3A_76, %dma_start3A_77] : memref<16x128x32xf32, #tpu.memory_space<vmem>> -> memref<1x128x32xf32, #tpu.memory_space<vmem>>
    %dma_start3A_79 = tpu.memref_squeeze %dma_start3A_78 : memref<1x128x32xf32, #tpu.memory_space<vmem>> -> memref<128x32xf32, #tpu.memory_space<vmem>>
    %dma_start3A_80 = arith.constant 0 : i32
    %dma_start3A_81 = tpu.memref_slice %arg6[%dma_start3A_74, %dma_start3A_80] : memref<160x128xi32, #tpu.memory_space<vmem>> -> memref<1x128xi32, #tpu.memory_space<vmem>>
    %dma_start3A_82 = tpu.memref_squeeze %dma_start3A_81 : memref<1x128xi32, #tpu.memory_space<vmem>> -> memref<128xi32, #tpu.memory_space<vmem>>
    %dma_start3A_83 = arith.constant 0 : i32
    %dma_start3A_84 = arith.constant 0 : i32
    %dma_start3A_85 = tpu.memref_slice %arg2[%dma_start3A_83, %dma_start3A_84] : memref<20480x32xf32, #tpu.memory_space<hbm>> -> memref<20480x32xf32, #tpu.memory_space<hbm>>
    tpu.enqueue_indirect_dma source(%dma_start3A_85 : memref<20480x32xf32, #tpu.memory_space<hbm>>) target(%dma_start3A_79 : memref<128x32xf32, #tpu.memory_space<vmem>>) offsets(%dma_start3A_82 : memref<128xi32, #tpu.memory_space<vmem>>) semaphore(%arg10 : memref<!tpu.dma_semaphore, #tpu.memory_space<semaphore_mem>>)
    %dma_start3A_86 = arith.constant 7 : i32
    %dma_start3A_87 = arith.constant 7 : i32
    %dma_start3A_88 = arith.constant 0 : i32
    %dma_start3A_89 = arith.constant 0 : i32
    %dma_start3A_90 = tpu.memref_slice %arg8[%dma_start3A_87, %dma_start3A_88, %dma_start3A_89] : memref<16x128x32xf32, #tpu.memory_space<vmem>> -> memref<1x128x32xf32, #tpu.memory_space<vmem>>
    %dma_start3A_91 = tpu.memref_squeeze %dma_start3A_90 : memref<1x128x32xf32, #tpu.memory_space<vmem>> -> memref<128x32xf32, #tpu.memory_space<vmem>>
    %dma_start3A_92 = arith.constant 0 : i32
    %dma_start3A_93 = tpu.memref_slice %arg6[%dma_start3A_86, %dma_start3A_92] : memref<160x128xi32, #tpu.memory_space<vmem>> -> memref<1x128xi32, #tpu.memory_space<vmem>>
    %dma_start3A_94 = tpu.memref_squeeze %dma_start3A_93 : memref<1x128xi32, #tpu.memory_space<vmem>> -> memref<128xi32, #tpu.memory_space<vmem>>
    %dma_start3A_95 = arith.constant 0 : i32
    %dma_start3A_96 = arith.constant 0 : i32
    %dma_start3A_97 = tpu.memref_slice %arg2[%dma_start3A_95, %dma_start3A_96] : memref<20480x32xf32, #tpu.memory_space<hbm>> -> memref<20480x32xf32, #tpu.memory_space<hbm>>
    tpu.enqueue_indirect_dma source(%dma_start3A_97 : memref<20480x32xf32, #tpu.memory_space<hbm>>) target(%dma_start3A_91 : memref<128x32xf32, #tpu.memory_space<vmem>>) offsets(%dma_start3A_94 : memref<128xi32, #tpu.memory_space<vmem>>) semaphore(%arg10 : memref<!tpu.dma_semaphore, #tpu.memory_space<semaphore_mem>>)
    %scan3A = arith.constant 0 : i32
    %scan3A_98 = arith.constant 0 : i32
    %scan3A_99 = arith.constant 10 : i32
    %scan3A_100 = arith.addi %scan3A_98, %scan3A_99 : i32
    %scan3A_101 = arith.constant 1 : i32
    %scan3A_102 = scf.for %scan3A_200 = %scan3A_98 to %scan3A_100 step %scan3A_101 iter_args(%scan3A_201 = %scan3A) -> (i32)  : i32 {
      %mul3A_202 = arith.constant 2 : i32
      %mul3A_203 = arith.muli %mul3A_202, %scan3A_200 : i32
      %mul3A_204 = arith.constant 2 : i32
      %mul3A_205 = arith.muli %mul3A_204, %scan3A_200 : i32
      %add3A_206 = arith.constant 1 : i32
      %add3A_207 = arith.addi %mul3A_205, %add3A_206 : i32
      %mul3A_208 = arith.constant 8 : i32
      %mul3A_209 = arith.muli %mul3A_203, %mul3A_208 : i32
      %add3A_210 = arith.constant 0 : i32
      %add3A_211 = arith.addi %mul3A_209, %add3A_210 : i32
      %dma_wait3A_212 = arith.constant 0 : i32
      %dma_wait3A_213 = arith.constant 0 : i32
      %dma_wait3A_214 = arith.constant 0 : i32
      %dma_wait3A_215 = tpu.memref_slice %arg8[%dma_wait3A_212, %dma_wait3A_213, %dma_wait3A_214] : memref<16x128x32xf32, #tpu.memory_space<vmem>> -> memref<1x128x32xf32, #tpu.memory_space<vmem>>
      %dma_wait3A_216 = tpu.memref_squeeze %dma_wait3A_215 : memref<1x128x32xf32, #tpu.memory_space<vmem>> -> memref<128x32xf32, #tpu.memory_space<vmem>>
      %dma_wait3A_217 = arith.constant 0 : i32
      %dma_wait3A_218 = tpu.memref_slice %arg6[%add3A_211, %dma_wait3A_217] : memref<160x128xi32, #tpu.memory_space<vmem>> -> memref<1x128xi32, #tpu.memory_space<vmem>>
      %dma_wait3A_219 = tpu.memref_squeeze %dma_wait3A_218 : memref<1x128xi32, #tpu.memory_space<vmem>> -> memref<128xi32, #tpu.memory_space<vmem>>
      %dma_wait3A_220 = arith.constant 0 : i32
      %dma_wait3A_221 = arith.constant 0 : i32
      %dma_wait3A_222 = tpu.memref_slice %arg2[%dma_wait3A_220, %dma_wait3A_221] : memref<20480x32xf32, #tpu.memory_space<hbm>> -> memref<20480x32xf32, #tpu.memory_space<hbm>>
      tpu.wait_indirect_dma semaphore(%arg10 : memref<!tpu.dma_semaphore, #tpu.memory_space<semaphore_mem>>) src(%dma_wait3A_222 : memref<20480x32xf32, #tpu.memory_space<hbm>>) dst(%dma_wait3A_216 : memref<128x32xf32, #tpu.memory_space<vmem>>)
      %mul3A_223 = arith.constant 8 : i32
      %mul3A_224 = arith.muli %mul3A_203, %mul3A_223 : i32
      %add3A_225 = arith.constant 1 : i32
      %add3A_226 = arith.addi %mul3A_224, %add3A_225 : i32
      %dma_wait3A_227 = arith.constant 1 : i32
      %dma_wait3A_228 = arith.constant 0 : i32
      %dma_wait3A_229 = arith.constant 0 : i32
      %dma_wait3A_230 = tpu.memref_slice %arg8[%dma_wait3A_227, %dma_wait3A_228, %dma_wait3A_229] : memref<16x128x32xf32, #tpu.memory_space<vmem>> -> memref<1x128x32xf32, #tpu.memory_space<vmem>>
      %dma_wait3A_231 = tpu.memref_squeeze %dma_wait3A_230 : memref<1x128x32xf32, #tpu.memory_space<vmem>> -> memref<128x32xf32, #tpu.memory_space<vmem>>
      %dma_wait3A_232 = arith.constant 0 : i32
      %dma_wait3A_233 = tpu.memref_slice %arg6[%add3A_226, %dma_wait3A_232] : memref<160x128xi32, #tpu.memory_space<vmem>> -> memref<1x128xi32, #tpu.memory_space<vmem>>
      %dma_wait3A_234 = tpu.memref_squeeze %dma_wait3A_233 : memref<1x128xi32, #tpu.memory_space<vmem>> -> memref<128xi32, #tpu.memory_space<vmem>>
      %dma_wait3A_235 = arith.constant 0 : i32
      %dma_wait3A_236 = arith.constant 0 : i32
      %dma_wait3A_237 = tpu.memref_slice %arg2[%dma_wait3A_235, %dma_wait3A_236] : memref<20480x32xf32, #tpu.memory_space<hbm>> -> memref<20480x32xf32, #tpu.memory_space<hbm>>
      tpu.wait_indirect_dma semaphore(%arg10 : memref<!tpu.dma_semaphore, #tpu.memory_space<semaphore_mem>>) src(%dma_wait3A_237 : memref<20480x32xf32, #tpu.memory_space<hbm>>) dst(%dma_wait3A_231 : memref<128x32xf32, #tpu.memory_space<vmem>>)
      %mul3A_238 = arith.constant 8 : i32
      %mul3A_239 = arith.muli %mul3A_203, %mul3A_238 : i32
      %add3A_240 = arith.constant 2 : i32
      %add3A_241 = arith.addi %mul3A_239, %add3A_240 : i32
      %dma_wait3A_242 = arith.constant 2 : i32
      %dma_wait3A_243 = arith.constant 0 : i32
      %dma_wait3A_244 = arith.constant 0 : i32
      %dma_wait3A_245 = tpu.memref_slice %arg8[%dma_wait3A_242, %dma_wait3A_243, %dma_wait3A_244] : memref<16x128x32xf32, #tpu.memory_space<vmem>> -> memref<1x128x32xf32, #tpu.memory_space<vmem>>
      %dma_wait3A_246 = tpu.memref_squeeze %dma_wait3A_245 : memref<1x128x32xf32, #tpu.memory_space<vmem>> -> memref<128x32xf32, #tpu.memory_space<vmem>>
      %dma_wait3A_247 = arith.constant 0 : i32
      %dma_wait3A_248 = tpu.memref_slice %arg6[%add3A_241, %dma_wait3A_247] : memref<160x128xi32, #tpu.memory_space<vmem>> -> memref<1x128xi32, #tpu.memory_space<vmem>>
      %dma_wait3A_249 = tpu.memref_squeeze %dma_wait3A_248 : memref<1x128xi32, #tpu.memory_space<vmem>> -> memref<128xi32, #tpu.memory_space<vmem>>
      %dma_wait3A_250 = arith.constant 0 : i32
      %dma_wait3A_251 = arith.constant 0 : i32
      %dma_wait3A_252 = tpu.memref_slice %arg2[%dma_wait3A_250, %dma_wait3A_251] : memref<20480x32xf32, #tpu.memory_space<hbm>> -> memref<20480x32xf32, #tpu.memory_space<hbm>>
      tpu.wait_indirect_dma semaphore(%arg10 : memref<!tpu.dma_semaphore, #tpu.memory_space<semaphore_mem>>) src(%dma_wait3A_252 : memref<20480x32xf32, #tpu.memory_space<hbm>>) dst(%dma_wait3A_246 : memref<128x32xf32, #tpu.memory_space<vmem>>)
      %mul3A_253 = arith.constant 8 : i32
      %mul3A_254 = arith.muli %mul3A_203, %mul3A_253 : i32
      %add3A_255 = arith.constant 3 : i32
      %add3A_256 = arith.addi %mul3A_254, %add3A_255 : i32
      %dma_wait3A_257 = arith.constant 3 : i32
      %dma_wait3A_258 = arith.constant 0 : i32
      %dma_wait3A_259 = arith.constant 0 : i32
      %dma_wait3A_260 = tpu.memref_slice %arg8[%dma_wait3A_257, %dma_wait3A_258, %dma_wait3A_259] : memref<16x128x32xf32, #tpu.memory_space<vmem>> -> memref<1x128x32xf32, #tpu.memory_space<vmem>>
      %dma_wait3A_261 = tpu.memref_squeeze %dma_wait3A_260 : memref<1x128x32xf32, #tpu.memory_space<vmem>> -> memref<128x32xf32, #tpu.memory_space<vmem>>
      %dma_wait3A_262 = arith.constant 0 : i32
      %dma_wait3A_263 = tpu.memref_slice %arg6[%add3A_256, %dma_wait3A_262] : memref<160x128xi32, #tpu.memory_space<vmem>> -> memref<1x128xi32, #tpu.memory_space<vmem>>
      %dma_wait3A_264 = tpu.memref_squeeze %dma_wait3A_263 : memref<1x128xi32, #tpu.memory_space<vmem>> -> memref<128xi32, #tpu.memory_space<vmem>>
      %dma_wait3A_265 = arith.constant 0 : i32
      %dma_wait3A_266 = arith.constant 0 : i32
      %dma_wait3A_267 = tpu.memref_slice %arg2[%dma_wait3A_265, %dma_wait3A_266] : memref<20480x32xf32, #tpu.memory_space<hbm>> -> memref<20480x32xf32, #tpu.memory_space<hbm>>
      tpu.wait_indirect_dma semaphore(%arg10 : memref<!tpu.dma_semaphore, #tpu.memory_space<semaphore_mem>>) src(%dma_wait3A_267 : memref<20480x32xf32, #tpu.memory_space<hbm>>) dst(%dma_wait3A_261 : memref<128x32xf32, #tpu.memory_space<vmem>>)
      %mul3A_268 = arith.constant 8 : i32
      %mul3A_269 = arith.muli %mul3A_203, %mul3A_268 : i32
      %add3A_270 = arith.constant 4 : i32
      %add3A_271 = arith.addi %mul3A_269, %add3A_270 : i32
      %dma_wait3A_272 = arith.constant 4 : i32
      %dma_wait3A_273 = arith.constant 0 : i32
      %dma_wait3A_274 = arith.constant 0 : i32
      %dma_wait3A_275 = tpu.memref_slice %arg8[%dma_wait3A_272, %dma_wait3A_273, %dma_wait3A_274] : memref<16x128x32xf32, #tpu.memory_space<vmem>> -> memref<1x128x32xf32, #tpu.memory_space<vmem>>
      %dma_wait3A_276 = tpu.memref_squeeze %dma_wait3A_275 : memref<1x128x32xf32, #tpu.memory_space<vmem>> -> memref<128x32xf32, #tpu.memory_space<vmem>>
      %dma_wait3A_277 = arith.constant 0 : i32
      %dma_wait3A_278 = tpu.memref_slice %arg6[%add3A_271, %dma_wait3A_277] : memref<160x128xi32, #tpu.memory_space<vmem>> -> memref<1x128xi32, #tpu.memory_space<vmem>>
      %dma_wait3A_279 = tpu.memref_squeeze %dma_wait3A_278 : memref<1x128xi32, #tpu.memory_space<vmem>> -> memref<128xi32, #tpu.memory_space<vmem>>
      %dma_wait3A_280 = arith.constant 0 : i32
      %dma_wait3A_281 = arith.constant 0 : i32
      %dma_wait3A_282 = tpu.memref_slice %arg2[%dma_wait3A_280, %dma_wait3A_281] : memref<20480x32xf32, #tpu.memory_space<hbm>> -> memref<20480x32xf32, #tpu.memory_space<hbm>>
      tpu.wait_indirect_dma semaphore(%arg10 : memref<!tpu.dma_semaphore, #tpu.memory_space<semaphore_mem>>) src(%dma_wait3A_282 : memref<20480x32xf32, #tpu.memory_space<hbm>>) dst(%dma_wait3A_276 : memref<128x32xf32, #tpu.memory_space<vmem>>)
      %mul3A_283 = arith.constant 8 : i32
      %mul3A_284 = arith.muli %mul3A_203, %mul3A_283 : i32
      %add3A_285 = arith.constant 5 : i32
      %add3A_286 = arith.addi %mul3A_284, %add3A_285 : i32
      %dma_wait3A_287 = arith.constant 5 : i32
      %dma_wait3A_288 = arith.constant 0 : i32
      %dma_wait3A_289 = arith.constant 0 : i32
      %dma_wait3A_290 = tpu.memref_slice %arg8[%dma_wait3A_287, %dma_wait3A_288, %dma_wait3A_289] : memref<16x128x32xf32, #tpu.memory_space<vmem>> -> memref<1x128x32xf32, #tpu.memory_space<vmem>>
      %dma_wait3A_291 = tpu.memref_squeeze %dma_wait3A_290 : memref<1x128x32xf32, #tpu.memory_space<vmem>> -> memref<128x32xf32, #tpu.memory_space<vmem>>
      %dma_wait3A_292 = arith.constant 0 : i32
      %dma_wait3A_293 = tpu.memref_slice %arg6[%add3A_286, %dma_wait3A_292] : memref<160x128xi32, #tpu.memory_space<vmem>> -> memref<1x128xi32, #tpu.memory_space<vmem>>
      %dma_wait3A_294 = tpu.memref_squeeze %dma_wait3A_293 : memref<1x128xi32, #tpu.memory_space<vmem>> -> memref<128xi32, #tpu.memory_space<vmem>>
      %dma_wait3A_295 = arith.constant 0 : i32
      %dma_wait3A_296 = arith.constant 0 : i32
      %dma_wait3A_297 = tpu.memref_slice %arg2[%dma_wait3A_295, %dma_wait3A_296] : memref<20480x32xf32, #tpu.memory_space<hbm>> -> memref<20480x32xf32, #tpu.memory_space<hbm>>
      tpu.wait_indirect_dma semaphore(%arg10 : memref<!tpu.dma_semaphore, #tpu.memory_space<semaphore_mem>>) src(%dma_wait3A_297 : memref<20480x32xf32, #tpu.memory_space<hbm>>) dst(%dma_wait3A_291 : memref<128x32xf32, #tpu.memory_space<vmem>>)
      %mul3A_298 = arith.constant 8 : i32
      %mul3A_299 = arith.muli %mul3A_203, %mul3A_298 : i32
      %add3A_300 = arith.constant 6 : i32
      %add3A_301 = arith.addi %mul3A_299, %add3A_300 : i32
      %dma_wait3A_302 = arith.constant 6 : i32
      %dma_wait3A_303 = arith.constant 0 : i32
      %dma_wait3A_304 = arith.constant 0 : i32
      %dma_wait3A_305 = tpu.memref_slice %arg8[%dma_wait3A_302, %dma_wait3A_303, %dma_wait3A_304] : memref<16x128x32xf32, #tpu.memory_space<vmem>> -> memref<1x128x32xf32, #tpu.memory_space<vmem>>
      %dma_wait3A_306 = tpu.memref_squeeze %dma_wait3A_305 : memref<1x128x32xf32, #tpu.memory_space<vmem>> -> memref<128x32xf32, #tpu.memory_space<vmem>>
      %dma_wait3A_307 = arith.constant 0 : i32
      %dma_wait3A_308 = tpu.memref_slice %arg6[%add3A_301, %dma_wait3A_307] : memref<160x128xi32, #tpu.memory_space<vmem>> -> memref<1x128xi32, #tpu.memory_space<vmem>>
      %dma_wait3A_309 = tpu.memref_squeeze %dma_wait3A_308 : memref<1x128xi32, #tpu.memory_space<vmem>> -> memref<128xi32, #tpu.memory_space<vmem>>
      %dma_wait3A_310 = arith.constant 0 : i32
      %dma_wait3A_311 = arith.constant 0 : i32
      %dma_wait3A_312 = tpu.memref_slice %arg2[%dma_wait3A_310, %dma_wait3A_311] : memref<20480x32xf32, #tpu.memory_space<hbm>> -> memref<20480x32xf32, #tpu.memory_space<hbm>>
      tpu.wait_indirect_dma semaphore(%arg10 : memref<!tpu.dma_semaphore, #tpu.memory_space<semaphore_mem>>) src(%dma_wait3A_312 : memref<20480x32xf32, #tpu.memory_space<hbm>>) dst(%dma_wait3A_306 : memref<128x32xf32, #tpu.memory_space<vmem>>)
      %mul3A_313 = arith.constant 8 : i32
      %mul3A_314 = arith.muli %mul3A_203, %mul3A_313 : i32
      %add3A_315 = arith.constant 7 : i32
      %add3A_316 = arith.addi %mul3A_314, %add3A_315 : i32
      %dma_wait3A_317 = arith.constant 7 : i32
      %dma_wait3A_318 = arith.constant 0 : i32
      %dma_wait3A_319 = arith.constant 0 : i32
      %dma_wait3A_320 = tpu.memref_slice %arg8[%dma_wait3A_317, %dma_wait3A_318, %dma_wait3A_319] : memref<16x128x32xf32, #tpu.memory_space<vmem>> -> memref<1x128x32xf32, #tpu.memory_space<vmem>>
      %dma_wait3A_321 = tpu.memref_squeeze %dma_wait3A_320 : memref<1x128x32xf32, #tpu.memory_space<vmem>> -> memref<128x32xf32, #tpu.memory_space<vmem>>
      %dma_wait3A_322 = arith.constant 0 : i32
      %dma_wait3A_323 = tpu.memref_slice %arg6[%add3A_316, %dma_wait3A_322] : memref<160x128xi32, #tpu.memory_space<vmem>> -> memref<1x128xi32, #tpu.memory_space<vmem>>
      %dma_wait3A_324 = tpu.memref_squeeze %dma_wait3A_323 : memref<1x128xi32, #tpu.memory_space<vmem>> -> memref<128xi32, #tpu.memory_space<vmem>>
      %dma_wait3A_325 = arith.constant 0 : i32
      %dma_wait3A_326 = arith.constant 0 : i32
      %dma_wait3A_327 = tpu.memref_slice %arg2[%dma_wait3A_325, %dma_wait3A_326] : memref<20480x32xf32, #tpu.memory_space<hbm>> -> memref<20480x32xf32, #tpu.memory_space<hbm>>
      tpu.wait_indirect_dma semaphore(%arg10 : memref<!tpu.dma_semaphore, #tpu.memory_space<semaphore_mem>>) src(%dma_wait3A_327 : memref<20480x32xf32, #tpu.memory_space<hbm>>) dst(%dma_wait3A_321 : memref<128x32xf32, #tpu.memory_space<vmem>>)
      %mul3A_328 = arith.constant 8 : i32
      %mul3A_329 = arith.muli %mul3A_203, %mul3A_328 : i32
      %add3A_330 = arith.constant 0 : i32
      %add3A_331 = arith.addi %mul3A_329, %add3A_330 : i32
      %dma_start3A_332 = arith.constant 0 : i32
      %dma_start3A_333 = arith.constant 0 : i32
      %dma_start3A_334 = arith.constant 0 : i32
      %dma_start3A_335 = tpu.memref_slice %arg8[%dma_start3A_332, %dma_start3A_333, %dma_start3A_334] : memref<16x128x32xf32, #tpu.memory_space<vmem>> -> memref<1x128x32xf32, #tpu.memory_space<vmem>>
      %dma_start3A_336 = tpu.memref_squeeze %dma_start3A_335 : memref<1x128x32xf32, #tpu.memory_space<vmem>> -> memref<128x32xf32, #tpu.memory_space<vmem>>
      %dma_start3A_337 = arith.constant 0 : i32
      %dma_start3A_338 = tpu.memref_slice %arg7[%add3A_331, %dma_start3A_337] : memref<160x128xi32, #tpu.memory_space<vmem>> -> memref<1x128xi32, #tpu.memory_space<vmem>>
      %dma_start3A_339 = tpu.memref_squeeze %dma_start3A_338 : memref<1x128xi32, #tpu.memory_space<vmem>> -> memref<128xi32, #tpu.memory_space<vmem>>
      %dma_start3A_340 = arith.constant 0 : i32
      %dma_start3A_341 = arith.constant 0 : i32
      %dma_start3A_342 = tpu.memref_slice %arg9[%dma_start3A_340, %dma_start3A_341] : memref<10240x32xf32, #tpu.memory_space<vmem_shared>> -> memref<10240x32xf32, #tpu.memory_space<vmem_shared>>
      tpu.enqueue_indirect_dma source(%dma_start3A_336 : memref<128x32xf32, #tpu.memory_space<vmem>>) target(%dma_start3A_342 : memref<10240x32xf32, #tpu.memory_space<vmem_shared>>) offsets(%dma_start3A_339 : memref<128xi32, #tpu.memory_space<vmem>>) semaphore(%arg12 : memref<!tpu.dma_semaphore, #tpu.memory_space<semaphore_mem>>) {add = true}
      %mul3A_343 = arith.constant 8 : i32
      %mul3A_344 = arith.muli %mul3A_203, %mul3A_343 : i32
      %add3A_345 = arith.constant 1 : i32
      %add3A_346 = arith.addi %mul3A_344, %add3A_345 : i32
      %dma_start3A_347 = arith.constant 1 : i32
      %dma_start3A_348 = arith.constant 0 : i32
      %dma_start3A_349 = arith.constant 0 : i32
      %dma_start3A_350 = tpu.memref_slice %arg8[%dma_start3A_347, %dma_start3A_348, %dma_start3A_349] : memref<16x128x32xf32, #tpu.memory_space<vmem>> -> memref<1x128x32xf32, #tpu.memory_space<vmem>>
      %dma_start3A_351 = tpu.memref_squeeze %dma_start3A_350 : memref<1x128x32xf32, #tpu.memory_space<vmem>> -> memref<128x32xf32, #tpu.memory_space<vmem>>
      %dma_start3A_352 = arith.constant 0 : i32
      %dma_start3A_353 = tpu.memref_slice %arg7[%add3A_346, %dma_start3A_352] : memref<160x128xi32, #tpu.memory_space<vmem>> -> memref<1x128xi32, #tpu.memory_space<vmem>>
      %dma_start3A_354 = tpu.memref_squeeze %dma_start3A_353 : memref<1x128xi32, #tpu.memory_space<vmem>> -> memref<128xi32, #tpu.memory_space<vmem>>
      %dma_start3A_355 = arith.constant 0 : i32
      %dma_start3A_356 = arith.constant 0 : i32
      %dma_start3A_357 = tpu.memref_slice %arg9[%dma_start3A_355, %dma_start3A_356] : memref<10240x32xf32, #tpu.memory_space<vmem_shared>> -> memref<10240x32xf32, #tpu.memory_space<vmem_shared>>
      tpu.enqueue_indirect_dma source(%dma_start3A_351 : memref<128x32xf32, #tpu.memory_space<vmem>>) target(%dma_start3A_357 : memref<10240x32xf32, #tpu.memory_space<vmem_shared>>) offsets(%dma_start3A_354 : memref<128xi32, #tpu.memory_space<vmem>>) semaphore(%arg12 : memref<!tpu.dma_semaphore, #tpu.memory_space<semaphore_mem>>) {add = true}
      %mul3A_358 = arith.constant 8 : i32
      %mul3A_359 = arith.muli %mul3A_203, %mul3A_358 : i32
      %add3A_360 = arith.constant 2 : i32
      %add3A_361 = arith.addi %mul3A_359, %add3A_360 : i32
      %dma_start3A_362 = arith.constant 2 : i32
      %dma_start3A_363 = arith.constant 0 : i32
      %dma_start3A_364 = arith.constant 0 : i32
      %dma_start3A_365 = tpu.memref_slice %arg8[%dma_start3A_362, %dma_start3A_363, %dma_start3A_364] : memref<16x128x32xf32, #tpu.memory_space<vmem>> -> memref<1x128x32xf32, #tpu.memory_space<vmem>>
      %dma_start3A_366 = tpu.memref_squeeze %dma_start3A_365 : memref<1x128x32xf32, #tpu.memory_space<vmem>> -> memref<128x32xf32, #tpu.memory_space<vmem>>
      %dma_start3A_367 = arith.constant 0 : i32
      %dma_start3A_368 = tpu.memref_slice %arg7[%add3A_361, %dma_start3A_367] : memref<160x128xi32, #tpu.memory_space<vmem>> -> memref<1x128xi32, #tpu.memory_space<vmem>>
      %dma_start3A_369 = tpu.memref_squeeze %dma_start3A_368 : memref<1x128xi32, #tpu.memory_space<vmem>> -> memref<128xi32, #tpu.memory_space<vmem>>
      %dma_start3A_370 = arith.constant 0 : i32
      %dma_start3A_371 = arith.constant 0 : i32
      %dma_start3A_372 = tpu.memref_slice %arg9[%dma_start3A_370, %dma_start3A_371] : memref<10240x32xf32, #tpu.memory_space<vmem_shared>> -> memref<10240x32xf32, #tpu.memory_space<vmem_shared>>
      tpu.enqueue_indirect_dma source(%dma_start3A_366 : memref<128x32xf32, #tpu.memory_space<vmem>>) target(%dma_start3A_372 : memref<10240x32xf32, #tpu.memory_space<vmem_shared>>) offsets(%dma_start3A_369 : memref<128xi32, #tpu.memory_space<vmem>>) semaphore(%arg12 : memref<!tpu.dma_semaphore, #tpu.memory_space<semaphore_mem>>) {add = true}
      %mul3A_373 = arith.constant 8 : i32
      %mul3A_374 = arith.muli %mul3A_203, %mul3A_373 : i32
      %add3A_375 = arith.constant 3 : i32
      %add3A_376 = arith.addi %mul3A_374, %add3A_375 : i32
      %dma_start3A_377 = arith.constant 3 : i32
      %dma_start3A_378 = arith.constant 0 : i32
      %dma_start3A_379 = arith.constant 0 : i32
      %dma_start3A_380 = tpu.memref_slice %arg8[%dma_start3A_377, %dma_start3A_378, %dma_start3A_379] : memref<16x128x32xf32, #tpu.memory_space<vmem>> -> memref<1x128x32xf32, #tpu.memory_space<vmem>>
      %dma_start3A_381 = tpu.memref_squeeze %dma_start3A_380 : memref<1x128x32xf32, #tpu.memory_space<vmem>> -> memref<128x32xf32, #tpu.memory_space<vmem>>
      %dma_start3A_382 = arith.constant 0 : i32
      %dma_start3A_383 = tpu.memref_slice %arg7[%add3A_376, %dma_start3A_382] : memref<160x128xi32, #tpu.memory_space<vmem>> -> memref<1x128xi32, #tpu.memory_space<vmem>>
      %dma_start3A_384 = tpu.memref_squeeze %dma_start3A_383 : memref<1x128xi32, #tpu.memory_space<vmem>> -> memref<128xi32, #tpu.memory_space<vmem>>
      %dma_start3A_385 = arith.constant 0 : i32
      %dma_start3A_386 = arith.constant 0 : i32
      %dma_start3A_387 = tpu.memref_slice %arg9[%dma_start3A_385, %dma_start3A_386] : memref<10240x32xf32, #tpu.memory_space<vmem_shared>> -> memref<10240x32xf32, #tpu.memory_space<vmem_shared>>
      tpu.enqueue_indirect_dma source(%dma_start3A_381 : memref<128x32xf32, #tpu.memory_space<vmem>>) target(%dma_start3A_387 : memref<10240x32xf32, #tpu.memory_space<vmem_shared>>) offsets(%dma_start3A_384 : memref<128xi32, #tpu.memory_space<vmem>>) semaphore(%arg12 : memref<!tpu.dma_semaphore, #tpu.memory_space<semaphore_mem>>) {add = true}
      %mul3A_388 = arith.constant 8 : i32
      %mul3A_389 = arith.muli %mul3A_203, %mul3A_388 : i32
      %add3A_390 = arith.constant 4 : i32
      %add3A_391 = arith.addi %mul3A_389, %add3A_390 : i32
      %dma_start3A_392 = arith.constant 4 : i32
      %dma_start3A_393 = arith.constant 0 : i32
      %dma_start3A_394 = arith.constant 0 : i32
      %dma_start3A_395 = tpu.memref_slice %arg8[%dma_start3A_392, %dma_start3A_393, %dma_start3A_394] : memref<16x128x32xf32, #tpu.memory_space<vmem>> -> memref<1x128x32xf32, #tpu.memory_space<vmem>>
      %dma_start3A_396 = tpu.memref_squeeze %dma_start3A_395 : memref<1x128x32xf32, #tpu.memory_space<vmem>> -> memref<128x32xf32, #tpu.memory_space<vmem>>
      %dma_start3A_397 = arith.constant 0 : i32
      %dma_start3A_398 = tpu.memref_slice %arg7[%add3A_391, %dma_start3A_397] : memref<160x128xi32, #tpu.memory_space<vmem>> -> memref<1x128xi32, #tpu.memory_space<vmem>>
      %dma_start3A_399 = tpu.memref_squeeze %dma_start3A_398 : memref<1x128xi32, #tpu.memory_space<vmem>> -> memref<128xi32, #tpu.memory_space<vmem>>
      %dma_start3A_400 = arith.constant 0 : i32
      %dma_start3A_401 = arith.constant 0 : i32
      %dma_start3A_402 = tpu.memref_slice %arg9[%dma_start3A_400, %dma_start3A_401] : memref<10240x32xf32, #tpu.memory_space<vmem_shared>> -> memref<10240x32xf32, #tpu.memory_space<vmem_shared>>
      tpu.enqueue_indirect_dma source(%dma_start3A_396 : memref<128x32xf32, #tpu.memory_space<vmem>>) target(%dma_start3A_402 : memref<10240x32xf32, #tpu.memory_space<vmem_shared>>) offsets(%dma_start3A_399 : memref<128xi32, #tpu.memory_space<vmem>>) semaphore(%arg12 : memref<!tpu.dma_semaphore, #tpu.memory_space<semaphore_mem>>) {add = true}
      %mul3A_403 = arith.constant 8 : i32
      %mul3A_404 = arith.muli %mul3A_203, %mul3A_403 : i32
      %add3A_405 = arith.constant 5 : i32
      %add3A_406 = arith.addi %mul3A_404, %add3A_405 : i32
      %dma_start3A_407 = arith.constant 5 : i32
      %dma_start3A_408 = arith.constant 0 : i32
      %dma_start3A_409 = arith.constant 0 : i32
      %dma_start3A_410 = tpu.memref_slice %arg8[%dma_start3A_407, %dma_start3A_408, %dma_start3A_409] : memref<16x128x32xf32, #tpu.memory_space<vmem>> -> memref<1x128x32xf32, #tpu.memory_space<vmem>>
      %dma_start3A_411 = tpu.memref_squeeze %dma_start3A_410 : memref<1x128x32xf32, #tpu.memory_space<vmem>> -> memref<128x32xf32, #tpu.memory_space<vmem>>
      %dma_start3A_412 = arith.constant 0 : i32
      %dma_start3A_413 = tpu.memref_slice %arg7[%add3A_406, %dma_start3A_412] : memref<160x128xi32, #tpu.memory_space<vmem>> -> memref<1x128xi32, #tpu.memory_space<vmem>>
      %dma_start3A_414 = tpu.memref_squeeze %dma_start3A_413 : memref<1x128xi32, #tpu.memory_space<vmem>> -> memref<128xi32, #tpu.memory_space<vmem>>
      %dma_start3A_415 = arith.constant 0 : i32
      %dma_start3A_416 = arith.constant 0 : i32
      %dma_start3A_417 = tpu.memref_slice %arg9[%dma_start3A_415, %dma_start3A_416] : memref<10240x32xf32, #tpu.memory_space<vmem_shared>> -> memref<10240x32xf32, #tpu.memory_space<vmem_shared>>
      tpu.enqueue_indirect_dma source(%dma_start3A_411 : memref<128x32xf32, #tpu.memory_space<vmem>>) target(%dma_start3A_417 : memref<10240x32xf32, #tpu.memory_space<vmem_shared>>) offsets(%dma_start3A_414 : memref<128xi32, #tpu.memory_space<vmem>>) semaphore(%arg12 : memref<!tpu.dma_semaphore, #tpu.memory_space<semaphore_mem>>) {add = true}
      %mul3A_418 = arith.constant 8 : i32
      %mul3A_419 = arith.muli %mul3A_203, %mul3A_418 : i32
      %add3A_420 = arith.constant 6 : i32
      %add3A_421 = arith.addi %mul3A_419, %add3A_420 : i32
      %dma_start3A_422 = arith.constant 6 : i32
      %dma_start3A_423 = arith.constant 0 : i32
      %dma_start3A_424 = arith.constant 0 : i32
      %dma_start3A_425 = tpu.memref_slice %arg8[%dma_start3A_422, %dma_start3A_423, %dma_start3A_424] : memref<16x128x32xf32, #tpu.memory_space<vmem>> -> memref<1x128x32xf32, #tpu.memory_space<vmem>>
      %dma_start3A_426 = tpu.memref_squeeze %dma_start3A_425 : memref<1x128x32xf32, #tpu.memory_space<vmem>> -> memref<128x32xf32, #tpu.memory_space<vmem>>
      %dma_start3A_427 = arith.constant 0 : i32
      %dma_start3A_428 = tpu.memref_slice %arg7[%add3A_421, %dma_start3A_427] : memref<160x128xi32, #tpu.memory_space<vmem>> -> memref<1x128xi32, #tpu.memory_space<vmem>>
      %dma_start3A_429 = tpu.memref_squeeze %dma_start3A_428 : memref<1x128xi32, #tpu.memory_space<vmem>> -> memref<128xi32, #tpu.memory_space<vmem>>
      %dma_start3A_430 = arith.constant 0 : i32
      %dma_start3A_431 = arith.constant 0 : i32
      %dma_start3A_432 = tpu.memref_slice %arg9[%dma_start3A_430, %dma_start3A_431] : memref<10240x32xf32, #tpu.memory_space<vmem_shared>> -> memref<10240x32xf32, #tpu.memory_space<vmem_shared>>
      tpu.enqueue_indirect_dma source(%dma_start3A_426 : memref<128x32xf32, #tpu.memory_space<vmem>>) target(%dma_start3A_432 : memref<10240x32xf32, #tpu.memory_space<vmem_shared>>) offsets(%dma_start3A_429 : memref<128xi32, #tpu.memory_space<vmem>>) semaphore(%arg12 : memref<!tpu.dma_semaphore, #tpu.memory_space<semaphore_mem>>) {add = true}
      %mul3A_433 = arith.constant 8 : i32
      %mul3A_434 = arith.muli %mul3A_203, %mul3A_433 : i32
      %add3A_435 = arith.constant 7 : i32
      %add3A_436 = arith.addi %mul3A_434, %add3A_435 : i32
      %dma_start3A_437 = arith.constant 7 : i32
      %dma_start3A_438 = arith.constant 0 : i32
      %dma_start3A_439 = arith.constant 0 : i32
      %dma_start3A_440 = tpu.memref_slice %arg8[%dma_start3A_437, %dma_start3A_438, %dma_start3A_439] : memref<16x128x32xf32, #tpu.memory_space<vmem>> -> memref<1x128x32xf32, #tpu.memory_space<vmem>>
      %dma_start3A_441 = tpu.memref_squeeze %dma_start3A_440 : memref<1x128x32xf32, #tpu.memory_space<vmem>> -> memref<128x32xf32, #tpu.memory_space<vmem>>
      %dma_start3A_442 = arith.constant 0 : i32
      %dma_start3A_443 = tpu.memref_slice %arg7[%add3A_436, %dma_start3A_442] : memref<160x128xi32, #tpu.memory_space<vmem>> -> memref<1x128xi32, #tpu.memory_space<vmem>>
      %dma_start3A_444 = tpu.memref_squeeze %dma_start3A_443 : memref<1x128xi32, #tpu.memory_space<vmem>> -> memref<128xi32, #tpu.memory_space<vmem>>
      %dma_start3A_445 = arith.constant 0 : i32
      %dma_start3A_446 = arith.constant 0 : i32
      %dma_start3A_447 = tpu.memref_slice %arg9[%dma_start3A_445, %dma_start3A_446] : memref<10240x32xf32, #tpu.memory_space<vmem_shared>> -> memref<10240x32xf32, #tpu.memory_space<vmem_shared>>
      tpu.enqueue_indirect_dma source(%dma_start3A_441 : memref<128x32xf32, #tpu.memory_space<vmem>>) target(%dma_start3A_447 : memref<10240x32xf32, #tpu.memory_space<vmem_shared>>) offsets(%dma_start3A_444 : memref<128xi32, #tpu.memory_space<vmem>>) semaphore(%arg12 : memref<!tpu.dma_semaphore, #tpu.memory_space<semaphore_mem>>) {add = true}
      %gt3A = arith.constant 0 : i32
      %gt3A_448 = arith.cmpi sgt, %scan3A_200, %gt3A : i32
      %convert_element_type3A = arith.extui %gt3A_448 : i1 to i32
      %cond3A = arith.constant 0 : i32
      %cond3A_449 = arith.cmpi ne, %convert_element_type3A, %cond3A : i32
      scf.if %cond3A_449 {
        %sub3A = arith.constant 2 : i32
        %sub3A_935 = arith.subi %add3A_207, %sub3A : i32
        %mul3A_936 = arith.constant 8 : i32
        %mul3A_937 = arith.muli %sub3A_935, %mul3A_936 : i32
        %add3A_938 = arith.constant 0 : i32
        %add3A_939 = arith.addi %mul3A_937, %add3A_938 : i32
        %dma_wait3A_940 = arith.constant 8 : i32
        %dma_wait3A_941 = arith.constant 0 : i32
        %dma_wait3A_942 = arith.constant 0 : i32
        %dma_wait3A_943 = tpu.memref_slice %arg8[%dma_wait3A_940, %dma_wait3A_941, %dma_wait3A_942] : memref<16x128x32xf32, #tpu.memory_space<vmem>> -> memref<1x128x32xf32, #tpu.memory_space<vmem>>
        %dma_wait3A_944 = tpu.memref_squeeze %dma_wait3A_943 : memref<1x128x32xf32, #tpu.memory_space<vmem>> -> memref<128x32xf32, #tpu.memory_space<vmem>>
        %dma_wait3A_945 = arith.constant 0 : i32
        %dma_wait3A_946 = tpu.memref_slice %arg7[%add3A_939, %dma_wait3A_945] : memref<160x128xi32, #tpu.memory_space<vmem>> -> memref<1x128xi32, #tpu.memory_space<vmem>>
        %dma_wait3A_947 = tpu.memref_squeeze %dma_wait3A_946 : memref<1x128xi32, #tpu.memory_space<vmem>> -> memref<128xi32, #tpu.memory_space<vmem>>
        %dma_wait3A_948 = arith.constant 0 : i32
        %dma_wait3A_949 = arith.constant 0 : i32
        %dma_wait3A_950 = tpu.memref_slice %arg9[%dma_wait3A_948, %dma_wait3A_949] : memref<10240x32xf32, #tpu.memory_space<vmem_shared>> -> memref<10240x32xf32, #tpu.memory_space<vmem_shared>>
        tpu.wait_indirect_dma semaphore(%arg13 : memref<!tpu.dma_semaphore, #tpu.memory_space<semaphore_mem>>) src(%dma_wait3A_944 : memref<128x32xf32, #tpu.memory_space<vmem>>) dst(%dma_wait3A_950 : memref<10240x32xf32, #tpu.memory_space<vmem_shared>>)
        %mul3A_951 = arith.constant 8 : i32
        %mul3A_952 = arith.muli %sub3A_935, %mul3A_951 : i32
        %add3A_953 = arith.constant 1 : i32
        %add3A_954 = arith.addi %mul3A_952, %add3A_953 : i32
        %dma_wait3A_955 = arith.constant 9 : i32
        %dma_wait3A_956 = arith.constant 0 : i32
        %dma_wait3A_957 = arith.constant 0 : i32
        %dma_wait3A_958 = tpu.memref_slice %arg8[%dma_wait3A_955, %dma_wait3A_956, %dma_wait3A_957] : memref<16x128x32xf32, #tpu.memory_space<vmem>> -> memref<1x128x32xf32, #tpu.memory_space<vmem>>
        %dma_wait3A_959 = tpu.memref_squeeze %dma_wait3A_958 : memref<1x128x32xf32, #tpu.memory_space<vmem>> -> memref<128x32xf32, #tpu.memory_space<vmem>>
        %dma_wait3A_960 = arith.constant 0 : i32
        %dma_wait3A_961 = tpu.memref_slice %arg7[%add3A_954, %dma_wait3A_960] : memref<160x128xi32, #tpu.memory_space<vmem>> -> memref<1x128xi32, #tpu.memory_space<vmem>>
        %dma_wait3A_962 = tpu.memref_squeeze %dma_wait3A_961 : memref<1x128xi32, #tpu.memory_space<vmem>> -> memref<128xi32, #tpu.memory_space<vmem>>
        %dma_wait3A_963 = arith.constant 0 : i32
        %dma_wait3A_964 = arith.constant 0 : i32
        %dma_wait3A_965 = tpu.memref_slice %arg9[%dma_wait3A_963, %dma_wait3A_964] : memref<10240x32xf32, #tpu.memory_space<vmem_shared>> -> memref<10240x32xf32, #tpu.memory_space<vmem_shared>>
        tpu.wait_indirect_dma semaphore(%arg13 : memref<!tpu.dma_semaphore, #tpu.memory_space<semaphore_mem>>) src(%dma_wait3A_959 : memref<128x32xf32, #tpu.memory_space<vmem>>) dst(%dma_wait3A_965 : memref<10240x32xf32, #tpu.memory_space<vmem_shared>>)
        %mul3A_966 = arith.constant 8 : i32
        %mul3A_967 = arith.muli %sub3A_935, %mul3A_966 : i32
        %add3A_968 = arith.constant 2 : i32
        %add3A_969 = arith.addi %mul3A_967, %add3A_968 : i32
        %dma_wait3A_970 = arith.constant 10 : i32
        %dma_wait3A_971 = arith.constant 0 : i32
        %dma_wait3A_972 = arith.constant 0 : i32
        %dma_wait3A_973 = tpu.memref_slice %arg8[%dma_wait3A_970, %dma_wait3A_971, %dma_wait3A_972] : memref<16x128x32xf32, #tpu.memory_space<vmem>> -> memref<1x128x32xf32, #tpu.memory_space<vmem>>
        %dma_wait3A_974 = tpu.memref_squeeze %dma_wait3A_973 : memref<1x128x32xf32, #tpu.memory_space<vmem>> -> memref<128x32xf32, #tpu.memory_space<vmem>>
        %dma_wait3A_975 = arith.constant 0 : i32
        %dma_wait3A_976 = tpu.memref_slice %arg7[%add3A_969, %dma_wait3A_975] : memref<160x128xi32, #tpu.memory_space<vmem>> -> memref<1x128xi32, #tpu.memory_space<vmem>>
        %dma_wait3A_977 = tpu.memref_squeeze %dma_wait3A_976 : memref<1x128xi32, #tpu.memory_space<vmem>> -> memref<128xi32, #tpu.memory_space<vmem>>
        %dma_wait3A_978 = arith.constant 0 : i32
        %dma_wait3A_979 = arith.constant 0 : i32
        %dma_wait3A_980 = tpu.memref_slice %arg9[%dma_wait3A_978, %dma_wait3A_979] : memref<10240x32xf32, #tpu.memory_space<vmem_shared>> -> memref<10240x32xf32, #tpu.memory_space<vmem_shared>>
        tpu.wait_indirect_dma semaphore(%arg13 : memref<!tpu.dma_semaphore, #tpu.memory_space<semaphore_mem>>) src(%dma_wait3A_974 : memref<128x32xf32, #tpu.memory_space<vmem>>) dst(%dma_wait3A_980 : memref<10240x32xf32, #tpu.memory_space<vmem_shared>>)
        %mul3A_981 = arith.constant 8 : i32
        %mul3A_982 = arith.muli %sub3A_935, %mul3A_981 : i32
        %add3A_983 = arith.constant 3 : i32
        %add3A_984 = arith.addi %mul3A_982, %add3A_983 : i32
        %dma_wait3A_985 = arith.constant 11 : i32
        %dma_wait3A_986 = arith.constant 0 : i32
        %dma_wait3A_987 = arith.constant 0 : i32
        %dma_wait3A_988 = tpu.memref_slice %arg8[%dma_wait3A_985, %dma_wait3A_986, %dma_wait3A_987] : memref<16x128x32xf32, #tpu.memory_space<vmem>> -> memref<1x128x32xf32, #tpu.memory_space<vmem>>
        %dma_wait3A_989 = tpu.memref_squeeze %dma_wait3A_988 : memref<1x128x32xf32, #tpu.memory_space<vmem>> -> memref<128x32xf32, #tpu.memory_space<vmem>>
        %dma_wait3A_990 = arith.constant 0 : i32
        %dma_wait3A_991 = tpu.memref_slice %arg7[%add3A_984, %dma_wait3A_990] : memref<160x128xi32, #tpu.memory_space<vmem>> -> memref<1x128xi32, #tpu.memory_space<vmem>>
        %dma_wait3A_992 = tpu.memref_squeeze %dma_wait3A_991 : memref<1x128xi32, #tpu.memory_space<vmem>> -> memref<128xi32, #tpu.memory_space<vmem>>
        %dma_wait3A_993 = arith.constant 0 : i32
        %dma_wait3A_994 = arith.constant 0 : i32
        %dma_wait3A_995 = tpu.memref_slice %arg9[%dma_wait3A_993, %dma_wait3A_994] : memref<10240x32xf32, #tpu.memory_space<vmem_shared>> -> memref<10240x32xf32, #tpu.memory_space<vmem_shared>>
        tpu.wait_indirect_dma semaphore(%arg13 : memref<!tpu.dma_semaphore, #tpu.memory_space<semaphore_mem>>) src(%dma_wait3A_989 : memref<128x32xf32, #tpu.memory_space<vmem>>) dst(%dma_wait3A_995 : memref<10240x32xf32, #tpu.memory_space<vmem_shared>>)
        %mul3A_996 = arith.constant 8 : i32
        %mul3A_997 = arith.muli %sub3A_935, %mul3A_996 : i32
        %add3A_998 = arith.constant 4 : i32
        %add3A_999 = arith.addi %mul3A_997, %add3A_998 : i32
        %dma_wait3A_1000 = arith.constant 12 : i32
        %dma_wait3A_1001 = arith.constant 0 : i32
        %dma_wait3A_1002 = arith.constant 0 : i32
        %dma_wait3A_1003 = tpu.memref_slice %arg8[%dma_wait3A_1000, %dma_wait3A_1001, %dma_wait3A_1002] : memref<16x128x32xf32, #tpu.memory_space<vmem>> -> memref<1x128x32xf32, #tpu.memory_space<vmem>>
        %dma_wait3A_1004 = tpu.memref_squeeze %dma_wait3A_1003 : memref<1x128x32xf32, #tpu.memory_space<vmem>> -> memref<128x32xf32, #tpu.memory_space<vmem>>
        %dma_wait3A_1005 = arith.constant 0 : i32
        %dma_wait3A_1006 = tpu.memref_slice %arg7[%add3A_999, %dma_wait3A_1005] : memref<160x128xi32, #tpu.memory_space<vmem>> -> memref<1x128xi32, #tpu.memory_space<vmem>>
        %dma_wait3A_1007 = tpu.memref_squeeze %dma_wait3A_1006 : memref<1x128xi32, #tpu.memory_space<vmem>> -> memref<128xi32, #tpu.memory_space<vmem>>
        %dma_wait3A_1008 = arith.constant 0 : i32
        %dma_wait3A_1009 = arith.constant 0 : i32
        %dma_wait3A_1010 = tpu.memref_slice %arg9[%dma_wait3A_1008, %dma_wait3A_1009] : memref<10240x32xf32, #tpu.memory_space<vmem_shared>> -> memref<10240x32xf32, #tpu.memory_space<vmem_shared>>
        tpu.wait_indirect_dma semaphore(%arg13 : memref<!tpu.dma_semaphore, #tpu.memory_space<semaphore_mem>>) src(%dma_wait3A_1004 : memref<128x32xf32, #tpu.memory_space<vmem>>) dst(%dma_wait3A_1010 : memref<10240x32xf32, #tpu.memory_space<vmem_shared>>)
        %mul3A_1011 = arith.constant 8 : i32
        %mul3A_1012 = arith.muli %sub3A_935, %mul3A_1011 : i32
        %add3A_1013 = arith.constant 5 : i32
        %add3A_1014 = arith.addi %mul3A_1012, %add3A_1013 : i32
        %dma_wait3A_1015 = arith.constant 13 : i32
        %dma_wait3A_1016 = arith.constant 0 : i32
        %dma_wait3A_1017 = arith.constant 0 : i32
        %dma_wait3A_1018 = tpu.memref_slice %arg8[%dma_wait3A_1015, %dma_wait3A_1016, %dma_wait3A_1017] : memref<16x128x32xf32, #tpu.memory_space<vmem>> -> memref<1x128x32xf32, #tpu.memory_space<vmem>>
        %dma_wait3A_1019 = tpu.memref_squeeze %dma_wait3A_1018 : memref<1x128x32xf32, #tpu.memory_space<vmem>> -> memref<128x32xf32, #tpu.memory_space<vmem>>
        %dma_wait3A_1020 = arith.constant 0 : i32
        %dma_wait3A_1021 = tpu.memref_slice %arg7[%add3A_1014, %dma_wait3A_1020] : memref<160x128xi32, #tpu.memory_space<vmem>> -> memref<1x128xi32, #tpu.memory_space<vmem>>
        %dma_wait3A_1022 = tpu.memref_squeeze %dma_wait3A_1021 : memref<1x128xi32, #tpu.memory_space<vmem>> -> memref<128xi32, #tpu.memory_space<vmem>>
        %dma_wait3A_1023 = arith.constant 0 : i32
        %dma_wait3A_1024 = arith.constant 0 : i32
        %dma_wait3A_1025 = tpu.memref_slice %arg9[%dma_wait3A_1023, %dma_wait3A_1024] : memref<10240x32xf32, #tpu.memory_space<vmem_shared>> -> memref<10240x32xf32, #tpu.memory_space<vmem_shared>>
        tpu.wait_indirect_dma semaphore(%arg13 : memref<!tpu.dma_semaphore, #tpu.memory_space<semaphore_mem>>) src(%dma_wait3A_1019 : memref<128x32xf32, #tpu.memory_space<vmem>>) dst(%dma_wait3A_1025 : memref<10240x32xf32, #tpu.memory_space<vmem_shared>>)
        %mul3A_1026 = arith.constant 8 : i32
        %mul3A_1027 = arith.muli %sub3A_935, %mul3A_1026 : i32
        %add3A_1028 = arith.constant 6 : i32
        %add3A_1029 = arith.addi %mul3A_1027, %add3A_1028 : i32
        %dma_wait3A_1030 = arith.constant 14 : i32
        %dma_wait3A_1031 = arith.constant 0 : i32
        %dma_wait3A_1032 = arith.constant 0 : i32
        %dma_wait3A_1033 = tpu.memref_slice %arg8[%dma_wait3A_1030, %dma_wait3A_1031, %dma_wait3A_1032] : memref<16x128x32xf32, #tpu.memory_space<vmem>> -> memref<1x128x32xf32, #tpu.memory_space<vmem>>
        %dma_wait3A_1034 = tpu.memref_squeeze %dma_wait3A_1033 : memref<1x128x32xf32, #tpu.memory_space<vmem>> -> memref<128x32xf32, #tpu.memory_space<vmem>>
        %dma_wait3A_1035 = arith.constant 0 : i32
        %dma_wait3A_1036 = tpu.memref_slice %arg7[%add3A_1029, %dma_wait3A_1035] : memref<160x128xi32, #tpu.memory_space<vmem>> -> memref<1x128xi32, #tpu.memory_space<vmem>>
        %dma_wait3A_1037 = tpu.memref_squeeze %dma_wait3A_1036 : memref<1x128xi32, #tpu.memory_space<vmem>> -> memref<128xi32, #tpu.memory_space<vmem>>
        %dma_wait3A_1038 = arith.constant 0 : i32
        %dma_wait3A_1039 = arith.constant 0 : i32
        %dma_wait3A_1040 = tpu.memref_slice %arg9[%dma_wait3A_1038, %dma_wait3A_1039] : memref<10240x32xf32, #tpu.memory_space<vmem_shared>> -> memref<10240x32xf32, #tpu.memory_space<vmem_shared>>
        tpu.wait_indirect_dma semaphore(%arg13 : memref<!tpu.dma_semaphore, #tpu.memory_space<semaphore_mem>>) src(%dma_wait3A_1034 : memref<128x32xf32, #tpu.memory_space<vmem>>) dst(%dma_wait3A_1040 : memref<10240x32xf32, #tpu.memory_space<vmem_shared>>)
        %mul3A_1041 = arith.constant 8 : i32
        %mul3A_1042 = arith.muli %sub3A_935, %mul3A_1041 : i32
        %add3A_1043 = arith.constant 7 : i32
        %add3A_1044 = arith.addi %mul3A_1042, %add3A_1043 : i32
        %dma_wait3A_1045 = arith.constant 15 : i32
        %dma_wait3A_1046 = arith.constant 0 : i32
        %dma_wait3A_1047 = arith.constant 0 : i32
        %dma_wait3A_1048 = tpu.memref_slice %arg8[%dma_wait3A_1045, %dma_wait3A_1046, %dma_wait3A_1047] : memref<16x128x32xf32, #tpu.memory_space<vmem>> -> memref<1x128x32xf32, #tpu.memory_space<vmem>>
        %dma_wait3A_1049 = tpu.memref_squeeze %dma_wait3A_1048 : memref<1x128x32xf32, #tpu.memory_space<vmem>> -> memref<128x32xf32, #tpu.memory_space<vmem>>
        %dma_wait3A_1050 = arith.constant 0 : i32
        %dma_wait3A_1051 = tpu.memref_slice %arg7[%add3A_1044, %dma_wait3A_1050] : memref<160x128xi32, #tpu.memory_space<vmem>> -> memref<1x128xi32, #tpu.memory_space<vmem>>
        %dma_wait3A_1052 = tpu.memref_squeeze %dma_wait3A_1051 : memref<1x128xi32, #tpu.memory_space<vmem>> -> memref<128xi32, #tpu.memory_space<vmem>>
        %dma_wait3A_1053 = arith.constant 0 : i32
        %dma_wait3A_1054 = arith.constant 0 : i32
        %dma_wait3A_1055 = tpu.memref_slice %arg9[%dma_wait3A_1053, %dma_wait3A_1054] : memref<10240x32xf32, #tpu.memory_space<vmem_shared>> -> memref<10240x32xf32, #tpu.memory_space<vmem_shared>>
        tpu.wait_indirect_dma semaphore(%arg13 : memref<!tpu.dma_semaphore, #tpu.memory_space<semaphore_mem>>) src(%dma_wait3A_1049 : memref<128x32xf32, #tpu.memory_space<vmem>>) dst(%dma_wait3A_1055 : memref<10240x32xf32, #tpu.memory_space<vmem_shared>>)
      } else {
      }
      %mul3A_450 = arith.constant 8 : i32
      %mul3A_451 = arith.muli %add3A_207, %mul3A_450 : i32
      %add3A_452 = arith.constant 0 : i32
      %add3A_453 = arith.addi %mul3A_451, %add3A_452 : i32
      %dma_start3A_454 = arith.constant 8 : i32
      %dma_start3A_455 = arith.constant 0 : i32
      %dma_start3A_456 = arith.constant 0 : i32
      %dma_start3A_457 = tpu.memref_slice %arg8[%dma_start3A_454, %dma_start3A_455, %dma_start3A_456] : memref<16x128x32xf32, #tpu.memory_space<vmem>> -> memref<1x128x32xf32, #tpu.memory_space<vmem>>
      %dma_start3A_458 = tpu.memref_squeeze %dma_start3A_457 : memref<1x128x32xf32, #tpu.memory_space<vmem>> -> memref<128x32xf32, #tpu.memory_space<vmem>>
      %dma_start3A_459 = arith.constant 0 : i32
      %dma_start3A_460 = tpu.memref_slice %arg6[%add3A_453, %dma_start3A_459] : memref<160x128xi32, #tpu.memory_space<vmem>> -> memref<1x128xi32, #tpu.memory_space<vmem>>
      %dma_start3A_461 = tpu.memref_squeeze %dma_start3A_460 : memref<1x128xi32, #tpu.memory_space<vmem>> -> memref<128xi32, #tpu.memory_space<vmem>>
      %dma_start3A_462 = arith.constant 0 : i32
      %dma_start3A_463 = arith.constant 0 : i32
      %dma_start3A_464 = tpu.memref_slice %arg2[%dma_start3A_462, %dma_start3A_463] : memref<20480x32xf32, #tpu.memory_space<hbm>> -> memref<20480x32xf32, #tpu.memory_space<hbm>>
      tpu.enqueue_indirect_dma source(%dma_start3A_464 : memref<20480x32xf32, #tpu.memory_space<hbm>>) target(%dma_start3A_458 : memref<128x32xf32, #tpu.memory_space<vmem>>) offsets(%dma_start3A_461 : memref<128xi32, #tpu.memory_space<vmem>>) semaphore(%arg11 : memref<!tpu.dma_semaphore, #tpu.memory_space<semaphore_mem>>)
      %mul3A_465 = arith.constant 8 : i32
      %mul3A_466 = arith.muli %add3A_207, %mul3A_465 : i32
      %add3A_467 = arith.constant 1 : i32
      %add3A_468 = arith.addi %mul3A_466, %add3A_467 : i32
      %dma_start3A_469 = arith.constant 9 : i32
      %dma_start3A_470 = arith.constant 0 : i32
      %dma_start3A_471 = arith.constant 0 : i32
      %dma_start3A_472 = tpu.memref_slice %arg8[%dma_start3A_469, %dma_start3A_470, %dma_start3A_471] : memref<16x128x32xf32, #tpu.memory_space<vmem>> -> memref<1x128x32xf32, #tpu.memory_space<vmem>>
      %dma_start3A_473 = tpu.memref_squeeze %dma_start3A_472 : memref<1x128x32xf32, #tpu.memory_space<vmem>> -> memref<128x32xf32, #tpu.memory_space<vmem>>
      %dma_start3A_474 = arith.constant 0 : i32
      %dma_start3A_475 = tpu.memref_slice %arg6[%add3A_468, %dma_start3A_474] : memref<160x128xi32, #tpu.memory_space<vmem>> -> memref<1x128xi32, #tpu.memory_space<vmem>>
      %dma_start3A_476 = tpu.memref_squeeze %dma_start3A_475 : memref<1x128xi32, #tpu.memory_space<vmem>> -> memref<128xi32, #tpu.memory_space<vmem>>
      %dma_start3A_477 = arith.constant 0 : i32
      %dma_start3A_478 = arith.constant 0 : i32
      %dma_start3A_479 = tpu.memref_slice %arg2[%dma_start3A_477, %dma_start3A_478] : memref<20480x32xf32, #tpu.memory_space<hbm>> -> memref<20480x32xf32, #tpu.memory_space<hbm>>
      tpu.enqueue_indirect_dma source(%dma_start3A_479 : memref<20480x32xf32, #tpu.memory_space<hbm>>) target(%dma_start3A_473 : memref<128x32xf32, #tpu.memory_space<vmem>>) offsets(%dma_start3A_476 : memref<128xi32, #tpu.memory_space<vmem>>) semaphore(%arg11 : memref<!tpu.dma_semaphore, #tpu.memory_space<semaphore_mem>>)
      %mul3A_480 = arith.constant 8 : i32
      %mul3A_481 = arith.muli %add3A_207, %mul3A_480 : i32
      %add3A_482 = arith.constant 2 : i32
      %add3A_483 = arith.addi %mul3A_481, %add3A_482 : i32
      %dma_start3A_484 = arith.constant 10 : i32
      %dma_start3A_485 = arith.constant 0 : i32
      %dma_start3A_486 = arith.constant 0 : i32
      %dma_start3A_487 = tpu.memref_slice %arg8[%dma_start3A_484, %dma_start3A_485, %dma_start3A_486] : memref<16x128x32xf32, #tpu.memory_space<vmem>> -> memref<1x128x32xf32, #tpu.memory_space<vmem>>
      %dma_start3A_488 = tpu.memref_squeeze %dma_start3A_487 : memref<1x128x32xf32, #tpu.memory_space<vmem>> -> memref<128x32xf32, #tpu.memory_space<vmem>>
      %dma_start3A_489 = arith.constant 0 : i32
      %dma_start3A_490 = tpu.memref_slice %arg6[%add3A_483, %dma_start3A_489] : memref<160x128xi32, #tpu.memory_space<vmem>> -> memref<1x128xi32, #tpu.memory_space<vmem>>
      %dma_start3A_491 = tpu.memref_squeeze %dma_start3A_490 : memref<1x128xi32, #tpu.memory_space<vmem>> -> memref<128xi32, #tpu.memory_space<vmem>>
      %dma_start3A_492 = arith.constant 0 : i32
      %dma_start3A_493 = arith.constant 0 : i32
      %dma_start3A_494 = tpu.memref_slice %arg2[%dma_start3A_492, %dma_start3A_493] : memref<20480x32xf32, #tpu.memory_space<hbm>> -> memref<20480x32xf32, #tpu.memory_space<hbm>>
      tpu.enqueue_indirect_dma source(%dma_start3A_494 : memref<20480x32xf32, #tpu.memory_space<hbm>>) target(%dma_start3A_488 : memref<128x32xf32, #tpu.memory_space<vmem>>) offsets(%dma_start3A_491 : memref<128xi32, #tpu.memory_space<vmem>>) semaphore(%arg11 : memref<!tpu.dma_semaphore, #tpu.memory_space<semaphore_mem>>)
      %mul3A_495 = arith.constant 8 : i32
      %mul3A_496 = arith.muli %add3A_207, %mul3A_495 : i32
      %add3A_497 = arith.constant 3 : i32
      %add3A_498 = arith.addi %mul3A_496, %add3A_497 : i32
      %dma_start3A_499 = arith.constant 11 : i32
      %dma_start3A_500 = arith.constant 0 : i32
      %dma_start3A_501 = arith.constant 0 : i32
      %dma_start3A_502 = tpu.memref_slice %arg8[%dma_start3A_499, %dma_start3A_500, %dma_start3A_501] : memref<16x128x32xf32, #tpu.memory_space<vmem>> -> memref<1x128x32xf32, #tpu.memory_space<vmem>>
      %dma_start3A_503 = tpu.memref_squeeze %dma_start3A_502 : memref<1x128x32xf32, #tpu.memory_space<vmem>> -> memref<128x32xf32, #tpu.memory_space<vmem>>
      %dma_start3A_504 = arith.constant 0 : i32
      %dma_start3A_505 = tpu.memref_slice %arg6[%add3A_498, %dma_start3A_504] : memref<160x128xi32, #tpu.memory_space<vmem>> -> memref<1x128xi32, #tpu.memory_space<vmem>>
      %dma_start3A_506 = tpu.memref_squeeze %dma_start3A_505 : memref<1x128xi32, #tpu.memory_space<vmem>> -> memref<128xi32, #tpu.memory_space<vmem>>
      %dma_start3A_507 = arith.constant 0 : i32
      %dma_start3A_508 = arith.constant 0 : i32
      %dma_start3A_509 = tpu.memref_slice %arg2[%dma_start3A_507, %dma_start3A_508] : memref<20480x32xf32, #tpu.memory_space<hbm>> -> memref<20480x32xf32, #tpu.memory_space<hbm>>
      tpu.enqueue_indirect_dma source(%dma_start3A_509 : memref<20480x32xf32, #tpu.memory_space<hbm>>) target(%dma_start3A_503 : memref<128x32xf32, #tpu.memory_space<vmem>>) offsets(%dma_start3A_506 : memref<128xi32, #tpu.memory_space<vmem>>) semaphore(%arg11 : memref<!tpu.dma_semaphore, #tpu.memory_space<semaphore_mem>>)
      %mul3A_510 = arith.constant 8 : i32
      %mul3A_511 = arith.muli %add3A_207, %mul3A_510 : i32
      %add3A_512 = arith.constant 4 : i32
      %add3A_513 = arith.addi %mul3A_511, %add3A_512 : i32
      %dma_start3A_514 = arith.constant 12 : i32
      %dma_start3A_515 = arith.constant 0 : i32
      %dma_start3A_516 = arith.constant 0 : i32
      %dma_start3A_517 = tpu.memref_slice %arg8[%dma_start3A_514, %dma_start3A_515, %dma_start3A_516] : memref<16x128x32xf32, #tpu.memory_space<vmem>> -> memref<1x128x32xf32, #tpu.memory_space<vmem>>
      %dma_start3A_518 = tpu.memref_squeeze %dma_start3A_517 : memref<1x128x32xf32, #tpu.memory_space<vmem>> -> memref<128x32xf32, #tpu.memory_space<vmem>>
      %dma_start3A_519 = arith.constant 0 : i32
      %dma_start3A_520 = tpu.memref_slice %arg6[%add3A_513, %dma_start3A_519] : memref<160x128xi32, #tpu.memory_space<vmem>> -> memref<1x128xi32, #tpu.memory_space<vmem>>
      %dma_start3A_521 = tpu.memref_squeeze %dma_start3A_520 : memref<1x128xi32, #tpu.memory_space<vmem>> -> memref<128xi32, #tpu.memory_space<vmem>>
      %dma_start3A_522 = arith.constant 0 : i32
      %dma_start3A_523 = arith.constant 0 : i32
      %dma_start3A_524 = tpu.memref_slice %arg2[%dma_start3A_522, %dma_start3A_523] : memref<20480x32xf32, #tpu.memory_space<hbm>> -> memref<20480x32xf32, #tpu.memory_space<hbm>>
      tpu.enqueue_indirect_dma source(%dma_start3A_524 : memref<20480x32xf32, #tpu.memory_space<hbm>>) target(%dma_start3A_518 : memref<128x32xf32, #tpu.memory_space<vmem>>) offsets(%dma_start3A_521 : memref<128xi32, #tpu.memory_space<vmem>>) semaphore(%arg11 : memref<!tpu.dma_semaphore, #tpu.memory_space<semaphore_mem>>)
      %mul3A_525 = arith.constant 8 : i32
      %mul3A_526 = arith.muli %add3A_207, %mul3A_525 : i32
      %add3A_527 = arith.constant 5 : i32
      %add3A_528 = arith.addi %mul3A_526, %add3A_527 : i32
      %dma_start3A_529 = arith.constant 13 : i32
      %dma_start3A_530 = arith.constant 0 : i32
      %dma_start3A_531 = arith.constant 0 : i32
      %dma_start3A_532 = tpu.memref_slice %arg8[%dma_start3A_529, %dma_start3A_530, %dma_start3A_531] : memref<16x128x32xf32, #tpu.memory_space<vmem>> -> memref<1x128x32xf32, #tpu.memory_space<vmem>>
      %dma_start3A_533 = tpu.memref_squeeze %dma_start3A_532 : memref<1x128x32xf32, #tpu.memory_space<vmem>> -> memref<128x32xf32, #tpu.memory_space<vmem>>
      %dma_start3A_534 = arith.constant 0 : i32
      %dma_start3A_535 = tpu.memref_slice %arg6[%add3A_528, %dma_start3A_534] : memref<160x128xi32, #tpu.memory_space<vmem>> -> memref<1x128xi32, #tpu.memory_space<vmem>>
      %dma_start3A_536 = tpu.memref_squeeze %dma_start3A_535 : memref<1x128xi32, #tpu.memory_space<vmem>> -> memref<128xi32, #tpu.memory_space<vmem>>
      %dma_start3A_537 = arith.constant 0 : i32
      %dma_start3A_538 = arith.constant 0 : i32
      %dma_start3A_539 = tpu.memref_slice %arg2[%dma_start3A_537, %dma_start3A_538] : memref<20480x32xf32, #tpu.memory_space<hbm>> -> memref<20480x32xf32, #tpu.memory_space<hbm>>
      tpu.enqueue_indirect_dma source(%dma_start3A_539 : memref<20480x32xf32, #tpu.memory_space<hbm>>) target(%dma_start3A_533 : memref<128x32xf32, #tpu.memory_space<vmem>>) offsets(%dma_start3A_536 : memref<128xi32, #tpu.memory_space<vmem>>) semaphore(%arg11 : memref<!tpu.dma_semaphore, #tpu.memory_space<semaphore_mem>>)
      %mul3A_540 = arith.constant 8 : i32
      %mul3A_541 = arith.muli %add3A_207, %mul3A_540 : i32
      %add3A_542 = arith.constant 6 : i32
      %add3A_543 = arith.addi %mul3A_541, %add3A_542 : i32
      %dma_start3A_544 = arith.constant 14 : i32
      %dma_start3A_545 = arith.constant 0 : i32
      %dma_start3A_546 = arith.constant 0 : i32
      %dma_start3A_547 = tpu.memref_slice %arg8[%dma_start3A_544, %dma_start3A_545, %dma_start3A_546] : memref<16x128x32xf32, #tpu.memory_space<vmem>> -> memref<1x128x32xf32, #tpu.memory_space<vmem>>
      %dma_start3A_548 = tpu.memref_squeeze %dma_start3A_547 : memref<1x128x32xf32, #tpu.memory_space<vmem>> -> memref<128x32xf32, #tpu.memory_space<vmem>>
      %dma_start3A_549 = arith.constant 0 : i32
      %dma_start3A_550 = tpu.memref_slice %arg6[%add3A_543, %dma_start3A_549] : memref<160x128xi32, #tpu.memory_space<vmem>> -> memref<1x128xi32, #tpu.memory_space<vmem>>
      %dma_start3A_551 = tpu.memref_squeeze %dma_start3A_550 : memref<1x128xi32, #tpu.memory_space<vmem>> -> memref<128xi32, #tpu.memory_space<vmem>>
      %dma_start3A_552 = arith.constant 0 : i32
      %dma_start3A_553 = arith.constant 0 : i32
      %dma_start3A_554 = tpu.memref_slice %arg2[%dma_start3A_552, %dma_start3A_553] : memref<20480x32xf32, #tpu.memory_space<hbm>> -> memref<20480x32xf32, #tpu.memory_space<hbm>>
      tpu.enqueue_indirect_dma source(%dma_start3A_554 : memref<20480x32xf32, #tpu.memory_space<hbm>>) target(%dma_start3A_548 : memref<128x32xf32, #tpu.memory_space<vmem>>) offsets(%dma_start3A_551 : memref<128xi32, #tpu.memory_space<vmem>>) semaphore(%arg11 : memref<!tpu.dma_semaphore, #tpu.memory_space<semaphore_mem>>)
      %mul3A_555 = arith.constant 8 : i32
      %mul3A_556 = arith.muli %add3A_207, %mul3A_555 : i32
      %add3A_557 = arith.constant 7 : i32
      %add3A_558 = arith.addi %mul3A_556, %add3A_557 : i32
      %dma_start3A_559 = arith.constant 15 : i32
      %dma_start3A_560 = arith.constant 0 : i32
      %dma_start3A_561 = arith.constant 0 : i32
      %dma_start3A_562 = tpu.memref_slice %arg8[%dma_start3A_559, %dma_start3A_560, %dma_start3A_561] : memref<16x128x32xf32, #tpu.memory_space<vmem>> -> memref<1x128x32xf32, #tpu.memory_space<vmem>>
      %dma_start3A_563 = tpu.memref_squeeze %dma_start3A_562 : memref<1x128x32xf32, #tpu.memory_space<vmem>> -> memref<128x32xf32, #tpu.memory_space<vmem>>
      %dma_start3A_564 = arith.constant 0 : i32
      %dma_start3A_565 = tpu.memref_slice %arg6[%add3A_558, %dma_start3A_564] : memref<160x128xi32, #tpu.memory_space<vmem>> -> memref<1x128xi32, #tpu.memory_space<vmem>>
      %dma_start3A_566 = tpu.memref_squeeze %dma_start3A_565 : memref<1x128xi32, #tpu.memory_space<vmem>> -> memref<128xi32, #tpu.memory_space<vmem>>
      %dma_start3A_567 = arith.constant 0 : i32
      %dma_start3A_568 = arith.constant 0 : i32
      %dma_start3A_569 = tpu.memref_slice %arg2[%dma_start3A_567, %dma_start3A_568] : memref<20480x32xf32, #tpu.memory_space<hbm>> -> memref<20480x32xf32, #tpu.memory_space<hbm>>
      tpu.enqueue_indirect_dma source(%dma_start3A_569 : memref<20480x32xf32, #tpu.memory_space<hbm>>) target(%dma_start3A_563 : memref<128x32xf32, #tpu.memory_space<vmem>>) offsets(%dma_start3A_566 : memref<128xi32, #tpu.memory_space<vmem>>) semaphore(%arg11 : memref<!tpu.dma_semaphore, #tpu.memory_space<semaphore_mem>>)
      %mul3A_570 = arith.constant 8 : i32
      %mul3A_571 = arith.muli %add3A_207, %mul3A_570 : i32
      %add3A_572 = arith.constant 0 : i32
      %add3A_573 = arith.addi %mul3A_571, %add3A_572 : i32
      %dma_wait3A_574 = arith.constant 8 : i32
      %dma_wait3A_575 = arith.constant 0 : i32
      %dma_wait3A_576 = arith.constant 0 : i32
      %dma_wait3A_577 = tpu.memref_slice %arg8[%dma_wait3A_574, %dma_wait3A_575, %dma_wait3A_576] : memref<16x128x32xf32, #tpu.memory_space<vmem>> -> memref<1x128x32xf32, #tpu.memory_space<vmem>>
      %dma_wait3A_578 = tpu.memref_squeeze %dma_wait3A_577 : memref<1x128x32xf32, #tpu.memory_space<vmem>> -> memref<128x32xf32, #tpu.memory_space<vmem>>
      %dma_wait3A_579 = arith.constant 0 : i32
      %dma_wait3A_580 = tpu.memref_slice %arg6[%add3A_573, %dma_wait3A_579] : memref<160x128xi32, #tpu.memory_space<vmem>> -> memref<1x128xi32, #tpu.memory_space<vmem>>
      %dma_wait3A_581 = tpu.memref_squeeze %dma_wait3A_580 : memref<1x128xi32, #tpu.memory_space<vmem>> -> memref<128xi32, #tpu.memory_space<vmem>>
      %dma_wait3A_582 = arith.constant 0 : i32
      %dma_wait3A_583 = arith.constant 0 : i32
      %dma_wait3A_584 = tpu.memref_slice %arg2[%dma_wait3A_582, %dma_wait3A_583] : memref<20480x32xf32, #tpu.memory_space<hbm>> -> memref<20480x32xf32, #tpu.memory_space<hbm>>
      tpu.wait_indirect_dma semaphore(%arg11 : memref<!tpu.dma_semaphore, #tpu.memory_space<semaphore_mem>>) src(%dma_wait3A_584 : memref<20480x32xf32, #tpu.memory_space<hbm>>) dst(%dma_wait3A_578 : memref<128x32xf32, #tpu.memory_space<vmem>>)
      %mul3A_585 = arith.constant 8 : i32
      %mul3A_586 = arith.muli %add3A_207, %mul3A_585 : i32
      %add3A_587 = arith.constant 1 : i32
      %add3A_588 = arith.addi %mul3A_586, %add3A_587 : i32
      %dma_wait3A_589 = arith.constant 9 : i32
      %dma_wait3A_590 = arith.constant 0 : i32
      %dma_wait3A_591 = arith.constant 0 : i32
      %dma_wait3A_592 = tpu.memref_slice %arg8[%dma_wait3A_589, %dma_wait3A_590, %dma_wait3A_591] : memref<16x128x32xf32, #tpu.memory_space<vmem>> -> memref<1x128x32xf32, #tpu.memory_space<vmem>>
      %dma_wait3A_593 = tpu.memref_squeeze %dma_wait3A_592 : memref<1x128x32xf32, #tpu.memory_space<vmem>> -> memref<128x32xf32, #tpu.memory_space<vmem>>
      %dma_wait3A_594 = arith.constant 0 : i32
      %dma_wait3A_595 = tpu.memref_slice %arg6[%add3A_588, %dma_wait3A_594] : memref<160x128xi32, #tpu.memory_space<vmem>> -> memref<1x128xi32, #tpu.memory_space<vmem>>
      %dma_wait3A_596 = tpu.memref_squeeze %dma_wait3A_595 : memref<1x128xi32, #tpu.memory_space<vmem>> -> memref<128xi32, #tpu.memory_space<vmem>>
      %dma_wait3A_597 = arith.constant 0 : i32
      %dma_wait3A_598 = arith.constant 0 : i32
      %dma_wait3A_599 = tpu.memref_slice %arg2[%dma_wait3A_597, %dma_wait3A_598] : memref<20480x32xf32, #tpu.memory_space<hbm>> -> memref<20480x32xf32, #tpu.memory_space<hbm>>
      tpu.wait_indirect_dma semaphore(%arg11 : memref<!tpu.dma_semaphore, #tpu.memory_space<semaphore_mem>>) src(%dma_wait3A_599 : memref<20480x32xf32, #tpu.memory_space<hbm>>) dst(%dma_wait3A_593 : memref<128x32xf32, #tpu.memory_space<vmem>>)
      %mul3A_600 = arith.constant 8 : i32
      %mul3A_601 = arith.muli %add3A_207, %mul3A_600 : i32
      %add3A_602 = arith.constant 2 : i32
      %add3A_603 = arith.addi %mul3A_601, %add3A_602 : i32
      %dma_wait3A_604 = arith.constant 10 : i32
      %dma_wait3A_605 = arith.constant 0 : i32
      %dma_wait3A_606 = arith.constant 0 : i32
      %dma_wait3A_607 = tpu.memref_slice %arg8[%dma_wait3A_604, %dma_wait3A_605, %dma_wait3A_606] : memref<16x128x32xf32, #tpu.memory_space<vmem>> -> memref<1x128x32xf32, #tpu.memory_space<vmem>>
      %dma_wait3A_608 = tpu.memref_squeeze %dma_wait3A_607 : memref<1x128x32xf32, #tpu.memory_space<vmem>> -> memref<128x32xf32, #tpu.memory_space<vmem>>
      %dma_wait3A_609 = arith.constant 0 : i32
      %dma_wait3A_610 = tpu.memref_slice %arg6[%add3A_603, %dma_wait3A_609] : memref<160x128xi32, #tpu.memory_space<vmem>> -> memref<1x128xi32, #tpu.memory_space<vmem>>
      %dma_wait3A_611 = tpu.memref_squeeze %dma_wait3A_610 : memref<1x128xi32, #tpu.memory_space<vmem>> -> memref<128xi32, #tpu.memory_space<vmem>>
      %dma_wait3A_612 = arith.constant 0 : i32
      %dma_wait3A_613 = arith.constant 0 : i32
      %dma_wait3A_614 = tpu.memref_slice %arg2[%dma_wait3A_612, %dma_wait3A_613] : memref<20480x32xf32, #tpu.memory_space<hbm>> -> memref<20480x32xf32, #tpu.memory_space<hbm>>
      tpu.wait_indirect_dma semaphore(%arg11 : memref<!tpu.dma_semaphore, #tpu.memory_space<semaphore_mem>>) src(%dma_wait3A_614 : memref<20480x32xf32, #tpu.memory_space<hbm>>) dst(%dma_wait3A_608 : memref<128x32xf32, #tpu.memory_space<vmem>>)
      %mul3A_615 = arith.constant 8 : i32
      %mul3A_616 = arith.muli %add3A_207, %mul3A_615 : i32
      %add3A_617 = arith.constant 3 : i32
      %add3A_618 = arith.addi %mul3A_616, %add3A_617 : i32
      %dma_wait3A_619 = arith.constant 11 : i32
      %dma_wait3A_620 = arith.constant 0 : i32
      %dma_wait3A_621 = arith.constant 0 : i32
      %dma_wait3A_622 = tpu.memref_slice %arg8[%dma_wait3A_619, %dma_wait3A_620, %dma_wait3A_621] : memref<16x128x32xf32, #tpu.memory_space<vmem>> -> memref<1x128x32xf32, #tpu.memory_space<vmem>>
      %dma_wait3A_623 = tpu.memref_squeeze %dma_wait3A_622 : memref<1x128x32xf32, #tpu.memory_space<vmem>> -> memref<128x32xf32, #tpu.memory_space<vmem>>
      %dma_wait3A_624 = arith.constant 0 : i32
      %dma_wait3A_625 = tpu.memref_slice %arg6[%add3A_618, %dma_wait3A_624] : memref<160x128xi32, #tpu.memory_space<vmem>> -> memref<1x128xi32, #tpu.memory_space<vmem>>
      %dma_wait3A_626 = tpu.memref_squeeze %dma_wait3A_625 : memref<1x128xi32, #tpu.memory_space<vmem>> -> memref<128xi32, #tpu.memory_space<vmem>>
      %dma_wait3A_627 = arith.constant 0 : i32
      %dma_wait3A_628 = arith.constant 0 : i32
      %dma_wait3A_629 = tpu.memref_slice %arg2[%dma_wait3A_627, %dma_wait3A_628] : memref<20480x32xf32, #tpu.memory_space<hbm>> -> memref<20480x32xf32, #tpu.memory_space<hbm>>
      tpu.wait_indirect_dma semaphore(%arg11 : memref<!tpu.dma_semaphore, #tpu.memory_space<semaphore_mem>>) src(%dma_wait3A_629 : memref<20480x32xf32, #tpu.memory_space<hbm>>) dst(%dma_wait3A_623 : memref<128x32xf32, #tpu.memory_space<vmem>>)
      %mul3A_630 = arith.constant 8 : i32
      %mul3A_631 = arith.muli %add3A_207, %mul3A_630 : i32
      %add3A_632 = arith.constant 4 : i32
      %add3A_633 = arith.addi %mul3A_631, %add3A_632 : i32
      %dma_wait3A_634 = arith.constant 12 : i32
      %dma_wait3A_635 = arith.constant 0 : i32
      %dma_wait3A_636 = arith.constant 0 : i32
      %dma_wait3A_637 = tpu.memref_slice %arg8[%dma_wait3A_634, %dma_wait3A_635, %dma_wait3A_636] : memref<16x128x32xf32, #tpu.memory_space<vmem>> -> memref<1x128x32xf32, #tpu.memory_space<vmem>>
      %dma_wait3A_638 = tpu.memref_squeeze %dma_wait3A_637 : memref<1x128x32xf32, #tpu.memory_space<vmem>> -> memref<128x32xf32, #tpu.memory_space<vmem>>
      %dma_wait3A_639 = arith.constant 0 : i32
      %dma_wait3A_640 = tpu.memref_slice %arg6[%add3A_633, %dma_wait3A_639] : memref<160x128xi32, #tpu.memory_space<vmem>> -> memref<1x128xi32, #tpu.memory_space<vmem>>
      %dma_wait3A_641 = tpu.memref_squeeze %dma_wait3A_640 : memref<1x128xi32, #tpu.memory_space<vmem>> -> memref<128xi32, #tpu.memory_space<vmem>>
      %dma_wait3A_642 = arith.constant 0 : i32
      %dma_wait3A_643 = arith.constant 0 : i32
      %dma_wait3A_644 = tpu.memref_slice %arg2[%dma_wait3A_642, %dma_wait3A_643] : memref<20480x32xf32, #tpu.memory_space<hbm>> -> memref<20480x32xf32, #tpu.memory_space<hbm>>
      tpu.wait_indirect_dma semaphore(%arg11 : memref<!tpu.dma_semaphore, #tpu.memory_space<semaphore_mem>>) src(%dma_wait3A_644 : memref<20480x32xf32, #tpu.memory_space<hbm>>) dst(%dma_wait3A_638 : memref<128x32xf32, #tpu.memory_space<vmem>>)
      %mul3A_645 = arith.constant 8 : i32
      %mul3A_646 = arith.muli %add3A_207, %mul3A_645 : i32
      %add3A_647 = arith.constant 5 : i32
      %add3A_648 = arith.addi %mul3A_646, %add3A_647 : i32
      %dma_wait3A_649 = arith.constant 13 : i32
      %dma_wait3A_650 = arith.constant 0 : i32
      %dma_wait3A_651 = arith.constant 0 : i32
      %dma_wait3A_652 = tpu.memref_slice %arg8[%dma_wait3A_649, %dma_wait3A_650, %dma_wait3A_651] : memref<16x128x32xf32, #tpu.memory_space<vmem>> -> memref<1x128x32xf32, #tpu.memory_space<vmem>>
      %dma_wait3A_653 = tpu.memref_squeeze %dma_wait3A_652 : memref<1x128x32xf32, #tpu.memory_space<vmem>> -> memref<128x32xf32, #tpu.memory_space<vmem>>
      %dma_wait3A_654 = arith.constant 0 : i32
      %dma_wait3A_655 = tpu.memref_slice %arg6[%add3A_648, %dma_wait3A_654] : memref<160x128xi32, #tpu.memory_space<vmem>> -> memref<1x128xi32, #tpu.memory_space<vmem>>
      %dma_wait3A_656 = tpu.memref_squeeze %dma_wait3A_655 : memref<1x128xi32, #tpu.memory_space<vmem>> -> memref<128xi32, #tpu.memory_space<vmem>>
      %dma_wait3A_657 = arith.constant 0 : i32
      %dma_wait3A_658 = arith.constant 0 : i32
      %dma_wait3A_659 = tpu.memref_slice %arg2[%dma_wait3A_657, %dma_wait3A_658] : memref<20480x32xf32, #tpu.memory_space<hbm>> -> memref<20480x32xf32, #tpu.memory_space<hbm>>
      tpu.wait_indirect_dma semaphore(%arg11 : memref<!tpu.dma_semaphore, #tpu.memory_space<semaphore_mem>>) src(%dma_wait3A_659 : memref<20480x32xf32, #tpu.memory_space<hbm>>) dst(%dma_wait3A_653 : memref<128x32xf32, #tpu.memory_space<vmem>>)
      %mul3A_660 = arith.constant 8 : i32
      %mul3A_661 = arith.muli %add3A_207, %mul3A_660 : i32
      %add3A_662 = arith.constant 6 : i32
      %add3A_663 = arith.addi %mul3A_661, %add3A_662 : i32
      %dma_wait3A_664 = arith.constant 14 : i32
      %dma_wait3A_665 = arith.constant 0 : i32
      %dma_wait3A_666 = arith.constant 0 : i32
      %dma_wait3A_667 = tpu.memref_slice %arg8[%dma_wait3A_664, %dma_wait3A_665, %dma_wait3A_666] : memref<16x128x32xf32, #tpu.memory_space<vmem>> -> memref<1x128x32xf32, #tpu.memory_space<vmem>>
      %dma_wait3A_668 = tpu.memref_squeeze %dma_wait3A_667 : memref<1x128x32xf32, #tpu.memory_space<vmem>> -> memref<128x32xf32, #tpu.memory_space<vmem>>
      %dma_wait3A_669 = arith.constant 0 : i32
      %dma_wait3A_670 = tpu.memref_slice %arg6[%add3A_663, %dma_wait3A_669] : memref<160x128xi32, #tpu.memory_space<vmem>> -> memref<1x128xi32, #tpu.memory_space<vmem>>
      %dma_wait3A_671 = tpu.memref_squeeze %dma_wait3A_670 : memref<1x128xi32, #tpu.memory_space<vmem>> -> memref<128xi32, #tpu.memory_space<vmem>>
      %dma_wait3A_672 = arith.constant 0 : i32
      %dma_wait3A_673 = arith.constant 0 : i32
      %dma_wait3A_674 = tpu.memref_slice %arg2[%dma_wait3A_672, %dma_wait3A_673] : memref<20480x32xf32, #tpu.memory_space<hbm>> -> memref<20480x32xf32, #tpu.memory_space<hbm>>
      tpu.wait_indirect_dma semaphore(%arg11 : memref<!tpu.dma_semaphore, #tpu.memory_space<semaphore_mem>>) src(%dma_wait3A_674 : memref<20480x32xf32, #tpu.memory_space<hbm>>) dst(%dma_wait3A_668 : memref<128x32xf32, #tpu.memory_space<vmem>>)
      %mul3A_675 = arith.constant 8 : i32
      %mul3A_676 = arith.muli %add3A_207, %mul3A_675 : i32
      %add3A_677 = arith.constant 7 : i32
      %add3A_678 = arith.addi %mul3A_676, %add3A_677 : i32
      %dma_wait3A_679 = arith.constant 15 : i32
      %dma_wait3A_680 = arith.constant 0 : i32
      %dma_wait3A_681 = arith.constant 0 : i32
      %dma_wait3A_682 = tpu.memref_slice %arg8[%dma_wait3A_679, %dma_wait3A_680, %dma_wait3A_681] : memref<16x128x32xf32, #tpu.memory_space<vmem>> -> memref<1x128x32xf32, #tpu.memory_space<vmem>>
      %dma_wait3A_683 = tpu.memref_squeeze %dma_wait3A_682 : memref<1x128x32xf32, #tpu.memory_space<vmem>> -> memref<128x32xf32, #tpu.memory_space<vmem>>
      %dma_wait3A_684 = arith.constant 0 : i32
      %dma_wait3A_685 = tpu.memref_slice %arg6[%add3A_678, %dma_wait3A_684] : memref<160x128xi32, #tpu.memory_space<vmem>> -> memref<1x128xi32, #tpu.memory_space<vmem>>
      %dma_wait3A_686 = tpu.memref_squeeze %dma_wait3A_685 : memref<1x128xi32, #tpu.memory_space<vmem>> -> memref<128xi32, #tpu.memory_space<vmem>>
      %dma_wait3A_687 = arith.constant 0 : i32
      %dma_wait3A_688 = arith.constant 0 : i32
      %dma_wait3A_689 = tpu.memref_slice %arg2[%dma_wait3A_687, %dma_wait3A_688] : memref<20480x32xf32, #tpu.memory_space<hbm>> -> memref<20480x32xf32, #tpu.memory_space<hbm>>
      tpu.wait_indirect_dma semaphore(%arg11 : memref<!tpu.dma_semaphore, #tpu.memory_space<semaphore_mem>>) src(%dma_wait3A_689 : memref<20480x32xf32, #tpu.memory_space<hbm>>) dst(%dma_wait3A_683 : memref<128x32xf32, #tpu.memory_space<vmem>>)
      %mul3A_690 = arith.constant 8 : i32
      %mul3A_691 = arith.muli %add3A_207, %mul3A_690 : i32
      %add3A_692 = arith.constant 0 : i32
      %add3A_693 = arith.addi %mul3A_691, %add3A_692 : i32
      %dma_start3A_694 = arith.constant 8 : i32
      %dma_start3A_695 = arith.constant 0 : i32
      %dma_start3A_696 = arith.constant 0 : i32
      %dma_start3A_697 = tpu.memref_slice %arg8[%dma_start3A_694, %dma_start3A_695, %dma_start3A_696] : memref<16x128x32xf32, #tpu.memory_space<vmem>> -> memref<1x128x32xf32, #tpu.memory_space<vmem>>
      %dma_start3A_698 = tpu.memref_squeeze %dma_start3A_697 : memref<1x128x32xf32, #tpu.memory_space<vmem>> -> memref<128x32xf32, #tpu.memory_space<vmem>>
      %dma_start3A_699 = arith.constant 0 : i32
      %dma_start3A_700 = tpu.memref_slice %arg7[%add3A_693, %dma_start3A_699] : memref<160x128xi32, #tpu.memory_space<vmem>> -> memref<1x128xi32, #tpu.memory_space<vmem>>
      %dma_start3A_701 = tpu.memref_squeeze %dma_start3A_700 : memref<1x128xi32, #tpu.memory_space<vmem>> -> memref<128xi32, #tpu.memory_space<vmem>>
      %dma_start3A_702 = arith.constant 0 : i32
      %dma_start3A_703 = arith.constant 0 : i32
      %dma_start3A_704 = tpu.memref_slice %arg9[%dma_start3A_702, %dma_start3A_703] : memref<10240x32xf32, #tpu.memory_space<vmem_shared>> -> memref<10240x32xf32, #tpu.memory_space<vmem_shared>>
      tpu.enqueue_indirect_dma source(%dma_start3A_698 : memref<128x32xf32, #tpu.memory_space<vmem>>) target(%dma_start3A_704 : memref<10240x32xf32, #tpu.memory_space<vmem_shared>>) offsets(%dma_start3A_701 : memref<128xi32, #tpu.memory_space<vmem>>) semaphore(%arg13 : memref<!tpu.dma_semaphore, #tpu.memory_space<semaphore_mem>>) {add = true}
      %mul3A_705 = arith.constant 8 : i32
      %mul3A_706 = arith.muli %add3A_207, %mul3A_705 : i32
      %add3A_707 = arith.constant 1 : i32
      %add3A_708 = arith.addi %mul3A_706, %add3A_707 : i32
      %dma_start3A_709 = arith.constant 9 : i32
      %dma_start3A_710 = arith.constant 0 : i32
      %dma_start3A_711 = arith.constant 0 : i32
      %dma_start3A_712 = tpu.memref_slice %arg8[%dma_start3A_709, %dma_start3A_710, %dma_start3A_711] : memref<16x128x32xf32, #tpu.memory_space<vmem>> -> memref<1x128x32xf32, #tpu.memory_space<vmem>>
      %dma_start3A_713 = tpu.memref_squeeze %dma_start3A_712 : memref<1x128x32xf32, #tpu.memory_space<vmem>> -> memref<128x32xf32, #tpu.memory_space<vmem>>
      %dma_start3A_714 = arith.constant 0 : i32
      %dma_start3A_715 = tpu.memref_slice %arg7[%add3A_708, %dma_start3A_714] : memref<160x128xi32, #tpu.memory_space<vmem>> -> memref<1x128xi32, #tpu.memory_space<vmem>>
      %dma_start3A_716 = tpu.memref_squeeze %dma_start3A_715 : memref<1x128xi32, #tpu.memory_space<vmem>> -> memref<128xi32, #tpu.memory_space<vmem>>
      %dma_start3A_717 = arith.constant 0 : i32
      %dma_start3A_718 = arith.constant 0 : i32
      %dma_start3A_719 = tpu.memref_slice %arg9[%dma_start3A_717, %dma_start3A_718] : memref<10240x32xf32, #tpu.memory_space<vmem_shared>> -> memref<10240x32xf32, #tpu.memory_space<vmem_shared>>
      tpu.enqueue_indirect_dma source(%dma_start3A_713 : memref<128x32xf32, #tpu.memory_space<vmem>>) target(%dma_start3A_719 : memref<10240x32xf32, #tpu.memory_space<vmem_shared>>) offsets(%dma_start3A_716 : memref<128xi32, #tpu.memory_space<vmem>>) semaphore(%arg13 : memref<!tpu.dma_semaphore, #tpu.memory_space<semaphore_mem>>) {add = true}
      %mul3A_720 = arith.constant 8 : i32
      %mul3A_721 = arith.muli %add3A_207, %mul3A_720 : i32
      %add3A_722 = arith.constant 2 : i32
      %add3A_723 = arith.addi %mul3A_721, %add3A_722 : i32
      %dma_start3A_724 = arith.constant 10 : i32
      %dma_start3A_725 = arith.constant 0 : i32
      %dma_start3A_726 = arith.constant 0 : i32
      %dma_start3A_727 = tpu.memref_slice %arg8[%dma_start3A_724, %dma_start3A_725, %dma_start3A_726] : memref<16x128x32xf32, #tpu.memory_space<vmem>> -> memref<1x128x32xf32, #tpu.memory_space<vmem>>
      %dma_start3A_728 = tpu.memref_squeeze %dma_start3A_727 : memref<1x128x32xf32, #tpu.memory_space<vmem>> -> memref<128x32xf32, #tpu.memory_space<vmem>>
      %dma_start3A_729 = arith.constant 0 : i32
      %dma_start3A_730 = tpu.memref_slice %arg7[%add3A_723, %dma_start3A_729] : memref<160x128xi32, #tpu.memory_space<vmem>> -> memref<1x128xi32, #tpu.memory_space<vmem>>
      %dma_start3A_731 = tpu.memref_squeeze %dma_start3A_730 : memref<1x128xi32, #tpu.memory_space<vmem>> -> memref<128xi32, #tpu.memory_space<vmem>>
      %dma_start3A_732 = arith.constant 0 : i32
      %dma_start3A_733 = arith.constant 0 : i32
      %dma_start3A_734 = tpu.memref_slice %arg9[%dma_start3A_732, %dma_start3A_733] : memref<10240x32xf32, #tpu.memory_space<vmem_shared>> -> memref<10240x32xf32, #tpu.memory_space<vmem_shared>>
      tpu.enqueue_indirect_dma source(%dma_start3A_728 : memref<128x32xf32, #tpu.memory_space<vmem>>) target(%dma_start3A_734 : memref<10240x32xf32, #tpu.memory_space<vmem_shared>>) offsets(%dma_start3A_731 : memref<128xi32, #tpu.memory_space<vmem>>) semaphore(%arg13 : memref<!tpu.dma_semaphore, #tpu.memory_space<semaphore_mem>>) {add = true}
      %mul3A_735 = arith.constant 8 : i32
      %mul3A_736 = arith.muli %add3A_207, %mul3A_735 : i32
      %add3A_737 = arith.constant 3 : i32
      %add3A_738 = arith.addi %mul3A_736, %add3A_737 : i32
      %dma_start3A_739 = arith.constant 11 : i32
      %dma_start3A_740 = arith.constant 0 : i32
      %dma_start3A_741 = arith.constant 0 : i32
      %dma_start3A_742 = tpu.memref_slice %arg8[%dma_start3A_739, %dma_start3A_740, %dma_start3A_741] : memref<16x128x32xf32, #tpu.memory_space<vmem>> -> memref<1x128x32xf32, #tpu.memory_space<vmem>>
      %dma_start3A_743 = tpu.memref_squeeze %dma_start3A_742 : memref<1x128x32xf32, #tpu.memory_space<vmem>> -> memref<128x32xf32, #tpu.memory_space<vmem>>
      %dma_start3A_744 = arith.constant 0 : i32
      %dma_start3A_745 = tpu.memref_slice %arg7[%add3A_738, %dma_start3A_744] : memref<160x128xi32, #tpu.memory_space<vmem>> -> memref<1x128xi32, #tpu.memory_space<vmem>>
      %dma_start3A_746 = tpu.memref_squeeze %dma_start3A_745 : memref<1x128xi32, #tpu.memory_space<vmem>> -> memref<128xi32, #tpu.memory_space<vmem>>
      %dma_start3A_747 = arith.constant 0 : i32
      %dma_start3A_748 = arith.constant 0 : i32
      %dma_start3A_749 = tpu.memref_slice %arg9[%dma_start3A_747, %dma_start3A_748] : memref<10240x32xf32, #tpu.memory_space<vmem_shared>> -> memref<10240x32xf32, #tpu.memory_space<vmem_shared>>
      tpu.enqueue_indirect_dma source(%dma_start3A_743 : memref<128x32xf32, #tpu.memory_space<vmem>>) target(%dma_start3A_749 : memref<10240x32xf32, #tpu.memory_space<vmem_shared>>) offsets(%dma_start3A_746 : memref<128xi32, #tpu.memory_space<vmem>>) semaphore(%arg13 : memref<!tpu.dma_semaphore, #tpu.memory_space<semaphore_mem>>) {add = true}
      %mul3A_750 = arith.constant 8 : i32
      %mul3A_751 = arith.muli %add3A_207, %mul3A_750 : i32
      %add3A_752 = arith.constant 4 : i32
      %add3A_753 = arith.addi %mul3A_751, %add3A_752 : i32
      %dma_start3A_754 = arith.constant 12 : i32
      %dma_start3A_755 = arith.constant 0 : i32
      %dma_start3A_756 = arith.constant 0 : i32
      %dma_start3A_757 = tpu.memref_slice %arg8[%dma_start3A_754, %dma_start3A_755, %dma_start3A_756] : memref<16x128x32xf32, #tpu.memory_space<vmem>> -> memref<1x128x32xf32, #tpu.memory_space<vmem>>
      %dma_start3A_758 = tpu.memref_squeeze %dma_start3A_757 : memref<1x128x32xf32, #tpu.memory_space<vmem>> -> memref<128x32xf32, #tpu.memory_space<vmem>>
      %dma_start3A_759 = arith.constant 0 : i32
      %dma_start3A_760 = tpu.memref_slice %arg7[%add3A_753, %dma_start3A_759] : memref<160x128xi32, #tpu.memory_space<vmem>> -> memref<1x128xi32, #tpu.memory_space<vmem>>
      %dma_start3A_761 = tpu.memref_squeeze %dma_start3A_760 : memref<1x128xi32, #tpu.memory_space<vmem>> -> memref<128xi32, #tpu.memory_space<vmem>>
      %dma_start3A_762 = arith.constant 0 : i32
      %dma_start3A_763 = arith.constant 0 : i32
      %dma_start3A_764 = tpu.memref_slice %arg9[%dma_start3A_762, %dma_start3A_763] : memref<10240x32xf32, #tpu.memory_space<vmem_shared>> -> memref<10240x32xf32, #tpu.memory_space<vmem_shared>>
      tpu.enqueue_indirect_dma source(%dma_start3A_758 : memref<128x32xf32, #tpu.memory_space<vmem>>) target(%dma_start3A_764 : memref<10240x32xf32, #tpu.memory_space<vmem_shared>>) offsets(%dma_start3A_761 : memref<128xi32, #tpu.memory_space<vmem>>) semaphore(%arg13 : memref<!tpu.dma_semaphore, #tpu.memory_space<semaphore_mem>>) {add = true}
      %mul3A_765 = arith.constant 8 : i32
      %mul3A_766 = arith.muli %add3A_207, %mul3A_765 : i32
      %add3A_767 = arith.constant 5 : i32
      %add3A_768 = arith.addi %mul3A_766, %add3A_767 : i32
      %dma_start3A_769 = arith.constant 13 : i32
      %dma_start3A_770 = arith.constant 0 : i32
      %dma_start3A_771 = arith.constant 0 : i32
      %dma_start3A_772 = tpu.memref_slice %arg8[%dma_start3A_769, %dma_start3A_770, %dma_start3A_771] : memref<16x128x32xf32, #tpu.memory_space<vmem>> -> memref<1x128x32xf32, #tpu.memory_space<vmem>>
      %dma_start3A_773 = tpu.memref_squeeze %dma_start3A_772 : memref<1x128x32xf32, #tpu.memory_space<vmem>> -> memref<128x32xf32, #tpu.memory_space<vmem>>
      %dma_start3A_774 = arith.constant 0 : i32
      %dma_start3A_775 = tpu.memref_slice %arg7[%add3A_768, %dma_start3A_774] : memref<160x128xi32, #tpu.memory_space<vmem>> -> memref<1x128xi32, #tpu.memory_space<vmem>>
      %dma_start3A_776 = tpu.memref_squeeze %dma_start3A_775 : memref<1x128xi32, #tpu.memory_space<vmem>> -> memref<128xi32, #tpu.memory_space<vmem>>
      %dma_start3A_777 = arith.constant 0 : i32
      %dma_start3A_778 = arith.constant 0 : i32
      %dma_start3A_779 = tpu.memref_slice %arg9[%dma_start3A_777, %dma_start3A_778] : memref<10240x32xf32, #tpu.memory_space<vmem_shared>> -> memref<10240x32xf32, #tpu.memory_space<vmem_shared>>
      tpu.enqueue_indirect_dma source(%dma_start3A_773 : memref<128x32xf32, #tpu.memory_space<vmem>>) target(%dma_start3A_779 : memref<10240x32xf32, #tpu.memory_space<vmem_shared>>) offsets(%dma_start3A_776 : memref<128xi32, #tpu.memory_space<vmem>>) semaphore(%arg13 : memref<!tpu.dma_semaphore, #tpu.memory_space<semaphore_mem>>) {add = true}
      %mul3A_780 = arith.constant 8 : i32
      %mul3A_781 = arith.muli %add3A_207, %mul3A_780 : i32
      %add3A_782 = arith.constant 6 : i32
      %add3A_783 = arith.addi %mul3A_781, %add3A_782 : i32
      %dma_start3A_784 = arith.constant 14 : i32
      %dma_start3A_785 = arith.constant 0 : i32
      %dma_start3A_786 = arith.constant 0 : i32
      %dma_start3A_787 = tpu.memref_slice %arg8[%dma_start3A_784, %dma_start3A_785, %dma_start3A_786] : memref<16x128x32xf32, #tpu.memory_space<vmem>> -> memref<1x128x32xf32, #tpu.memory_space<vmem>>
      %dma_start3A_788 = tpu.memref_squeeze %dma_start3A_787 : memref<1x128x32xf32, #tpu.memory_space<vmem>> -> memref<128x32xf32, #tpu.memory_space<vmem>>
      %dma_start3A_789 = arith.constant 0 : i32
      %dma_start3A_790 = tpu.memref_slice %arg7[%add3A_783, %dma_start3A_789] : memref<160x128xi32, #tpu.memory_space<vmem>> -> memref<1x128xi32, #tpu.memory_space<vmem>>
      %dma_start3A_791 = tpu.memref_squeeze %dma_start3A_790 : memref<1x128xi32, #tpu.memory_space<vmem>> -> memref<128xi32, #tpu.memory_space<vmem>>
      %dma_start3A_792 = arith.constant 0 : i32
      %dma_start3A_793 = arith.constant 0 : i32
      %dma_start3A_794 = tpu.memref_slice %arg9[%dma_start3A_792, %dma_start3A_793] : memref<10240x32xf32, #tpu.memory_space<vmem_shared>> -> memref<10240x32xf32, #tpu.memory_space<vmem_shared>>
      tpu.enqueue_indirect_dma source(%dma_start3A_788 : memref<128x32xf32, #tpu.memory_space<vmem>>) target(%dma_start3A_794 : memref<10240x32xf32, #tpu.memory_space<vmem_shared>>) offsets(%dma_start3A_791 : memref<128xi32, #tpu.memory_space<vmem>>) semaphore(%arg13 : memref<!tpu.dma_semaphore, #tpu.memory_space<semaphore_mem>>) {add = true}
      %mul3A_795 = arith.constant 8 : i32
      %mul3A_796 = arith.muli %add3A_207, %mul3A_795 : i32
      %add3A_797 = arith.constant 7 : i32
      %add3A_798 = arith.addi %mul3A_796, %add3A_797 : i32
      %dma_start3A_799 = arith.constant 15 : i32
      %dma_start3A_800 = arith.constant 0 : i32
      %dma_start3A_801 = arith.constant 0 : i32
      %dma_start3A_802 = tpu.memref_slice %arg8[%dma_start3A_799, %dma_start3A_800, %dma_start3A_801] : memref<16x128x32xf32, #tpu.memory_space<vmem>> -> memref<1x128x32xf32, #tpu.memory_space<vmem>>
      %dma_start3A_803 = tpu.memref_squeeze %dma_start3A_802 : memref<1x128x32xf32, #tpu.memory_space<vmem>> -> memref<128x32xf32, #tpu.memory_space<vmem>>
      %dma_start3A_804 = arith.constant 0 : i32
      %dma_start3A_805 = tpu.memref_slice %arg7[%add3A_798, %dma_start3A_804] : memref<160x128xi32, #tpu.memory_space<vmem>> -> memref<1x128xi32, #tpu.memory_space<vmem>>
      %dma_start3A_806 = tpu.memref_squeeze %dma_start3A_805 : memref<1x128xi32, #tpu.memory_space<vmem>> -> memref<128xi32, #tpu.memory_space<vmem>>
      %dma_start3A_807 = arith.constant 0 : i32
      %dma_start3A_808 = arith.constant 0 : i32
      %dma_start3A_809 = tpu.memref_slice %arg9[%dma_start3A_807, %dma_start3A_808] : memref<10240x32xf32, #tpu.memory_space<vmem_shared>> -> memref<10240x32xf32, #tpu.memory_space<vmem_shared>>
      tpu.enqueue_indirect_dma source(%dma_start3A_803 : memref<128x32xf32, #tpu.memory_space<vmem>>) target(%dma_start3A_809 : memref<10240x32xf32, #tpu.memory_space<vmem_shared>>) offsets(%dma_start3A_806 : memref<128xi32, #tpu.memory_space<vmem>>) semaphore(%arg13 : memref<!tpu.dma_semaphore, #tpu.memory_space<semaphore_mem>>) {add = true}
      %mul3A_810 = arith.constant 8 : i32
      %mul3A_811 = arith.muli %mul3A_203, %mul3A_810 : i32
      %add3A_812 = arith.constant 0 : i32
      %add3A_813 = arith.addi %mul3A_811, %add3A_812 : i32
      %dma_wait3A_814 = arith.constant 0 : i32
      %dma_wait3A_815 = arith.constant 0 : i32
      %dma_wait3A_816 = arith.constant 0 : i32
      %dma_wait3A_817 = tpu.memref_slice %arg8[%dma_wait3A_814, %dma_wait3A_815, %dma_wait3A_816] : memref<16x128x32xf32, #tpu.memory_space<vmem>> -> memref<1x128x32xf32, #tpu.memory_space<vmem>>
      %dma_wait3A_818 = tpu.memref_squeeze %dma_wait3A_817 : memref<1x128x32xf32, #tpu.memory_space<vmem>> -> memref<128x32xf32, #tpu.memory_space<vmem>>
      %dma_wait3A_819 = arith.constant 0 : i32
      %dma_wait3A_820 = tpu.memref_slice %arg7[%add3A_813, %dma_wait3A_819] : memref<160x128xi32, #tpu.memory_space<vmem>> -> memref<1x128xi32, #tpu.memory_space<vmem>>
      %dma_wait3A_821 = tpu.memref_squeeze %dma_wait3A_820 : memref<1x128xi32, #tpu.memory_space<vmem>> -> memref<128xi32, #tpu.memory_space<vmem>>
      %dma_wait3A_822 = arith.constant 0 : i32
      %dma_wait3A_823 = arith.constant 0 : i32
      %dma_wait3A_824 = tpu.memref_slice %arg9[%dma_wait3A_822, %dma_wait3A_823] : memref<10240x32xf32, #tpu.memory_space<vmem_shared>> -> memref<10240x32xf32, #tpu.memory_space<vmem_shared>>
      tpu.wait_indirect_dma semaphore(%arg12 : memref<!tpu.dma_semaphore, #tpu.memory_space<semaphore_mem>>) src(%dma_wait3A_818 : memref<128x32xf32, #tpu.memory_space<vmem>>) dst(%dma_wait3A_824 : memref<10240x32xf32, #tpu.memory_space<vmem_shared>>)
      %mul3A_825 = arith.constant 8 : i32
      %mul3A_826 = arith.muli %mul3A_203, %mul3A_825 : i32
      %add3A_827 = arith.constant 1 : i32
      %add3A_828 = arith.addi %mul3A_826, %add3A_827 : i32
      %dma_wait3A_829 = arith.constant 1 : i32
      %dma_wait3A_830 = arith.constant 0 : i32
      %dma_wait3A_831 = arith.constant 0 : i32
      %dma_wait3A_832 = tpu.memref_slice %arg8[%dma_wait3A_829, %dma_wait3A_830, %dma_wait3A_831] : memref<16x128x32xf32, #tpu.memory_space<vmem>> -> memref<1x128x32xf32, #tpu.memory_space<vmem>>
      %dma_wait3A_833 = tpu.memref_squeeze %dma_wait3A_832 : memref<1x128x32xf32, #tpu.memory_space<vmem>> -> memref<128x32xf32, #tpu.memory_space<vmem>>
      %dma_wait3A_834 = arith.constant 0 : i32
      %dma_wait3A_835 = tpu.memref_slice %arg7[%add3A_828, %dma_wait3A_834] : memref<160x128xi32, #tpu.memory_space<vmem>> -> memref<1x128xi32, #tpu.memory_space<vmem>>
      %dma_wait3A_836 = tpu.memref_squeeze %dma_wait3A_835 : memref<1x128xi32, #tpu.memory_space<vmem>> -> memref<128xi32, #tpu.memory_space<vmem>>
      %dma_wait3A_837 = arith.constant 0 : i32
      %dma_wait3A_838 = arith.constant 0 : i32
      %dma_wait3A_839 = tpu.memref_slice %arg9[%dma_wait3A_837, %dma_wait3A_838] : memref<10240x32xf32, #tpu.memory_space<vmem_shared>> -> memref<10240x32xf32, #tpu.memory_space<vmem_shared>>
      tpu.wait_indirect_dma semaphore(%arg12 : memref<!tpu.dma_semaphore, #tpu.memory_space<semaphore_mem>>) src(%dma_wait3A_833 : memref<128x32xf32, #tpu.memory_space<vmem>>) dst(%dma_wait3A_839 : memref<10240x32xf32, #tpu.memory_space<vmem_shared>>)
      %mul3A_840 = arith.constant 8 : i32
      %mul3A_841 = arith.muli %mul3A_203, %mul3A_840 : i32
      %add3A_842 = arith.constant 2 : i32
      %add3A_843 = arith.addi %mul3A_841, %add3A_842 : i32
      %dma_wait3A_844 = arith.constant 2 : i32
      %dma_wait3A_845 = arith.constant 0 : i32
      %dma_wait3A_846 = arith.constant 0 : i32
      %dma_wait3A_847 = tpu.memref_slice %arg8[%dma_wait3A_844, %dma_wait3A_845, %dma_wait3A_846] : memref<16x128x32xf32, #tpu.memory_space<vmem>> -> memref<1x128x32xf32, #tpu.memory_space<vmem>>
      %dma_wait3A_848 = tpu.memref_squeeze %dma_wait3A_847 : memref<1x128x32xf32, #tpu.memory_space<vmem>> -> memref<128x32xf32, #tpu.memory_space<vmem>>
      %dma_wait3A_849 = arith.constant 0 : i32
      %dma_wait3A_850 = tpu.memref_slice %arg7[%add3A_843, %dma_wait3A_849] : memref<160x128xi32, #tpu.memory_space<vmem>> -> memref<1x128xi32, #tpu.memory_space<vmem>>
      %dma_wait3A_851 = tpu.memref_squeeze %dma_wait3A_850 : memref<1x128xi32, #tpu.memory_space<vmem>> -> memref<128xi32, #tpu.memory_space<vmem>>
      %dma_wait3A_852 = arith.constant 0 : i32
      %dma_wait3A_853 = arith.constant 0 : i32
      %dma_wait3A_854 = tpu.memref_slice %arg9[%dma_wait3A_852, %dma_wait3A_853] : memref<10240x32xf32, #tpu.memory_space<vmem_shared>> -> memref<10240x32xf32, #tpu.memory_space<vmem_shared>>
      tpu.wait_indirect_dma semaphore(%arg12 : memref<!tpu.dma_semaphore, #tpu.memory_space<semaphore_mem>>) src(%dma_wait3A_848 : memref<128x32xf32, #tpu.memory_space<vmem>>) dst(%dma_wait3A_854 : memref<10240x32xf32, #tpu.memory_space<vmem_shared>>)
      %mul3A_855 = arith.constant 8 : i32
      %mul3A_856 = arith.muli %mul3A_203, %mul3A_855 : i32
      %add3A_857 = arith.constant 3 : i32
      %add3A_858 = arith.addi %mul3A_856, %add3A_857 : i32
      %dma_wait3A_859 = arith.constant 3 : i32
      %dma_wait3A_860 = arith.constant 0 : i32
      %dma_wait3A_861 = arith.constant 0 : i32
      %dma_wait3A_862 = tpu.memref_slice %arg8[%dma_wait3A_859, %dma_wait3A_860, %dma_wait3A_861] : memref<16x128x32xf32, #tpu.memory_space<vmem>> -> memref<1x128x32xf32, #tpu.memory_space<vmem>>
      %dma_wait3A_863 = tpu.memref_squeeze %dma_wait3A_862 : memref<1x128x32xf32, #tpu.memory_space<vmem>> -> memref<128x32xf32, #tpu.memory_space<vmem>>
      %dma_wait3A_864 = arith.constant 0 : i32
      %dma_wait3A_865 = tpu.memref_slice %arg7[%add3A_858, %dma_wait3A_864] : memref<160x128xi32, #tpu.memory_space<vmem>> -> memref<1x128xi32, #tpu.memory_space<vmem>>
      %dma_wait3A_866 = tpu.memref_squeeze %dma_wait3A_865 : memref<1x128xi32, #tpu.memory_space<vmem>> -> memref<128xi32, #tpu.memory_space<vmem>>
      %dma_wait3A_867 = arith.constant 0 : i32
      %dma_wait3A_868 = arith.constant 0 : i32
      %dma_wait3A_869 = tpu.memref_slice %arg9[%dma_wait3A_867, %dma_wait3A_868] : memref<10240x32xf32, #tpu.memory_space<vmem_shared>> -> memref<10240x32xf32, #tpu.memory_space<vmem_shared>>
      tpu.wait_indirect_dma semaphore(%arg12 : memref<!tpu.dma_semaphore, #tpu.memory_space<semaphore_mem>>) src(%dma_wait3A_863 : memref<128x32xf32, #tpu.memory_space<vmem>>) dst(%dma_wait3A_869 : memref<10240x32xf32, #tpu.memory_space<vmem_shared>>)
      %mul3A_870 = arith.constant 8 : i32
      %mul3A_871 = arith.muli %mul3A_203, %mul3A_870 : i32
      %add3A_872 = arith.constant 4 : i32
      %add3A_873 = arith.addi %mul3A_871, %add3A_872 : i32
      %dma_wait3A_874 = arith.constant 4 : i32
      %dma_wait3A_875 = arith.constant 0 : i32
      %dma_wait3A_876 = arith.constant 0 : i32
      %dma_wait3A_877 = tpu.memref_slice %arg8[%dma_wait3A_874, %dma_wait3A_875, %dma_wait3A_876] : memref<16x128x32xf32, #tpu.memory_space<vmem>> -> memref<1x128x32xf32, #tpu.memory_space<vmem>>
      %dma_wait3A_878 = tpu.memref_squeeze %dma_wait3A_877 : memref<1x128x32xf32, #tpu.memory_space<vmem>> -> memref<128x32xf32, #tpu.memory_space<vmem>>
      %dma_wait3A_879 = arith.constant 0 : i32
      %dma_wait3A_880 = tpu.memref_slice %arg7[%add3A_873, %dma_wait3A_879] : memref<160x128xi32, #tpu.memory_space<vmem>> -> memref<1x128xi32, #tpu.memory_space<vmem>>
      %dma_wait3A_881 = tpu.memref_squeeze %dma_wait3A_880 : memref<1x128xi32, #tpu.memory_space<vmem>> -> memref<128xi32, #tpu.memory_space<vmem>>
      %dma_wait3A_882 = arith.constant 0 : i32
      %dma_wait3A_883 = arith.constant 0 : i32
      %dma_wait3A_884 = tpu.memref_slice %arg9[%dma_wait3A_882, %dma_wait3A_883] : memref<10240x32xf32, #tpu.memory_space<vmem_shared>> -> memref<10240x32xf32, #tpu.memory_space<vmem_shared>>
      tpu.wait_indirect_dma semaphore(%arg12 : memref<!tpu.dma_semaphore, #tpu.memory_space<semaphore_mem>>) src(%dma_wait3A_878 : memref<128x32xf32, #tpu.memory_space<vmem>>) dst(%dma_wait3A_884 : memref<10240x32xf32, #tpu.memory_space<vmem_shared>>)
      %mul3A_885 = arith.constant 8 : i32
      %mul3A_886 = arith.muli %mul3A_203, %mul3A_885 : i32
      %add3A_887 = arith.constant 5 : i32
      %add3A_888 = arith.addi %mul3A_886, %add3A_887 : i32
      %dma_wait3A_889 = arith.constant 5 : i32
      %dma_wait3A_890 = arith.constant 0 : i32
      %dma_wait3A_891 = arith.constant 0 : i32
      %dma_wait3A_892 = tpu.memref_slice %arg8[%dma_wait3A_889, %dma_wait3A_890, %dma_wait3A_891] : memref<16x128x32xf32, #tpu.memory_space<vmem>> -> memref<1x128x32xf32, #tpu.memory_space<vmem>>
      %dma_wait3A_893 = tpu.memref_squeeze %dma_wait3A_892 : memref<1x128x32xf32, #tpu.memory_space<vmem>> -> memref<128x32xf32, #tpu.memory_space<vmem>>
      %dma_wait3A_894 = arith.constant 0 : i32
      %dma_wait3A_895 = tpu.memref_slice %arg7[%add3A_888, %dma_wait3A_894] : memref<160x128xi32, #tpu.memory_space<vmem>> -> memref<1x128xi32, #tpu.memory_space<vmem>>
      %dma_wait3A_896 = tpu.memref_squeeze %dma_wait3A_895 : memref<1x128xi32, #tpu.memory_space<vmem>> -> memref<128xi32, #tpu.memory_space<vmem>>
      %dma_wait3A_897 = arith.constant 0 : i32
      %dma_wait3A_898 = arith.constant 0 : i32
      %dma_wait3A_899 = tpu.memref_slice %arg9[%dma_wait3A_897, %dma_wait3A_898] : memref<10240x32xf32, #tpu.memory_space<vmem_shared>> -> memref<10240x32xf32, #tpu.memory_space<vmem_shared>>
      tpu.wait_indirect_dma semaphore(%arg12 : memref<!tpu.dma_semaphore, #tpu.memory_space<semaphore_mem>>) src(%dma_wait3A_893 : memref<128x32xf32, #tpu.memory_space<vmem>>) dst(%dma_wait3A_899 : memref<10240x32xf32, #tpu.memory_space<vmem_shared>>)
      %mul3A_900 = arith.constant 8 : i32
      %mul3A_901 = arith.muli %mul3A_203, %mul3A_900 : i32
      %add3A_902 = arith.constant 6 : i32
      %add3A_903 = arith.addi %mul3A_901, %add3A_902 : i32
      %dma_wait3A_904 = arith.constant 6 : i32
      %dma_wait3A_905 = arith.constant 0 : i32
      %dma_wait3A_906 = arith.constant 0 : i32
      %dma_wait3A_907 = tpu.memref_slice %arg8[%dma_wait3A_904, %dma_wait3A_905, %dma_wait3A_906] : memref<16x128x32xf32, #tpu.memory_space<vmem>> -> memref<1x128x32xf32, #tpu.memory_space<vmem>>
      %dma_wait3A_908 = tpu.memref_squeeze %dma_wait3A_907 : memref<1x128x32xf32, #tpu.memory_space<vmem>> -> memref<128x32xf32, #tpu.memory_space<vmem>>
      %dma_wait3A_909 = arith.constant 0 : i32
      %dma_wait3A_910 = tpu.memref_slice %arg7[%add3A_903, %dma_wait3A_909] : memref<160x128xi32, #tpu.memory_space<vmem>> -> memref<1x128xi32, #tpu.memory_space<vmem>>
      %dma_wait3A_911 = tpu.memref_squeeze %dma_wait3A_910 : memref<1x128xi32, #tpu.memory_space<vmem>> -> memref<128xi32, #tpu.memory_space<vmem>>
      %dma_wait3A_912 = arith.constant 0 : i32
      %dma_wait3A_913 = arith.constant 0 : i32
      %dma_wait3A_914 = tpu.memref_slice %arg9[%dma_wait3A_912, %dma_wait3A_913] : memref<10240x32xf32, #tpu.memory_space<vmem_shared>> -> memref<10240x32xf32, #tpu.memory_space<vmem_shared>>
      tpu.wait_indirect_dma semaphore(%arg12 : memref<!tpu.dma_semaphore, #tpu.memory_space<semaphore_mem>>) src(%dma_wait3A_908 : memref<128x32xf32, #tpu.memory_space<vmem>>) dst(%dma_wait3A_914 : memref<10240x32xf32, #tpu.memory_space<vmem_shared>>)
      %mul3A_915 = arith.constant 8 : i32
      %mul3A_916 = arith.muli %mul3A_203, %mul3A_915 : i32
      %add3A_917 = arith.constant 7 : i32
      %add3A_918 = arith.addi %mul3A_916, %add3A_917 : i32
      %dma_wait3A_919 = arith.constant 7 : i32
      %dma_wait3A_920 = arith.constant 0 : i32
      %dma_wait3A_921 = arith.constant 0 : i32
      %dma_wait3A_922 = tpu.memref_slice %arg8[%dma_wait3A_919, %dma_wait3A_920, %dma_wait3A_921] : memref<16x128x32xf32, #tpu.memory_space<vmem>> -> memref<1x128x32xf32, #tpu.memory_space<vmem>>
      %dma_wait3A_923 = tpu.memref_squeeze %dma_wait3A_922 : memref<1x128x32xf32, #tpu.memory_space<vmem>> -> memref<128x32xf32, #tpu.memory_space<vmem>>
      %dma_wait3A_924 = arith.constant 0 : i32
      %dma_wait3A_925 = tpu.memref_slice %arg7[%add3A_918, %dma_wait3A_924] : memref<160x128xi32, #tpu.memory_space<vmem>> -> memref<1x128xi32, #tpu.memory_space<vmem>>
      %dma_wait3A_926 = tpu.memref_squeeze %dma_wait3A_925 : memref<1x128xi32, #tpu.memory_space<vmem>> -> memref<128xi32, #tpu.memory_space<vmem>>
      %dma_wait3A_927 = arith.constant 0 : i32
      %dma_wait3A_928 = arith.constant 0 : i32
      %dma_wait3A_929 = tpu.memref_slice %arg9[%dma_wait3A_927, %dma_wait3A_928] : memref<10240x32xf32, #tpu.memory_space<vmem_shared>> -> memref<10240x32xf32, #tpu.memory_space<vmem_shared>>
      tpu.wait_indirect_dma semaphore(%arg12 : memref<!tpu.dma_semaphore, #tpu.memory_space<semaphore_mem>>) src(%dma_wait3A_923 : memref<128x32xf32, #tpu.memory_space<vmem>>) dst(%dma_wait3A_929 : memref<10240x32xf32, #tpu.memory_space<vmem_shared>>)
      %lt3A = arith.constant 9 : i32
      %lt3A_930 = arith.cmpi slt, %scan3A_200, %lt3A : i32
      %convert_element_type3A_931 = arith.extui %lt3A_930 : i1 to i32
      %cond3A_932 = arith.constant 0 : i32
      %cond3A_933 = arith.cmpi ne, %convert_element_type3A_931, %cond3A_932 : i32
      scf.if %cond3A_933 {
        %add3A_935 = arith.constant 2 : i32
        %add3A_936 = arith.addi %mul3A_203, %add3A_935 : i32
        %mul3A_937 = arith.constant 8 : i32
        %mul3A_938 = arith.muli %add3A_936, %mul3A_937 : i32
        %add3A_939 = arith.constant 0 : i32
        %add3A_940 = arith.addi %mul3A_938, %add3A_939 : i32
        %dma_start3A_941 = arith.constant 0 : i32
        %dma_start3A_942 = arith.constant 0 : i32
        %dma_start3A_943 = arith.constant 0 : i32
        %dma_start3A_944 = tpu.memref_slice %arg8[%dma_start3A_941, %dma_start3A_942, %dma_start3A_943] : memref<16x128x32xf32, #tpu.memory_space<vmem>> -> memref<1x128x32xf32, #tpu.memory_space<vmem>>
        %dma_start3A_945 = tpu.memref_squeeze %dma_start3A_944 : memref<1x128x32xf32, #tpu.memory_space<vmem>> -> memref<128x32xf32, #tpu.memory_space<vmem>>
        %dma_start3A_946 = arith.constant 0 : i32
        %dma_start3A_947 = tpu.memref_slice %arg6[%add3A_940, %dma_start3A_946] : memref<160x128xi32, #tpu.memory_space<vmem>> -> memref<1x128xi32, #tpu.memory_space<vmem>>
        %dma_start3A_948 = tpu.memref_squeeze %dma_start3A_947 : memref<1x128xi32, #tpu.memory_space<vmem>> -> memref<128xi32, #tpu.memory_space<vmem>>
        %dma_start3A_949 = arith.constant 0 : i32
        %dma_start3A_950 = arith.constant 0 : i32
        %dma_start3A_951 = tpu.memref_slice %arg2[%dma_start3A_949, %dma_start3A_950] : memref<20480x32xf32, #tpu.memory_space<hbm>> -> memref<20480x32xf32, #tpu.memory_space<hbm>>
        tpu.enqueue_indirect_dma source(%dma_start3A_951 : memref<20480x32xf32, #tpu.memory_space<hbm>>) target(%dma_start3A_945 : memref<128x32xf32, #tpu.memory_space<vmem>>) offsets(%dma_start3A_948 : memref<128xi32, #tpu.memory_space<vmem>>) semaphore(%arg10 : memref<!tpu.dma_semaphore, #tpu.memory_space<semaphore_mem>>)
        %mul3A_952 = arith.constant 8 : i32
        %mul3A_953 = arith.muli %add3A_936, %mul3A_952 : i32
        %add3A_954 = arith.constant 1 : i32
        %add3A_955 = arith.addi %mul3A_953, %add3A_954 : i32
        %dma_start3A_956 = arith.constant 1 : i32
        %dma_start3A_957 = arith.constant 0 : i32
        %dma_start3A_958 = arith.constant 0 : i32
        %dma_start3A_959 = tpu.memref_slice %arg8[%dma_start3A_956, %dma_start3A_957, %dma_start3A_958] : memref<16x128x32xf32, #tpu.memory_space<vmem>> -> memref<1x128x32xf32, #tpu.memory_space<vmem>>
        %dma_start3A_960 = tpu.memref_squeeze %dma_start3A_959 : memref<1x128x32xf32, #tpu.memory_space<vmem>> -> memref<128x32xf32, #tpu.memory_space<vmem>>
        %dma_start3A_961 = arith.constant 0 : i32
        %dma_start3A_962 = tpu.memref_slice %arg6[%add3A_955, %dma_start3A_961] : memref<160x128xi32, #tpu.memory_space<vmem>> -> memref<1x128xi32, #tpu.memory_space<vmem>>
        %dma_start3A_963 = tpu.memref_squeeze %dma_start3A_962 : memref<1x128xi32, #tpu.memory_space<vmem>> -> memref<128xi32, #tpu.memory_space<vmem>>
        %dma_start3A_964 = arith.constant 0 : i32
        %dma_start3A_965 = arith.constant 0 : i32
        %dma_start3A_966 = tpu.memref_slice %arg2[%dma_start3A_964, %dma_start3A_965] : memref<20480x32xf32, #tpu.memory_space<hbm>> -> memref<20480x32xf32, #tpu.memory_space<hbm>>
        tpu.enqueue_indirect_dma source(%dma_start3A_966 : memref<20480x32xf32, #tpu.memory_space<hbm>>) target(%dma_start3A_960 : memref<128x32xf32, #tpu.memory_space<vmem>>) offsets(%dma_start3A_963 : memref<128xi32, #tpu.memory_space<vmem>>) semaphore(%arg10 : memref<!tpu.dma_semaphore, #tpu.memory_space<semaphore_mem>>)
        %mul3A_967 = arith.constant 8 : i32
        %mul3A_968 = arith.muli %add3A_936, %mul3A_967 : i32
        %add3A_969 = arith.constant 2 : i32
        %add3A_970 = arith.addi %mul3A_968, %add3A_969 : i32
        %dma_start3A_971 = arith.constant 2 : i32
        %dma_start3A_972 = arith.constant 0 : i32
        %dma_start3A_973 = arith.constant 0 : i32
        %dma_start3A_974 = tpu.memref_slice %arg8[%dma_start3A_971, %dma_start3A_972, %dma_start3A_973] : memref<16x128x32xf32, #tpu.memory_space<vmem>> -> memref<1x128x32xf32, #tpu.memory_space<vmem>>
        %dma_start3A_975 = tpu.memref_squeeze %dma_start3A_974 : memref<1x128x32xf32, #tpu.memory_space<vmem>> -> memref<128x32xf32, #tpu.memory_space<vmem>>
        %dma_start3A_976 = arith.constant 0 : i32
        %dma_start3A_977 = tpu.memref_slice %arg6[%add3A_970, %dma_start3A_976] : memref<160x128xi32, #tpu.memory_space<vmem>> -> memref<1x128xi32, #tpu.memory_space<vmem>>
        %dma_start3A_978 = tpu.memref_squeeze %dma_start3A_977 : memref<1x128xi32, #tpu.memory_space<vmem>> -> memref<128xi32, #tpu.memory_space<vmem>>
        %dma_start3A_979 = arith.constant 0 : i32
        %dma_start3A_980 = arith.constant 0 : i32
        %dma_start3A_981 = tpu.memref_slice %arg2[%dma_start3A_979, %dma_start3A_980] : memref<20480x32xf32, #tpu.memory_space<hbm>> -> memref<20480x32xf32, #tpu.memory_space<hbm>>
        tpu.enqueue_indirect_dma source(%dma_start3A_981 : memref<20480x32xf32, #tpu.memory_space<hbm>>) target(%dma_start3A_975 : memref<128x32xf32, #tpu.memory_space<vmem>>) offsets(%dma_start3A_978 : memref<128xi32, #tpu.memory_space<vmem>>) semaphore(%arg10 : memref<!tpu.dma_semaphore, #tpu.memory_space<semaphore_mem>>)
        %mul3A_982 = arith.constant 8 : i32
        %mul3A_983 = arith.muli %add3A_936, %mul3A_982 : i32
        %add3A_984 = arith.constant 3 : i32
        %add3A_985 = arith.addi %mul3A_983, %add3A_984 : i32
        %dma_start3A_986 = arith.constant 3 : i32
        %dma_start3A_987 = arith.constant 0 : i32
        %dma_start3A_988 = arith.constant 0 : i32
        %dma_start3A_989 = tpu.memref_slice %arg8[%dma_start3A_986, %dma_start3A_987, %dma_start3A_988] : memref<16x128x32xf32, #tpu.memory_space<vmem>> -> memref<1x128x32xf32, #tpu.memory_space<vmem>>
        %dma_start3A_990 = tpu.memref_squeeze %dma_start3A_989 : memref<1x128x32xf32, #tpu.memory_space<vmem>> -> memref<128x32xf32, #tpu.memory_space<vmem>>
        %dma_start3A_991 = arith.constant 0 : i32
        %dma_start3A_992 = tpu.memref_slice %arg6[%add3A_985, %dma_start3A_991] : memref<160x128xi32, #tpu.memory_space<vmem>> -> memref<1x128xi32, #tpu.memory_space<vmem>>
        %dma_start3A_993 = tpu.memref_squeeze %dma_start3A_992 : memref<1x128xi32, #tpu.memory_space<vmem>> -> memref<128xi32, #tpu.memory_space<vmem>>
        %dma_start3A_994 = arith.constant 0 : i32
        %dma_start3A_995 = arith.constant 0 : i32
        %dma_start3A_996 = tpu.memref_slice %arg2[%dma_start3A_994, %dma_start3A_995] : memref<20480x32xf32, #tpu.memory_space<hbm>> -> memref<20480x32xf32, #tpu.memory_space<hbm>>
        tpu.enqueue_indirect_dma source(%dma_start3A_996 : memref<20480x32xf32, #tpu.memory_space<hbm>>) target(%dma_start3A_990 : memref<128x32xf32, #tpu.memory_space<vmem>>) offsets(%dma_start3A_993 : memref<128xi32, #tpu.memory_space<vmem>>) semaphore(%arg10 : memref<!tpu.dma_semaphore, #tpu.memory_space<semaphore_mem>>)
        %mul3A_997 = arith.constant 8 : i32
        %mul3A_998 = arith.muli %add3A_936, %mul3A_997 : i32
        %add3A_999 = arith.constant 4 : i32
        %add3A_1000 = arith.addi %mul3A_998, %add3A_999 : i32
        %dma_start3A_1001 = arith.constant 4 : i32
        %dma_start3A_1002 = arith.constant 0 : i32
        %dma_start3A_1003 = arith.constant 0 : i32
        %dma_start3A_1004 = tpu.memref_slice %arg8[%dma_start3A_1001, %dma_start3A_1002, %dma_start3A_1003] : memref<16x128x32xf32, #tpu.memory_space<vmem>> -> memref<1x128x32xf32, #tpu.memory_space<vmem>>
        %dma_start3A_1005 = tpu.memref_squeeze %dma_start3A_1004 : memref<1x128x32xf32, #tpu.memory_space<vmem>> -> memref<128x32xf32, #tpu.memory_space<vmem>>
        %dma_start3A_1006 = arith.constant 0 : i32
        %dma_start3A_1007 = tpu.memref_slice %arg6[%add3A_1000, %dma_start3A_1006] : memref<160x128xi32, #tpu.memory_space<vmem>> -> memref<1x128xi32, #tpu.memory_space<vmem>>
        %dma_start3A_1008 = tpu.memref_squeeze %dma_start3A_1007 : memref<1x128xi32, #tpu.memory_space<vmem>> -> memref<128xi32, #tpu.memory_space<vmem>>
        %dma_start3A_1009 = arith.constant 0 : i32
        %dma_start3A_1010 = arith.constant 0 : i32
        %dma_start3A_1011 = tpu.memref_slice %arg2[%dma_start3A_1009, %dma_start3A_1010] : memref<20480x32xf32, #tpu.memory_space<hbm>> -> memref<20480x32xf32, #tpu.memory_space<hbm>>
        tpu.enqueue_indirect_dma source(%dma_start3A_1011 : memref<20480x32xf32, #tpu.memory_space<hbm>>) target(%dma_start3A_1005 : memref<128x32xf32, #tpu.memory_space<vmem>>) offsets(%dma_start3A_1008 : memref<128xi32, #tpu.memory_space<vmem>>) semaphore(%arg10 : memref<!tpu.dma_semaphore, #tpu.memory_space<semaphore_mem>>)
        %mul3A_1012 = arith.constant 8 : i32
        %mul3A_1013 = arith.muli %add3A_936, %mul3A_1012 : i32
        %add3A_1014 = arith.constant 5 : i32
        %add3A_1015 = arith.addi %mul3A_1013, %add3A_1014 : i32
        %dma_start3A_1016 = arith.constant 5 : i32
        %dma_start3A_1017 = arith.constant 0 : i32
        %dma_start3A_1018 = arith.constant 0 : i32
        %dma_start3A_1019 = tpu.memref_slice %arg8[%dma_start3A_1016, %dma_start3A_1017, %dma_start3A_1018] : memref<16x128x32xf32, #tpu.memory_space<vmem>> -> memref<1x128x32xf32, #tpu.memory_space<vmem>>
        %dma_start3A_1020 = tpu.memref_squeeze %dma_start3A_1019 : memref<1x128x32xf32, #tpu.memory_space<vmem>> -> memref<128x32xf32, #tpu.memory_space<vmem>>
        %dma_start3A_1021 = arith.constant 0 : i32
        %dma_start3A_1022 = tpu.memref_slice %arg6[%add3A_1015, %dma_start3A_1021] : memref<160x128xi32, #tpu.memory_space<vmem>> -> memref<1x128xi32, #tpu.memory_space<vmem>>
        %dma_start3A_1023 = tpu.memref_squeeze %dma_start3A_1022 : memref<1x128xi32, #tpu.memory_space<vmem>> -> memref<128xi32, #tpu.memory_space<vmem>>
        %dma_start3A_1024 = arith.constant 0 : i32
        %dma_start3A_1025 = arith.constant 0 : i32
        %dma_start3A_1026 = tpu.memref_slice %arg2[%dma_start3A_1024, %dma_start3A_1025] : memref<20480x32xf32, #tpu.memory_space<hbm>> -> memref<20480x32xf32, #tpu.memory_space<hbm>>
        tpu.enqueue_indirect_dma source(%dma_start3A_1026 : memref<20480x32xf32, #tpu.memory_space<hbm>>) target(%dma_start3A_1020 : memref<128x32xf32, #tpu.memory_space<vmem>>) offsets(%dma_start3A_1023 : memref<128xi32, #tpu.memory_space<vmem>>) semaphore(%arg10 : memref<!tpu.dma_semaphore, #tpu.memory_space<semaphore_mem>>)
        %mul3A_1027 = arith.constant 8 : i32
        %mul3A_1028 = arith.muli %add3A_936, %mul3A_1027 : i32
        %add3A_1029 = arith.constant 6 : i32
        %add3A_1030 = arith.addi %mul3A_1028, %add3A_1029 : i32
        %dma_start3A_1031 = arith.constant 6 : i32
        %dma_start3A_1032 = arith.constant 0 : i32
        %dma_start3A_1033 = arith.constant 0 : i32
        %dma_start3A_1034 = tpu.memref_slice %arg8[%dma_start3A_1031, %dma_start3A_1032, %dma_start3A_1033] : memref<16x128x32xf32, #tpu.memory_space<vmem>> -> memref<1x128x32xf32, #tpu.memory_space<vmem>>
        %dma_start3A_1035 = tpu.memref_squeeze %dma_start3A_1034 : memref<1x128x32xf32, #tpu.memory_space<vmem>> -> memref<128x32xf32, #tpu.memory_space<vmem>>
        %dma_start3A_1036 = arith.constant 0 : i32
        %dma_start3A_1037 = tpu.memref_slice %arg6[%add3A_1030, %dma_start3A_1036] : memref<160x128xi32, #tpu.memory_space<vmem>> -> memref<1x128xi32, #tpu.memory_space<vmem>>
        %dma_start3A_1038 = tpu.memref_squeeze %dma_start3A_1037 : memref<1x128xi32, #tpu.memory_space<vmem>> -> memref<128xi32, #tpu.memory_space<vmem>>
        %dma_start3A_1039 = arith.constant 0 : i32
        %dma_start3A_1040 = arith.constant 0 : i32
        %dma_start3A_1041 = tpu.memref_slice %arg2[%dma_start3A_1039, %dma_start3A_1040] : memref<20480x32xf32, #tpu.memory_space<hbm>> -> memref<20480x32xf32, #tpu.memory_space<hbm>>
        tpu.enqueue_indirect_dma source(%dma_start3A_1041 : memref<20480x32xf32, #tpu.memory_space<hbm>>) target(%dma_start3A_1035 : memref<128x32xf32, #tpu.memory_space<vmem>>) offsets(%dma_start3A_1038 : memref<128xi32, #tpu.memory_space<vmem>>) semaphore(%arg10 : memref<!tpu.dma_semaphore, #tpu.memory_space<semaphore_mem>>)
        %mul3A_1042 = arith.constant 8 : i32
        %mul3A_1043 = arith.muli %add3A_936, %mul3A_1042 : i32
        %add3A_1044 = arith.constant 7 : i32
        %add3A_1045 = arith.addi %mul3A_1043, %add3A_1044 : i32
        %dma_start3A_1046 = arith.constant 7 : i32
        %dma_start3A_1047 = arith.constant 0 : i32
        %dma_start3A_1048 = arith.constant 0 : i32
        %dma_start3A_1049 = tpu.memref_slice %arg8[%dma_start3A_1046, %dma_start3A_1047, %dma_start3A_1048] : memref<16x128x32xf32, #tpu.memory_space<vmem>> -> memref<1x128x32xf32, #tpu.memory_space<vmem>>
        %dma_start3A_1050 = tpu.memref_squeeze %dma_start3A_1049 : memref<1x128x32xf32, #tpu.memory_space<vmem>> -> memref<128x32xf32, #tpu.memory_space<vmem>>
        %dma_start3A_1051 = arith.constant 0 : i32
        %dma_start3A_1052 = tpu.memref_slice %arg6[%add3A_1045, %dma_start3A_1051] : memref<160x128xi32, #tpu.memory_space<vmem>> -> memref<1x128xi32, #tpu.memory_space<vmem>>
        %dma_start3A_1053 = tpu.memref_squeeze %dma_start3A_1052 : memref<1x128xi32, #tpu.memory_space<vmem>> -> memref<128xi32, #tpu.memory_space<vmem>>
        %dma_start3A_1054 = arith.constant 0 : i32
        %dma_start3A_1055 = arith.constant 0 : i32
        %dma_start3A_1056 = tpu.memref_slice %arg2[%dma_start3A_1054, %dma_start3A_1055] : memref<20480x32xf32, #tpu.memory_space<hbm>> -> memref<20480x32xf32, #tpu.memory_space<hbm>>
        tpu.enqueue_indirect_dma source(%dma_start3A_1056 : memref<20480x32xf32, #tpu.memory_space<hbm>>) target(%dma_start3A_1050 : memref<128x32xf32, #tpu.memory_space<vmem>>) offsets(%dma_start3A_1053 : memref<128xi32, #tpu.memory_space<vmem>>) semaphore(%arg10 : memref<!tpu.dma_semaphore, #tpu.memory_space<semaphore_mem>>)
      } else {
      }
      %scan3A_934 = arith.constant 0 : i32
      scf.yield %scan3A_934 : i32
    }
    %scan3A_103 = arith.constant 10 : i32
    %dma_wait3A = arith.constant 8 : i32
    %dma_wait3A_104 = arith.constant 152 : i32
    %dma_wait3A_105 = arith.constant 0 : i32
    %dma_wait3A_106 = arith.constant 0 : i32
    %dma_wait3A_107 = tpu.memref_slice %arg8[%dma_wait3A, %dma_wait3A_105, %dma_wait3A_106] : memref<16x128x32xf32, #tpu.memory_space<vmem>> -> memref<1x128x32xf32, #tpu.memory_space<vmem>>
    %dma_wait3A_108 = tpu.memref_squeeze %dma_wait3A_107 : memref<1x128x32xf32, #tpu.memory_space<vmem>> -> memref<128x32xf32, #tpu.memory_space<vmem>>
    %dma_wait3A_109 = arith.constant 0 : i32
    %dma_wait3A_110 = tpu.memref_slice %arg7[%dma_wait3A_104, %dma_wait3A_109] : memref<160x128xi32, #tpu.memory_space<vmem>> -> memref<1x128xi32, #tpu.memory_space<vmem>>
    %dma_wait3A_111 = tpu.memref_squeeze %dma_wait3A_110 : memref<1x128xi32, #tpu.memory_space<vmem>> -> memref<128xi32, #tpu.memory_space<vmem>>
    %dma_wait3A_112 = arith.constant 0 : i32
    %dma_wait3A_113 = arith.constant 0 : i32
    %dma_wait3A_114 = tpu.memref_slice %arg9[%dma_wait3A_112, %dma_wait3A_113] : memref<10240x32xf32, #tpu.memory_space<vmem_shared>> -> memref<10240x32xf32, #tpu.memory_space<vmem_shared>>
    tpu.wait_indirect_dma semaphore(%arg13 : memref<!tpu.dma_semaphore, #tpu.memory_space<semaphore_mem>>) src(%dma_wait3A_108 : memref<128x32xf32, #tpu.memory_space<vmem>>) dst(%dma_wait3A_114 : memref<10240x32xf32, #tpu.memory_space<vmem_shared>>)
    %dma_wait3A_115 = arith.constant 9 : i32
    %dma_wait3A_116 = arith.constant 153 : i32
    %dma_wait3A_117 = arith.constant 0 : i32
    %dma_wait3A_118 = arith.constant 0 : i32
    %dma_wait3A_119 = tpu.memref_slice %arg8[%dma_wait3A_115, %dma_wait3A_117, %dma_wait3A_118] : memref<16x128x32xf32, #tpu.memory_space<vmem>> -> memref<1x128x32xf32, #tpu.memory_space<vmem>>
    %dma_wait3A_120 = tpu.memref_squeeze %dma_wait3A_119 : memref<1x128x32xf32, #tpu.memory_space<vmem>> -> memref<128x32xf32, #tpu.memory_space<vmem>>
    %dma_wait3A_121 = arith.constant 0 : i32
    %dma_wait3A_122 = tpu.memref_slice %arg7[%dma_wait3A_116, %dma_wait3A_121] : memref<160x128xi32, #tpu.memory_space<vmem>> -> memref<1x128xi32, #tpu.memory_space<vmem>>
    %dma_wait3A_123 = tpu.memref_squeeze %dma_wait3A_122 : memref<1x128xi32, #tpu.memory_space<vmem>> -> memref<128xi32, #tpu.memory_space<vmem>>
    %dma_wait3A_124 = arith.constant 0 : i32
    %dma_wait3A_125 = arith.constant 0 : i32
    %dma_wait3A_126 = tpu.memref_slice %arg9[%dma_wait3A_124, %dma_wait3A_125] : memref<10240x32xf32, #tpu.memory_space<vmem_shared>> -> memref<10240x32xf32, #tpu.memory_space<vmem_shared>>
    tpu.wait_indirect_dma semaphore(%arg13 : memref<!tpu.dma_semaphore, #tpu.memory_space<semaphore_mem>>) src(%dma_wait3A_120 : memref<128x32xf32, #tpu.memory_space<vmem>>) dst(%dma_wait3A_126 : memref<10240x32xf32, #tpu.memory_space<vmem_shared>>)
    %dma_wait3A_127 = arith.constant 10 : i32
    %dma_wait3A_128 = arith.constant 154 : i32
    %dma_wait3A_129 = arith.constant 0 : i32
    %dma_wait3A_130 = arith.constant 0 : i32
    %dma_wait3A_131 = tpu.memref_slice %arg8[%dma_wait3A_127, %dma_wait3A_129, %dma_wait3A_130] : memref<16x128x32xf32, #tpu.memory_space<vmem>> -> memref<1x128x32xf32, #tpu.memory_space<vmem>>
    %dma_wait3A_132 = tpu.memref_squeeze %dma_wait3A_131 : memref<1x128x32xf32, #tpu.memory_space<vmem>> -> memref<128x32xf32, #tpu.memory_space<vmem>>
    %dma_wait3A_133 = arith.constant 0 : i32
    %dma_wait3A_134 = tpu.memref_slice %arg7[%dma_wait3A_128, %dma_wait3A_133] : memref<160x128xi32, #tpu.memory_space<vmem>> -> memref<1x128xi32, #tpu.memory_space<vmem>>
    %dma_wait3A_135 = tpu.memref_squeeze %dma_wait3A_134 : memref<1x128xi32, #tpu.memory_space<vmem>> -> memref<128xi32, #tpu.memory_space<vmem>>
    %dma_wait3A_136 = arith.constant 0 : i32
    %dma_wait3A_137 = arith.constant 0 : i32
    %dma_wait3A_138 = tpu.memref_slice %arg9[%dma_wait3A_136, %dma_wait3A_137] : memref<10240x32xf32, #tpu.memory_space<vmem_shared>> -> memref<10240x32xf32, #tpu.memory_space<vmem_shared>>
    tpu.wait_indirect_dma semaphore(%arg13 : memref<!tpu.dma_semaphore, #tpu.memory_space<semaphore_mem>>) src(%dma_wait3A_132 : memref<128x32xf32, #tpu.memory_space<vmem>>) dst(%dma_wait3A_138 : memref<10240x32xf32, #tpu.memory_space<vmem_shared>>)
    %dma_wait3A_139 = arith.constant 11 : i32
    %dma_wait3A_140 = arith.constant 155 : i32
    %dma_wait3A_141 = arith.constant 0 : i32
    %dma_wait3A_142 = arith.constant 0 : i32
    %dma_wait3A_143 = tpu.memref_slice %arg8[%dma_wait3A_139, %dma_wait3A_141, %dma_wait3A_142] : memref<16x128x32xf32, #tpu.memory_space<vmem>> -> memref<1x128x32xf32, #tpu.memory_space<vmem>>
    %dma_wait3A_144 = tpu.memref_squeeze %dma_wait3A_143 : memref<1x128x32xf32, #tpu.memory_space<vmem>> -> memref<128x32xf32, #tpu.memory_space<vmem>>
    %dma_wait3A_145 = arith.constant 0 : i32
    %dma_wait3A_146 = tpu.memref_slice %arg7[%dma_wait3A_140, %dma_wait3A_145] : memref<160x128xi32, #tpu.memory_space<vmem>> -> memref<1x128xi32, #tpu.memory_space<vmem>>
    %dma_wait3A_147 = tpu.memref_squeeze %dma_wait3A_146 : memref<1x128xi32, #tpu.memory_space<vmem>> -> memref<128xi32, #tpu.memory_space<vmem>>
    %dma_wait3A_148 = arith.constant 0 : i32
    %dma_wait3A_149 = arith.constant 0 : i32
    %dma_wait3A_150 = tpu.memref_slice %arg9[%dma_wait3A_148, %dma_wait3A_149] : memref<10240x32xf32, #tpu.memory_space<vmem_shared>> -> memref<10240x32xf32, #tpu.memory_space<vmem_shared>>
    tpu.wait_indirect_dma semaphore(%arg13 : memref<!tpu.dma_semaphore, #tpu.memory_space<semaphore_mem>>) src(%dma_wait3A_144 : memref<128x32xf32, #tpu.memory_space<vmem>>) dst(%dma_wait3A_150 : memref<10240x32xf32, #tpu.memory_space<vmem_shared>>)
    %dma_wait3A_151 = arith.constant 12 : i32
    %dma_wait3A_152 = arith.constant 156 : i32
    %dma_wait3A_153 = arith.constant 0 : i32
    %dma_wait3A_154 = arith.constant 0 : i32
    %dma_wait3A_155 = tpu.memref_slice %arg8[%dma_wait3A_151, %dma_wait3A_153, %dma_wait3A_154] : memref<16x128x32xf32, #tpu.memory_space<vmem>> -> memref<1x128x32xf32, #tpu.memory_space<vmem>>
    %dma_wait3A_156 = tpu.memref_squeeze %dma_wait3A_155 : memref<1x128x32xf32, #tpu.memory_space<vmem>> -> memref<128x32xf32, #tpu.memory_space<vmem>>
    %dma_wait3A_157 = arith.constant 0 : i32
    %dma_wait3A_158 = tpu.memref_slice %arg7[%dma_wait3A_152, %dma_wait3A_157] : memref<160x128xi32, #tpu.memory_space<vmem>> -> memref<1x128xi32, #tpu.memory_space<vmem>>
    %dma_wait3A_159 = tpu.memref_squeeze %dma_wait3A_158 : memref<1x128xi32, #tpu.memory_space<vmem>> -> memref<128xi32, #tpu.memory_space<vmem>>
    %dma_wait3A_160 = arith.constant 0 : i32
    %dma_wait3A_161 = arith.constant 0 : i32
    %dma_wait3A_162 = tpu.memref_slice %arg9[%dma_wait3A_160, %dma_wait3A_161] : memref<10240x32xf32, #tpu.memory_space<vmem_shared>> -> memref<10240x32xf32, #tpu.memory_space<vmem_shared>>
    tpu.wait_indirect_dma semaphore(%arg13 : memref<!tpu.dma_semaphore, #tpu.memory_space<semaphore_mem>>) src(%dma_wait3A_156 : memref<128x32xf32, #tpu.memory_space<vmem>>) dst(%dma_wait3A_162 : memref<10240x32xf32, #tpu.memory_space<vmem_shared>>)
    %dma_wait3A_163 = arith.constant 13 : i32
    %dma_wait3A_164 = arith.constant 157 : i32
    %dma_wait3A_165 = arith.constant 0 : i32
    %dma_wait3A_166 = arith.constant 0 : i32
    %dma_wait3A_167 = tpu.memref_slice %arg8[%dma_wait3A_163, %dma_wait3A_165, %dma_wait3A_166] : memref<16x128x32xf32, #tpu.memory_space<vmem>> -> memref<1x128x32xf32, #tpu.memory_space<vmem>>
    %dma_wait3A_168 = tpu.memref_squeeze %dma_wait3A_167 : memref<1x128x32xf32, #tpu.memory_space<vmem>> -> memref<128x32xf32, #tpu.memory_space<vmem>>
    %dma_wait3A_169 = arith.constant 0 : i32
    %dma_wait3A_170 = tpu.memref_slice %arg7[%dma_wait3A_164, %dma_wait3A_169] : memref<160x128xi32, #tpu.memory_space<vmem>> -> memref<1x128xi32, #tpu.memory_space<vmem>>
    %dma_wait3A_171 = tpu.memref_squeeze %dma_wait3A_170 : memref<1x128xi32, #tpu.memory_space<vmem>> -> memref<128xi32, #tpu.memory_space<vmem>>
    %dma_wait3A_172 = arith.constant 0 : i32
    %dma_wait3A_173 = arith.constant 0 : i32
    %dma_wait3A_174 = tpu.memref_slice %arg9[%dma_wait3A_172, %dma_wait3A_173] : memref<10240x32xf32, #tpu.memory_space<vmem_shared>> -> memref<10240x32xf32, #tpu.memory_space<vmem_shared>>
    tpu.wait_indirect_dma semaphore(%arg13 : memref<!tpu.dma_semaphore, #tpu.memory_space<semaphore_mem>>) src(%dma_wait3A_168 : memref<128x32xf32, #tpu.memory_space<vmem>>) dst(%dma_wait3A_174 : memref<10240x32xf32, #tpu.memory_space<vmem_shared>>)
    %dma_wait3A_175 = arith.constant 14 : i32
    %dma_wait3A_176 = arith.constant 158 : i32
    %dma_wait3A_177 = arith.constant 0 : i32
    %dma_wait3A_178 = arith.constant 0 : i32
    %dma_wait3A_179 = tpu.memref_slice %arg8[%dma_wait3A_175, %dma_wait3A_177, %dma_wait3A_178] : memref<16x128x32xf32, #tpu.memory_space<vmem>> -> memref<1x128x32xf32, #tpu.memory_space<vmem>>
    %dma_wait3A_180 = tpu.memref_squeeze %dma_wait3A_179 : memref<1x128x32xf32, #tpu.memory_space<vmem>> -> memref<128x32xf32, #tpu.memory_space<vmem>>
    %dma_wait3A_181 = arith.constant 0 : i32
    %dma_wait3A_182 = tpu.memref_slice %arg7[%dma_wait3A_176, %dma_wait3A_181] : memref<160x128xi32, #tpu.memory_space<vmem>> -> memref<1x128xi32, #tpu.memory_space<vmem>>
    %dma_wait3A_183 = tpu.memref_squeeze %dma_wait3A_182 : memref<1x128xi32, #tpu.memory_space<vmem>> -> memref<128xi32, #tpu.memory_space<vmem>>
    %dma_wait3A_184 = arith.constant 0 : i32
    %dma_wait3A_185 = arith.constant 0 : i32
    %dma_wait3A_186 = tpu.memref_slice %arg9[%dma_wait3A_184, %dma_wait3A_185] : memref<10240x32xf32, #tpu.memory_space<vmem_shared>> -> memref<10240x32xf32, #tpu.memory_space<vmem_shared>>
    tpu.wait_indirect_dma semaphore(%arg13 : memref<!tpu.dma_semaphore, #tpu.memory_space<semaphore_mem>>) src(%dma_wait3A_180 : memref<128x32xf32, #tpu.memory_space<vmem>>) dst(%dma_wait3A_186 : memref<10240x32xf32, #tpu.memory_space<vmem_shared>>)
    %dma_wait3A_187 = arith.constant 15 : i32
    %dma_wait3A_188 = arith.constant 159 : i32
    %dma_wait3A_189 = arith.constant 0 : i32
    %dma_wait3A_190 = arith.constant 0 : i32
    %dma_wait3A_191 = tpu.memref_slice %arg8[%dma_wait3A_187, %dma_wait3A_189, %dma_wait3A_190] : memref<16x128x32xf32, #tpu.memory_space<vmem>> -> memref<1x128x32xf32, #tpu.memory_space<vmem>>
    %dma_wait3A_192 = tpu.memref_squeeze %dma_wait3A_191 : memref<1x128x32xf32, #tpu.memory_space<vmem>> -> memref<128x32xf32, #tpu.memory_space<vmem>>
    %dma_wait3A_193 = arith.constant 0 : i32
    %dma_wait3A_194 = tpu.memref_slice %arg7[%dma_wait3A_188, %dma_wait3A_193] : memref<160x128xi32, #tpu.memory_space<vmem>> -> memref<1x128xi32, #tpu.memory_space<vmem>>
    %dma_wait3A_195 = tpu.memref_squeeze %dma_wait3A_194 : memref<1x128xi32, #tpu.memory_space<vmem>> -> memref<128xi32, #tpu.memory_space<vmem>>
    %dma_wait3A_196 = arith.constant 0 : i32
    %dma_wait3A_197 = arith.constant 0 : i32
    %dma_wait3A_198 = tpu.memref_slice %arg9[%dma_wait3A_196, %dma_wait3A_197] : memref<10240x32xf32, #tpu.memory_space<vmem_shared>> -> memref<10240x32xf32, #tpu.memory_space<vmem_shared>>
    tpu.wait_indirect_dma semaphore(%arg13 : memref<!tpu.dma_semaphore, #tpu.memory_space<semaphore_mem>>) src(%dma_wait3A_192 : memref<128x32xf32, #tpu.memory_space<vmem>>) dst(%dma_wait3A_198 : memref<10240x32xf32, #tpu.memory_space<vmem_shared>>)
    %barrier3A_199 = arith.constant 0 : index
    tpu.barrier barrier_id(%barrier3A_199)
    "tpu.region"() ({
      %run_scoped3A = tpu.sem_alloc : memref<!tpu.dma_semaphore, #tpu.memory_space<semaphore_mem>>
      %dma_start3A_200 = arith.constant 0 : i32
      %dma_start3A_201 = tpu.memref_slice %arg5[%arg0, %mul3A_0, %dma_start3A_200] : memref<2x10240x32xf32, #tpu.memory_space<hbm>> -> memref<1x640x32xf32, #tpu.memory_space<hbm>>
      %dma_start3A_202 = tpu.memref_squeeze %dma_start3A_201 : memref<1x640x32xf32, #tpu.memory_space<hbm>> -> memref<640x32xf32, #tpu.memory_space<hbm>>
      %dma_start3A_203 = arith.constant 0 : i32
      %dma_start3A_204 = tpu.memref_slice %arg9[%mul3A_0, %dma_start3A_203] : memref<10240x32xf32, #tpu.memory_space<vmem_shared>> -> memref<640x32xf32, #tpu.memory_space<vmem_shared>>
      tpu.enqueue_dma source(%dma_start3A_204 : memref<640x32xf32, #tpu.memory_space<vmem_shared>>) target(%dma_start3A_202 : memref<640x32xf32, #tpu.memory_space<hbm>>) target_semaphore(%run_scoped3A : memref<!tpu.dma_semaphore, #tpu.memory_space<semaphore_mem>>)
      %dma_wait3A_205 = arith.constant 0 : i32
      %dma_wait3A_206 = tpu.memref_slice %arg5[%arg0, %mul3A_0, %dma_wait3A_205] : memref<2x10240x32xf32, #tpu.memory_space<hbm>> -> memref<1x640x32xf32, #tpu.memory_space<hbm>>
      %dma_wait3A_207 = tpu.memref_squeeze %dma_wait3A_206 : memref<1x640x32xf32, #tpu.memory_space<hbm>> -> memref<640x32xf32, #tpu.memory_space<hbm>>
      %dma_wait3A_208 = arith.constant 0 : i32
      %dma_wait3A_209 = tpu.memref_slice %arg9[%mul3A_0, %dma_wait3A_208] : memref<10240x32xf32, #tpu.memory_space<vmem_shared>> -> memref<640x32xf32, #tpu.memory_space<vmem_shared>>
      tpu.wait_dma2 semaphore(%run_scoped3A : memref<!tpu.dma_semaphore, #tpu.memory_space<semaphore_mem>>) src(%dma_wait3A_209 : memref<640x32xf32, #tpu.memory_space<vmem_shared>>) dst(%dma_wait3A_207 : memref<640x32xf32, #tpu.memory_space<hbm>>)
      tpu.yield
    }) : () -> ()
    return
  }
}

module attributes {stable_mosaic.version = 14 : i64} {
  func.func @_tc1_body(%arg0: i32, %arg1: memref<1024x128xf32, #tpu.memory_space<vmem>>, %arg2: memref<1x128x64xf32, #tpu.memory_space<vmem>>, %arg3: memref<32x1024xf32, #tpu.memory_space<vmem>>, %arg4: memref<1024x64xf32, #tpu.memory_space<vmem>>) attributes {dimension_semantics = [#tpu.dimension_semantics<arbitrary>], iteration_bounds = array<i64: 20>, scalar_prefetch = 0 : i64, scratch_operands = 0 : i64, tpu.core_type = #tpu.core_type<tc>, window_params = [{transform_indices = @transform_0, window_bounds = array<i64: 1024, 128>}, {transform_indices = @transform_1, window_bounds = array<i64: 1, 128, 64>}, {transform_indices = @transform_2, window_bounds = array<i64: 32, 1024>}, {transform_indices = @transform_3, window_bounds = array<i64: 1024, 64>}]} {
    %get3A = arith.constant 0 : index
    %get3A_0 = arith.constant 0 : index
    %get3A_1 = vector.load %arg3[%get3A, %get3A_0] : memref<32x1024xf32, #tpu.memory_space<vmem>>, vector<32x1024xf32>
    %reduce_sum3A = arith.constant dense<0.000000e+00> : vector<1024xf32>
    %reduce_sum3A_2 = vector.multi_reduction <add>, %get3A_1, %reduce_sum3A [0] : vector<32x1024xf32> to vector<1024xf32>
    %add3A = arith.constant 1.000000e+00 : f32
    %add3A_3 = vector.broadcast %add3A : f32 to vector<1024xf32>
    %add3A_4 = arith.addf %reduce_sum3A_2, %add3A_3 : vector<1024xf32>
    %rsqrt3A = math.rsqrt %add3A_4 : vector<1024xf32>
    %get3A_5 = arith.constant 0 : index
    %get3A_6 = arith.constant 0 : index
    %get3A_7 = vector.load %arg1[%get3A_5, %get3A_6] : memref<1024x128xf32, #tpu.memory_space<vmem>>, vector<1024x128xf32>
    %get3A_8 = arith.constant 0 : index
    %get3A_9 = arith.constant 0 : index
    %get3A_10 = arith.constant 0 : index
    %get3A_11 = vector.load %arg2[%get3A_8, %get3A_9, %get3A_10] : memref<1x128x64xf32, #tpu.memory_space<vmem>>, vector<1x128x64xf32>
    %get3A_12 = vector.shape_cast %get3A_11 : vector<1x128x64xf32> to vector<128x64xf32>
    %dot_general3A = arith.constant dense<0.000000e+00> : vector<1024x64xf32>
    %dot_general3A_13 = tpu.matmul %get3A_7, %get3A_12, %dot_general3A {dimension_numbers = #tpu.dot_dimension_numbers<[1], [0], [0], [1], [0, 0, 1, 1], [], []>, transpose_lhs_hint = false} : vector<1024x128xf32>, vector<128x64xf32>, vector<1024x64xf32> -> vector<1024x64xf32>
    %broadcast_in_dim3A = vector.shape_cast %rsqrt3A : vector<1024xf32> to vector<1024x1xf32>
    %mul3A = vector.broadcast %broadcast_in_dim3A : vector<1024x1xf32> to vector<1024x64xf32>
    %mul3A_14 = arith.mulf %dot_general3A_13, %mul3A : vector<1024x64xf32>
    %swap3A = arith.constant 0 : index
    %swap3A_15 = arith.constant 0 : index
    %swap3A_16 = vector.load %arg4[%swap3A, %swap3A_15] : memref<1024x64xf32, #tpu.memory_space<vmem>>, vector<1024x64xf32>
    tpu.vector_store %arg4[%swap3A, %swap3A_15], %mul3A_14 {strides = array<i32>} : memref<1024x64xf32, #tpu.memory_space<vmem>>, vector<1024x64xf32>,
    return
  }
  func.func @transform_0(%arg0: i32) -> (i32, i32) {
    %jit3A = arith.constant 10 : i32
    %eq3A = arith.constant 0 : i32
    %eq3A_0 = arith.cmpi eq, %jit3A, %eq3A : i32
    %jit3A_1 = arith.constant 1 : i32
    %select_n3A = arith.select %eq3A_0, %jit3A_1, %jit3A : i32
    %rem3A = arith.remsi %arg0, %select_n3A : i32
    %ne3A = arith.constant 0 : i32
    %ne3A_2 = arith.cmpi ne, %rem3A, %ne3A : i32
    %lt3A = arith.constant 0 : i32
    %lt3A_3 = arith.cmpi slt, %rem3A, %lt3A : i32
    %lt3A_4 = arith.constant 0 : i32
    %lt3A_5 = arith.cmpi slt, %select_n3A, %lt3A_4 : i32
    %ne3A_6 = arith.xori %lt3A_3, %lt3A_5 : i1
    %and3A = arith.andi %ne3A_6, %ne3A_2 : i1
    %add3A = arith.addi %rem3A, %select_n3A : i32
    %select_n3A_7 = arith.select %and3A, %add3A, %rem3A : i32
    %c0_i32 = arith.constant 0 : i32
    %c0_i32_8 = arith.constant 0 : i32
    return %select_n3A_7, %c0_i32 : i32, i32
  }
  func.func @transform_1(%arg0: i32) -> (i32, i32, i32) {
    %jit3A = arith.constant 10 : i32
    %div3A = arith.divsi %arg0, %jit3A : i32
    %sign3A = arith.constant 0 : i32
    %sign3A_0 = arith.cmpi sgt, %arg0, %sign3A : i32
    %sign3A_1 = arith.extui %sign3A_0 : i1 to i32
    %sign3A_2 = arith.constant 0 : i32
    %sign3A_3 = arith.cmpi slt, %arg0, %sign3A_2 : i32
    %sign3A_4 = arith.extui %sign3A_3 : i1 to i32
    %sign3A_5 = arith.subi %sign3A_1, %sign3A_4 : i32
    %sign3A_6 = arith.constant 0 : i32
    %sign3A_7 = arith.cmpi sgt, %jit3A, %sign3A_6 : i32
    %sign3A_8 = arith.extui %sign3A_7 : i1 to i32
    %sign3A_9 = arith.constant 0 : i32
    %sign3A_10 = arith.cmpi slt, %jit3A, %sign3A_9 : i32
    %sign3A_11 = arith.extui %sign3A_10 : i1 to i32
    %sign3A_12 = arith.subi %sign3A_8, %sign3A_11 : i32
    %ne3A = arith.cmpi ne, %sign3A_5, %sign3A_12 : i32
    %rem3A = arith.remsi %arg0, %jit3A : i32
    %ne3A_13 = arith.constant 0 : i32
    %ne3A_14 = arith.cmpi ne, %rem3A, %ne3A_13 : i32
    %and3A = arith.andi %ne3A, %ne3A_14 : i1
    %sub3A = arith.constant 1 : i32
    %sub3A_15 = arith.subi %div3A, %sub3A : i32
    %select_n3A = arith.select %and3A, %sub3A_15, %div3A : i32
    %c0_i32 = arith.constant 0 : i32
    %c0_i32_16 = arith.constant 0 : i32
    %c0_i32_17 = arith.constant 0 : i32
    return %select_n3A, %c0_i32, %c0_i32_16 : i32, i32, i32
  }
  func.func @transform_2(%arg0: i32) -> (i32, i32) {
    %jit3A = arith.constant 10 : i32
    %eq3A = arith.constant 0 : i32
    %eq3A_0 = arith.cmpi eq, %jit3A, %eq3A : i32
    %jit3A_1 = arith.constant 1 : i32
    %select_n3A = arith.select %eq3A_0, %jit3A_1, %jit3A : i32
    %rem3A = arith.remsi %arg0, %select_n3A : i32
    %ne3A = arith.constant 0 : i32
    %ne3A_2 = arith.cmpi ne, %rem3A, %ne3A : i32
    %lt3A = arith.constant 0 : i32
    %lt3A_3 = arith.cmpi slt, %rem3A, %lt3A : i32
    %lt3A_4 = arith.constant 0 : i32
    %lt3A_5 = arith.cmpi slt, %select_n3A, %lt3A_4 : i32
    %ne3A_6 = arith.xori %lt3A_3, %lt3A_5 : i1
    %and3A = arith.andi %ne3A_6, %ne3A_2 : i1
    %add3A = arith.addi %rem3A, %select_n3A : i32
    %select_n3A_7 = arith.select %and3A, %add3A, %rem3A : i32
    %c0_i32 = arith.constant 0 : i32
    %c0_i32_8 = arith.constant 0 : i32
    return %c0_i32, %select_n3A_7 : i32, i32
  }
  func.func @transform_3(%arg0: i32) -> (i32, i32) {
    %c0_i32 = arith.constant 0 : i32
    %c0_i32_0 = arith.constant 0 : i32
    return %arg0, %c0_i32 : i32, i32
  }
}

module attributes {stable_mosaic.version = 14 : i64} {
  func.func @_tc2_body(%arg0: i32, %arg1: memref<2x1024x64xf32, #tpu.memory_space<vmem>>, %arg2: memref<32x1024xf32, #tpu.memory_space<vmem>>, %arg3: memref<1x128xf32, #tpu.memory_space<vmem>>, %arg4: memref<1x128x32xf32, #tpu.memory_space<vmem>>, %arg5: memref<1024x32xf32, #tpu.memory_space<vmem>>) attributes {dimension_semantics = [#tpu.dimension_semantics<arbitrary>], iteration_bounds = array<i64: 20>, scalar_prefetch = 0 : i64, scratch_operands = 0 : i64, tpu.core_type = #tpu.core_type<tc>, window_params = [{transform_indices = @transform_0, window_bounds = array<i64: 2, 1024, 64>}, {transform_indices = @transform_1, window_bounds = array<i64: 32, 1024>}, {pipeline_mode = #tpu.pipeline_mode<synchronous>, transform_indices = @transform_2, window_bounds = array<i64: 1, 128>}, {transform_indices = @transform_3, window_bounds = array<i64: 1, 128, 32>}, {transform_indices = @transform_4, window_bounds = array<i64: 1024, 32>}]} {
    %get3A = arith.constant 0 : index
    %get3A_0 = arith.constant 0 : index
    %get3A_1 = vector.load %arg2[%get3A, %get3A_0] : memref<32x1024xf32, #tpu.memory_space<vmem>>, vector<32x1024xf32>
    %reduce_sum3A = arith.constant dense<0.000000e+00> : vector<1024xf32>
    %reduce_sum3A_2 = vector.multi_reduction <add>, %get3A_1, %reduce_sum3A [0] : vector<32x1024xf32> to vector<1024xf32>
    %add3A = arith.constant 1.000000e+00 : f32
    %add3A_3 = vector.broadcast %add3A : f32 to vector<1024xf32>
    %add3A_4 = arith.addf %reduce_sum3A_2, %add3A_3 : vector<1024xf32>
    %rsqrt3A = math.rsqrt %add3A_4 : vector<1024xf32>
    %get3A_5 = arith.constant 0 : index
    %get3A_6 = arith.constant 0 : index
    %get3A_7 = arith.constant 0 : index
    %get3A_8 = vector.load %arg1[%get3A_5, %get3A_6, %get3A_7] : memref<2x1024x64xf32, #tpu.memory_space<vmem>>, vector<1x1024x64xf32>
    %get3A_9 = vector.shape_cast %get3A_8 : vector<1x1024x64xf32> to vector<1024x64xf32>
    %get3A_10 = arith.constant 1 : index
    %get3A_11 = arith.constant 0 : index
    %get3A_12 = arith.constant 0 : index
    %get3A_13 = vector.load %arg1[%get3A_10, %get3A_11, %get3A_12] : memref<2x1024x64xf32, #tpu.memory_space<vmem>>, vector<1x1024x64xf32>
    %get3A_14 = vector.shape_cast %get3A_13 : vector<1x1024x64xf32> to vector<1024x64xf32>
    %concatenate3A = tpu.concatenate %get3A_9, %get3A_14 in 1 : vector<1024x64xf32>, vector<1024x64xf32> -> vector<1024x128xf32>
    %broadcast_in_dim3A = vector.shape_cast %rsqrt3A : vector<1024xf32> to vector<1024x1xf32>
    %mul3A = vector.broadcast %broadcast_in_dim3A : vector<1024x1xf32> to vector<1024x128xf32>
    %mul3A_15 = arith.mulf %concatenate3A, %mul3A : vector<1024x128xf32>
    %get3A_16 = arith.constant 0 : index
    %get3A_17 = arith.constant 0 : index
    %get3A_18 = vector.load %arg3[%get3A_16, %get3A_17] : memref<1x128xf32, #tpu.memory_space<vmem>>, vector<1x128xf32>
    %add3A_19 = vector.broadcast %get3A_18 : vector<1x128xf32> to vector<1024x128xf32>
    %add3A_20 = arith.addf %mul3A_15, %add3A_19 : vector<1024x128xf32>
    %max3A = arith.constant 0.000000e+00 : f32
    %max3A_21 = vector.broadcast %max3A : f32 to vector<1024x128xf32>
    %max3A_22 = arith.maximumf %add3A_20, %max3A_21 : vector<1024x128xf32>
    %get3A_23 = arith.constant 0 : index
    %get3A_24 = arith.constant 0 : index
    %get3A_25 = arith.constant 0 : index
    %get3A_26 = vector.load %arg4[%get3A_23, %get3A_24, %get3A_25] : memref<1x128x32xf32, #tpu.memory_space<vmem>>, vector<1x128x32xf32>
    %get3A_27 = vector.shape_cast %get3A_26 : vector<1x128x32xf32> to vector<128x32xf32>
    %dot_general3A = arith.constant dense<0.000000e+00> : vector<1024x32xf32>
    %dot_general3A_28 = tpu.matmul %max3A_22, %get3A_27, %dot_general3A {dimension_numbers = #tpu.dot_dimension_numbers<[1], [0], [0], [1], [0, 0, 1, 1], [], []>, transpose_lhs_hint = false} : vector<1024x128xf32>, vector<128x32xf32>, vector<1024x32xf32> -> vector<1024x32xf32>
    %broadcast_in_dim3A_29 = vector.shape_cast %rsqrt3A : vector<1024xf32> to vector<1024x1xf32>
    %mul3A_30 = vector.broadcast %broadcast_in_dim3A_29 : vector<1024x1xf32> to vector<1024x32xf32>
    %mul3A_31 = arith.mulf %dot_general3A_28, %mul3A_30 : vector<1024x32xf32>
    %swap3A = arith.constant 0 : index
    %swap3A_32 = arith.constant 0 : index
    %swap3A_33 = vector.load %arg5[%swap3A, %swap3A_32] : memref<1024x32xf32, #tpu.memory_space<vmem>>, vector<1024x32xf32>
    tpu.vector_store %arg5[%swap3A, %swap3A_32], %mul3A_31 {strides = array<i32>} : memref<1024x32xf32, #tpu.memory_space<vmem>>, vector<1024x32xf32>,
    return
  }
  func.func @transform_0(%arg0: i32) -> (i32, i32, i32) {
    %jit3A = arith.constant 10 : i32
    %eq3A = arith.constant 0 : i32
    %eq3A_0 = arith.cmpi eq, %jit3A, %eq3A : i32
    %jit3A_1 = arith.constant 1 : i32
    %select_n3A = arith.select %eq3A_0, %jit3A_1, %jit3A : i32
    %rem3A = arith.remsi %arg0, %select_n3A : i32
    %ne3A = arith.constant 0 : i32
    %ne3A_2 = arith.cmpi ne, %rem3A, %ne3A : i32
    %lt3A = arith.constant 0 : i32
    %lt3A_3 = arith.cmpi slt, %rem3A, %lt3A : i32
    %lt3A_4 = arith.constant 0 : i32
    %lt3A_5 = arith.cmpi slt, %select_n3A, %lt3A_4 : i32
    %ne3A_6 = arith.xori %lt3A_3, %lt3A_5 : i1
    %and3A = arith.andi %ne3A_6, %ne3A_2 : i1
    %add3A = arith.addi %rem3A, %select_n3A : i32
    %select_n3A_7 = arith.select %and3A, %add3A, %rem3A : i32
    %c0_i32 = arith.constant 0 : i32
    %c0_i32_8 = arith.constant 0 : i32
    %c0_i32_9 = arith.constant 0 : i32
    return %c0_i32, %select_n3A_7, %c0_i32_8 : i32, i32, i32
  }
  func.func @transform_1(%arg0: i32) -> (i32, i32) {
    %jit3A = arith.constant 10 : i32
    %eq3A = arith.constant 0 : i32
    %eq3A_0 = arith.cmpi eq, %jit3A, %eq3A : i32
    %jit3A_1 = arith.constant 1 : i32
    %select_n3A = arith.select %eq3A_0, %jit3A_1, %jit3A : i32
    %rem3A = arith.remsi %arg0, %select_n3A : i32
    %ne3A = arith.constant 0 : i32
    %ne3A_2 = arith.cmpi ne, %rem3A, %ne3A : i32
    %lt3A = arith.constant 0 : i32
    %lt3A_3 = arith.cmpi slt, %rem3A, %lt3A : i32
    %lt3A_4 = arith.constant 0 : i32
    %lt3A_5 = arith.cmpi slt, %select_n3A, %lt3A_4 : i32
    %ne3A_6 = arith.xori %lt3A_3, %lt3A_5 : i1
    %and3A = arith.andi %ne3A_6, %ne3A_2 : i1
    %add3A = arith.addi %rem3A, %select_n3A : i32
    %select_n3A_7 = arith.select %and3A, %add3A, %rem3A : i32
    %c0_i32 = arith.constant 0 : i32
    %c0_i32_8 = arith.constant 0 : i32
    return %c0_i32, %select_n3A_7 : i32, i32
  }
  func.func @transform_2(%arg0: i32) -> (i32, i32) {
    %c0_i32 = arith.constant 0 : i32
    %c0_i32_0 = arith.constant 0 : i32
    %c0_i32_1 = arith.constant 0 : i32
    return %c0_i32, %c0_i32_0 : i32, i32
  }
  func.func @transform_3(%arg0: i32) -> (i32, i32, i32) {
    %jit3A = arith.constant 10 : i32
    %div3A = arith.divsi %arg0, %jit3A : i32
    %sign3A = arith.constant 0 : i32
    %sign3A_0 = arith.cmpi sgt, %arg0, %sign3A : i32
    %sign3A_1 = arith.extui %sign3A_0 : i1 to i32
    %sign3A_2 = arith.constant 0 : i32
    %sign3A_3 = arith.cmpi slt, %arg0, %sign3A_2 : i32
    %sign3A_4 = arith.extui %sign3A_3 : i1 to i32
    %sign3A_5 = arith.subi %sign3A_1, %sign3A_4 : i32
    %sign3A_6 = arith.constant 0 : i32
    %sign3A_7 = arith.cmpi sgt, %jit3A, %sign3A_6 : i32
    %sign3A_8 = arith.extui %sign3A_7 : i1 to i32
    %sign3A_9 = arith.constant 0 : i32
    %sign3A_10 = arith.cmpi slt, %jit3A, %sign3A_9 : i32
    %sign3A_11 = arith.extui %sign3A_10 : i1 to i32
    %sign3A_12 = arith.subi %sign3A_8, %sign3A_11 : i32
    %ne3A = arith.cmpi ne, %sign3A_5, %sign3A_12 : i32
    %rem3A = arith.remsi %arg0, %jit3A : i32
    %ne3A_13 = arith.constant 0 : i32
    %ne3A_14 = arith.cmpi ne, %rem3A, %ne3A_13 : i32
    %and3A = arith.andi %ne3A, %ne3A_14 : i1
    %sub3A = arith.constant 1 : i32
    %sub3A_15 = arith.subi %div3A, %sub3A : i32
    %select_n3A = arith.select %and3A, %sub3A_15, %div3A : i32
    %c0_i32 = arith.constant 0 : i32
    %c0_i32_16 = arith.constant 0 : i32
    %c0_i32_17 = arith.constant 0 : i32
    return %select_n3A, %c0_i32, %c0_i32_16 : i32, i32, i32
  }
  func.func @transform_4(%arg0: i32) -> (i32, i32) {
    %c0_i32 = arith.constant 0 : i32
    %c0_i32_0 = arith.constant 0 : i32
    return %arg0, %c0_i32 : i32, i32
  }
}

module attributes {stable_mosaic.version = 14 : i64} {
  func.func @_tc3_body(%arg0: i32, %arg1: memref<2x1024x32xf32, #tpu.memory_space<vmem>>, %arg2: memref<32x1024xf32, #tpu.memory_space<vmem>>, %arg3: memref<1x64xf32, #tpu.memory_space<vmem>>, %arg4: memref<1024x64xf32, #tpu.memory_space<vmem>>) attributes {dimension_semantics = [#tpu.dimension_semantics<arbitrary>], iteration_bounds = array<i64: 10>, scalar_prefetch = 0 : i64, scratch_operands = 0 : i64, tpu.core_type = #tpu.core_type<tc>, window_params = [{transform_indices = @transform_0, window_bounds = array<i64: 2, 1024, 32>}, {transform_indices = @transform_1, window_bounds = array<i64: 32, 1024>}, {pipeline_mode = #tpu.pipeline_mode<synchronous>, transform_indices = @transform_2, window_bounds = array<i64: 1, 64>}, {transform_indices = @transform_3, window_bounds = array<i64: 1024, 64>}]} {
    %get3A = arith.constant 0 : index
    %get3A_0 = arith.constant 0 : index
    %get3A_1 = vector.load %arg2[%get3A, %get3A_0] : memref<32x1024xf32, #tpu.memory_space<vmem>>, vector<32x1024xf32>
    %reduce_sum3A = arith.constant dense<0.000000e+00> : vector<1024xf32>
    %reduce_sum3A_2 = vector.multi_reduction <add>, %get3A_1, %reduce_sum3A [0] : vector<32x1024xf32> to vector<1024xf32>
    %add3A = arith.constant 1.000000e+00 : f32
    %add3A_3 = vector.broadcast %add3A : f32 to vector<1024xf32>
    %add3A_4 = arith.addf %reduce_sum3A_2, %add3A_3 : vector<1024xf32>
    %rsqrt3A = math.rsqrt %add3A_4 : vector<1024xf32>
    %get3A_5 = arith.constant 0 : index
    %get3A_6 = arith.constant 0 : index
    %get3A_7 = arith.constant 0 : index
    %get3A_8 = vector.load %arg1[%get3A_5, %get3A_6, %get3A_7] : memref<2x1024x32xf32, #tpu.memory_space<vmem>>, vector<1x1024x32xf32>
    %get3A_9 = vector.shape_cast %get3A_8 : vector<1x1024x32xf32> to vector<1024x32xf32>
    %get3A_10 = arith.constant 1 : index
    %get3A_11 = arith.constant 0 : index
    %get3A_12 = arith.constant 0 : index
    %get3A_13 = vector.load %arg1[%get3A_10, %get3A_11, %get3A_12] : memref<2x1024x32xf32, #tpu.memory_space<vmem>>, vector<1x1024x32xf32>
    %get3A_14 = vector.shape_cast %get3A_13 : vector<1x1024x32xf32> to vector<1024x32xf32>
    %concatenate3A = tpu.concatenate %get3A_9, %get3A_14 in 1 : vector<1024x32xf32>, vector<1024x32xf32> -> vector<1024x64xf32>
    %broadcast_in_dim3A = vector.shape_cast %rsqrt3A : vector<1024xf32> to vector<1024x1xf32>
    %mul3A = vector.broadcast %broadcast_in_dim3A : vector<1024x1xf32> to vector<1024x64xf32>
    %mul3A_15 = arith.mulf %concatenate3A, %mul3A : vector<1024x64xf32>
    %get3A_16 = arith.constant 0 : index
    %get3A_17 = arith.constant 0 : index
    %get3A_18 = vector.load %arg3[%get3A_16, %get3A_17] : memref<1x64xf32, #tpu.memory_space<vmem>>, vector<1x64xf32>
    %add3A_19 = vector.broadcast %get3A_18 : vector<1x64xf32> to vector<1024x64xf32>
    %add3A_20 = arith.addf %mul3A_15, %add3A_19 : vector<1024x64xf32>
    %iota3A = tpu.iota {dimensions = array<i32: 1>} : vector<1024x64xi32>
    %lt3A = arith.constant 40 : i32
    %lt3A_21 = vector.broadcast %lt3A : i32 to vector<1024x64xi32>
    %lt3A_22 = arith.cmpi slt, %iota3A, %lt3A_21 : vector<1024x64xi32>
    %jit3A = arith.constant 0xFF800000 : f32
    %broadcast_in_dim3A_23 = vector.broadcast %jit3A : f32 to vector<1024x64xf32>
    %select_n3A = arith.select %lt3A_22, %add3A_20, %broadcast_in_dim3A_23 : vector<1024x64xi1>, vector<1024x64xf32>
    %reduce_max3A = arith.constant dense<0xFF800000> : vector<1024xf32>
    %reduce_max3A_24 = vector.multi_reduction <maximumf>, %select_n3A, %reduce_max3A [1] : vector<1024x64xf32> to vector<1024xf32>
    %broadcast_in_dim3A_25 = vector.shape_cast %reduce_max3A_24 : vector<1024xf32> to vector<1024x1xf32>
    %sub3A = vector.broadcast %broadcast_in_dim3A_25 : vector<1024x1xf32> to vector<1024x64xf32>
    %sub3A_26 = arith.subf %add3A_20, %sub3A : vector<1024x64xf32>
    %exp3A = math.exp %sub3A_26 : vector<1024x64xf32>
    %jit3A_27 = arith.constant 0.000000e+00 : f32
    %broadcast_in_dim3A_28 = vector.broadcast %jit3A_27 : f32 to vector<1024x64xf32>
    %select_n3A_29 = arith.select %lt3A_22, %exp3A, %broadcast_in_dim3A_28 : vector<1024x64xi1>, vector<1024x64xf32>
    %reduce_sum3A_30 = arith.constant dense<0.000000e+00> : vector<1024xf32>
    %reduce_sum3A_31 = vector.multi_reduction <add>, %select_n3A_29, %reduce_sum3A_30 [1] : vector<1024x64xf32> to vector<1024xf32>
    %broadcast_in_dim3A_32 = vector.shape_cast %reduce_sum3A_31 : vector<1024xf32> to vector<1024x1xf32>
    %log3A = math.log %broadcast_in_dim3A_32 : vector<1024x1xf32>
    %sub3A_33 = vector.broadcast %broadcast_in_dim3A_25 : vector<1024x1xf32> to vector<1024x64xf32>
    %sub3A_34 = arith.subf %add3A_20, %sub3A_33 : vector<1024x64xf32>
    %sub3A_35 = vector.broadcast %log3A : vector<1024x1xf32> to vector<1024x64xf32>
    %sub3A_36 = arith.subf %sub3A_34, %sub3A_35 : vector<1024x64xf32>
    %swap3A = arith.constant 0 : index
    %swap3A_37 = arith.constant 0 : index
    %swap3A_38 = vector.load %arg4[%swap3A, %swap3A_37] : memref<1024x64xf32, #tpu.memory_space<vmem>>, vector<1024x64xf32>
    tpu.vector_store %arg4[%swap3A, %swap3A_37], %sub3A_36 {strides = array<i32>} : memref<1024x64xf32, #tpu.memory_space<vmem>>, vector<1024x64xf32>,
    return
  }
  func.func @transform_0(%arg0: i32) -> (i32, i32, i32) {
    %c0_i32 = arith.constant 0 : i32
    %c0_i32_0 = arith.constant 0 : i32
    %c0_i32_1 = arith.constant 0 : i32
    return %c0_i32, %arg0, %c0_i32_0 : i32, i32, i32
  }
  func.func @transform_1(%arg0: i32) -> (i32, i32) {
    %c0_i32 = arith.constant 0 : i32
    %c0_i32_0 = arith.constant 0 : i32
    return %c0_i32, %arg0 : i32, i32
  }
  func.func @transform_2(%arg0: i32) -> (i32, i32) {
    %c0_i32 = arith.constant 0 : i32
    %c0_i32_0 = arith.constant 0 : i32
    %c0_i32_1 = arith.constant 0 : i32
    return %c0_i32, %c0_i32_0 : i32, i32
  }
  func.func @transform_3(%arg0: i32) -> (i32, i32) {
    %c0_i32 = arith.constant 0 : i32
    %c0_i32_0 = arith.constant 0 : i32
    return %arg0, %c0_i32 : i32, i32
  }
}

</mosaic_0001>

<sc_bundles>
// kernel: kernel.11.cloned.1.call-start
scs
__scs_entry_jumppad:
0x0: {  	(pc) =	sbr.rel $0x88, $3  }
0x1: {  	(tag) =	ssettag $0x0;
	lr =	simm.s32 $0x1  }
0x2: {  	[smem:$0x3F9B] =	sst lr;
	_ =	strace $0xD0000000  }
0x3: {  	_ = 	snop  }
0x4: {  	_ = 	snop  }
0x5: {  	_ = 	snop  }
0x6: {  	_ = 	snop  }
0x7: {  	_ = 	snop  }
__scs_overlays_trampoline_lowered:
0x8: {  	[smem:$0x3FAA] =	sst s0  }
0x9: {  	[smem:$0x3FAB] =	sst s1  }
0xa: {  	[smem:$0x3FAC] =	sst s2  }
0xb: {  	[smem:$0x3FAD] =	sst s3  }
0xc: {  	[smem:$0x3FAE] =	sst s4  }
0xd: {  	[smem:$0x3FAF] =	sst s5  }
0xe: {  	[smem:$0x3FB0] =	sst s6  }
0xf: {  	[smem:$0x3FB1] =	sst s7  }
0x10: {  	[smem:$0x3FB2] =	sst s8  }
0x11: {  	[smem:$0x3FB3] =	sst s9;
	s0 =	simm.s32 @!p0 $0x0  }
0x12: {  	s1 =	sld [smem:$0x3F99];
	s0 =	simm.s32 @p0 $0x1  }
0x13: {  	[smem:$0x3FB4] =	sst s0;
	s0 =	simm.s32 @!p1 $0x0  }
0x14: {  	s2 =	sld [smem:$0x3F98];
	s0 =	simm.s32 @p1 $0x1  }
0x15: {  	[smem:$0x3FB5] =	sst s0;
	s0 =	simm.s32 @!p2 $0x0  }
0x16: {  	s3 =	sld [smem:$0x3FDB];
	s0 =	simm.s32 @p2 $0x1  }
0x17: {  	s4 =	simm.s32 $0x1BF5;
	[smem:$0x3FB7] =	sst s0  }
0x18: {  	s0 =	sld [smem:$0x3F9A];
	_ =	swait.ge [sflag:s4], $0x0  }
0x19: {  	s7 =	sld [smem:$0x3F9B]  }
0x1a: {  	s8 =	sadd.s32 $0xFFFFE003, lr  }
0x1b: {  	s9 =	sadd.s32 $0xFFFFFEF7, lr;
	s5 =	simm.s32 $0xFFFFFFFF;
	p2 =	slt.u32 s8, $0xFFFFF086  }
0x1c: {  	p1 =	slt.u32 s9, $0xF7A;
	s5 =	simm.s32 @!p2 $0x0  }
0x1d: {  	s5 =	simm.s32 @p1 $0x1;
	p0 =	seq.s32 s7, s2  }
0x1e: {  	s7 =	smul.u32 @!p0 $0xF7A, s2;
	p2 =	seq.s32 @!p0 s5, $0x0  }
0x1f: {  	s9 =	smul.u32 $0xF7A, s1;
	s8 =	simm.s32 @!p0 $0x1BF5;
	p2 =	por !p2, p0  }
0x20: {  	[sflag:s8] =	ssyncset.s32 @!p0 $0xFFFFF086;
	s6 =	sadd.s32 @!p0 s3, s7;
	s7 =	simm.s32 @!p0 $0x108  }
0x21: {  	s3 =	sadd.s32 s3, s9;
	s6 =	sadd.s32 @!p0 $0x88, s6;
	s7 =	simm.s32 @p2 $0x1082  }
0x22: {  	[simem:s7], [sflag:s8] =	dma.local @!p0 [hbm:s6], $0xF7A  }
0x23: {  	s9 =	sor.u32 $0xD0000000, s2;
	s6 =	simm.s32 $0x108;
	_ =	swait.ge @!p0 [sflag:s8], $0x0  }
0x24: {  	s3 =	sadd.s32 $0x88, s3;
	s6 =	simm.s32 @!p1 $0x1082;
	[sflag:s4] =	ssyncset.s32 $0xFFFFF086  }
0x25: {  	[simem:s6], [sflag:s4] =	dma.local [hbm:s3], $0xF7A  }
0x26: {  	[smem:$0x3F9B] =	sst s1;
	(tag) =	ssettag s2;
	_ =	strace s9  }
0x27: {  	s1 =	sld [smem:$0x3FAB]  }
0x28: {  	s2 =	sld [smem:$0x3FAC]  }
0x29: {  	s4 =	sld [smem:$0x3FAE]  }
0x2a: {  	p0 =	seq.s32 s5, $0x0;
	s5 =	sld [smem:$0x3FAF]  }
0x2b: {  	s6 =	sld [smem:$0x3FB0]  }
0x2c: {  	s7 =	sld [smem:$0x3FB1]  }
0x2d: {  	s3 =	simm.s32 $0x108;
	s8 =	sld [smem:$0x3FB2]  }
0x2e: {  	s3 =	simm.s32 @!p0 $0x1082;
	s9 =	sld [smem:$0x3FB3]  }
0x2f: {  	lr =	sadd.s32 s0, s3;
	s0 =	sld [smem:$0x3FAA]  }
0x30: {  	s3 =	sld [smem:$0x3FAD]  }
0x31: {  	[smem:$0x3FB6] =	sst s10  }
0x32: {  	s10 =	sld [smem:$0x3FB4];
	_ =	sdelay $0x3  }
0x33: {  	p0 =	seq.s32 s10, $0x1;
	s10 =	sld [smem:$0x3FB6];
	_ =	sdelay $0x3  }
0x34: {  	[smem:$0x3FB6] =	sst s10  }
0x35: {  	s10 =	sld [smem:$0x3FB5];
	_ =	sdelay $0x3  }
0x36: {  	p1 =	seq.s32 s10, $0x1;
	s10 =	sld [smem:$0x3FB6];
	_ =	sdelay $0x3  }
0x37: {  	[smem:$0x3FB6] =	sst s10  }
0x38: {  	s10 =	sld [smem:$0x3FB7]  }
0x39: {  	_ = 	snop;
	(pc) =	sbr.ind lr, $3  }
0x3a: {  	_ = 	snop  }
0x3b: {  	_ = 	snop  }
0x3c: {  	p2 =	seq.s32 s10, $0x1;
	s10 =	sld [smem:$0x3FB6]  }
0x3d: {  	_ =	shalt  }
0x3e: {  	_ =	shalt  }
0x3f: {  	_ =	shalt  }
0x40: {  	_ =	shalt  }
0x41: {  	_ =	shalt  }
0x42: {  	_ =	shalt  }
0x43: {  	_ =	shalt  }
0x44: {  	_ =	shalt  }
0x45: {  	_ =	shalt  }
0x46: {  	_ =	shalt  }
0x47: {  	_ =	shalt  }
0x48: {  	_ =	shalt  }
0x49: {  	_ =	shalt  }
0x4a: {  	_ =	shalt  }
0x4b: {  	_ =	shalt  }
0x4c: {  	_ =	shalt  }
0x4d: {  	_ =	shalt  }
0x4e: {  	_ =	shalt  }
0x4f: {  	_ =	shalt  }
0x50: {  	_ =	shalt  }
0x51: {  	_ =	shalt  }
0x52: {  	_ =	shalt  }
0x53: {  	_ =	shalt  }
0x54: {  	_ =	shalt  }
0x55: {  	_ =	shalt  }
0x56: {  	_ =	shalt  }
0x57: {  	_ =	shalt  }
0x58: {  	_ =	shalt  }
0x59: {  	_ =	shalt  }
0x5a: {  	_ =	shalt  }
0x5b: {  	_ =	shalt  }
0x5c: {  	_ =	shalt  }
0x5d: {  	_ =	shalt  }
0x5e: {  	_ =	shalt  }
0x5f: {  	_ =	shalt  }
0x60: {  	_ =	shalt  }
0x61: {  	_ =	shalt  }
0x62: {  	_ =	shalt  }
0x63: {  	_ =	shalt  }
0x64: {  	_ =	shalt  }
0x65: {  	_ =	shalt  }
0x66: {  	_ =	shalt  }
0x67: {  	_ =	shalt  }
0x68: {  	_ =	shalt  }
0x69: {  	_ =	shalt  }
0x6a: {  	_ =	shalt  }
0x6b: {  	_ =	shalt  }
0x6c: {  	_ =	shalt  }
0x6d: {  	_ =	shalt  }
0x6e: {  	_ =	shalt  }
0x6f: {  	_ =	shalt  }
0x70: {  	_ =	shalt  }
0x71: {  	_ =	shalt  }
0x72: {  	_ =	shalt  }
0x73: {  	_ =	shalt  }
0x74: {  	_ =	shalt  }
0x75: {  	_ =	shalt  }
0x76: {  	_ =	shalt  }
0x77: {  	_ =	shalt  }
0x78: {  	_ =	shalt  }
0x79: {  	_ =	shalt  }
0x7a: {  	_ =	shalt  }
0x7b: {  	_ =	shalt  }
0x7c: {  	_ =	shalt  }
0x7d: {  	_ =	shalt  }
0x7e: {  	_ =	shalt  }
0x7f: {  	_ =	shalt  }
0x80: {  	_ =	shalt  }
0x81: {  	_ =	shalt  }
0x82: {  	_ =	shalt  }
0x83: {  	_ =	shalt  }
0x84: {  	_ =	shalt  }
0x85: {  	_ =	shalt  }
0x86: {  	_ =	shalt  }
0x87: {  	_ =	shalt  }
.Lfunc_end0:
.L_simem_size_0:
called_computation.1_lowered:
.L_overlay_start_0:
0x88: {  	s2 =	sld [smem:$0x3FD9]  }
0x89: {  	s3 =	sld [smem:$0x3FFE];
	_ =	sdelay $0x1  }
0x8a: {  	s1 =	srdreg.scid  }
0x8b: {  	s0 =	sand.u32 $0x1, s1  }
0x8c: {  	s16 =	sshll.u32 s0, $0xA;
	s2 =	sadd.s32 s3, s2  }
0x8d: {  	s2 =	sadd.s32 s2, s16  }
0x8e: {  	[smem:$0x3FC2] =	sst s2  }
0x8f: {  	_ = 	snop  }
0x90: {  	(tm) =	ssettm $0x1  }
0x91: {  	s17 =	sld [smem:$0x3FFB];
	_ =	sdelay $0x3  }
0x92: {  	_ =	strace s17  }
0x93: {  	s2 =	sld [smem:$0x3FFC];
	_ =	sdelay $0x3  }
0x94: {  	_ =	strace s2  }
0x95: {  	s2 =	sld [smem:$0x3FFD];
	_ =	sdelay $0x3  }
0x96: {  	_ =	strace s2  }
0x97: {  	_ =	strace $0x8FFFFFFF  }
0x98: {  	s18 =	sld [smem:$0x3FDB];
	_ =	sdelay $0x1  }
0x99: {  	s19 =	simm.s32 $_scs_section_size  }
0x9a: {  	s4 =	simm.s32 $_size__tile_overlayer_lowered;
	s5 =	simm.s32 $_tile_overlayer_lowered  }
0x9b: {  	s22 =	simm.s32 $0x1BFF;
	s21 =	sshll.u32 s5, $0x1;
	s2 =	sadd.s32 s19, s18  }
0x9c: {  	s6 =	simm.s32 $0x0;
	s20 =	sshll.u32 s4, $0x1;
	s4 =	sadd.s32 s21, s2  }
0x9d: {  	[timem:s6], [sflag:s22] =	dma.local [hbm:s4], s20  }
0x9e: {  	_ =	swait.ge [sflag:s22], s20  }
0x9f: {  	s3 =	ssub.s32 $0x0, s20;
	[sflag:s22] =	ssyncset.done $0x0  }
0xa0: {  	[sflag:s22] =	ssyncadd.s32 s3;
	_ =	sdelay $0x1  }
0xa1: {  	s23 =	simm.s32 $0x1B8B  }
0xa2: {  	_ =	swait.ge [sflag:s23], $0x1  }
0xa3: {  	[sflag:s23] =	ssyncset.done $0x0  }
0xa4: {  	s25 =	simm.s32 $0x1B8E;
	s24 =	sld [smem:$0x3FFE];
	[sflag:s23] =	ssyncadd.s32 $0xFFFFFFFF  }
0xa5: {  	s26 =	simm.s32 $execute0_lowered;
	[smem:$0x3FD2] =	sst s25  }
0xa6: {  	s4 =	sshll.u32 s26, $0x1;
	_ =	strace $0x80000049;
	[dreg:$0x1] =	wrdreg $0xFFFFFFFF  }
0xa7: {  	s28 =	simm.s32 $_size_execute0_lowered;
	s2 =	sadd.s32 s2, s4;
	[dreg:$0x0] =	wrdreg $0x0  }
0xa8: {  	s4 =	sshll.u32 s28, $0x1;
	[dreg:$0x2] =	wrdreg s2  }
0xa9: {  	[dreg:$0x3] =	wrdreg s4  }
0xaa: {  	[dreg:$0x4] =	wrdreg $0xC0  }
0xab: {  	_ =	task [dreg:s6], $0x5FFFF  }
0xac: {  	[dreg:$0x1] =	wrdreg $0xFFFFFFFF  }
0xad: {  	[dreg:$0x0] =	wrdreg $0x60  }
0xae: {  	[dreg:$0x2] =	wrdreg s24  }
0xaf: {  	[dreg:$0x3] =	wrdreg $0x140000  }
0xb0: {  	[dreg:$0x4] =	wrdreg $0x9  }
0xb1: {  	_ =	task.clear_ibuf [dreg:s6], $0x5FFFF;
	_ =	strace $0x90000049  }
0xb2: {  	s29 =	simm.s32 $0x9;
	_ =	strace $0x8000004B  }
0xb3: {  	_ =	swait.ge [sflag:s29], $0x1  }
0xb4: {  	[sflag:s29] =	ssyncadd.s32 $0xFFFFFFFF  }
0xb5: {  	_ =	strace $0x9000004B  }
0xb6: {  	_ =	sfence  }
0xb7: {  	s30 =	sld [smem:$0x0];
	_ =	sdelay $0x2  }
0xb8: {  	s31 =	sshll.u32 s1, $0xD;
	s1 =	sshrl.u32 s1, $0x2  }
0xb9: {  	s3 =	sand.u32 $0x4000, s31;
	s1 =	sadd.s32 s1, s30  }
0xba: {  	s0 =	sor.u32 s3, s0;
	s1 =	sshll.u32 s1, $0x11  }
0xbb: {  	s0 =	sor.u32 s1, s0  }
0xbc: {  	s0 =	sadd.s32 $0x8F2B, s0  }
0xbd: {  	[sflag:s0] =	ssyncadd.remote.s32 $0x1  }
0xbe: {  	_ =	sfence.sel $0xFFFF  }
0xbf: {  	[dreg:$0x0] =	wrdreg $0xFFFFFFFF;
	(pc) =	sbr.abs _section_cstart, $3  }
0xc0: {  	[dreg:$0x1] =	wrdreg $0xFFFFFFFF  }
0xc1: {  	_ =	task.clear_ibuf [dreg:s6], $0x2FFFF;
	_ =	strace $0x9FFFFFFF  }
0xc2: {  	(tm) =	ssettm $0x7FFFFFFF  }
0xc3: {  	_ =	shalt  }
tec
execute0_lowered:
.L_overlay_start_1:
0x0: {  	(tag) =	ssettag $0x1  }
0x1: {  	s1 =	rddreg [dreg:$0x0];
	s3 =	srdreg.scid  }
0x2: {  	s0 =	stileid.u32;
	s2 =	rddreg [dreg:$0x1]  }
0x3: {  	s14 =	simm.s32 $0x50;
	s15 =	simm.s32 $0xA000;
	s16 =	simm.s32 $0xB400  }
0x4: {  	s17 =	simm.s32 $0xA0;
	s18 =	simm.s32 $0xC800;
	s19 =	simm.s32 $0xF0  }
0x5: {  	s20 =	simm.s32 $0xDC00;
	s21 =	simm.s32 $0x1;
	s4 =	smul.u32 $0x5000, s0  }
0x6: {  	s22 =	simm.s32 $0xF000;
	s23 =	simm.s32 $0x10400;
	s7 =	smul.u32 $0xA000, s0  }
0x7: {  	s28 =	simm.s32 $0x3;
	s5 =	sand.u32 $0x1, s3;
	s12 =	smul.u32 $0x1400, s0  }
0x8: {  	s29 =	simm.s32 $0x4;
	s30 =	simm.s32 $0x0;
	s6 =	smul.u32 $0x50000, s5  }
0x9: {  	s3 =	simm.s32 $0x0;
	s31 =	sshll.u32 s0, $0x6;
	s9 =	smul.u32 $0xA0000, s5  }
0xa: {  	[smem:$0x7FF] =	sst s3;
	s10 =	ssub.s32 $0x2, s5;
	s11 =	smul.u32 $0x14000, s5  }
0xb: {  	_ =	strace $0x8000004A;
	s8 =	sshrl.u32 s4, $0x3;
	s25 =	sshrl.u32 s10, $0x1  }
0xc: {  	s13 =	sadd.s32 s7, s2;
	s6 =	sadd.s32 s4, s6;
	s4 =	sadd.s32 $0x29600, s1  }
0xd: {  	s8 =	sadd.s32 s8, s1;
	s9 =	sadd.s32 s7, s9;
	s26 =	sadd.s32 s12, s11  }
0xe: {  	s11 =	simm.s32 $0x5000;
	s12 =	sor.u32 $0x1C05, s31;
	s13 =	sshrl.u32 s13, $0x3  }
.Ltmp0:
0xf: {  	s6 =	sshrl.u32 s6, $0x3;
	s24 =	sshrl.u32 s9, $0x3;
	(pc) =	sbr.rel .LBB2_1-.Ltmp0, $4  }
0x10: {  	s9 =	ssub.s32 s10, s25;
	s7 =	sadd.s32 s4, s26;
	s10 =	simm.s32 $0x5  }
0x11: {  	s25 =	simm.s32 $0x12C00;
	s26 =	simm.s32 $0x2;
	s6 =	sadd.s32 s6, s1  }
0x12: {  	s1 =	sadd.s32 s24, s1;
	s9 =	smax.u32 s9, $0x1;
	s24 =	simm.s32 $0x11800  }
0x13: {  	s5 =	sadd.s32 $0x15600, s6;
	s6 =	sadd.s32 $0x1600, s8;
	s8 =	sadd.s32 $0x51600, s1  }
.LBB2_4:
0x14: {  	_ =	swait.ge [sflag:s29], $0x1400  }
0x15: {  	[sflag:s29] =	ssyncset.done $0x0  }
0x16: {  	[sflag:s29] =	ssyncadd.s32 $0xFFFFEC00  }
0x17: {  	_ =	swait.ge [sflag:s29], $0x1400  }
0x18: {  	[sflag:s29] =	ssyncset.done $0x0  }
0x19: {  	[sflag:s29] =	ssyncadd.s32 $0xFFFFEC00  }
0x1a: {  	_ =	swait.ge [sflag:s29], $0x1400  }
0x1b: {  	[sflag:s29] =	ssyncset.done $0x0  }
0x1c: {  	[sflag:s29] =	ssyncadd.s32 $0xFFFFEC00  }
0x1d: {  	_ =	swait.ge [sflag:s29], $0x1400  }
0x1e: {  	s30 =	sadd.s32 $0x1, s30;
	[sflag:s29] =	ssyncset.done $0x0  }
0x1f: {  	p0 =	sne.s32 s30, s9;
	[sflag:s29] =	ssyncadd.s32 $0xFFFFEC00  }
.Ltmp1:
0x20: {  	[bflag:$0x0] =	sbarrier.arrive $0xFFFF;
	(pc) =	sbr.rel @!p0 .LBB2_5-.Ltmp1, $4  }
0x21: {  	[hbm:s8], [sflag:s12] =	dma.local [spmem:s13], $0x1400  }
0x22: {  	_ =	swait.ge [sflag:s10], $0x1400  }
0x23: {  	[sflag:s10] =	ssyncset.done $0x0  }
0x24: {  	[sflag:s10] =	ssyncadd.s32 $0xFFFFEC00  }
.LBB2_1:
0x25: {  	[tilespmem:s3], [sflag:$0x5] =	stream.linear.gather [hbm4b:s5+s3], $0x5000, $0x38;
	[tilespmem:$0x1E000] =	vst v63  }
0x26: {  	_ =	swait.ge [sflag:s10], $0x5000  }
0x27: {  	[sflag:s10] =	ssyncset.done $0x0  }
0x28: {  	[sflag:s10] =	ssyncadd.s32 $0xFFFFB000  }
0x29: {  	[tilespmem:s11], [sflag:$0x5] =	stream.linear.gather [hbm4b:s6+s3], $0x5000, $0x38;
	[tilespmem:$0x1E000] =	vst v63  }
0x2a: {  	_ =	swait.ge [sflag:s10], $0x5000  }
0x2b: {  	[sflag:s10] =	ssyncset.done $0x0  }
0x2c: {  	[sflag:s10] =	ssyncadd.s32 $0xFFFFB000  }
0x2d: {  	[spmem:s13], [sflag:s12] =	dma.local [hbm:s7], $0x1400  }
0x2e: {  	_ =	swait.ge [sflag:s10], $0x1400  }
0x2f: {  	[sflag:s10] =	ssyncset.done $0x0  }
0x30: {  	[sflag:s10] =	ssyncadd.s32 $0xFFFFEC00  }
0x31: {  	[bflag:$0x0] =	sbarrier.arrive $0xFFFF  }
0x32: {  	[tilespmem:s15], [sflag:$0x1] =	stream.indirect.gather [hbm4b:s4+s14], $0x40, s3, s14, $0xb8;
	[tilespmem:$0x1E000] =	vst v63  }
0x33: {  	_ = 	snop  }
0x34: {  	[tilespmem:s16], [sflag:$0x1] =	stream.indirect.gather [hbm4b:s4+s14], $0x40, s14, s14, $0xb8;
	[tilespmem:$0x1E000] =	vst v63  }
0x35: {  	_ = 	snop  }
0x36: {  	[tilespmem:s18], [sflag:$0x1] =	stream.indirect.gather [hbm4b:s4+s14], $0x40, s17, s14, $0xb8;
	[tilespmem:$0x1E000] =	vst v63  }
0x37: {  	s31 =	simm.s32 $0x0  }
0x38: {  	[tilespmem:s20], [sflag:$0x1] =	stream.indirect.gather [hbm4b:s4+s14], $0x40, s19, s14, $0xb8;
	[tilespmem:$0x1E000] =	vst v63  }
.LBB2_2:
0x39: {  	_ =	swait.ge [sflag:s21], $0x1400  }
0x3a: {  	[sflag:s21] =	ssyncset.done $0x0  }
0x3b: {  	[sflag:s21] =	ssyncadd.s32 $0xFFFFEC00  }
0x3c: {  	_ =	swait.ge [sflag:s21], $0x1400  }
0x3d: {  	[sflag:s21] =	ssyncset.done $0x0  }
0x3e: {  	[sflag:s21] =	ssyncadd.s32 $0xFFFFEC00  }
0x3f: {  	_ =	swait.ge [sflag:s21], $0x1400  }
0x40: {  	[sflag:s21] =	ssyncset.done $0x0  }
0x41: {  	[sflag:s21] =	ssyncadd.s32 $0xFFFFEC00  }
0x42: {  	_ =	swait.ge [sflag:s21], $0x1400  }
0x43: {  	s1 =	sshra.s32 s31, $0x2;
	[sflag:s21] =	ssyncset.done $0x0  }
0x44: {  	s0 =	sadd.s32 $0x5000, s1;
	[sflag:s21] =	ssyncadd.s32 $0xFFFFEC00  }
0x45: {  	[spmem:s2] =	stream.indirect.scatter.add.f32 [tilespmem:s15], [sflag:$0x3], $0x40, s0, s14, $0xb8;
	[tilespmem:$0x1E000] =	vst v63  }
0x46: {  	s0 =	sadd.s32 $0x5050, s1  }
0x47: {  	[spmem:s2] =	stream.indirect.scatter.add.f32 [tilespmem:s16], [sflag:$0x3], $0x40, s0, s14, $0xb8;
	[tilespmem:$0x1E000] =	vst v63  }
0x48: {  	s0 =	sadd.s32 $0x50A0, s1  }
0x49: {  	[spmem:s2] =	stream.indirect.scatter.add.f32 [tilespmem:s18], [sflag:$0x3], $0x40, s0, s14, $0xb8;
	[tilespmem:$0x1E000] =	vst v63  }
0x4a: {  	p0 =	seq.s32 s31, $0x0;
	s0 =	sadd.s32 $0x50F0, s1  }
0x4b: {  	[spmem:s2] =	stream.indirect.scatter.add.f32 [tilespmem:s20], [sflag:$0x3], $0x40, s0, s14, $0xb8;
	[tilespmem:$0x1E000] =	vst v63  }
0x4c: {  	s0 =	simm.s32 @!p0 $0x4  }
0x4d: {  	_ =	swait.ge @!p0 [sflag:s0], $0x1400  }
0x4e: {  	[sflag:s0] =	ssyncset.done @!p0 $0x0  }
0x4f: {  	[sflag:s0] =	ssyncadd.s32 @!p0 $0xFFFFEC00  }
0x50: {  	_ =	swait.ge @!p0 [sflag:s0], $0x1400  }
0x51: {  	[sflag:s0] =	ssyncset.done @!p0 $0x0  }
0x52: {  	[sflag:s0] =	ssyncadd.s32 @!p0 $0xFFFFEC00  }
0x53: {  	_ =	swait.ge @!p0 [sflag:s0], $0x1400  }
0x54: {  	[sflag:s0] =	ssyncset.done @!p0 $0x0  }
0x55: {  	[sflag:s0] =	ssyncadd.s32 @!p0 $0xFFFFEC00  }
0x56: {  	_ =	swait.ge @!p0 [sflag:s0], $0x1400  }
0x57: {  	[sflag:s0] =	ssyncset.done @!p0 $0x0  }
0x58: {  	[sflag:s0] =	ssyncadd.s32 @!p0 $0xFFFFEC00;
	s0 =	sadd.s32 $0x140, s1  }
0x59: {  	[tilespmem:s22], [sflag:$0x2] =	stream.indirect.gather [hbm4b:s4+s14], $0x40, s0, s14, $0xb8;
	[tilespmem:$0x1E000] =	vst v63  }
0x5a: {  	s0 =	sadd.s32 $0x190, s1  }
0x5b: {  	[tilespmem:s23], [sflag:$0x2] =	stream.indirect.gather [hbm4b:s4+s14], $0x40, s0, s14, $0xb8;
	[tilespmem:$0x1E000] =	vst v63  }
0x5c: {  	s0 =	sadd.s32 $0x1E0, s1  }
0x5d: {  	[tilespmem:s24], [sflag:$0x2] =	stream.indirect.gather [hbm4b:s4+s14], $0x40, s0, s14, $0xb8;
	[tilespmem:$0x1E000] =	vst v63  }
0x5e: {  	s0 =	sadd.s32 $0x230, s1  }
0x5f: {  	[tilespmem:s25], [sflag:$0x2] =	stream.indirect.gather [hbm4b:s4+s14], $0x40, s0, s14, $0xb8;
	[tilespmem:$0x1E000] =	vst v63  }
0x60: {  	_ =	swait.ge [sflag:s26], $0x1400  }
0x61: {  	[sflag:s26] =	ssyncset.done $0x0  }
0x62: {  	[sflag:s26] =	ssyncadd.s32 $0xFFFFEC00  }
0x63: {  	_ =	swait.ge [sflag:s26], $0x1400  }
0x64: {  	[sflag:s26] =	ssyncset.done $0x0  }
0x65: {  	[sflag:s26] =	ssyncadd.s32 $0xFFFFEC00  }
0x66: {  	_ =	swait.ge [sflag:s26], $0x1400  }
0x67: {  	[sflag:s26] =	ssyncset.done $0x0  }
0x68: {  	[sflag:s26] =	ssyncadd.s32 $0xFFFFEC00  }
0x69: {  	_ =	swait.ge [sflag:s26], $0x1400  }
0x6a: {  	[sflag:s26] =	ssyncset.done $0x0  }
0x6b: {  	s0 =	sadd.s32 $0x5140, s1;
	[sflag:s26] =	ssyncadd.s32 $0xFFFFEC00  }
0x6c: {  	[spmem:s2] =	stream.indirect.scatter.add.f32 [tilespmem:s22], [sflag:$0x4], $0x40, s0, s14, $0xb8;
	[tilespmem:$0x1E000] =	vst v63  }
0x6d: {  	s0 =	sadd.s32 $0x5190, s1  }
0x6e: {  	[spmem:s2] =	stream.indirect.scatter.add.f32 [tilespmem:s23], [sflag:$0x4], $0x40, s0, s14, $0xb8;
	[tilespmem:$0x1E000] =	vst v63  }
0x6f: {  	s0 =	sadd.s32 $0x51E0, s1  }
0x70: {  	[spmem:s2] =	stream.indirect.scatter.add.f32 [tilespmem:s24], [sflag:$0x4], $0x40, s0, s14, $0xb8;
	[tilespmem:$0x1E000] =	vst v63  }
0x71: {  	s0 =	sadd.s32 $0x5230, s1  }
0x72: {  	[spmem:s2] =	stream.indirect.scatter.add.f32 [tilespmem:s25], [sflag:$0x4], $0x40, s0, s14, $0xb8;
	[tilespmem:$0x1E000] =	vst v63  }
0x73: {  	_ =	swait.ge [sflag:s28], $0x1400  }
0x74: {  	[sflag:s28] =	ssyncset.done $0x0  }
0x75: {  	[sflag:s28] =	ssyncadd.s32 $0xFFFFEC00  }
0x76: {  	_ =	swait.ge [sflag:s28], $0x1400  }
0x77: {  	[sflag:s28] =	ssyncset.done $0x0  }
0x78: {  	[sflag:s28] =	ssyncadd.s32 $0xFFFFEC00  }
0x79: {  	p0 =	seq.s32 s31, $0x13600;
	_ =	swait.ge [sflag:s28], $0x1400  }
.Ltmp2:
0x7a: {  	[sflag:s28] =	ssyncset.done $0x0;
	(pc) =	sbr.rel @p0 .LBB2_4-.Ltmp2, $4  }
0x7b: {  	[sflag:s28] =	ssyncadd.s32 $0xFFFFEC00  }
0x7c: {  	_ =	swait.ge [sflag:s28], $0x1400  }
0x7d: {  	[sflag:s28] =	ssyncset.done $0x0  }
0x7e: {  	[sflag:s28] =	ssyncadd.s32 $0xFFFFEC00  }
0x7f: {  	s0 =	sadd.s32 $0x280, s1  }
0x80: {  	[tilespmem:s15], [sflag:$0x1] =	stream.indirect.gather [hbm4b:s4+s14], $0x40, s0, s14, $0xb8;
	[tilespmem:$0x1E000] =	vst v63  }
0x81: {  	s0 =	sadd.s32 $0x2D0, s1  }
0x82: {  	[tilespmem:s16], [sflag:$0x1] =	stream.indirect.gather [hbm4b:s4+s14], $0x40, s0, s14, $0xb8;
	[tilespmem:$0x1E000] =	vst v63  }
.Ltmp3:
0x83: {  	_ = 	snop;
	(pc) =	sbr.rel .LBB2_2-.Ltmp3, $4  }
0x84: {  	s0 =	sadd.s32 $0x320, s1  }
0x85: {  	[tilespmem:s18], [sflag:$0x1] =	stream.indirect.gather [hbm4b:s4+s14], $0x40, s0, s14, $0xb8;
	[tilespmem:$0x1E000] =	vst v63  }
0x86: {  	s31 =	sadd.s32 $0xA00, s31;
	s1 =	sadd.s32 $0x370, s1  }
0x87: {  	[tilespmem:s20], [sflag:$0x1] =	stream.indirect.gather [hbm4b:s4+s14], $0x40, s1, s14, $0xb8;
	[tilespmem:$0x1E000] =	vst v63  }
.LBB2_5:
0x88: {  	_ =	sfence.sel $0x180000  }
0x89: {  	[bflag:$0x0] =	sbarrier.arrive $0xFFFF  }
0x8a: {  	_ =	strace $0x9000004A  }
0x8b: {  	s0 =	stileid.u32;
	[bflag:$0x2] =	sbarrier.arrive $0xFFFF  }
0x8c: {  	p0 =	sne.s32 s0, $0x0;
	s0 =	rddreg [dreg:$0x2]  }
0x8d: {  	s0 =	sadd.s32 @!p0 $0x100000, s0  }
0x8e: {  	[sflag:s0] =	ssyncadd.tile.s32 @!p0 $0x1;
	_ =	shalt  }
.Lfunc_end2:
_tile_overlayer_lowered:
.L_overlay_start_2:
0x8f: {  	(tag) =	ssettag $0x2  }
0x90: {  	s0 =	rddreg [dreg:$0x0];
	s2 =	stileid.u32  }
0x91: {  	s1 =	rddreg [dreg:$0x1];
	p0 =	sne.s32 s2, $0x0  }
0x92: {  	s3 =	rddreg [dreg:$0x2];
	[bflag:$0x3] =	sbarrier.arrive $0xFFFF;
	s2 =	simm.s32 @!p0 $0x1C05  }
0x93: {  	[timem:s3], [sflag:s2] =	dma.local @!p0 [hbm:s0], s1  }
0x94: {  	s0 =	simm.s32 @!p0 $0x5  }
0x95: {  	_ =	swait.ge @!p0 [sflag:s0], s1  }
0x96: {  	s1 =	ssub.s32 @!p0 $0x0, s1;
	[sflag:s0] =	ssyncset.done @!p0 $0x0  }
0x97: {  	[sflag:s0] =	ssyncadd.s32 @!p0 s1  }
0x98: {  	[bflag:$0x3] =	sbarrier.arrive $0xFFFF  }
0x99: {  	_ =	shalt  }

// kernel: kernel.14.cloned.1.call-start
scs
__scs_entry_jumppad:
0x0: {  	(pc) =	sbr.rel $0x88, $3  }
0x1: {  	(tag) =	ssettag $0x0;
	lr =	simm.s32 $0x1  }
0x2: {  	[smem:$0x3F9B] =	sst lr;
	_ =	strace $0xD0000000  }
0x3: {  	_ = 	snop  }
0x4: {  	_ = 	snop  }
0x5: {  	_ = 	snop  }
0x6: {  	_ = 	snop  }
0x7: {  	_ = 	snop  }
__scs_overlays_trampoline_lowered:
0x8: {  	[smem:$0x3FAA] =	sst s0  }
0x9: {  	[smem:$0x3FAB] =	sst s1  }
0xa: {  	[smem:$0x3FAC] =	sst s2  }
0xb: {  	[smem:$0x3FAD] =	sst s3  }
0xc: {  	[smem:$0x3FAE] =	sst s4  }
0xd: {  	[smem:$0x3FAF] =	sst s5  }
0xe: {  	[smem:$0x3FB0] =	sst s6  }
0xf: {  	[smem:$0x3FB1] =	sst s7  }
0x10: {  	[smem:$0x3FB2] =	sst s8  }
0x11: {  	[smem:$0x3FB3] =	sst s9;
	s0 =	simm.s32 @!p0 $0x0  }
0x12: {  	s1 =	sld [smem:$0x3F99];
	s0 =	simm.s32 @p0 $0x1  }
0x13: {  	[smem:$0x3FB4] =	sst s0;
	s0 =	simm.s32 @!p1 $0x0  }
0x14: {  	s2 =	sld [smem:$0x3F98];
	s0 =	simm.s32 @p1 $0x1  }
0x15: {  	[smem:$0x3FB5] =	sst s0;
	s0 =	simm.s32 @!p2 $0x0  }
0x16: {  	s3 =	sld [smem:$0x3FDB];
	s0 =	simm.s32 @p2 $0x1  }
0x17: {  	s4 =	simm.s32 $0x1BF5;
	[smem:$0x3FB7] =	sst s0  }
0x18: {  	s0 =	sld [smem:$0x3F9A];
	_ =	swait.ge [sflag:s4], $0x0  }
0x19: {  	s7 =	sld [smem:$0x3F9B]  }
0x1a: {  	s8 =	sadd.s32 $0xFFFFE003, lr  }
0x1b: {  	s9 =	sadd.s32 $0xFFFFFEF7, lr;
	s5 =	simm.s32 $0xFFFFFFFF;
	p2 =	slt.u32 s8, $0xFFFFF086  }
0x1c: {  	p1 =	slt.u32 s9, $0xF7A;
	s5 =	simm.s32 @!p2 $0x0  }
0x1d: {  	s5 =	simm.s32 @p1 $0x1;
	p0 =	seq.s32 s7, s2  }
0x1e: {  	s7 =	smul.u32 @!p0 $0xF7A, s2;
	p2 =	seq.s32 @!p0 s5, $0x0  }
0x1f: {  	s9 =	smul.u32 $0xF7A, s1;
	s8 =	simm.s32 @!p0 $0x1BF5;
	p2 =	por !p2, p0  }
0x20: {  	[sflag:s8] =	ssyncset.s32 @!p0 $0xFFFFF086;
	s6 =	sadd.s32 @!p0 s3, s7;
	s7 =	simm.s32 @!p0 $0x108  }
0x21: {  	s3 =	sadd.s32 s3, s9;
	s6 =	sadd.s32 @!p0 $0x88, s6;
	s7 =	simm.s32 @p2 $0x1082  }
0x22: {  	[simem:s7], [sflag:s8] =	dma.local @!p0 [hbm:s6], $0xF7A  }
0x23: {  	s9 =	sor.u32 $0xD0000000, s2;
	s6 =	simm.s32 $0x108;
	_ =	swait.ge @!p0 [sflag:s8], $0x0  }
0x24: {  	s3 =	sadd.s32 $0x88, s3;
	s6 =	simm.s32 @!p1 $0x1082;
	[sflag:s4] =	ssyncset.s32 $0xFFFFF086  }
0x25: {  	[simem:s6], [sflag:s4] =	dma.local [hbm:s3], $0xF7A  }
0x26: {  	[smem:$0x3F9B] =	sst s1;
	(tag) =	ssettag s2;
	_ =	strace s9  }
0x27: {  	s1 =	sld [smem:$0x3FAB]  }
0x28: {  	s2 =	sld [smem:$0x3FAC]  }
0x29: {  	s4 =	sld [smem:$0x3FAE]  }
0x2a: {  	p0 =	seq.s32 s5, $0x0;
	s5 =	sld [smem:$0x3FAF]  }
0x2b: {  	s6 =	sld [smem:$0x3FB0]  }
0x2c: {  	s7 =	sld [smem:$0x3FB1]  }
0x2d: {  	s3 =	simm.s32 $0x108;
	s8 =	sld [smem:$0x3FB2]  }
0x2e: {  	s3 =	simm.s32 @!p0 $0x1082;
	s9 =	sld [smem:$0x3FB3]  }
0x2f: {  	lr =	sadd.s32 s0, s3;
	s0 =	sld [smem:$0x3FAA]  }
0x30: {  	s3 =	sld [smem:$0x3FAD]  }
0x31: {  	[smem:$0x3FB6] =	sst s10  }
0x32: {  	s10 =	sld [smem:$0x3FB4];
	_ =	sdelay $0x3  }
0x33: {  	p0 =	seq.s32 s10, $0x1;
	s10 =	sld [smem:$0x3FB6];
	_ =	sdelay $0x3  }
0x34: {  	[smem:$0x3FB6] =	sst s10  }
0x35: {  	s10 =	sld [smem:$0x3FB5];
	_ =	sdelay $0x3  }
0x36: {  	p1 =	seq.s32 s10, $0x1;
	s10 =	sld [smem:$0x3FB6];
	_ =	sdelay $0x3  }
0x37: {  	[smem:$0x3FB6] =	sst s10  }
0x38: {  	s10 =	sld [smem:$0x3FB7]  }
0x39: {  	_ = 	snop;
	(pc) =	sbr.ind lr, $3  }
0x3a: {  	_ = 	snop  }
0x3b: {  	_ = 	snop  }
0x3c: {  	p2 =	seq.s32 s10, $0x1;
	s10 =	sld [smem:$0x3FB6]  }
0x3d: {  	_ =	shalt  }
0x3e: {  	_ =	shalt  }
0x3f: {  	_ =	shalt  }
0x40: {  	_ =	shalt  }
0x41: {  	_ =	shalt  }
0x42: {  	_ =	shalt  }
0x43: {  	_ =	shalt  }
0x44: {  	_ =	shalt  }
0x45: {  	_ =	shalt  }
0x46: {  	_ =	shalt  }
0x47: {  	_ =	shalt  }
0x48: {  	_ =	shalt  }
0x49: {  	_ =	shalt  }
0x4a: {  	_ =	shalt  }
0x4b: {  	_ =	shalt  }
0x4c: {  	_ =	shalt  }
0x4d: {  	_ =	shalt  }
0x4e: {  	_ =	shalt  }
0x4f: {  	_ =	shalt  }
0x50: {  	_ =	shalt  }
0x51: {  	_ =	shalt  }
0x52: {  	_ =	shalt  }
0x53: {  	_ =	shalt  }
0x54: {  	_ =	shalt  }
0x55: {  	_ =	shalt  }
0x56: {  	_ =	shalt  }
0x57: {  	_ =	shalt  }
0x58: {  	_ =	shalt  }
0x59: {  	_ =	shalt  }
0x5a: {  	_ =	shalt  }
0x5b: {  	_ =	shalt  }
0x5c: {  	_ =	shalt  }
0x5d: {  	_ =	shalt  }
0x5e: {  	_ =	shalt  }
0x5f: {  	_ =	shalt  }
0x60: {  	_ =	shalt  }
0x61: {  	_ =	shalt  }
0x62: {  	_ =	shalt  }
0x63: {  	_ =	shalt  }
0x64: {  	_ =	shalt  }
0x65: {  	_ =	shalt  }
0x66: {  	_ =	shalt  }
0x67: {  	_ =	shalt  }
0x68: {  	_ =	shalt  }
0x69: {  	_ =	shalt  }
0x6a: {  	_ =	shalt  }
0x6b: {  	_ =	shalt  }
0x6c: {  	_ =	shalt  }
0x6d: {  	_ =	shalt  }
0x6e: {  	_ =	shalt  }
0x6f: {  	_ =	shalt  }
0x70: {  	_ =	shalt  }
0x71: {  	_ =	shalt  }
0x72: {  	_ =	shalt  }
0x73: {  	_ =	shalt  }
0x74: {  	_ =	shalt  }
0x75: {  	_ =	shalt  }
0x76: {  	_ =	shalt  }
0x77: {  	_ =	shalt  }
0x78: {  	_ =	shalt  }
0x79: {  	_ =	shalt  }
0x7a: {  	_ =	shalt  }
0x7b: {  	_ =	shalt  }
0x7c: {  	_ =	shalt  }
0x7d: {  	_ =	shalt  }
0x7e: {  	_ =	shalt  }
0x7f: {  	_ =	shalt  }
0x80: {  	_ =	shalt  }
0x81: {  	_ =	shalt  }
0x82: {  	_ =	shalt  }
0x83: {  	_ =	shalt  }
0x84: {  	_ =	shalt  }
0x85: {  	_ =	shalt  }
0x86: {  	_ =	shalt  }
0x87: {  	_ =	shalt  }
.Lfunc_end0:
.L_simem_size_0:
called_computation.2_lowered:
.L_overlay_start_0:
0x88: {  	s2 =	sld [smem:$0x3FD9]  }
0x89: {  	s3 =	sld [smem:$0x3FFE];
	_ =	sdelay $0x1  }
0x8a: {  	s1 =	srdreg.scid  }
0x8b: {  	s0 =	sand.u32 $0x1, s1  }
0x8c: {  	s16 =	sshll.u32 s0, $0xA;
	s2 =	sadd.s32 s3, s2  }
0x8d: {  	s2 =	sadd.s32 s2, s16  }
0x8e: {  	[smem:$0x3FC2] =	sst s2  }
0x8f: {  	_ = 	snop  }
0x90: {  	(tm) =	ssettm $0x1  }
0x91: {  	s17 =	sld [smem:$0x3FFB];
	_ =	sdelay $0x3  }
0x92: {  	_ =	strace s17  }
0x93: {  	s2 =	sld [smem:$0x3FFC];
	_ =	sdelay $0x3  }
0x94: {  	_ =	strace s2  }
0x95: {  	s2 =	sld [smem:$0x3FFD];
	_ =	sdelay $0x3  }
0x96: {  	_ =	strace s2  }
0x97: {  	_ =	strace $0x8FFFFFFF  }
0x98: {  	s18 =	sld [smem:$0x3FDB];
	_ =	sdelay $0x1  }
0x99: {  	s19 =	simm.s32 $_scs_section_size  }
0x9a: {  	s4 =	simm.s32 $_size__tile_overlayer_lowered;
	s5 =	simm.s32 $_tile_overlayer_lowered  }
0x9b: {  	s22 =	simm.s32 $0x1BFF;
	s21 =	sshll.u32 s5, $0x1;
	s2 =	sadd.s32 s19, s18  }
0x9c: {  	s6 =	simm.s32 $0x0;
	s20 =	sshll.u32 s4, $0x1;
	s4 =	sadd.s32 s21, s2  }
0x9d: {  	[timem:s6], [sflag:s22] =	dma.local [hbm:s4], s20  }
0x9e: {  	_ =	swait.ge [sflag:s22], s20  }
0x9f: {  	s3 =	ssub.s32 $0x0, s20;
	[sflag:s22] =	ssyncset.done $0x0  }
0xa0: {  	[sflag:s22] =	ssyncadd.s32 s3;
	_ =	sdelay $0x1  }
0xa1: {  	s23 =	simm.s32 $0x1B8B  }
0xa2: {  	_ =	swait.ge [sflag:s23], $0x1  }
0xa3: {  	[sflag:s23] =	ssyncset.done $0x0  }
0xa4: {  	s25 =	simm.s32 $0x1B8E;
	s24 =	sld [smem:$0x3FFE];
	[sflag:s23] =	ssyncadd.s32 $0xFFFFFFFF  }
0xa5: {  	s26 =	simm.s32 $execute0_lowered;
	[smem:$0x3FD2] =	sst s25  }
0xa6: {  	s4 =	sshll.u32 s26, $0x1;
	_ =	strace $0x8000004C;
	[dreg:$0x1] =	wrdreg $0xFFFFFFFF  }
0xa7: {  	s28 =	simm.s32 $_size_execute0_lowered;
	s2 =	sadd.s32 s2, s4;
	[dreg:$0x0] =	wrdreg $0x0  }
0xa8: {  	s4 =	sshll.u32 s28, $0x1;
	[dreg:$0x2] =	wrdreg s2  }
0xa9: {  	[dreg:$0x3] =	wrdreg s4  }
0xaa: {  	[dreg:$0x4] =	wrdreg $0xC0  }
0xab: {  	_ =	task [dreg:s6], $0x5FFFF  }
0xac: {  	[dreg:$0x1] =	wrdreg $0xFFFFFFFF  }
0xad: {  	[dreg:$0x0] =	wrdreg $0x60  }
0xae: {  	[dreg:$0x2] =	wrdreg s24  }
0xaf: {  	[dreg:$0x3] =	wrdreg $0x1A0000  }
0xb0: {  	[dreg:$0x4] =	wrdreg $0x9  }
0xb1: {  	_ =	task.clear_ibuf [dreg:s6], $0x5FFFF;
	_ =	strace $0x9000004C  }
0xb2: {  	s29 =	simm.s32 $0x9;
	_ =	strace $0x8000004E  }
0xb3: {  	_ =	swait.ge [sflag:s29], $0x1  }
0xb4: {  	[sflag:s29] =	ssyncadd.s32 $0xFFFFFFFF  }
0xb5: {  	_ =	strace $0x9000004E  }
0xb6: {  	_ =	sfence  }
0xb7: {  	s30 =	sld [smem:$0x0];
	_ =	sdelay $0x2  }
0xb8: {  	s31 =	sshll.u32 s1, $0xD;
	s1 =	sshrl.u32 s1, $0x2  }
0xb9: {  	s3 =	sand.u32 $0x4000, s31;
	s1 =	sadd.s32 s1, s30  }
0xba: {  	s0 =	sor.u32 s3, s0;
	s1 =	sshll.u32 s1, $0x11  }
0xbb: {  	s0 =	sor.u32 s1, s0  }
0xbc: {  	s0 =	sadd.s32 $0x8F2B, s0  }
0xbd: {  	[sflag:s0] =	ssyncadd.remote.s32 $0x1  }
0xbe: {  	_ =	sfence.sel $0xFFFF  }
0xbf: {  	[dreg:$0x0] =	wrdreg $0xFFFFFFFF;
	(pc) =	sbr.abs _section_cstart, $3  }
0xc0: {  	[dreg:$0x1] =	wrdreg $0xFFFFFFFF  }
0xc1: {  	_ =	task.clear_ibuf [dreg:s6], $0x2FFFF;
	_ =	strace $0x9FFFFFFF  }
0xc2: {  	(tm) =	ssettm $0x7FFFFFFF  }
0xc3: {  	_ =	shalt  }
tec
execute0_lowered:
.L_overlay_start_1:
0x0: {  	(tag) =	ssettag $0x1  }
0x1: {  	s0 =	rddreg [dreg:$0x0]  }
0x2: {  	s2 =	rddreg [dreg:$0x1];
	s11 =	stileid.u32  }
0x3: {  	s1 =	srdreg.scid;
	s3 =	simm.s32 $0x0;
	s14 =	simm.s32 $0x80  }
0x4: {  	s15 =	simm.s32 $0xA000;
	s16 =	simm.s32 $0xB000;
	s18 =	simm.s32 $0xC000  }
0x5: {  	s20 =	simm.s32 $0xD000;
	s29 =	simm.s32 $0x11000;
	s30 =	simm.s32 $0x1  }
0x6: {  	s31 =	simm.s32 $0x12000;
	s17 =	simm.s32 $0x16000;
	s19 =	simm.s32 $0x17000  }
0x7: {  	s28 =	simm.s32 $0x3;
	s5 =	smul.u32 $0x5000, s11;
	s1 =	sand.u32 $0x1, s1  }
0x8: {  	[smem:$0x7FF] =	sst s3;
	s4 =	sadd.s32 $0xB600, s0;
	s10 =	smul.u32 $0xA00, s11  }
0x9: {  	s26 =	sshll.u32 s11, $0x6;
	s11 =	simm.s32 $0x15000;
	s6 =	smul.u32 $0x50000, s1  }
0xa: {  	_ =	strace $0x8000004D;
	s8 =	ssub.s32 $0x2, s1;
	s1 =	smul.u32 $0xA000, s1  }
0xb: {  	s12 =	sor.u32 $0x1C05, s26;
	s26 =	simm.s32 $0x10000;
	s7 =	sshrl.u32 s5, $0x3  }
0xc: {  	s9 =	sshrl.u32 s8, $0x1;
	s23 =	sadd.s32 s5, s2;
	s6 =	sadd.s32 s5, s6  }
0xd: {  	s21 =	ssub.s32 s8, s9;
	s1 =	sadd.s32 s10, s1;
	s10 =	simm.s32 $0x5  }
0xe: {  	s13 =	sshrl.u32 s23, $0x3;
	s23 =	simm.s32 $0x19000;
	s5 =	simm.s32 $0x4  }
0xf: {  	s6 =	sshrl.u32 s6, $0x3;
	s1 =	sadd.s32 s4, s1;
	s25 =	smax.u32 s21, $0x1  }
0x10: {  	s6 =	sadd.s32 s6, s0;
	s0 =	sadd.s32 s7, s0;
	[dreg:$0x5] =	wrdreg s1  }
.Ltmp0:
0x11: {  	[dreg:$0x7] =	wrdreg s25;
	s22 =	sadd.s32 $0x79600, s6;
	(pc) =	sbr.rel .LBB2_1-.Ltmp0, $4  }
0x12: {  	s21 =	simm.s32 $0x18000;
	s0 =	sadd.s32 $0x1600, s0;
	[dreg:$0x3] =	wrdreg s22  }
0x13: {  	s1 =	simm.s32 $0x14000;
	s24 =	sadd.s32 $0x1F600, s6;
	[dreg:$0x4] =	wrdreg s0  }
0x14: {  	s25 =	simm.s32 $0x2;
	s6 =	simm.s32 $0x0;
	[dreg:$0x6] =	wrdreg s24  }
0x15: {  	s22 =	simm.s32 $0xE000;
	s24 =	simm.s32 $0xF000;
	s0 =	simm.s32 $0x13000  }
.LBB2_4:
0x16: {  	_ =	swait.ge [sflag:s5], $0x1000  }
0x17: {  	[sflag:s5] =	ssyncset.done $0x0  }
0x18: {  	[sflag:s5] =	ssyncadd.s32 $0xFFFFF000  }
0x19: {  	_ =	swait.ge [sflag:s5], $0x1000  }
0x1a: {  	[sflag:s5] =	ssyncset.done $0x0  }
0x1b: {  	[sflag:s5] =	ssyncadd.s32 $0xFFFFF000  }
0x1c: {  	_ =	swait.ge [sflag:s5], $0x1000  }
0x1d: {  	[sflag:s5] =	ssyncset.done $0x0  }
0x1e: {  	[sflag:s5] =	ssyncadd.s32 $0xFFFFF000  }
0x1f: {  	_ =	swait.ge [sflag:s5], $0x1000  }
0x20: {  	[sflag:s5] =	ssyncset.done $0x0  }
0x21: {  	[sflag:s5] =	ssyncadd.s32 $0xFFFFF000  }
0x22: {  	_ =	swait.ge [sflag:s5], $0x1000  }
0x23: {  	[sflag:s5] =	ssyncset.done $0x0  }
0x24: {  	[sflag:s5] =	ssyncadd.s32 $0xFFFFF000  }
0x25: {  	_ =	swait.ge [sflag:s5], $0x1000  }
0x26: {  	[sflag:s5] =	ssyncset.done $0x0  }
0x27: {  	[sflag:s5] =	ssyncadd.s32 $0xFFFFF000  }
0x28: {  	_ =	swait.ge [sflag:s5], $0x1000  }
0x29: {  	[sflag:s5] =	ssyncset.done $0x0  }
0x2a: {  	[sflag:s5] =	ssyncadd.s32 $0xFFFFF000  }
0x2b: {  	_ =	swait.ge [sflag:s5], $0x1000  }
0x2c: {  	[sflag:s5] =	ssyncset.done $0x0  }
0x2d: {  	[sflag:s5] =	ssyncadd.s32 $0xFFFFF000  }
0x2e: {  	[bflag:$0x0] =	sbarrier.arrive $0xFFFF  }
0x2f: {  	s7 =	rddreg [dreg:$0x6]  }
0x30: {  	[hbm:s7], [sflag:s12] =	dma.local [spmem:s13], $0xA00  }
0x31: {  	_ =	swait.ge [sflag:s10], $0xA00  }
0x32: {  	s6 =	sadd.s32 $0x1, s6;
	s9 =	rddreg [dreg:$0x7]  }
0x33: {  	p0 =	sne.s32 s6, s9  }
.Ltmp1:
0x34: {  	_ = 	snop;
	(pc) =	sbr.rel @!p0 .LBB2_5-.Ltmp1, $3  }
0x35: {  	_ =	sdelay $0x1  }
0x36: {  	[sflag:s10] =	ssyncset.done $0x0  }
0x37: {  	[sflag:s10] =	ssyncadd.s32 $0xFFFFF600  }
.LBB2_1:
0x38: {  	s7 =	rddreg [dreg:$0x3]  }
0x39: {  	[tilespmem:s3], [sflag:$0x5] =	stream.linear.gather [hbm4b:s7+s3], $0x5000, $0x38;
	[tilespmem:$0x1F000] =	vst v63  }
0x3a: {  	_ =	swait.ge [sflag:s10], $0x5000  }
0x3b: {  	[sflag:s10] =	ssyncset.done $0x0  }
0x3c: {  	s8 =	simm.s32 $0x5000;
	s9 =	rddreg [dreg:$0x4];
	[sflag:s10] =	ssyncadd.s32 $0xFFFFB000  }
0x3d: {  	[tilespmem:s8], [sflag:$0x5] =	stream.linear.gather [hbm4b:s9+s3], $0x5000, $0x38;
	[tilespmem:$0x1F000] =	vst v63  }
0x3e: {  	_ =	swait.ge [sflag:s10], $0x5000  }
0x3f: {  	[sflag:s10] =	ssyncset.done $0x0  }
0x40: {  	s9 =	rddreg [dreg:$0x5];
	[sflag:s10] =	ssyncadd.s32 $0xFFFFB000  }
0x41: {  	[spmem:s13], [sflag:s12] =	dma.local [hbm:s9], $0xA00  }
0x42: {  	_ =	swait.ge [sflag:s10], $0xA00  }
0x43: {  	[sflag:s10] =	ssyncset.done $0x0  }
0x44: {  	[sflag:s10] =	ssyncadd.s32 $0xFFFFF600  }
0x45: {  	[bflag:$0x0] =	sbarrier.arrive $0xFFFF  }
0x46: {  	[tilespmem:s15], [sflag:$0x1] =	stream.indirect.gather [hbm4b:s4+s14], $0x20, s3, s14, $0xb8;
	[tilespmem:$0x1F000] =	vst v63  }
0x47: {  	_ = 	snop  }
0x48: {  	[tilespmem:s16], [sflag:$0x1] =	stream.indirect.gather [hbm4b:s4+s14], $0x20, s14, s14, $0xb8;
	[tilespmem:$0x1F000] =	vst v63  }
0x49: {  	s8 =	simm.s32 $0x100  }
0x4a: {  	[tilespmem:s18], [sflag:$0x1] =	stream.indirect.gather [hbm4b:s4+s14], $0x20, s8, s14, $0xb8;
	[tilespmem:$0x1F000] =	vst v63  }
0x4b: {  	s9 =	simm.s32 $0x180  }
0x4c: {  	[tilespmem:s20], [sflag:$0x1] =	stream.indirect.gather [hbm4b:s4+s14], $0x20, s9, s14, $0xb8;
	[tilespmem:$0x1F000] =	vst v63  }
0x4d: {  	s8 =	simm.s32 $0x200  }
0x4e: {  	[tilespmem:s22], [sflag:$0x1] =	stream.indirect.gather [hbm4b:s4+s14], $0x20, s8, s14, $0xb8;
	[tilespmem:$0x1F000] =	vst v63  }
0x4f: {  	s9 =	simm.s32 $0x280  }
0x50: {  	[tilespmem:s24], [sflag:$0x1] =	stream.indirect.gather [hbm4b:s4+s14], $0x20, s9, s14, $0xb8;
	[tilespmem:$0x1F000] =	vst v63  }
0x51: {  	s8 =	simm.s32 $0x300  }
0x52: {  	[tilespmem:s26], [sflag:$0x1] =	stream.indirect.gather [hbm4b:s4+s14], $0x20, s8, s14, $0xb8;
	[tilespmem:$0x1F000] =	vst v63  }
0x53: {  	s7 =	simm.s32 $0x0;
	s9 =	simm.s32 $0x380  }
0x54: {  	[tilespmem:s29], [sflag:$0x1] =	stream.indirect.gather [hbm4b:s4+s14], $0x20, s9, s14, $0xb8;
	[tilespmem:$0x1F000] =	vst v63  }
.LBB2_2:
0x55: {  	_ =	swait.ge [sflag:s30], $0x1000  }
0x56: {  	[sflag:s30] =	ssyncset.done $0x0  }
0x57: {  	[sflag:s30] =	ssyncadd.s32 $0xFFFFF000  }
0x58: {  	_ =	swait.ge [sflag:s30], $0x1000  }
0x59: {  	[sflag:s30] =	ssyncset.done $0x0  }
0x5a: {  	[sflag:s30] =	ssyncadd.s32 $0xFFFFF000  }
0x5b: {  	_ =	swait.ge [sflag:s30], $0x1000  }
0x5c: {  	[sflag:s30] =	ssyncset.done $0x0  }
0x5d: {  	[sflag:s30] =	ssyncadd.s32 $0xFFFFF000  }
0x5e: {  	_ =	swait.ge [sflag:s30], $0x1000  }
0x5f: {  	[sflag:s30] =	ssyncset.done $0x0  }
0x60: {  	[sflag:s30] =	ssyncadd.s32 $0xFFFFF000  }
0x61: {  	_ =	swait.ge [sflag:s30], $0x1000  }
0x62: {  	[sflag:s30] =	ssyncset.done $0x0  }
0x63: {  	[sflag:s30] =	ssyncadd.s32 $0xFFFFF000  }
0x64: {  	_ =	swait.ge [sflag:s30], $0x1000  }
0x65: {  	[sflag:s30] =	ssyncset.done $0x0  }
0x66: {  	[sflag:s30] =	ssyncadd.s32 $0xFFFFF000  }
0x67: {  	_ =	swait.ge [sflag:s30], $0x1000  }
0x68: {  	[sflag:s30] =	ssyncset.done $0x0  }
0x69: {  	[sflag:s30] =	ssyncadd.s32 $0xFFFFF000  }
0x6a: {  	_ =	swait.ge [sflag:s30], $0x1000  }
0x6b: {  	s8 =	sshra.s32 s7, $0x2;
	[sflag:s30] =	ssyncset.done $0x0  }
0x6c: {  	s9 =	sadd.s32 $0x5000, s8;
	[sflag:s30] =	ssyncadd.s32 $0xFFFFF000  }
0x6d: {  	[spmem:s2] =	stream.indirect.scatter.add.f32 [tilespmem:s15], [sflag:$0x3], $0x20, s9, s14, $0xb8;
	[tilespmem:$0x1F000] =	vst v63  }
0x6e: {  	s9 =	sadd.s32 $0x5080, s8  }
0x6f: {  	[spmem:s2] =	stream.indirect.scatter.add.f32 [tilespmem:s16], [sflag:$0x3], $0x20, s9, s14, $0xb8;
	[tilespmem:$0x1F000] =	vst v63  }
0x70: {  	s9 =	sadd.s32 $0x5100, s8  }
0x71: {  	[spmem:s2] =	stream.indirect.scatter.add.f32 [tilespmem:s18], [sflag:$0x3], $0x20, s9, s14, $0xb8;
	[tilespmem:$0x1F000] =	vst v63  }
0x72: {  	s9 =	sadd.s32 $0x5180, s8  }
0x73: {  	[spmem:s2] =	stream.indirect.scatter.add.f32 [tilespmem:s20], [sflag:$0x3], $0x20, s9, s14, $0xb8;
	[tilespmem:$0x1F000] =	vst v63  }
0x74: {  	s9 =	sadd.s32 $0x5200, s8  }
0x75: {  	[spmem:s2] =	stream.indirect.scatter.add.f32 [tilespmem:s22], [sflag:$0x3], $0x20, s9, s14, $0xb8;
	[tilespmem:$0x1F000] =	vst v63  }
0x76: {  	s9 =	sadd.s32 $0x5280, s8  }
0x77: {  	[spmem:s2] =	stream.indirect.scatter.add.f32 [tilespmem:s24], [sflag:$0x3], $0x20, s9, s14, $0xb8;
	[tilespmem:$0x1F000] =	vst v63  }
0x78: {  	s9 =	sadd.s32 $0x5300, s8  }
0x79: {  	[spmem:s2] =	stream.indirect.scatter.add.f32 [tilespmem:s26], [sflag:$0x3], $0x20, s9, s14, $0xb8;
	[tilespmem:$0x1F000] =	vst v63  }
0x7a: {  	p0 =	seq.s32 s7, $0x0;
	s9 =	sadd.s32 $0x5380, s8  }
0x7b: {  	[spmem:s2] =	stream.indirect.scatter.add.f32 [tilespmem:s29], [sflag:$0x3], $0x20, s9, s14, $0xb8;
	[tilespmem:$0x1F000] =	vst v63  }
0x7c: {  	s9 =	simm.s32 @!p0 $0x4  }
0x7d: {  	_ =	swait.ge @!p0 [sflag:s9], $0x1000  }
0x7e: {  	[sflag:s9] =	ssyncset.done @!p0 $0x0  }
0x7f: {  	[sflag:s9] =	ssyncadd.s32 @!p0 $0xFFFFF000  }
0x80: {  	_ =	swait.ge @!p0 [sflag:s9], $0x1000  }
0x81: {  	[sflag:s9] =	ssyncset.done @!p0 $0x0  }
0x82: {  	[sflag:s9] =	ssyncadd.s32 @!p0 $0xFFFFF000  }
0x83: {  	_ =	swait.ge @!p0 [sflag:s9], $0x1000  }
0x84: {  	[sflag:s9] =	ssyncset.done @!p0 $0x0  }
0x85: {  	[sflag:s9] =	ssyncadd.s32 @!p0 $0xFFFFF000  }
0x86: {  	_ =	swait.ge @!p0 [sflag:s9], $0x1000  }
0x87: {  	[sflag:s9] =	ssyncset.done @!p0 $0x0  }
0x88: {  	[sflag:s9] =	ssyncadd.s32 @!p0 $0xFFFFF000  }
0x89: {  	_ =	swait.ge @!p0 [sflag:s9], $0x1000  }
0x8a: {  	[sflag:s9] =	ssyncset.done @!p0 $0x0  }
0x8b: {  	[sflag:s9] =	ssyncadd.s32 @!p0 $0xFFFFF000  }
0x8c: {  	_ =	swait.ge @!p0 [sflag:s9], $0x1000  }
0x8d: {  	[sflag:s9] =	ssyncset.done @!p0 $0x0  }
0x8e: {  	[sflag:s9] =	ssyncadd.s32 @!p0 $0xFFFFF000  }
0x8f: {  	_ =	swait.ge @!p0 [sflag:s9], $0x1000  }
0x90: {  	[sflag:s9] =	ssyncset.done @!p0 $0x0  }
0x91: {  	[sflag:s9] =	ssyncadd.s32 @!p0 $0xFFFFF000  }
0x92: {  	_ =	swait.ge @!p0 [sflag:s9], $0x1000  }
0x93: {  	[sflag:s9] =	ssyncset.done @!p0 $0x0  }
0x94: {  	[sflag:s9] =	ssyncadd.s32 @!p0 $0xFFFFF000;
	s9 =	sadd.s32 $0x400, s8  }
0x95: {  	[tilespmem:s31], [sflag:$0x2] =	stream.indirect.gather [hbm4b:s4+s14], $0x20, s9, s14, $0xb8;
	[tilespmem:$0x1F000] =	vst v63  }
0x96: {  	s9 =	sadd.s32 $0x480, s8  }
0x97: {  	[tilespmem:s0], [sflag:$0x2] =	stream.indirect.gather [hbm4b:s4+s14], $0x20, s9, s14, $0xb8;
	[tilespmem:$0x1F000] =	vst v63  }
0x98: {  	s9 =	sadd.s32 $0x500, s8  }
0x99: {  	[tilespmem:s1], [sflag:$0x2] =	stream.indirect.gather [hbm4b:s4+s14], $0x20, s9, s14, $0xb8;
	[tilespmem:$0x1F000] =	vst v63  }
0x9a: {  	s9 =	sadd.s32 $0x580, s8  }
0x9b: {  	[tilespmem:s11], [sflag:$0x2] =	stream.indirect.gather [hbm4b:s4+s14], $0x20, s9, s14, $0xb8;
	[tilespmem:$0x1F000] =	vst v63  }
0x9c: {  	s9 =	sadd.s32 $0x600, s8  }
0x9d: {  	[tilespmem:s17], [sflag:$0x2] =	stream.indirect.gather [hbm4b:s4+s14], $0x20, s9, s14, $0xb8;
	[tilespmem:$0x1F000] =	vst v63  }
0x9e: {  	s9 =	sadd.s32 $0x680, s8  }
0x9f: {  	[tilespmem:s19], [sflag:$0x2] =	stream.indirect.gather [hbm4b:s4+s14], $0x20, s9, s14, $0xb8;
	[tilespmem:$0x1F000] =	vst v63  }
0xa0: {  	s9 =	sadd.s32 $0x700, s8  }
0xa1: {  	[tilespmem:s21], [sflag:$0x2] =	stream.indirect.gather [hbm4b:s4+s14], $0x20, s9, s14, $0xb8;
	[tilespmem:$0x1F000] =	vst v63  }
0xa2: {  	s9 =	sadd.s32 $0x780, s8  }
0xa3: {  	[tilespmem:s23], [sflag:$0x2] =	stream.indirect.gather [hbm4b:s4+s14], $0x20, s9, s14, $0xb8;
	[tilespmem:$0x1F000] =	vst v63  }
0xa4: {  	_ =	swait.ge [sflag:s25], $0x1000  }
0xa5: {  	[sflag:s25] =	ssyncset.done $0x0  }
0xa6: {  	[sflag:s25] =	ssyncadd.s32 $0xFFFFF000  }
0xa7: {  	_ =	swait.ge [sflag:s25], $0x1000  }
0xa8: {  	[sflag:s25] =	ssyncset.done $0x0  }
0xa9: {  	[sflag:s25] =	ssyncadd.s32 $0xFFFFF000  }
0xaa: {  	_ =	swait.ge [sflag:s25], $0x1000  }
0xab: {  	[sflag:s25] =	ssyncset.done $0x0  }
0xac: {  	[sflag:s25] =	ssyncadd.s32 $0xFFFFF000  }
0xad: {  	_ =	swait.ge [sflag:s25], $0x1000  }
0xae: {  	[sflag:s25] =	ssyncset.done $0x0  }
0xaf: {  	[sflag:s25] =	ssyncadd.s32 $0xFFFFF000  }
0xb0: {  	_ =	swait.ge [sflag:s25], $0x1000  }
0xb1: {  	[sflag:s25] =	ssyncset.done $0x0  }
0xb2: {  	[sflag:s25] =	ssyncadd.s32 $0xFFFFF000  }
0xb3: {  	_ =	swait.ge [sflag:s25], $0x1000  }
0xb4: {  	[sflag:s25] =	ssyncset.done $0x0  }
0xb5: {  	[sflag:s25] =	ssyncadd.s32 $0xFFFFF000  }
0xb6: {  	_ =	swait.ge [sflag:s25], $0x1000  }
0xb7: {  	[sflag:s25] =	ssyncset.done $0x0  }
0xb8: {  	[sflag:s25] =	ssyncadd.s32 $0xFFFFF000  }
0xb9: {  	_ =	swait.ge [sflag:s25], $0x1000  }
0xba: {  	[sflag:s25] =	ssyncset.done $0x0  }
0xbb: {  	s9 =	sadd.s32 $0x5400, s8;
	[sflag:s25] =	ssyncadd.s32 $0xFFFFF000  }
0xbc: {  	[spmem:s2] =	stream.indirect.scatter.add.f32 [tilespmem:s31], [sflag:$0x4], $0x20, s9, s14, $0xb8;
	[tilespmem:$0x1F000] =	vst v63  }
0xbd: {  	s9 =	sadd.s32 $0x5480, s8  }
0xbe: {  	[spmem:s2] =	stream.indirect.scatter.add.f32 [tilespmem:s0], [sflag:$0x4], $0x20, s9, s14, $0xb8;
	[tilespmem:$0x1F000] =	vst v63  }
0xbf: {  	s9 =	sadd.s32 $0x5500, s8  }
0xc0: {  	[spmem:s2] =	stream.indirect.scatter.add.f32 [tilespmem:s1], [sflag:$0x4], $0x20, s9, s14, $0xb8;
	[tilespmem:$0x1F000] =	vst v63  }
0xc1: {  	s9 =	sadd.s32 $0x5580, s8  }
0xc2: {  	[spmem:s2] =	stream.indirect.scatter.add.f32 [tilespmem:s11], [sflag:$0x4], $0x20, s9, s14, $0xb8;
	[tilespmem:$0x1F000] =	vst v63  }
0xc3: {  	s9 =	sadd.s32 $0x5600, s8  }
0xc4: {  	[spmem:s2] =	stream.indirect.scatter.add.f32 [tilespmem:s17], [sflag:$0x4], $0x20, s9, s14, $0xb8;
	[tilespmem:$0x1F000] =	vst v63  }
0xc5: {  	s9 =	sadd.s32 $0x5680, s8  }
0xc6: {  	[spmem:s2] =	stream.indirect.scatter.add.f32 [tilespmem:s19], [sflag:$0x4], $0x20, s9, s14, $0xb8;
	[tilespmem:$0x1F000] =	vst v63  }
0xc7: {  	s9 =	sadd.s32 $0x5700, s8  }
0xc8: {  	[spmem:s2] =	stream.indirect.scatter.add.f32 [tilespmem:s21], [sflag:$0x4], $0x20, s9, s14, $0xb8;
	[tilespmem:$0x1F000] =	vst v63  }
0xc9: {  	s9 =	sadd.s32 $0x5780, s8  }
0xca: {  	[spmem:s2] =	stream.indirect.scatter.add.f32 [tilespmem:s23], [sflag:$0x4], $0x20, s9, s14, $0xb8;
	[tilespmem:$0x1F000] =	vst v63  }
0xcb: {  	_ =	swait.ge [sflag:s28], $0x1000  }
0xcc: {  	[sflag:s28] =	ssyncset.done $0x0  }
0xcd: {  	[sflag:s28] =	ssyncadd.s32 $0xFFFFF000  }
0xce: {  	_ =	swait.ge [sflag:s28], $0x1000  }
0xcf: {  	[sflag:s28] =	ssyncset.done $0x0  }
0xd0: {  	[sflag:s28] =	ssyncadd.s32 $0xFFFFF000  }
0xd1: {  	_ =	swait.ge [sflag:s28], $0x1000  }
0xd2: {  	[sflag:s28] =	ssyncset.done $0x0  }
0xd3: {  	[sflag:s28] =	ssyncadd.s32 $0xFFFFF000  }
0xd4: {  	_ =	swait.ge [sflag:s28], $0x1000  }
0xd5: {  	[sflag:s28] =	ssyncset.done $0x0  }
0xd6: {  	[sflag:s28] =	ssyncadd.s32 $0xFFFFF000  }
0xd7: {  	_ =	swait.ge [sflag:s28], $0x1000  }
0xd8: {  	[sflag:s28] =	ssyncset.done $0x0  }
0xd9: {  	[sflag:s28] =	ssyncadd.s32 $0xFFFFF000  }
0xda: {  	_ =	swait.ge [sflag:s28], $0x1000  }
0xdb: {  	[sflag:s28] =	ssyncset.done $0x0  }
0xdc: {  	[sflag:s28] =	ssyncadd.s32 $0xFFFFF000  }
0xdd: {  	p0 =	seq.s32 s7, $0x12000;
	_ =	swait.ge [sflag:s28], $0x1000  }
.Ltmp2:
0xde: {  	[sflag:s28] =	ssyncset.done $0x0;
	(pc) =	sbr.rel @p0 .LBB2_4-.Ltmp2, $4  }
0xdf: {  	[sflag:s28] =	ssyncadd.s32 $0xFFFFF000  }
0xe0: {  	_ =	swait.ge [sflag:s28], $0x1000  }
0xe1: {  	[sflag:s28] =	ssyncset.done $0x0  }
0xe2: {  	[sflag:s28] =	ssyncadd.s32 $0xFFFFF000  }
0xe3: {  	s9 =	sadd.s32 $0x800, s8  }
0xe4: {  	[tilespmem:s15], [sflag:$0x1] =	stream.indirect.gather [hbm4b:s4+s14], $0x20, s9, s14, $0xb8;
	[tilespmem:$0x1F000] =	vst v63  }
0xe5: {  	s9 =	sadd.s32 $0x880, s8  }
0xe6: {  	[tilespmem:s16], [sflag:$0x1] =	stream.indirect.gather [hbm4b:s4+s14], $0x20, s9, s14, $0xb8;
	[tilespmem:$0x1F000] =	vst v63  }
0xe7: {  	s9 =	sadd.s32 $0x900, s8  }
0xe8: {  	[tilespmem:s18], [sflag:$0x1] =	stream.indirect.gather [hbm4b:s4+s14], $0x20, s9, s14, $0xb8;
	[tilespmem:$0x1F000] =	vst v63  }
0xe9: {  	s9 =	sadd.s32 $0x980, s8  }
0xea: {  	[tilespmem:s20], [sflag:$0x1] =	stream.indirect.gather [hbm4b:s4+s14], $0x20, s9, s14, $0xb8;
	[tilespmem:$0x1F000] =	vst v63  }
0xeb: {  	s9 =	sadd.s32 $0xA00, s8  }
0xec: {  	[tilespmem:s22], [sflag:$0x1] =	stream.indirect.gather [hbm4b:s4+s14], $0x20, s9, s14, $0xb8;
	[tilespmem:$0x1F000] =	vst v63  }
0xed: {  	s9 =	sadd.s32 $0xA80, s8  }
0xee: {  	[tilespmem:s24], [sflag:$0x1] =	stream.indirect.gather [hbm4b:s4+s14], $0x20, s9, s14, $0xb8;
	[tilespmem:$0x1F000] =	vst v63  }
.Ltmp3:
0xef: {  	_ = 	snop;
	(pc) =	sbr.rel .LBB2_2-.Ltmp3, $4  }
0xf0: {  	s9 =	sadd.s32 $0xB00, s8  }
0xf1: {  	[tilespmem:s26], [sflag:$0x1] =	stream.indirect.gather [hbm4b:s4+s14], $0x20, s9, s14, $0xb8;
	[tilespmem:$0x1F000] =	vst v63  }
0xf2: {  	s7 =	sadd.s32 $0x2000, s7;
	s9 =	sadd.s32 $0xB80, s8  }
0xf3: {  	[tilespmem:s29], [sflag:$0x1] =	stream.indirect.gather [hbm4b:s4+s14], $0x20, s9, s14, $0xb8;
	[tilespmem:$0x1F000] =	vst v63  }
.LBB2_5:
0xf4: {  	_ =	sfence.sel $0x180000  }
0xf5: {  	[bflag:$0x0] =	sbarrier.arrive $0xFFFF  }
0xf6: {  	_ =	strace $0x9000004D  }
0xf7: {  	s0 =	stileid.u32;
	[bflag:$0x2] =	sbarrier.arrive $0xFFFF  }
0xf8: {  	p0 =	sne.s32 s0, $0x0;
	s0 =	rddreg [dreg:$0x2]  }
0xf9: {  	s0 =	sadd.s32 @!p0 $0x100000, s0  }
0xfa: {  	[sflag:s0] =	ssyncadd.tile.s32 @!p0 $0x1;
	_ =	shalt  }
.Lfunc_end2:
_tile_overlayer_lowered:
.L_overlay_start_2:
0xfb: {  	(tag) =	ssettag $0x2  }
0xfc: {  	s0 =	rddreg [dreg:$0x0];
	s2 =	stileid.u32  }
0xfd: {  	s1 =	rddreg [dreg:$0x1];
	p0 =	sne.s32 s2, $0x0  }
0xfe: {  	s3 =	rddreg [dreg:$0x2];
	[bflag:$0x3] =	sbarrier.arrive $0xFFFF;
	s2 =	simm.s32 @!p0 $0x1C05  }
0xff: {  	[timem:s3], [sflag:s2] =	dma.local @!p0 [hbm:s0], s1  }
0x100: {  	s0 =	simm.s32 @!p0 $0x5  }
0x101: {  	_ =	swait.ge @!p0 [sflag:s0], s1  }
0x102: {  	s1 =	ssub.s32 @!p0 $0x0, s1;
	[sflag:s0] =	ssyncset.done @!p0 $0x0  }
0x103: {  	[sflag:s0] =	ssyncadd.s32 @!p0 s1  }
0x104: {  	[bflag:$0x3] =	sbarrier.arrive $0xFFFF  }
0x105: {  	_ =	shalt  }

// kernel: kernel.8.cloned.1.call-start
scs
__scs_entry_jumppad:
0x0: {  	(pc) =	sbr.rel $0x88, $3  }
0x1: {  	(tag) =	ssettag $0x0;
	lr =	simm.s32 $0x1  }
0x2: {  	[smem:$0x3F9B] =	sst lr;
	_ =	strace $0xD0000000  }
0x3: {  	_ = 	snop  }
0x4: {  	_ = 	snop  }
0x5: {  	_ = 	snop  }
0x6: {  	_ = 	snop  }
0x7: {  	_ = 	snop  }
__scs_overlays_trampoline_lowered:
0x8: {  	[smem:$0x3FAA] =	sst s0  }
0x9: {  	[smem:$0x3FAB] =	sst s1  }
0xa: {  	[smem:$0x3FAC] =	sst s2  }
0xb: {  	[smem:$0x3FAD] =	sst s3  }
0xc: {  	[smem:$0x3FAE] =	sst s4  }
0xd: {  	[smem:$0x3FAF] =	sst s5  }
0xe: {  	[smem:$0x3FB0] =	sst s6  }
0xf: {  	[smem:$0x3FB1] =	sst s7  }
0x10: {  	[smem:$0x3FB2] =	sst s8  }
0x11: {  	[smem:$0x3FB3] =	sst s9;
	s0 =	simm.s32 @!p0 $0x0  }
0x12: {  	s1 =	sld [smem:$0x3F99];
	s0 =	simm.s32 @p0 $0x1  }
0x13: {  	[smem:$0x3FB4] =	sst s0;
	s0 =	simm.s32 @!p1 $0x0  }
0x14: {  	s2 =	sld [smem:$0x3F98];
	s0 =	simm.s32 @p1 $0x1  }
0x15: {  	[smem:$0x3FB5] =	sst s0;
	s0 =	simm.s32 @!p2 $0x0  }
0x16: {  	s3 =	sld [smem:$0x3FDB];
	s0 =	simm.s32 @p2 $0x1  }
0x17: {  	s4 =	simm.s32 $0x1BF5;
	[smem:$0x3FB7] =	sst s0  }
0x18: {  	s0 =	sld [smem:$0x3F9A];
	_ =	swait.ge [sflag:s4], $0x0  }
0x19: {  	s7 =	sld [smem:$0x3F9B]  }
0x1a: {  	s8 =	sadd.s32 $0xFFFFE003, lr  }
0x1b: {  	s9 =	sadd.s32 $0xFFFFFEF7, lr;
	s5 =	simm.s32 $0xFFFFFFFF;
	p2 =	slt.u32 s8, $0xFFFFF086  }
0x1c: {  	p1 =	slt.u32 s9, $0xF7A;
	s5 =	simm.s32 @!p2 $0x0  }
0x1d: {  	s5 =	simm.s32 @p1 $0x1;
	p0 =	seq.s32 s7, s2  }
0x1e: {  	s7 =	smul.u32 @!p0 $0xF7A, s2;
	p2 =	seq.s32 @!p0 s5, $0x0  }
0x1f: {  	s9 =	smul.u32 $0xF7A, s1;
	s8 =	simm.s32 @!p0 $0x1BF5;
	p2 =	por !p2, p0  }
0x20: {  	[sflag:s8] =	ssyncset.s32 @!p0 $0xFFFFF086;
	s6 =	sadd.s32 @!p0 s3, s7;
	s7 =	simm.s32 @!p0 $0x108  }
0x21: {  	s3 =	sadd.s32 s3, s9;
	s6 =	sadd.s32 @!p0 $0x88, s6;
	s7 =	simm.s32 @p2 $0x1082  }
0x22: {  	[simem:s7], [sflag:s8] =	dma.local @!p0 [hbm:s6], $0xF7A  }
0x23: {  	s9 =	sor.u32 $0xD0000000, s2;
	s6 =	simm.s32 $0x108;
	_ =	swait.ge @!p0 [sflag:s8], $0x0  }
0x24: {  	s3 =	sadd.s32 $0x88, s3;
	s6 =	simm.s32 @!p1 $0x1082;
	[sflag:s4] =	ssyncset.s32 $0xFFFFF086  }
0x25: {  	[simem:s6], [sflag:s4] =	dma.local [hbm:s3], $0xF7A  }
0x26: {  	[smem:$0x3F9B] =	sst s1;
	(tag) =	ssettag s2;
	_ =	strace s9  }
0x27: {  	s1 =	sld [smem:$0x3FAB]  }
0x28: {  	s2 =	sld [smem:$0x3FAC]  }
0x29: {  	s4 =	sld [smem:$0x3FAE]  }
0x2a: {  	p0 =	seq.s32 s5, $0x0;
	s5 =	sld [smem:$0x3FAF]  }
0x2b: {  	s6 =	sld [smem:$0x3FB0]  }
0x2c: {  	s7 =	sld [smem:$0x3FB1]  }
0x2d: {  	s3 =	simm.s32 $0x108;
	s8 =	sld [smem:$0x3FB2]  }
0x2e: {  	s3 =	simm.s32 @!p0 $0x1082;
	s9 =	sld [smem:$0x3FB3]  }
0x2f: {  	lr =	sadd.s32 s0, s3;
	s0 =	sld [smem:$0x3FAA]  }
0x30: {  	s3 =	sld [smem:$0x3FAD]  }
0x31: {  	[smem:$0x3FB6] =	sst s10  }
0x32: {  	s10 =	sld [smem:$0x3FB4];
	_ =	sdelay $0x3  }
0x33: {  	p0 =	seq.s32 s10, $0x1;
	s10 =	sld [smem:$0x3FB6];
	_ =	sdelay $0x3  }
0x34: {  	[smem:$0x3FB6] =	sst s10  }
0x35: {  	s10 =	sld [smem:$0x3FB5];
	_ =	sdelay $0x3  }
0x36: {  	p1 =	seq.s32 s10, $0x1;
	s10 =	sld [smem:$0x3FB6];
	_ =	sdelay $0x3  }
0x37: {  	[smem:$0x3FB6] =	sst s10  }
0x38: {  	s10 =	sld [smem:$0x3FB7]  }
0x39: {  	_ = 	snop;
	(pc) =	sbr.ind lr, $3  }
0x3a: {  	_ = 	snop  }
0x3b: {  	_ = 	snop  }
0x3c: {  	p2 =	seq.s32 s10, $0x1;
	s10 =	sld [smem:$0x3FB6]  }
0x3d: {  	_ =	shalt  }
0x3e: {  	_ =	shalt  }
0x3f: {  	_ =	shalt  }
0x40: {  	_ =	shalt  }
0x41: {  	_ =	shalt  }
0x42: {  	_ =	shalt  }
0x43: {  	_ =	shalt  }
0x44: {  	_ =	shalt  }
0x45: {  	_ =	shalt  }
0x46: {  	_ =	shalt  }
0x47: {  	_ =	shalt  }
0x48: {  	_ =	shalt  }
0x49: {  	_ =	shalt  }
0x4a: {  	_ =	shalt  }
0x4b: {  	_ =	shalt  }
0x4c: {  	_ =	shalt  }
0x4d: {  	_ =	shalt  }
0x4e: {  	_ =	shalt  }
0x4f: {  	_ =	shalt  }
0x50: {  	_ =	shalt  }
0x51: {  	_ =	shalt  }
0x52: {  	_ =	shalt  }
0x53: {  	_ =	shalt  }
0x54: {  	_ =	shalt  }
0x55: {  	_ =	shalt  }
0x56: {  	_ =	shalt  }
0x57: {  	_ =	shalt  }
0x58: {  	_ =	shalt  }
0x59: {  	_ =	shalt  }
0x5a: {  	_ =	shalt  }
0x5b: {  	_ =	shalt  }
0x5c: {  	_ =	shalt  }
0x5d: {  	_ =	shalt  }
0x5e: {  	_ =	shalt  }
0x5f: {  	_ =	shalt  }
0x60: {  	_ =	shalt  }
0x61: {  	_ =	shalt  }
0x62: {  	_ =	shalt  }
0x63: {  	_ =	shalt  }
0x64: {  	_ =	shalt  }
0x65: {  	_ =	shalt  }
0x66: {  	_ =	shalt  }
0x67: {  	_ =	shalt  }
0x68: {  	_ =	shalt  }
0x69: {  	_ =	shalt  }
0x6a: {  	_ =	shalt  }
0x6b: {  	_ =	shalt  }
0x6c: {  	_ =	shalt  }
0x6d: {  	_ =	shalt  }
0x6e: {  	_ =	shalt  }
0x6f: {  	_ =	shalt  }
0x70: {  	_ =	shalt  }
0x71: {  	_ =	shalt  }
0x72: {  	_ =	shalt  }
0x73: {  	_ =	shalt  }
0x74: {  	_ =	shalt  }
0x75: {  	_ =	shalt  }
0x76: {  	_ =	shalt  }
0x77: {  	_ =	shalt  }
0x78: {  	_ =	shalt  }
0x79: {  	_ =	shalt  }
0x7a: {  	_ =	shalt  }
0x7b: {  	_ =	shalt  }
0x7c: {  	_ =	shalt  }
0x7d: {  	_ =	shalt  }
0x7e: {  	_ =	shalt  }
0x7f: {  	_ =	shalt  }
0x80: {  	_ =	shalt  }
0x81: {  	_ =	shalt  }
0x82: {  	_ =	shalt  }
0x83: {  	_ =	shalt  }
0x84: {  	_ =	shalt  }
0x85: {  	_ =	shalt  }
0x86: {  	_ =	shalt  }
0x87: {  	_ =	shalt  }
.Lfunc_end0:
.L_simem_size_0:
called_computation_lowered:
.L_overlay_start_0:
0x88: {  	s2 =	sld [smem:$0x3FD9]  }
0x89: {  	s3 =	sld [smem:$0x3FFE];
	_ =	sdelay $0x1  }
0x8a: {  	s1 =	srdreg.scid  }
0x8b: {  	s0 =	sand.u32 $0x1, s1  }
0x8c: {  	s17 =	sshll.u32 s0, $0xA;
	s2 =	sadd.s32 s3, s2  }
0x8d: {  	s2 =	sadd.s32 s2, s17  }
0x8e: {  	[smem:$0x3FC2] =	sst s2  }
0x8f: {  	_ = 	snop  }
0x90: {  	s2 =	sld [smem:$0x3FD0];
	(tm) =	ssettm $0x1  }
0x91: {  	s18 =	sld [smem:$0x3FFB];
	_ =	sdelay $0x3  }
0x92: {  	_ =	strace s18  }
0x93: {  	s3 =	sld [smem:$0x3FFC];
	_ =	sdelay $0x3  }
0x94: {  	_ =	strace s3  }
0x95: {  	s3 =	sld [smem:$0x3FFD];
	_ =	sdelay $0x3  }
0x96: {  	_ =	strace s3  }
0x97: {  	_ =	strace $0x8FFFFFFF  }
0x98: {  	s19 =	sld [smem:$0x3FDB];
	_ =	sdelay $0x1  }
0x99: {  	s4 =	simm.s32 $_scs_section_size  }
0x9a: {  	s5 =	simm.s32 $_size__tile_overlayer_lowered;
	s6 =	simm.s32 $_tile_overlayer_lowered  }
0x9b: {  	s22 =	simm.s32 $0x1BFF;
	s21 =	sshll.u32 s6, $0x1;
	s3 =	sadd.s32 s4, s19  }
0x9c: {  	s7 =	simm.s32 $0x0;
	s20 =	sshll.u32 s5, $0x1;
	s5 =	sadd.s32 s21, s3  }
0x9d: {  	[timem:s7], [sflag:s22] =	dma.local [hbm:s5], s20  }
0x9e: {  	_ =	swait.ge [sflag:s22], s20  }
0x9f: {  	s4 =	ssub.s32 $0x0, s20;
	[sflag:s22] =	ssyncset.done $0x0  }
0xa0: {  	[sflag:s22] =	ssyncadd.s32 s4;
	_ =	sdelay $0x1  }
0xa1: {  	s23 =	simm.s32 $0x1B8B  }
0xa2: {  	_ =	swait.ge [sflag:s23], $0x1  }
0xa3: {  	[sflag:s23] =	ssyncset.done $0x0  }
0xa4: {  	s25 =	simm.s32 $0x1B8E;
	s24 =	sld [smem:$0x3FFE];
	[sflag:s23] =	ssyncadd.s32 $0xFFFFFFFF  }
0xa5: {  	s26 =	simm.s32 $execute0_lowered;
	[smem:$0x3FD2] =	sst s25  }
0xa6: {  	s5 =	sshll.u32 s26, $0x1;
	_ =	strace $0x80000046;
	[dreg:$0x1] =	wrdreg $0xFFFFFFFF  }
0xa7: {  	s28 =	simm.s32 $_size_execute0_lowered;
	s3 =	sadd.s32 s3, s5;
	[dreg:$0x0] =	wrdreg $0x0  }
0xa8: {  	s5 =	sshll.u32 s28, $0x1;
	[dreg:$0x2] =	wrdreg s3  }
0xa9: {  	[dreg:$0x3] =	wrdreg s5  }
0xaa: {  	[dreg:$0x4] =	wrdreg $0xC0  }
0xab: {  	_ =	task [dreg:s7], $0x5FFFF  }
0xac: {  	[dreg:$0x1] =	wrdreg $0xFFFFFFFF  }
0xad: {  	[dreg:$0x0] =	wrdreg $0x60  }
0xae: {  	[dreg:$0x2] =	wrdreg s2  }
0xaf: {  	[dreg:$0x3] =	wrdreg s24  }
0xb0: {  	[dreg:$0x4] =	wrdreg $0x9  }
0xb1: {  	_ =	task.clear_ibuf [dreg:s7], $0x5FFFF;
	_ =	strace $0x90000046  }
0xb2: {  	s29 =	simm.s32 $0x9;
	_ =	strace $0x80000048  }
0xb3: {  	_ =	swait.ge [sflag:s29], $0x1  }
0xb4: {  	[sflag:s29] =	ssyncadd.s32 $0xFFFFFFFF  }
0xb5: {  	_ =	strace $0x90000048  }
0xb6: {  	_ =	sfence  }
0xb7: {  	s30 =	sld [smem:$0x0];
	_ =	sdelay $0x2  }
0xb8: {  	s31 =	sshll.u32 s1, $0xD;
	s1 =	sshrl.u32 s1, $0x2  }
0xb9: {  	s3 =	sand.u32 $0x4000, s31;
	s1 =	sadd.s32 s1, s30  }
0xba: {  	s0 =	sor.u32 s3, s0;
	s1 =	sshll.u32 s1, $0x11  }
0xbb: {  	s0 =	sor.u32 s1, s0  }
0xbc: {  	s0 =	sadd.s32 $0x8F2B, s0  }
0xbd: {  	[sflag:s0] =	ssyncadd.remote.s32 $0x1  }
0xbe: {  	_ =	sfence.sel $0xFFFF  }
0xbf: {  	[dreg:$0x0] =	wrdreg $0xFFFFFFFF;
	(pc) =	sbr.abs _section_cstart, $3  }
0xc0: {  	[dreg:$0x1] =	wrdreg $0xFFFFFFFF  }
0xc1: {  	_ =	task.clear_ibuf [dreg:s7], $0x2FFFF;
	_ =	strace $0x9FFFFFFF  }
0xc2: {  	(tm) =	ssettm $0x7FFFFFFF  }
0xc3: {  	_ =	shalt  }
tec
execute0_lowered:
.L_overlay_start_1:
0x0: {  	(tag) =	ssettag $0x1  }
0x1: {  	s0 =	srdreg.scid  }
0x2: {  	s3 =	sand.u32 $0x1, s0  }
0x3: {  	s4 =	rddreg [dreg:$0x0];
	s0 =	stileid.u32;
	s1 =	sshll.u32 s3, $0x4  }
0x4: {  	s6 =	rddreg [dreg:$0x1];
	s2 =	simm.s32 $0x0;
	s1 =	sor.u32 s0, s1  }
0x5: {  	s8 =	simm.s32 $0x1;
	s9 =	simm.s32 $0x2800;
	s1 =	sshrl.u32 s1, $0x3  }
0x6: {  	s10 =	simm.s32 $0x0;
	s30 =	sshll.u32 s0, $0x7;
	s5 =	smul.u32 $0x14000, s1  }
0x7: {  	[smem:$0x7FF] =	sst s2;
	s3 =	ssub.s32 $0x2, s3;
	s7 =	sand.u32 $0x380, s30  }
0x8: {  	s31 =	sshrl.u32 s3, $0x1;
	s1 =	rddreg [dreg:$0x2];
	s5 =	sor.u32 s7, s5  }
0x9: {  	_ =	strace $0x80000047;
	s7 =	ssub.s32 s3, s31;
	s5 =	sshrl.u32 s5, $0x3  }
0xa: {  	s6 =	sadd.s32 s5, s6;
	s3 =	sadd.s32 s4, s5;
	s5 =	smax.u32 s7, $0x1  }
0xb: {  	v0 =	vimm.f32 $0.0e+00;
	v1 =	vimm.f32 $1.000000000e+00;
	s7 =	simm.s32 $0x400;
	s4 =	sadd.s32 $0xB600, s6;
	s6 =	simm.s32 $0x80  }
.LBB2_1:
0xc: {  	[tilespmem:s2], [sflag:$0x1] =	stream.strided.gather [hbm4b:s3+s6], $0x2800, s7, s6, $0x38;
	[tilespmem:$0x5000] =	vst v63  }
0xd: {  	_ =	swait.ge [sflag:s8], $0x2800  }
0xe: {  	[sflag:s8] =	ssyncset.done $0x0  }
0xf: {  	s11 =	simm.s32 $0x0;
	[sflag:s8] =	ssyncadd.s32 $0xFFFFD800  }
.LBB2_2:
0x10: {  	p0 =	sne.s32 s11, $0x9FC0  }
.Ltmp0:
0x11: {  	_ = 	snop;
	(pc) =	sbr.rel @p0 .LBB2_2-.Ltmp0, $3  }
0x12: {  	_ =	sdelay $0x1  }
0x13: {  	s12 =	sshra.s32 s11, $0x2  }
0x14: {  	s11 =	sadd.s32 $0x40, s11;
	[tilespmem:s12+$0x2800] =	vst v0  }
0x15: {  	s12 =	simm.s32 $0x0;
	s11 =	simm.s32 $0x40  }
.LBB2_4:
0x16: {  	p0 =	sne.s32 s11, $0x9FC0;
	v2 =	vld [tilespmem:s12+$0x0];
	_ =	sdelay $0x3  }
.Ltmp1:
0x17: {  	(pc) =	sbr.rel @p0 .LBB2_4-.Ltmp1, $2  }
0x18: {  	_ =	sdelay $0x2  }
0x19: {  	s12 =	sshra.s32 s11, $0x2;
	s11 =	sadd.s32 $0x40, s11;
	[tilespmem:v2+s9+$0x0] =	vst.idx.add.f32.msk $0xffff, v1  }
0x1a: {  	v2 =	vld [tilespmem:s12+$0x0];
	_ =	sdelay $0x5  }
0x1b: {  	s10 =	sadd.s32 $0x1, s10  }
0x1c: {  	p0 =	sne.s32 s10, s5  }
.Ltmp2:
0x1d: {  	[tilespmem:v2+s9+$0x0] =	vst.idx.add.f32.msk $0xffff, v1;
	(pc) =	sbr.rel @p0 .LBB2_1-.Ltmp2, $4  }
0x1e: {  	[hbm4b:s4+s6] =	stream.strided.scatter [tilespmem:s9], [sflag:$0x1], $0x2800, s7, s6, $0x38;
	[tilespmem:$0x5000] =	vst v63  }
0x1f: {  	_ =	swait.ge [sflag:s8], $0x2800  }
0x20: {  	[sflag:s8] =	ssyncset.done $0x0  }
0x21: {  	[sflag:s8] =	ssyncadd.s32 $0xFFFFD800  }
0x22: {  	_ =	sfence.sel $0x180000  }
0x23: {  	[bflag:$0x0] =	sbarrier.arrive $0xFFFF  }
0x24: {  	p0 =	sne.s32 s0, $0x0;
	_ =	strace $0x90000047  }
0x25: {  	s0 =	sadd.s32 @!p0 $0x100000, s1;
	[bflag:$0x2] =	sbarrier.arrive $0xFFFF  }
0x26: {  	[sflag:s0] =	ssyncadd.tile.s32 @!p0 $0x1;
	_ =	shalt  }
.Lfunc_end2:
_tile_overlayer_lowered:
.L_overlay_start_2:
0x27: {  	(tag) =	ssettag $0x2  }
0x28: {  	s0 =	rddreg [dreg:$0x0];
	s2 =	stileid.u32  }
0x29: {  	s1 =	rddreg [dreg:$0x1];
	p0 =	sne.s32 s2, $0x0  }
0x2a: {  	s3 =	rddreg [dreg:$0x2];
	[bflag:$0x3] =	sbarrier.arrive $0xFFFF;
	s2 =	simm.s32 @!p0 $0x1C01  }
0x2b: {  	[timem:s3], [sflag:s2] =	dma.local @!p0 [hbm:s0], s1  }
0x2c: {  	s0 =	simm.s32 @!p0 $0x1  }
0x2d: {  	_ =	swait.ge @!p0 [sflag:s0], s1  }
0x2e: {  	s1 =	ssub.s32 @!p0 $0x0, s1;
	[sflag:s0] =	ssyncset.done @!p0 $0x0  }
0x2f: {  	[sflag:s0] =	ssyncadd.s32 @!p0 s1  }
0x30: {  	[bflag:$0x3] =	sbarrier.arrive $0xFFFF  }
0x31: {  	_ =	shalt  }

</sc_bundles>
